<compile_context>
chip_gen: v7x
topology: tpu7x:2x2x1
jax: 0.10.2.dev20260603
libtpu: 0.0.44.dev20260713+nightly
codegen_flags: <defaults>
</compile_context>

<pallas_src>
import functools

import jax
import jax.numpy as jnp
from jax import lax
from jax.experimental import pallas as pl
from jax.experimental.pallas import tpu as pltpu
from jax.experimental.pallas import tpu_sc as plsc

_K = 64
_M = 128
_N = 32768

_NC, _NS, _L = 2, 16, 16
_NW = _NC * _NS
_RPW = _M // _NW
_NBUF = 3
_NB = 2048
_HV = _NB // _L
_SV = _HV // _L
_CAP = 4096
_LOWB = 21


def _sortable(v):
    u = lax.bitcast_convert_type(v, jnp.uint32)
    neg = (u >> jnp.uint32(31)) > jnp.uint32(0)
    return jnp.where(neg, ~u, u | jnp.uint32(0x80000000))


def _sc_body(x_hbm, out_hbm, row_a, row_b, row_c, hist_v, sums_v, cand_v,
             sin_a, sin_b, sin_c, sout_a, sout_b, sout_c):
    c = lax.axis_index("c")
    s = lax.axis_index("s")
    wid = s * _NC + c
    base = wid * _RPW
    lanes = lax.iota(jnp.int32, _L)
    bufs = (row_a, row_b, row_c)
    sins = (sin_a, sin_b, sin_c)
    souts = (sout_a, sout_b, sout_c)

    def hist_pass(buf):
        @plsc.parallel_loop(0, _NB, step=_L, unroll=8)
        def _(i):
            hist_v[pl.ds(i, _L)] = jnp.zeros((_L,), jnp.int32)

        ones = jnp.ones((_L,), jnp.int32)

        @plsc.parallel_loop(0, _N, step=_L, unroll=8)
        def _(i):
            su = _sortable(buf[pl.ds(i, _L)])
            b = (su >> jnp.uint32(_LOWB)).astype(jnp.int32)
            plsc.addupdate_scatter(hist_v, [b], ones)

    def find_bucket(t_lvl, r):
        @plsc.parallel_loop(0, _SV, unroll=1)
        def _(i):
            sums_v[pl.ds(i * _L, _L)] = jnp.zeros((_L,), jnp.int32)

        lane0 = lanes == 0

        @plsc.parallel_loop(0, _HV, unroll=4)
        def _(i):
            hv = hist_v[pl.ds(i * _L, _L)]
            sv = jnp.full((_L,), jnp.sum(hv, axis=0))
            iv = jnp.full((_L,), i, jnp.int32)
            plsc.addupdate_scatter(sums_v, [iv], sv, mask=lane0)

        lim = t_lvl - r
        pre = jnp.int32(0)
        pres = []
        nhits = jnp.int32(0)
        for i in range(_SV):
            sv = sums_v[pl.ds(i * _L, _L)]
            cs = plsc.cumsum(sv)
            pres.append(pre)
            hit = (pre + cs - sv) <= lim
            nhits = nhits + plsc.all_reduce_population_count(hit)[0]
            pre = pre + cs[_L - 1]
        gidx = nhits - 1
        gv = gidx // _L
        gl = gidx % _L
        pre_g = jnp.int32(0)
        for i in range(_SV):
            pre_g = jnp.where(gv == i, pres[i], pre_g)
        sv = sums_v[pl.ds(gv * _L, _L)]
        cs = plsc.cumsum(sv)
        excl = pre_g + cs - sv
        pre_grp = jnp.sum(jnp.where(lanes == gl, excl, 0), axis=0)

        hv = hist_v[pl.ds(gidx * _L, _L)]
        hcs = plsc.cumsum(hv)
        hexcl = pre_grp + hcs - hv
        hhit = hexcl <= lim
        lsel = plsc.all_reduce_population_count(hhit)[0] - 1
        s_sel = jnp.sum(jnp.where(lanes == lsel, hv, 0), axis=0)
        p_sel = jnp.sum(jnp.where(lanes == lsel, hexcl, 0), axis=0)
        bucket = gidx * _L + lsel
        r_next = r - (t_lvl - p_sel - s_sel)
        return bucket, s_sel, r_next

    def compact(buf, b1):
        b1u = b1.astype(jnp.uint32)
        lowmask = jnp.uint32((1 << _LOWB) - 1)
        capv = jnp.full((_L,), _CAP, jnp.int32)

        @plsc.parallel_loop(0, _N, step=_L, unroll=4,
                            carry=jnp.zeros((_L,), jnp.int32))
        def off(i, off):
            su = _sortable(buf[pl.ds(i, _L)])
            m = (su >> jnp.uint32(_LOWB)) == b1u
            low = (su & lowmask).astype(jnp.int32)
            mi = m.astype(jnp.int32)
            excl = plsc.cumsum(mi) - mi
            idx = jnp.minimum(off + excl, capv)
            plsc.store_scatter(cand_v, [idx], low, mask=m)
            return off + plsc.all_reduce_population_count(m)

        ncand = jnp.sum(jnp.where(lanes == 0, off, 0), axis=0)
        safe = jnp.minimum(ncand, jnp.int32(_CAP))
        cand_v[pl.ds(safe, _L)] = jnp.zeros((_L,), jnp.int32)
        return ncand

    def refine_cand(ncand, r):
        nv = (ncand + _L - 1) // _L

        def outer(b, v):
            cand_t = v | (jnp.int32(1) << (jnp.int32(_LOWB - 1) - b))

            def inner(j, acc):
                lv = cand_v[pl.ds(j * _L, _L)]
                m = lv >= cand_t
                return acc + plsc.all_reduce_population_count(m)[0]

            cnt = lax.fori_loop(0, nv, inner, jnp.int32(0))
            return jnp.where(cnt >= r, cand_t, v)

        return lax.fori_loop(0, _LOWB, outer, jnp.int32(0))

    def refine_row(buf, b1):
        hi = b1.astype(jnp.uint32) << jnp.uint32(_LOWB)

        def outer(b, v):
            cand_t = v | (jnp.int32(1) << (jnp.int32(_LOWB - 1) - b))
            tfull = hi | cand_t.astype(jnp.uint32)

            def inner(j, acc):
                su = _sortable(buf[pl.ds(j * _L, _L)])
                m = su >= tfull
                return acc + plsc.all_reduce_population_count(m)[0]

            cnt = lax.fori_loop(0, _N // _L, inner, jnp.int32(0))
            return jnp.where(cnt >= jnp.int32(_K), cand_t, v)

        return lax.fori_loop(0, _LOWB, outer, jnp.int32(0))

    def threshold_vec(buf):
        hist_pass(buf)
        b1, s_sel, r = find_bucket(jnp.int32(_N), jnp.int32(_K))
        ncand = compact(buf, b1)
        vlow = lax.cond(
            ncand <= jnp.int32(_CAP),
            lambda: refine_cand(ncand, r),
            lambda: refine_row(buf, b1),
        )
        tsu = (b1 << _LOWB) | vlow
        tvec = jnp.full((_L,), tsu.astype(jnp.uint32))
        pos = (tvec >> jnp.uint32(31)) > jnp.uint32(0)
        uvec = jnp.where(pos, tvec & jnp.uint32(0x7FFFFFFF), ~tvec)
        return lax.bitcast_convert_type(uvec, jnp.float32)

    def mask_pass(buf, thr):
        zero = jnp.zeros((_L,), jnp.float32)

        @plsc.parallel_loop(0, _N, step=_L, unroll=8)
        def _(i):
            v = buf[pl.ds(i, _L)]
            buf[pl.ds(i, _L)] = jnp.where(v >= thr, v, zero)

    in_copies = [None] * _RPW
    out_copies = [None] * _RPW
    in_copies[0] = pltpu.async_copy(x_hbm.at[base], bufs[0], sins[0])
    in_copies[1] = pltpu.async_copy(x_hbm.at[base + 1], bufs[1], sins[1])
    for k in range(_RPW):
        buf = bufs[k % _NBUF]
        in_copies[k].wait()
        thr = threshold_vec(buf)
        if k + 2 < _RPW:
            if k >= 1:
                out_copies[k - 1].wait()
            in_copies[k + 2] = pltpu.async_copy(
                x_hbm.at[base + k + 2], bufs[(k + 2) % _NBUF],
                sins[(k + 2) % _NBUF])
        mask_pass(buf, thr)
        out_copies[k] = pltpu.async_copy(buf, out_hbm.at[base + k],
                                         souts[k % _NBUF])
    out_copies[_RPW - 2].wait()
    out_copies[_RPW - 1].wait()


@jax.jit
def kernel(x):
    m, n = x.shape
    run = pl.kernel(
        _sc_body,
        out_type=jax.ShapeDtypeStruct((m, n), jnp.float32),
        mesh=plsc.VectorSubcoreMesh(core_axis_name="c", subcore_axis_name="s"),
        compiler_params=pltpu.CompilerParams(needs_layout_passes=False),
        scratch_types=[
            pltpu.VMEM((_N,), jnp.float32),
            pltpu.VMEM((_N,), jnp.float32),
            pltpu.VMEM((_N,), jnp.float32),
            pltpu.VMEM((_NB,), jnp.int32),
            pltpu.VMEM((_HV,), jnp.int32),
            pltpu.VMEM((_CAP + 2 * _L,), jnp.int32),
            pltpu.SemaphoreType.DMA,
            pltpu.SemaphoreType.DMA,
            pltpu.SemaphoreType.DMA,
            pltpu.SemaphoreType.DMA,
            pltpu.SemaphoreType.DMA,
            pltpu.SemaphoreType.DMA,
        ],
    )
    return run(x)

# --- scband reference (transcript-rebuilt; emitter-appended) ---
"""Pipeline reference for scband-top-kactivation-62414464745524 (READ-ONLY COPY).

The authoritative reference and input builder live on the scoring server;
editing this copy changes nothing except your own understanding.
"""

import jax, jax.numpy as jnp
import numpy as np

K = 64

def setup_inputs(seed: int = 0) -> dict:
    key = jax.random.key(seed)
    x = jax.random.normal(key, (128, 32768), dtype=jnp.float32)
    return {"x": x}

def reference(x):
    topk_vals, _ = jax.lax.top_k(x, K)
    threshold = topk_vals[:, -1][:, None]
    return jnp.where(x >= threshold, x, jnp.zeros_like(x))

if __name__ == "__main__":
    import jax
    _d = setup_inputs()
    print(jax.jit(kernel)(*tuple(_d.values())))

</pallas_src>

<mosaic_0001>
#map = affine_map<(d0, d1) -> (0, 0)>
module attributes {stable_mosaic.version = 14 : i64} {
  func.func @_sc_body(%arg0: i32, %arg1: i32, %arg2: memref<128x32768xf32, #tpu.memory_space<hbm>>, %arg3: memref<128x32768xf32, #tpu.memory_space<hbm>>, %arg4: memref<32768xf32, #tpu.memory_space<vmem>>, %arg5: memref<32768xf32, #tpu.memory_space<vmem>>, %arg6: memref<32768xf32, #tpu.memory_space<vmem>>, %arg7: memref<2048xi32, #tpu.memory_space<vmem>>, %arg8: memref<128xi32, #tpu.memory_space<vmem>>, %arg9: memref<4128xi32, #tpu.memory_space<vmem>>, %arg10: memref<!tpu.dma_semaphore, #tpu.memory_space<semaphore_mem>>, %arg11: memref<!tpu.dma_semaphore, #tpu.memory_space<semaphore_mem>>, %arg12: memref<!tpu.dma_semaphore, #tpu.memory_space<semaphore_mem>>, %arg13: memref<!tpu.dma_semaphore, #tpu.memory_space<semaphore_mem>>, %arg14: memref<!tpu.dma_semaphore, #tpu.memory_space<semaphore_mem>>, %arg15: memref<!tpu.dma_semaphore, #tpu.memory_space<semaphore_mem>>) attributes {dimension_semantics = [#tpu.dimension_semantics<core_parallel>, #tpu.dimension_semantics<subcore_parallel>], iteration_bounds = array<i64: 2, 16>, scalar_prefetch = 0 : i64, scratch_operands = 12 : i64, tpu.core_type = #tpu.core_type<sc_vector_subcore>, window_params = [{transform_indices = #map}, {transform_indices = #map}]} {
    %mul3A = arith.constant 2 : i32
    %mul3A_0 = arith.muli %arg1, %mul3A : i32
    %add3A = arith.addi %mul3A_0, %arg0 : i32
    %mul3A_1 = arith.constant 4 : i32
    %mul3A_2 = arith.muli %add3A, %mul3A_1 : i32
    %iota3A = tpu.iota {dimensions = array<i32: 0>} : vector<16xi32>
    %dma_start3A = arith.constant 0 : i32
    %dma_start3A_3 = tpu.memref_slice %arg2[%mul3A_2, %dma_start3A] : memref<128x32768xf32, #tpu.memory_space<hbm>> -> memref<1x32768xf32, #tpu.memory_space<hbm>>
    %dma_start3A_4 = tpu.memref_squeeze %dma_start3A_3 : memref<1x32768xf32, #tpu.memory_space<hbm>> -> memref<32768xf32, #tpu.memory_space<hbm>>
    %dma_start3A_5 = arith.constant 0 : i32
    %dma_start3A_6 = tpu.memref_slice %arg2[%mul3A_2, %dma_start3A_5] : memref<128x32768xf32, #tpu.memory_space<hbm>> -> memref<1x32768xf32, #tpu.memory_space<hbm>>
    %dma_start3A_7 = tpu.memref_squeeze %dma_start3A_6 : memref<1x32768xf32, #tpu.memory_space<hbm>> -> memref<32768xf32, #tpu.memory_space<hbm>>
    tpu.enqueue_dma source(%dma_start3A_7 : memref<32768xf32, #tpu.memory_space<hbm>>) target(%arg4 : memref<32768xf32, #tpu.memory_space<vmem>>) target_semaphore(%arg10 : memref<!tpu.dma_semaphore, #tpu.memory_space<semaphore_mem>>)
    %add3A_8 = arith.constant 1 : i32
    %add3A_9 = arith.addi %mul3A_2, %add3A_8 : i32
    %dma_start3A_10 = arith.constant 0 : i32
    %dma_start3A_11 = tpu.memref_slice %arg2[%add3A_9, %dma_start3A_10] : memref<128x32768xf32, #tpu.memory_space<hbm>> -> memref<1x32768xf32, #tpu.memory_space<hbm>>
    %dma_start3A_12 = tpu.memref_squeeze %dma_start3A_11 : memref<1x32768xf32, #tpu.memory_space<hbm>> -> memref<32768xf32, #tpu.memory_space<hbm>>
    %dma_start3A_13 = arith.constant 0 : i32
    %dma_start3A_14 = tpu.memref_slice %arg2[%add3A_9, %dma_start3A_13] : memref<128x32768xf32, #tpu.memory_space<hbm>> -> memref<1x32768xf32, #tpu.memory_space<hbm>>
    %dma_start3A_15 = tpu.memref_squeeze %dma_start3A_14 : memref<1x32768xf32, #tpu.memory_space<hbm>> -> memref<32768xf32, #tpu.memory_space<hbm>>
    tpu.enqueue_dma source(%dma_start3A_15 : memref<32768xf32, #tpu.memory_space<hbm>>) target(%arg5 : memref<32768xf32, #tpu.memory_space<vmem>>) target_semaphore(%arg11 : memref<!tpu.dma_semaphore, #tpu.memory_space<semaphore_mem>>)
    %dma_wait3A = arith.constant 0 : i32
    %dma_wait3A_16 = tpu.memref_slice %arg2[%mul3A_2, %dma_wait3A] : memref<128x32768xf32, #tpu.memory_space<hbm>> -> memref<1x32768xf32, #tpu.memory_space<hbm>>
    %dma_wait3A_17 = tpu.memref_squeeze %dma_wait3A_16 : memref<1x32768xf32, #tpu.memory_space<hbm>> -> memref<32768xf32, #tpu.memory_space<hbm>>
    %dma_wait3A_18 = arith.constant 0 : i32
    %dma_wait3A_19 = tpu.memref_slice %arg2[%mul3A_2, %dma_wait3A_18] : memref<128x32768xf32, #tpu.memory_space<hbm>> -> memref<1x32768xf32, #tpu.memory_space<hbm>>
    %dma_wait3A_20 = tpu.memref_squeeze %dma_wait3A_19 : memref<1x32768xf32, #tpu.memory_space<hbm>> -> memref<32768xf32, #tpu.memory_space<hbm>>
    tpu.wait_dma2 semaphore(%arg10 : memref<!tpu.dma_semaphore, #tpu.memory_space<semaphore_mem>>) src(%dma_wait3A_20 : memref<32768xf32, #tpu.memory_space<hbm>>) dst(%arg4 : memref<32768xf32, #tpu.memory_space<vmem>>)
    %parallel_loop3A = arith.constant 0 : i32
    %parallel_loop3A_21 = arith.constant 2048 : i32
    %parallel_loop3A_22 = arith.constant 16 : i32
    scf.for %parallel_loop3A_1448 = %parallel_loop3A to %parallel_loop3A_21 step %parallel_loop3A_22  : i32 {
      %parallel_loop3A_1449 = arith.constant 0 : i32
      %parallel_loop3A_1450 = vector.broadcast %parallel_loop3A_1449 : i32 to vector<16xi32>
      %parallel_loop3A_1451 = arith.index_cast %parallel_loop3A_1448 : i32 to index
      %parallel_loop3A_1452 = tpu.vector_load %arg7[%parallel_loop3A_1451] {strides = array<i32>} : memref<2048xi32, #tpu.memory_space<vmem>>, vector<16xi32>,
      tpu.vector_store %arg7[%parallel_loop3A_1451], %parallel_loop3A_1450 {strides = array<i32>} : memref<2048xi32, #tpu.memory_space<vmem>>, vector<16xi32>,
    } {sc.loop_unroll_factor = 8 : i64, sc.parallel_access}
    %broadcast_in_dim3A = arith.constant 1 : i32
    %broadcast_in_dim3A_23 = vector.broadcast %broadcast_in_dim3A : i32 to vector<16xi32>
    %parallel_loop3A_24 = arith.constant 0 : i32
    %parallel_loop3A_25 = arith.constant 32768 : i32
    %parallel_loop3A_26 = arith.constant 16 : i32
    scf.for %parallel_loop3A_1448 = %parallel_loop3A_24 to %parallel_loop3A_25 step %parallel_loop3A_26  : i32 {
      %parallel_loop3A_1449 = arith.index_cast %parallel_loop3A_1448 : i32 to index
      %parallel_loop3A_1450 = tpu.vector_load %arg4[%parallel_loop3A_1449] {strides = array<i32>} : memref<32768xf32, #tpu.memory_space<vmem>>, vector<16xf32>,
      %parallel_loop3A_1451 = tpu.bitcast %parallel_loop3A_1450 : vector<16xf32> -> vector<16xi32>
      %parallel_loop3A_1452 = arith.constant 31 : i32
      %parallel_loop3A_1453 = vector.broadcast %parallel_loop3A_1452 : i32 to vector<16xi32>
      %parallel_loop3A_1454 = arith.shrui %parallel_loop3A_1451, %parallel_loop3A_1453 : vector<16xi32>
      %parallel_loop3A_1455 = arith.constant 0 : i32
      %parallel_loop3A_1456 = vector.broadcast %parallel_loop3A_1455 : i32 to vector<16xi32>
      %parallel_loop3A_1457 = arith.cmpi ugt, %parallel_loop3A_1454, %parallel_loop3A_1456 : vector<16xi32>
      %parallel_loop3A_1458 = arith.constant dense<-1> : vector<16xi32>
      %parallel_loop3A_1459 = arith.xori %parallel_loop3A_1451, %parallel_loop3A_1458 : vector<16xi32>
      %parallel_loop3A_1460 = arith.constant -2147483648 : i32
      %parallel_loop3A_1461 = vector.broadcast %parallel_loop3A_1460 : i32 to vector<16xi32>
      %parallel_loop3A_1462 = arith.ori %parallel_loop3A_1451, %parallel_loop3A_1461 : vector<16xi32>
      %parallel_loop3A_1463 = arith.select %parallel_loop3A_1457, %parallel_loop3A_1459, %parallel_loop3A_1462 : vector<16xi1>, vector<16xi32>
      %parallel_loop3A_1464 = arith.constant 21 : i32
      %parallel_loop3A_1465 = vector.broadcast %parallel_loop3A_1464 : i32 to vector<16xi32>
      %parallel_loop3A_1466 = arith.shrui %parallel_loop3A_1463, %parallel_loop3A_1465 : vector<16xi32>
      tpu.vector_store_idx %arg7[%parallel_loop3A_1466], %broadcast_in_dim3A_23 {add = true} : memref<2048xi32, #tpu.memory_space<vmem>>[vector<16xi32>], vector<16xi32>,
    } {sc.loop_unroll_factor = 8 : i64, sc.parallel_access}
    %parallel_loop3A_27 = arith.constant 0 : i32
    %parallel_loop3A_28 = arith.constant 8 : i32
    %parallel_loop3A_29 = arith.constant 1 : i32
    scf.for %parallel_loop3A_1448 = %parallel_loop3A_27 to %parallel_loop3A_28 step %parallel_loop3A_29  : i32 {
      %parallel_loop3A_1449 = arith.constant 0 : i32
      %parallel_loop3A_1450 = vector.broadcast %parallel_loop3A_1449 : i32 to vector<16xi32>
      %parallel_loop3A_1451 = arith.constant 16 : i32
      %parallel_loop3A_1452 = arith.muli %parallel_loop3A_1448, %parallel_loop3A_1451 : i32
      %parallel_loop3A_1453 = arith.index_cast %parallel_loop3A_1452 : i32 to index
      %parallel_loop3A_1454 = tpu.vector_load %arg8[%parallel_loop3A_1453] {strides = array<i32>} : memref<128xi32, #tpu.memory_space<vmem>>, vector<16xi32>,
      tpu.vector_store %arg8[%parallel_loop3A_1453], %parallel_loop3A_1450 {strides = array<i32>} : memref<128xi32, #tpu.memory_space<vmem>>, vector<16xi32>,
    } {sc.loop_unroll_factor = 1 : i64, sc.parallel_access}
    %eq3A = arith.constant 0 : i32
    %eq3A_30 = vector.broadcast %eq3A : i32 to vector<16xi32>
    %eq3A_31 = arith.cmpi eq, %iota3A, %eq3A_30 : vector<16xi32>
    %parallel_loop3A_32 = arith.constant 0 : i32
    %parallel_loop3A_33 = arith.constant 128 : i32
    %parallel_loop3A_34 = arith.constant 1 : i32
    scf.for %parallel_loop3A_1448 = %parallel_loop3A_32 to %parallel_loop3A_33 step %parallel_loop3A_34  : i32 {
      %parallel_loop3A_1449 = arith.constant 16 : i32
      %parallel_loop3A_1450 = arith.muli %parallel_loop3A_1448, %parallel_loop3A_1449 : i32
      %parallel_loop3A_1451 = arith.index_cast %parallel_loop3A_1450 : i32 to index
      %parallel_loop3A_1452 = tpu.vector_load %arg7[%parallel_loop3A_1451] {strides = array<i32>} : memref<2048xi32, #tpu.memory_space<vmem>>, vector<16xi32>,
      %parallel_loop3A_1453 = arith.constant true
      %parallel_loop3A_1454 = vector.broadcast %parallel_loop3A_1453 : i1 to vector<16xi1>
      %parallel_loop3A_1455 = tpu.scan <sum>, %parallel_loop3A_1452 masked %parallel_loop3A_1454 : vector<16xi32>, vector<16xi1> -> vector<16xi32>
      %parallel_loop3A_1456 = vector.extract %parallel_loop3A_1455[15] : i32 from vector<16xi32>
      %parallel_loop3A_1457 = vector.broadcast %parallel_loop3A_1456 : i32 to vector<16xi32>
      %parallel_loop3A_1458 = vector.broadcast %parallel_loop3A_1448 : i32 to vector<16xi32>
      tpu.vector_store_idx %arg8[%parallel_loop3A_1458], %parallel_loop3A_1457 masked %eq3A_31 {add = true} : memref<128xi32, #tpu.memory_space<vmem>>[vector<16xi32>], vector<16xi32>, vector<16xi1>
    } {sc.loop_unroll_factor = 4 : i64, sc.parallel_access}
    %sub3A = arith.constant 32768 : i32
    %sub3A_35 = arith.constant 64 : i32
    %sub3A_36 = arith.subi %sub3A, %sub3A_35 : i32
    %get3A = arith.constant 0 : index
    %get3A_37 = tpu.vector_load %arg8[%get3A] {strides = array<i32>} : memref<128xi32, #tpu.memory_space<vmem>>, vector<16xi32>,
    %broadcast_in_dim3A_38 = arith.constant true
    %broadcast_in_dim3A_39 = vector.broadcast %broadcast_in_dim3A_38 : i1 to vector<16xi1>
    %masked_cumsum3A = tpu.scan <sum>, %get3A_37 masked %broadcast_in_dim3A_39 : vector<16xi32>, vector<16xi1> -> vector<16xi32>
    %add3A_40 = arith.constant 0 : i32
    %add3A_41 = vector.broadcast %add3A_40 : i32 to vector<16xi32>
    %add3A_42 = arith.addi %add3A_41, %masked_cumsum3A : vector<16xi32>
    %sub3A_43 = arith.subi %add3A_42, %get3A_37 : vector<16xi32>
    %le3A = vector.broadcast %sub3A_36 : i32 to vector<16xi32>
    %le3A_44 = arith.cmpi sle, %sub3A_43, %le3A : vector<16xi32>
    %all_reduce_population_count3A = tpu.all_reduce %le3A_44 {dim = 0 : i64, kind = #tpu.reduction_kind<sum>} : vector<16xi1> -> vector<16xi32>
    %slice3A = vector.extract_strided_slice %all_reduce_population_count3A {offsets = [0], sizes = [1], strides = [1]} : vector<16xi32> to vector<1xi32>
    %squeeze3A = vector.extract %slice3A[0] : i32 from vector<1xi32>
    %add3A_45 = arith.constant 0 : i32
    %add3A_46 = arith.addi %add3A_45, %squeeze3A : i32
    %slice3A_47 = vector.extract_strided_slice %masked_cumsum3A {offsets = [15], sizes = [1], strides = [1]} : vector<16xi32> to vector<1xi32>
    %squeeze3A_48 = vector.extract %slice3A_47[0] : i32 from vector<1xi32>
    %add3A_49 = arith.constant 0 : i32
    %add3A_50 = arith.addi %add3A_49, %squeeze3A_48 : i32
    %get3A_51 = arith.constant 16 : index
    %get3A_52 = tpu.vector_load %arg8[%get3A_51] {strides = array<i32>} : memref<128xi32, #tpu.memory_space<vmem>>, vector<16xi32>,
    %broadcast_in_dim3A_53 = arith.constant true
    %broadcast_in_dim3A_54 = vector.broadcast %broadcast_in_dim3A_53 : i1 to vector<16xi1>
    %masked_cumsum3A_55 = tpu.scan <sum>, %get3A_52 masked %broadcast_in_dim3A_54 : vector<16xi32>, vector<16xi1> -> vector<16xi32>
    %add3A_56 = vector.broadcast %add3A_50 : i32 to vector<16xi32>
    %add3A_57 = arith.addi %add3A_56, %masked_cumsum3A_55 : vector<16xi32>
    %sub3A_58 = arith.subi %add3A_57, %get3A_52 : vector<16xi32>
    %le3A_59 = vector.broadcast %sub3A_36 : i32 to vector<16xi32>
    %le3A_60 = arith.cmpi sle, %sub3A_58, %le3A_59 : vector<16xi32>
    %all_reduce_population_count3A_61 = tpu.all_reduce %le3A_60 {dim = 0 : i64, kind = #tpu.reduction_kind<sum>} : vector<16xi1> -> vector<16xi32>
    %slice3A_62 = vector.extract_strided_slice %all_reduce_population_count3A_61 {offsets = [0], sizes = [1], strides = [1]} : vector<16xi32> to vector<1xi32>
    %squeeze3A_63 = vector.extract %slice3A_62[0] : i32 from vector<1xi32>
    %add3A_64 = arith.addi %add3A_46, %squeeze3A_63 : i32
    %slice3A_65 = vector.extract_strided_slice %masked_cumsum3A_55 {offsets = [15], sizes = [1], strides = [1]} : vector<16xi32> to vector<1xi32>
    %squeeze3A_66 = vector.extract %slice3A_65[0] : i32 from vector<1xi32>
    %add3A_67 = arith.addi %add3A_50, %squeeze3A_66 : i32
    %get3A_68 = arith.constant 32 : index
    %get3A_69 = tpu.vector_load %arg8[%get3A_68] {strides = array<i32>} : memref<128xi32, #tpu.memory_space<vmem>>, vector<16xi32>,
    %broadcast_in_dim3A_70 = arith.constant true
    %broadcast_in_dim3A_71 = vector.broadcast %broadcast_in_dim3A_70 : i1 to vector<16xi1>
    %masked_cumsum3A_72 = tpu.scan <sum>, %get3A_69 masked %broadcast_in_dim3A_71 : vector<16xi32>, vector<16xi1> -> vector<16xi32>
    %add3A_73 = vector.broadcast %add3A_67 : i32 to vector<16xi32>
    %add3A_74 = arith.addi %add3A_73, %masked_cumsum3A_72 : vector<16xi32>
    %sub3A_75 = arith.subi %add3A_74, %get3A_69 : vector<16xi32>
    %le3A_76 = vector.broadcast %sub3A_36 : i32 to vector<16xi32>
    %le3A_77 = arith.cmpi sle, %sub3A_75, %le3A_76 : vector<16xi32>
    %all_reduce_population_count3A_78 = tpu.all_reduce %le3A_77 {dim = 0 : i64, kind = #tpu.reduction_kind<sum>} : vector<16xi1> -> vector<16xi32>
    %slice3A_79 = vector.extract_strided_slice %all_reduce_population_count3A_78 {offsets = [0], sizes = [1], strides = [1]} : vector<16xi32> to vector<1xi32>
    %squeeze3A_80 = vector.extract %slice3A_79[0] : i32 from vector<1xi32>
    %add3A_81 = arith.addi %add3A_64, %squeeze3A_80 : i32
    %slice3A_82 = vector.extract_strided_slice %masked_cumsum3A_72 {offsets = [15], sizes = [1], strides = [1]} : vector<16xi32> to vector<1xi32>
    %squeeze3A_83 = vector.extract %slice3A_82[0] : i32 from vector<1xi32>
    %add3A_84 = arith.addi %add3A_67, %squeeze3A_83 : i32
    %get3A_85 = arith.constant 48 : index
    %get3A_86 = tpu.vector_load %arg8[%get3A_85] {strides = array<i32>} : memref<128xi32, #tpu.memory_space<vmem>>, vector<16xi32>,
    %broadcast_in_dim3A_87 = arith.constant true
    %broadcast_in_dim3A_88 = vector.broadcast %broadcast_in_dim3A_87 : i1 to vector<16xi1>
    %masked_cumsum3A_89 = tpu.scan <sum>, %get3A_86 masked %broadcast_in_dim3A_88 : vector<16xi32>, vector<16xi1> -> vector<16xi32>
    %add3A_90 = vector.broadcast %add3A_84 : i32 to vector<16xi32>
    %add3A_91 = arith.addi %add3A_90, %masked_cumsum3A_89 : vector<16xi32>
    %sub3A_92 = arith.subi %add3A_91, %get3A_86 : vector<16xi32>
    %le3A_93 = vector.broadcast %sub3A_36 : i32 to vector<16xi32>
    %le3A_94 = arith.cmpi sle, %sub3A_92, %le3A_93 : vector<16xi32>
    %all_reduce_population_count3A_95 = tpu.all_reduce %le3A_94 {dim = 0 : i64, kind = #tpu.reduction_kind<sum>} : vector<16xi1> -> vector<16xi32>
    %slice3A_96 = vector.extract_strided_slice %all_reduce_population_count3A_95 {offsets = [0], sizes = [1], strides = [1]} : vector<16xi32> to vector<1xi32>
    %squeeze3A_97 = vector.extract %slice3A_96[0] : i32 from vector<1xi32>
    %add3A_98 = arith.addi %add3A_81, %squeeze3A_97 : i32
    %slice3A_99 = vector.extract_strided_slice %masked_cumsum3A_89 {offsets = [15], sizes = [1], strides = [1]} : vector<16xi32> to vector<1xi32>
    %squeeze3A_100 = vector.extract %slice3A_99[0] : i32 from vector<1xi32>
    %add3A_101 = arith.addi %add3A_84, %squeeze3A_100 : i32
    %get3A_102 = arith.constant 64 : index
    %get3A_103 = tpu.vector_load %arg8[%get3A_102] {strides = array<i32>} : memref<128xi32, #tpu.memory_space<vmem>>, vector<16xi32>,
    %broadcast_in_dim3A_104 = arith.constant true
    %broadcast_in_dim3A_105 = vector.broadcast %broadcast_in_dim3A_104 : i1 to vector<16xi1>
    %masked_cumsum3A_106 = tpu.scan <sum>, %get3A_103 masked %broadcast_in_dim3A_105 : vector<16xi32>, vector<16xi1> -> vector<16xi32>
    %add3A_107 = vector.broadcast %add3A_101 : i32 to vector<16xi32>
    %add3A_108 = arith.addi %add3A_107, %masked_cumsum3A_106 : vector<16xi32>
    %sub3A_109 = arith.subi %add3A_108, %get3A_103 : vector<16xi32>
    %le3A_110 = vector.broadcast %sub3A_36 : i32 to vector<16xi32>
    %le3A_111 = arith.cmpi sle, %sub3A_109, %le3A_110 : vector<16xi32>
    %all_reduce_population_count3A_112 = tpu.all_reduce %le3A_111 {dim = 0 : i64, kind = #tpu.reduction_kind<sum>} : vector<16xi1> -> vector<16xi32>
    %slice3A_113 = vector.extract_strided_slice %all_reduce_population_count3A_112 {offsets = [0], sizes = [1], strides = [1]} : vector<16xi32> to vector<1xi32>
    %squeeze3A_114 = vector.extract %slice3A_113[0] : i32 from vector<1xi32>
    %add3A_115 = arith.addi %add3A_98, %squeeze3A_114 : i32
    %slice3A_116 = vector.extract_strided_slice %masked_cumsum3A_106 {offsets = [15], sizes = [1], strides = [1]} : vector<16xi32> to vector<1xi32>
    %squeeze3A_117 = vector.extract %slice3A_116[0] : i32 from vector<1xi32>
    %add3A_118 = arith.addi %add3A_101, %squeeze3A_117 : i32
    %get3A_119 = arith.constant 80 : index
    %get3A_120 = tpu.vector_load %arg8[%get3A_119] {strides = array<i32>} : memref<128xi32, #tpu.memory_space<vmem>>, vector<16xi32>,
    %broadcast_in_dim3A_121 = arith.constant true
    %broadcast_in_dim3A_122 = vector.broadcast %broadcast_in_dim3A_121 : i1 to vector<16xi1>
    %masked_cumsum3A_123 = tpu.scan <sum>, %get3A_120 masked %broadcast_in_dim3A_122 : vector<16xi32>, vector<16xi1> -> vector<16xi32>
    %add3A_124 = vector.broadcast %add3A_118 : i32 to vector<16xi32>
    %add3A_125 = arith.addi %add3A_124, %masked_cumsum3A_123 : vector<16xi32>
    %sub3A_126 = arith.subi %add3A_125, %get3A_120 : vector<16xi32>
    %le3A_127 = vector.broadcast %sub3A_36 : i32 to vector<16xi32>
    %le3A_128 = arith.cmpi sle, %sub3A_126, %le3A_127 : vector<16xi32>
    %all_reduce_population_count3A_129 = tpu.all_reduce %le3A_128 {dim = 0 : i64, kind = #tpu.reduction_kind<sum>} : vector<16xi1> -> vector<16xi32>
    %slice3A_130 = vector.extract_strided_slice %all_reduce_population_count3A_129 {offsets = [0], sizes = [1], strides = [1]} : vector<16xi32> to vector<1xi32>
    %squeeze3A_131 = vector.extract %slice3A_130[0] : i32 from vector<1xi32>
    %add3A_132 = arith.addi %add3A_115, %squeeze3A_131 : i32
    %slice3A_133 = vector.extract_strided_slice %masked_cumsum3A_123 {offsets = [15], sizes = [1], strides = [1]} : vector<16xi32> to vector<1xi32>
    %squeeze3A_134 = vector.extract %slice3A_133[0] : i32 from vector<1xi32>
    %add3A_135 = arith.addi %add3A_118, %squeeze3A_134 : i32
    %get3A_136 = arith.constant 96 : index
    %get3A_137 = tpu.vector_load %arg8[%get3A_136] {strides = array<i32>} : memref<128xi32, #tpu.memory_space<vmem>>, vector<16xi32>,
    %broadcast_in_dim3A_138 = arith.constant true
    %broadcast_in_dim3A_139 = vector.broadcast %broadcast_in_dim3A_138 : i1 to vector<16xi1>
    %masked_cumsum3A_140 = tpu.scan <sum>, %get3A_137 masked %broadcast_in_dim3A_139 : vector<16xi32>, vector<16xi1> -> vector<16xi32>
    %add3A_141 = vector.broadcast %add3A_135 : i32 to vector<16xi32>
    %add3A_142 = arith.addi %add3A_141, %masked_cumsum3A_140 : vector<16xi32>
    %sub3A_143 = arith.subi %add3A_142, %get3A_137 : vector<16xi32>
    %le3A_144 = vector.broadcast %sub3A_36 : i32 to vector<16xi32>
    %le3A_145 = arith.cmpi sle, %sub3A_143, %le3A_144 : vector<16xi32>
    %all_reduce_population_count3A_146 = tpu.all_reduce %le3A_145 {dim = 0 : i64, kind = #tpu.reduction_kind<sum>} : vector<16xi1> -> vector<16xi32>
    %slice3A_147 = vector.extract_strided_slice %all_reduce_population_count3A_146 {offsets = [0], sizes = [1], strides = [1]} : vector<16xi32> to vector<1xi32>
    %squeeze3A_148 = vector.extract %slice3A_147[0] : i32 from vector<1xi32>
    %add3A_149 = arith.addi %add3A_132, %squeeze3A_148 : i32
    %slice3A_150 = vector.extract_strided_slice %masked_cumsum3A_140 {offsets = [15], sizes = [1], strides = [1]} : vector<16xi32> to vector<1xi32>
    %squeeze3A_151 = vector.extract %slice3A_150[0] : i32 from vector<1xi32>
    %add3A_152 = arith.addi %add3A_135, %squeeze3A_151 : i32
    %get3A_153 = arith.constant 112 : index
    %get3A_154 = tpu.vector_load %arg8[%get3A_153] {strides = array<i32>} : memref<128xi32, #tpu.memory_space<vmem>>, vector<16xi32>,
    %broadcast_in_dim3A_155 = arith.constant true
    %broadcast_in_dim3A_156 = vector.broadcast %broadcast_in_dim3A_155 : i1 to vector<16xi1>
    %masked_cumsum3A_157 = tpu.scan <sum>, %get3A_154 masked %broadcast_in_dim3A_156 : vector<16xi32>, vector<16xi1> -> vector<16xi32>
    %add3A_158 = vector.broadcast %add3A_152 : i32 to vector<16xi32>
    %add3A_159 = arith.addi %add3A_158, %masked_cumsum3A_157 : vector<16xi32>
    %sub3A_160 = arith.subi %add3A_159, %get3A_154 : vector<16xi32>
    %le3A_161 = vector.broadcast %sub3A_36 : i32 to vector<16xi32>
    %le3A_162 = arith.cmpi sle, %sub3A_160, %le3A_161 : vector<16xi32>
    %all_reduce_population_count3A_163 = tpu.all_reduce %le3A_162 {dim = 0 : i64, kind = #tpu.reduction_kind<sum>} : vector<16xi1> -> vector<16xi32>
    %slice3A_164 = vector.extract_strided_slice %all_reduce_population_count3A_163 {offsets = [0], sizes = [1], strides = [1]} : vector<16xi32> to vector<1xi32>
    %squeeze3A_165 = vector.extract %slice3A_164[0] : i32 from vector<1xi32>
    %add3A_166 = arith.addi %add3A_149, %squeeze3A_165 : i32
    %slice3A_167 = vector.extract_strided_slice %masked_cumsum3A_157 {offsets = [15], sizes = [1], strides = [1]} : vector<16xi32> to vector<1xi32>
    %squeeze3A_168 = vector.extract %slice3A_167[0] : i32 from vector<1xi32>
    %add3A_169 = arith.addi %add3A_152, %squeeze3A_168 : i32
    %sub3A_170 = arith.constant 1 : i32
    %sub3A_171 = arith.subi %add3A_166, %sub3A_170 : i32
    %jit3A = arith.constant 16 : i32
    %div3A = arith.divsi %sub3A_171, %jit3A : i32
    %sign3A = arith.constant 0 : i32
    %sign3A_172 = arith.cmpi sgt, %sub3A_171, %sign3A : i32
    %sign3A_173 = arith.extui %sign3A_172 : i1 to i32
    %sign3A_174 = arith.constant 0 : i32
    %sign3A_175 = arith.cmpi slt, %sub3A_171, %sign3A_174 : i32
    %sign3A_176 = arith.extui %sign3A_175 : i1 to i32
    %sign3A_177 = arith.subi %sign3A_173, %sign3A_176 : i32
    %sign3A_178 = arith.constant 0 : i32
    %sign3A_179 = arith.cmpi sgt, %jit3A, %sign3A_178 : i32
    %sign3A_180 = arith.extui %sign3A_179 : i1 to i32
    %sign3A_181 = arith.constant 0 : i32
    %sign3A_182 = arith.cmpi slt, %jit3A, %sign3A_181 : i32
    %sign3A_183 = arith.extui %sign3A_182 : i1 to i32
    %sign3A_184 = arith.subi %sign3A_180, %sign3A_183 : i32
    %ne3A = arith.cmpi ne, %sign3A_177, %sign3A_184 : i32
    %rem3A = arith.remsi %sub3A_171, %jit3A : i32
    %ne3A_185 = arith.constant 0 : i32
    %ne3A_186 = arith.cmpi ne, %rem3A, %ne3A_185 : i32
    %and3A = arith.andi %ne3A, %ne3A_186 : i1
    %sub3A_187 = arith.constant 1 : i32
    %sub3A_188 = arith.subi %div3A, %sub3A_187 : i32
    %select_n3A = arith.select %and3A, %sub3A_188, %div3A : i32
    %jit3A_189 = arith.constant 16 : i32
    %eq3A_190 = arith.constant 0 : i32
    %eq3A_191 = arith.cmpi eq, %jit3A_189, %eq3A_190 : i32
    %jit3A_192 = arith.constant 1 : i32
    %select_n3A_193 = arith.select %eq3A_191, %jit3A_192, %jit3A_189 : i32
    %rem3A_194 = arith.remsi %sub3A_171, %select_n3A_193 : i32
    %ne3A_195 = arith.constant 0 : i32
    %ne3A_196 = arith.cmpi ne, %rem3A_194, %ne3A_195 : i32
    %lt3A = arith.constant 0 : i32
    %lt3A_197 = arith.cmpi slt, %rem3A_194, %lt3A : i32
    %lt3A_198 = arith.constant 0 : i32
    %lt3A_199 = arith.cmpi slt, %select_n3A_193, %lt3A_198 : i32
    %ne3A_200 = arith.xori %lt3A_197, %lt3A_199 : i1
    %and3A_201 = arith.andi %ne3A_200, %ne3A_196 : i1
    %add3A_202 = arith.addi %rem3A_194, %select_n3A_193 : i32
    %select_n3A_203 = arith.select %and3A_201, %add3A_202, %rem3A_194 : i32
    %eq3A_204 = arith.constant 0 : i32
    %eq3A_205 = arith.cmpi eq, %select_n3A, %eq3A_204 : i32
    %jit3A_206 = arith.constant 0 : i32
    %jit3A_207 = arith.constant 0 : i32
    %select_n3A_208 = arith.select %eq3A_205, %jit3A_206, %jit3A_207 : i32
    %eq3A_209 = arith.constant 1 : i32
    %eq3A_210 = arith.cmpi eq, %select_n3A, %eq3A_209 : i32
    %select_n3A_211 = arith.select %eq3A_210, %add3A_50, %select_n3A_208 : i32
    %eq3A_212 = arith.constant 2 : i32
    %eq3A_213 = arith.cmpi eq, %select_n3A, %eq3A_212 : i32
    %select_n3A_214 = arith.select %eq3A_213, %add3A_67, %select_n3A_211 : i32
    %eq3A_215 = arith.constant 3 : i32
    %eq3A_216 = arith.cmpi eq, %select_n3A, %eq3A_215 : i32
    %select_n3A_217 = arith.select %eq3A_216, %add3A_84, %select_n3A_214 : i32
    %eq3A_218 = arith.constant 4 : i32
    %eq3A_219 = arith.cmpi eq, %select_n3A, %eq3A_218 : i32
    %select_n3A_220 = arith.select %eq3A_219, %add3A_101, %select_n3A_217 : i32
    %eq3A_221 = arith.constant 5 : i32
    %eq3A_222 = arith.cmpi eq, %select_n3A, %eq3A_221 : i32
    %select_n3A_223 = arith.select %eq3A_222, %add3A_118, %select_n3A_220 : i32
    %eq3A_224 = arith.constant 6 : i32
    %eq3A_225 = arith.cmpi eq, %select_n3A, %eq3A_224 : i32
    %select_n3A_226 = arith.select %eq3A_225, %add3A_135, %select_n3A_223 : i32
    %eq3A_227 = arith.constant 7 : i32
    %eq3A_228 = arith.cmpi eq, %select_n3A, %eq3A_227 : i32
    %select_n3A_229 = arith.select %eq3A_228, %add3A_152, %select_n3A_226 : i32
    %mul3A_230 = arith.constant 16 : i32
    %mul3A_231 = arith.muli %select_n3A, %mul3A_230 : i32
    %get3A_232 = arith.index_cast %mul3A_231 : i32 to index
    %get3A_233 = tpu.vector_load %arg8[%get3A_232] {strides = array<i32>} : memref<128xi32, #tpu.memory_space<vmem>>, vector<16xi32>,
    %broadcast_in_dim3A_234 = arith.constant true
    %broadcast_in_dim3A_235 = vector.broadcast %broadcast_in_dim3A_234 : i1 to vector<16xi1>
    %masked_cumsum3A_236 = tpu.scan <sum>, %get3A_233 masked %broadcast_in_dim3A_235 : vector<16xi32>, vector<16xi1> -> vector<16xi32>
    %add3A_237 = vector.broadcast %select_n3A_229 : i32 to vector<16xi32>
    %add3A_238 = arith.addi %add3A_237, %masked_cumsum3A_236 : vector<16xi32>
    %sub3A_239 = arith.subi %add3A_238, %get3A_233 : vector<16xi32>
    %eq3A_240 = vector.broadcast %select_n3A_203 : i32 to vector<16xi32>
    %eq3A_241 = arith.cmpi eq, %iota3A, %eq3A_240 : vector<16xi32>
    %jit3A_242 = arith.constant 0 : i32
    %broadcast_in_dim3A_243 = vector.broadcast %jit3A_242 : i32 to vector<16xi32>
    %select_n3A_244 = arith.select %eq3A_241, %sub3A_239, %broadcast_in_dim3A_243 : vector<16xi1>, vector<16xi32>
    %reduce_sum3A = arith.constant true
    %reduce_sum3A_245 = vector.broadcast %reduce_sum3A : i1 to vector<16xi1>
    %reduce_sum3A_246 = tpu.scan <sum>, %select_n3A_244 masked %reduce_sum3A_245 : vector<16xi32>, vector<16xi1> -> vector<16xi32>
    %reduce_sum3A_247 = vector.extract %reduce_sum3A_246[15] : i32 from vector<16xi32>
    %mul3A_248 = arith.constant 16 : i32
    %mul3A_249 = arith.muli %sub3A_171, %mul3A_248 : i32
    %get3A_250 = arith.index_cast %mul3A_249 : i32 to index
    %get3A_251 = tpu.vector_load %arg7[%get3A_250] {strides = array<i32>} : memref<2048xi32, #tpu.memory_space<vmem>>, vector<16xi32>,
    %broadcast_in_dim3A_252 = arith.constant true
    %broadcast_in_dim3A_253 = vector.broadcast %broadcast_in_dim3A_252 : i1 to vector<16xi1>
    %masked_cumsum3A_254 = tpu.scan <sum>, %get3A_251 masked %broadcast_in_dim3A_253 : vector<16xi32>, vector<16xi1> -> vector<16xi32>
    %add3A_255 = vector.broadcast %reduce_sum3A_247 : i32 to vector<16xi32>
    %add3A_256 = arith.addi %add3A_255, %masked_cumsum3A_254 : vector<16xi32>
    %sub3A_257 = arith.subi %add3A_256, %get3A_251 : vector<16xi32>
    %le3A_258 = vector.broadcast %sub3A_36 : i32 to vector<16xi32>
    %le3A_259 = arith.cmpi sle, %sub3A_257, %le3A_258 : vector<16xi32>
    %all_reduce_population_count3A_260 = tpu.all_reduce %le3A_259 {dim = 0 : i64, kind = #tpu.reduction_kind<sum>} : vector<16xi1> -> vector<16xi32>
    %slice3A_261 = vector.extract_strided_slice %all_reduce_population_count3A_260 {offsets = [0], sizes = [1], strides = [1]} : vector<16xi32> to vector<1xi32>
    %squeeze3A_262 = vector.extract %slice3A_261[0] : i32 from vector<1xi32>
    %sub3A_263 = arith.constant 1 : i32
    %sub3A_264 = arith.subi %squeeze3A_262, %sub3A_263 : i32
    %eq3A_265 = vector.broadcast %sub3A_264 : i32 to vector<16xi32>
    %eq3A_266 = arith.cmpi eq, %iota3A, %eq3A_265 : vector<16xi32>
    %jit3A_267 = arith.constant 0 : i32
    %broadcast_in_dim3A_268 = vector.broadcast %jit3A_267 : i32 to vector<16xi32>
    %select_n3A_269 = arith.select %eq3A_266, %get3A_251, %broadcast_in_dim3A_268 : vector<16xi1>, vector<16xi32>
    %reduce_sum3A_270 = arith.constant true
    %reduce_sum3A_271 = vector.broadcast %reduce_sum3A_270 : i1 to vector<16xi1>
    %reduce_sum3A_272 = tpu.scan <sum>, %select_n3A_269 masked %reduce_sum3A_271 : vector<16xi32>, vector<16xi1> -> vector<16xi32>
    %reduce_sum3A_273 = vector.extract %reduce_sum3A_272[15] : i32 from vector<16xi32>
    %eq3A_274 = vector.broadcast %sub3A_264 : i32 to vector<16xi32>
    %eq3A_275 = arith.cmpi eq, %iota3A, %eq3A_274 : vector<16xi32>
    %jit3A_276 = arith.constant 0 : i32
    %broadcast_in_dim3A_277 = vector.broadcast %jit3A_276 : i32 to vector<16xi32>
    %select_n3A_278 = arith.select %eq3A_275, %sub3A_257, %broadcast_in_dim3A_277 : vector<16xi1>, vector<16xi32>
    %reduce_sum3A_279 = arith.constant true
    %reduce_sum3A_280 = vector.broadcast %reduce_sum3A_279 : i1 to vector<16xi1>
    %reduce_sum3A_281 = tpu.scan <sum>, %select_n3A_278 masked %reduce_sum3A_280 : vector<16xi32>, vector<16xi1> -> vector<16xi32>
    %reduce_sum3A_282 = vector.extract %reduce_sum3A_281[15] : i32 from vector<16xi32>
    %mul3A_283 = arith.constant 16 : i32
    %mul3A_284 = arith.muli %sub3A_171, %mul3A_283 : i32
    %add3A_285 = arith.addi %mul3A_284, %sub3A_264 : i32
    %sub3A_286 = arith.constant 32768 : i32
    %sub3A_287 = arith.subi %sub3A_286, %reduce_sum3A_282 : i32
    %sub3A_288 = arith.subi %sub3A_287, %reduce_sum3A_273 : i32
    %sub3A_289 = arith.constant 64 : i32
    %sub3A_290 = arith.subi %sub3A_289, %sub3A_288 : i32
    %broadcast_in_dim3A_291 = arith.constant 4096 : i32
    %broadcast_in_dim3A_292 = vector.broadcast %broadcast_in_dim3A_291 : i32 to vector<16xi32>
    %broadcast_in_dim3A_293 = arith.constant 0 : i32
    %broadcast_in_dim3A_294 = vector.broadcast %broadcast_in_dim3A_293 : i32 to vector<16xi32>
    %parallel_loop3A_295 = arith.constant 0 : i32
    %parallel_loop3A_296 = arith.constant 32768 : i32
    %parallel_loop3A_297 = arith.constant 16 : i32
    %parallel_loop3A_298 = arith.constant 2097151 : i32
    %parallel_loop3A_299 = scf.for %parallel_loop3A_1448 = %parallel_loop3A_295 to %parallel_loop3A_296 step %parallel_loop3A_297 iter_args(%parallel_loop3A_1449 = %broadcast_in_dim3A_294) -> (vector<16xi32>)  : i32 {
      %parallel_loop3A_1450 = arith.index_cast %parallel_loop3A_1448 : i32 to index
      %parallel_loop3A_1451 = tpu.vector_load %arg4[%parallel_loop3A_1450] {strides = array<i32>} : memref<32768xf32, #tpu.memory_space<vmem>>, vector<16xf32>,
      %parallel_loop3A_1452 = tpu.bitcast %parallel_loop3A_1451 : vector<16xf32> -> vector<16xi32>
      %parallel_loop3A_1453 = arith.constant 31 : i32
      %parallel_loop3A_1454 = vector.broadcast %parallel_loop3A_1453 : i32 to vector<16xi32>
      %parallel_loop3A_1455 = arith.shrui %parallel_loop3A_1452, %parallel_loop3A_1454 : vector<16xi32>
      %parallel_loop3A_1456 = arith.constant 0 : i32
      %parallel_loop3A_1457 = vector.broadcast %parallel_loop3A_1456 : i32 to vector<16xi32>
      %parallel_loop3A_1458 = arith.cmpi ugt, %parallel_loop3A_1455, %parallel_loop3A_1457 : vector<16xi32>
      %parallel_loop3A_1459 = arith.constant dense<-1> : vector<16xi32>
      %parallel_loop3A_1460 = arith.xori %parallel_loop3A_1452, %parallel_loop3A_1459 : vector<16xi32>
      %parallel_loop3A_1461 = arith.constant -2147483648 : i32
      %parallel_loop3A_1462 = vector.broadcast %parallel_loop3A_1461 : i32 to vector<16xi32>
      %parallel_loop3A_1463 = arith.ori %parallel_loop3A_1452, %parallel_loop3A_1462 : vector<16xi32>
      %parallel_loop3A_1464 = arith.select %parallel_loop3A_1458, %parallel_loop3A_1460, %parallel_loop3A_1463 : vector<16xi1>, vector<16xi32>
      %parallel_loop3A_1465 = arith.constant 21 : i32
      %parallel_loop3A_1466 = vector.broadcast %parallel_loop3A_1465 : i32 to vector<16xi32>
      %parallel_loop3A_1467 = arith.shrui %parallel_loop3A_1464, %parallel_loop3A_1466 : vector<16xi32>
      %parallel_loop3A_1468 = vector.broadcast %add3A_285 : i32 to vector<16xi32>
      %parallel_loop3A_1469 = arith.cmpi eq, %parallel_loop3A_1467, %parallel_loop3A_1468 : vector<16xi32>
      %parallel_loop3A_1470 = vector.broadcast %parallel_loop3A_298 : i32 to vector<16xi32>
      %parallel_loop3A_1471 = arith.andi %parallel_loop3A_1464, %parallel_loop3A_1470 : vector<16xi32>
      %parallel_loop3A_1472 = arith.extui %parallel_loop3A_1469 : vector<16xi1> to vector<16xi32>
      %parallel_loop3A_1473 = arith.constant true
      %parallel_loop3A_1474 = vector.broadcast %parallel_loop3A_1473 : i1 to vector<16xi1>
      %parallel_loop3A_1475 = tpu.scan <sum>, %parallel_loop3A_1472 masked %parallel_loop3A_1474 : vector<16xi32>, vector<16xi1> -> vector<16xi32>
      %parallel_loop3A_1476 = arith.subi %parallel_loop3A_1475, %parallel_loop3A_1472 : vector<16xi32>
      %parallel_loop3A_1477 = arith.addi %parallel_loop3A_1449, %parallel_loop3A_1476 : vector<16xi32>
      %parallel_loop3A_1478 = arith.minsi %parallel_loop3A_1477, %broadcast_in_dim3A_292 : vector<16xi32>
      tpu.vector_store_idx %arg9[%parallel_loop3A_1478], %parallel_loop3A_1471 masked %parallel_loop3A_1469 : memref<4128xi32, #tpu.memory_space<vmem>>[vector<16xi32>], vector<16xi32>, vector<16xi1>
      %parallel_loop3A_1479 = tpu.all_reduce %parallel_loop3A_1469 {dim = 0 : i64, kind = #tpu.reduction_kind<sum>} : vector<16xi1> -> vector<16xi32>
      %parallel_loop3A_1480 = arith.addi %parallel_loop3A_1449, %parallel_loop3A_1479 : vector<16xi32>
      scf.yield %parallel_loop3A_1480 : vector<16xi32>
    } {sc.loop_unroll_factor = 4 : i64, sc.parallel_access}
    %eq3A_300 = arith.constant 0 : i32
    %eq3A_301 = vector.broadcast %eq3A_300 : i32 to vector<16xi32>
    %eq3A_302 = arith.cmpi eq, %iota3A, %eq3A_301 : vector<16xi32>
    %jit3A_303 = arith.constant 0 : i32
    %broadcast_in_dim3A_304 = vector.broadcast %jit3A_303 : i32 to vector<16xi32>
    %select_n3A_305 = arith.select %eq3A_302, %parallel_loop3A_299, %broadcast_in_dim3A_304 : vector<16xi1>, vector<16xi32>
    %reduce_sum3A_306 = arith.constant true
    %reduce_sum3A_307 = vector.broadcast %reduce_sum3A_306 : i1 to vector<16xi1>
    %reduce_sum3A_308 = tpu.scan <sum>, %select_n3A_305 masked %reduce_sum3A_307 : vector<16xi32>, vector<16xi1> -> vector<16xi32>
    %reduce_sum3A_309 = vector.extract %reduce_sum3A_308[15] : i32 from vector<16xi32>
    %min3A = arith.constant 4096 : i32
    %min3A_310 = arith.minsi %reduce_sum3A_309, %min3A : i32
    %broadcast_in_dim3A_311 = arith.constant 0 : i32
    %broadcast_in_dim3A_312 = vector.broadcast %broadcast_in_dim3A_311 : i32 to vector<16xi32>
    %swap3A = arith.index_cast %min3A_310 : i32 to index
    %swap3A_313 = tpu.vector_load %arg9[%swap3A] {strides = array<i32>} : memref<4128xi32, #tpu.memory_space<vmem>>, vector<16xi32>,
    tpu.vector_store %arg9[%swap3A], %broadcast_in_dim3A_312 {strides = array<i32>} : memref<4128xi32, #tpu.memory_space<vmem>>, vector<16xi32>,
    %le3A_314 = arith.constant 4096 : i32
    %le3A_315 = arith.cmpi sle, %reduce_sum3A_309, %le3A_314 : i32
    %convert_element_type3A = arith.extui %le3A_315 : i1 to i32
    %cond3A = arith.constant 0 : i32
    %cond3A_316 = arith.cmpi ne, %convert_element_type3A, %cond3A : i32
    %cond3A_317 = scf.if %cond3A_316 -> (i32) {
      %add3A_1448 = arith.constant 16 : i32
      %add3A_1449 = arith.addi %reduce_sum3A_309, %add3A_1448 : i32
      %sub3A_1450 = arith.constant 1 : i32
      %sub3A_1451 = arith.subi %add3A_1449, %sub3A_1450 : i32
      %jit3A_1452 = arith.constant 16 : i32
      %div3A_1453 = arith.divsi %sub3A_1451, %jit3A_1452 : i32
      %sign3A_1454 = arith.constant 0 : i32
      %sign3A_1455 = arith.cmpi sgt, %sub3A_1451, %sign3A_1454 : i32
      %sign3A_1456 = arith.extui %sign3A_1455 : i1 to i32
      %sign3A_1457 = arith.constant 0 : i32
      %sign3A_1458 = arith.cmpi slt, %sub3A_1451, %sign3A_1457 : i32
      %sign3A_1459 = arith.extui %sign3A_1458 : i1 to i32
      %sign3A_1460 = arith.subi %sign3A_1456, %sign3A_1459 : i32
      %sign3A_1461 = arith.constant 0 : i32
      %sign3A_1462 = arith.cmpi sgt, %jit3A_1452, %sign3A_1461 : i32
      %sign3A_1463 = arith.extui %sign3A_1462 : i1 to i32
      %sign3A_1464 = arith.constant 0 : i32
      %sign3A_1465 = arith.cmpi slt, %jit3A_1452, %sign3A_1464 : i32
      %sign3A_1466 = arith.extui %sign3A_1465 : i1 to i32
      %sign3A_1467 = arith.subi %sign3A_1463, %sign3A_1466 : i32
      %ne3A_1468 = arith.cmpi ne, %sign3A_1460, %sign3A_1467 : i32
      %rem3A_1469 = arith.remsi %sub3A_1451, %jit3A_1452 : i32
      %ne3A_1470 = arith.constant 0 : i32
      %ne3A_1471 = arith.cmpi ne, %rem3A_1469, %ne3A_1470 : i32
      %and3A_1472 = arith.andi %ne3A_1468, %ne3A_1471 : i1
      %sub3A_1473 = arith.constant 1 : i32
      %sub3A_1474 = arith.subi %div3A_1453, %sub3A_1473 : i32
      %select_n3A_1475 = arith.select %and3A_1472, %sub3A_1474, %div3A_1453 : i32
      %scan3A = arith.constant 0 : i32
      %scan3A_1476 = arith.constant 0 : i32
      %scan3A_1477 = arith.constant 21 : i32
      %scan3A_1478 = arith.addi %scan3A_1476, %scan3A_1477 : i32
      %scan3A_1479 = arith.constant 1 : i32
      %scan3A_1480 = scf.for %scan3A_1482 = %scan3A_1476 to %scan3A_1478 step %scan3A_1479 iter_args(%scan3A_1483 = %scan3A) -> (i32)  : i32 {
        %sub3A_1484 = arith.constant 20 : i32
        %sub3A_1485 = arith.subi %sub3A_1484, %scan3A_1482 : i32
        %shift_left3A_1486 = arith.constant 1 : i32
        %shift_left3A_1487 = arith.shli %shift_left3A_1486, %sub3A_1485 : i32
        %or3A_1488 = arith.ori %scan3A_1483, %shift_left3A_1487 : i32
        %while3A = arith.constant 0 : i32
        %while3A_1489 = arith.constant 0 : i32
        %while3A_1490 = arith.subi %select_n3A_1475, %while3A : i32
        %while3A_1491 = arith.addi %while3A, %while3A_1490 : i32
        %while3A_1492 = arith.constant 1 : i32
        %while3A_1493 = arith.divsi %while3A_1490, %while3A_1492 : i32
        %while3A_1494 = arith.muli %while3A_1493, %while3A_1492 : i32
        %while3A_1495 = arith.addi %while3A, %while3A_1494 : i32
        %while3A_1496 = arith.constant 1 : i32
        %while3A_1497 = scf.for %while3A_1501 = %while3A to %while3A_1495 step %while3A_1496 iter_args(%while3A_1502 = %while3A_1489) -> (i32)  : i32 {
          %mul3A_1503 = arith.constant 16 : i32
          %mul3A_1504 = arith.muli %while3A_1501, %mul3A_1503 : i32
          %get3A_1505 = arith.index_cast %mul3A_1504 : i32 to index
          %get3A_1506 = tpu.vector_load %arg9[%get3A_1505] {strides = array<i32>} : memref<4128xi32, #tpu.memory_space<vmem>>, vector<16xi32>,
          %ge3A_1507 = vector.broadcast %or3A_1488 : i32 to vector<16xi32>
          %ge3A_1508 = arith.cmpi sge, %get3A_1506, %ge3A_1507 : vector<16xi32>
          %all_reduce_population_count3A_1509 = tpu.all_reduce %ge3A_1508 {dim = 0 : i64, kind = #tpu.reduction_kind<sum>} : vector<16xi1> -> vector<16xi32>
          %slice3A_1510 = vector.extract_strided_slice %all_reduce_population_count3A_1509 {offsets = [0], sizes = [1], strides = [1]} : vector<16xi32> to vector<1xi32>
          %squeeze3A_1511 = vector.extract %slice3A_1510[0] : i32 from vector<1xi32>
          %add3A_1512 = arith.addi %while3A_1502, %squeeze3A_1511 : i32
          scf.yield %add3A_1512 : i32
        }
        %while3A_1498 = arith.constant 1 : i32
        %while3A_1499 = scf.for %while3A_1501 = %while3A_1495 to %while3A_1491 step %while3A_1498 iter_args(%while3A_1502 = %while3A_1497) -> (i32)  : i32 {
          %mul3A_1503 = arith.constant 16 : i32
          %mul3A_1504 = arith.muli %while3A_1501, %mul3A_1503 : i32
          %get3A_1505 = arith.index_cast %mul3A_1504 : i32 to index
          %get3A_1506 = tpu.vector_load %arg9[%get3A_1505] {strides = array<i32>} : memref<4128xi32, #tpu.memory_space<vmem>>, vector<16xi32>,
          %ge3A_1507 = vector.broadcast %or3A_1488 : i32 to vector<16xi32>
          %ge3A_1508 = arith.cmpi sge, %get3A_1506, %ge3A_1507 : vector<16xi32>
          %all_reduce_population_count3A_1509 = tpu.all_reduce %ge3A_1508 {dim = 0 : i64, kind = #tpu.reduction_kind<sum>} : vector<16xi1> -> vector<16xi32>
          %slice3A_1510 = vector.extract_strided_slice %all_reduce_population_count3A_1509 {offsets = [0], sizes = [1], strides = [1]} : vector<16xi32> to vector<1xi32>
          %squeeze3A_1511 = vector.extract %slice3A_1510[0] : i32 from vector<1xi32>
          %add3A_1512 = arith.addi %while3A_1502, %squeeze3A_1511 : i32
          scf.yield %add3A_1512 : i32
        }
        %ge3A = arith.cmpi sge, %while3A_1499, %sub3A_290 : i32
        %select_n3A_1500 = arith.select %ge3A, %or3A_1488, %scan3A_1483 : i32
        scf.yield %select_n3A_1500 : i32
      }
      %scan3A_1481 = arith.constant 21 : i32
      scf.yield %scan3A_1480 : i32
    } else {
      %shift_left3A_1448 = arith.constant 21 : i32
      %shift_left3A_1449 = arith.shli %add3A_285, %shift_left3A_1448 : i32
      %scan3A = arith.constant 0 : i32
      %scan3A_1450 = arith.constant 0 : i32
      %scan3A_1451 = arith.constant 21 : i32
      %scan3A_1452 = arith.addi %scan3A_1450, %scan3A_1451 : i32
      %scan3A_1453 = arith.constant 1 : i32
      %scan3A_1454 = scf.for %scan3A_1456 = %scan3A_1450 to %scan3A_1452 step %scan3A_1453 iter_args(%scan3A_1457 = %scan3A) -> (i32)  : i32 {
        %sub3A_1458 = arith.constant 20 : i32
        %sub3A_1459 = arith.subi %sub3A_1458, %scan3A_1456 : i32
        %shift_left3A_1460 = arith.constant 1 : i32
        %shift_left3A_1461 = arith.shli %shift_left3A_1460, %sub3A_1459 : i32
        %or3A_1462 = arith.ori %scan3A_1457, %shift_left3A_1461 : i32
        %or3A_1463 = arith.ori %shift_left3A_1449, %or3A_1462 : i32
        %scan3A_1464 = arith.constant 0 : i32
        %scan3A_1465 = arith.constant 0 : i32
        %scan3A_1466 = arith.constant 2048 : i32
        %scan3A_1467 = arith.addi %scan3A_1465, %scan3A_1466 : i32
        %scan3A_1468 = arith.constant 1 : i32
        %scan3A_1469 = scf.for %scan3A_1473 = %scan3A_1465 to %scan3A_1467 step %scan3A_1468 iter_args(%scan3A_1474 = %scan3A_1464) -> (i32)  : i32 {
          %mul3A_1475 = arith.constant 16 : i32
          %mul3A_1476 = arith.muli %scan3A_1473, %mul3A_1475 : i32
          %get3A_1477 = arith.index_cast %mul3A_1476 : i32 to index
          %get3A_1478 = tpu.vector_load %arg4[%get3A_1477] {strides = array<i32>} : memref<32768xf32, #tpu.memory_space<vmem>>, vector<16xf32>,
          %bitcast_convert_type3A_1479 = tpu.bitcast %get3A_1478 : vector<16xf32> -> vector<16xi32>
          %shift_right_logical3A_1480 = arith.constant 31 : i32
          %shift_right_logical3A_1481 = vector.broadcast %shift_right_logical3A_1480 : i32 to vector<16xi32>
          %shift_right_logical3A_1482 = arith.shrui %bitcast_convert_type3A_1479, %shift_right_logical3A_1481 : vector<16xi32>
          %gt3A_1483 = arith.constant 0 : i32
          %gt3A_1484 = vector.broadcast %gt3A_1483 : i32 to vector<16xi32>
          %gt3A_1485 = arith.cmpi ugt, %shift_right_logical3A_1482, %gt3A_1484 : vector<16xi32>
          %not3A_1486 = arith.constant dense<-1> : vector<16xi32>
          %not3A_1487 = arith.xori %bitcast_convert_type3A_1479, %not3A_1486 : vector<16xi32>
          %or3A_1488 = arith.constant -2147483648 : i32
          %or3A_1489 = vector.broadcast %or3A_1488 : i32 to vector<16xi32>
          %or3A_1490 = arith.ori %bitcast_convert_type3A_1479, %or3A_1489 : vector<16xi32>
          %select_n3A_1491 = arith.select %gt3A_1485, %not3A_1487, %or3A_1490 : vector<16xi1>, vector<16xi32>
          %ge3A_1492 = vector.broadcast %or3A_1463 : i32 to vector<16xi32>
          %ge3A_1493 = arith.cmpi uge, %select_n3A_1491, %ge3A_1492 : vector<16xi32>
          %all_reduce_population_count3A_1494 = tpu.all_reduce %ge3A_1493 {dim = 0 : i64, kind = #tpu.reduction_kind<sum>} : vector<16xi1> -> vector<16xi32>
          %slice3A_1495 = vector.extract_strided_slice %all_reduce_population_count3A_1494 {offsets = [0], sizes = [1], strides = [1]} : vector<16xi32> to vector<1xi32>
          %squeeze3A_1496 = vector.extract %slice3A_1495[0] : i32 from vector<1xi32>
          %add3A_1497 = arith.addi %scan3A_1474, %squeeze3A_1496 : i32
          scf.yield %add3A_1497 : i32
        }
        %scan3A_1470 = arith.constant 2048 : i32
        %ge3A = arith.constant 64 : i32
        %ge3A_1471 = arith.cmpi sge, %scan3A_1469, %ge3A : i32
        %select_n3A_1472 = arith.select %ge3A_1471, %or3A_1462, %scan3A_1457 : i32
        scf.yield %select_n3A_1472 : i32
      }
      %scan3A_1455 = arith.constant 21 : i32
      scf.yield %scan3A_1454 : i32
    }
    %shift_left3A = arith.constant 21 : i32
    %shift_left3A_318 = arith.shli %add3A_285, %shift_left3A : i32
    %or3A = arith.ori %shift_left3A_318, %cond3A_317 : i32
    %broadcast_in_dim3A_319 = vector.broadcast %or3A : i32 to vector<16xi32>
    %shift_right_logical3A = arith.constant 31 : i32
    %shift_right_logical3A_320 = vector.broadcast %shift_right_logical3A : i32 to vector<16xi32>
    %shift_right_logical3A_321 = arith.shrui %broadcast_in_dim3A_319, %shift_right_logical3A_320 : vector<16xi32>
    %gt3A = arith.constant 0 : i32
    %gt3A_322 = vector.broadcast %gt3A : i32 to vector<16xi32>
    %gt3A_323 = arith.cmpi ugt, %shift_right_logical3A_321, %gt3A_322 : vector<16xi32>
    %and3A_324 = arith.constant 2147483647 : i32
    %and3A_325 = vector.broadcast %and3A_324 : i32 to vector<16xi32>
    %and3A_326 = arith.andi %broadcast_in_dim3A_319, %and3A_325 : vector<16xi32>
    %not3A = arith.constant dense<-1> : vector<16xi32>
    %not3A_327 = arith.xori %broadcast_in_dim3A_319, %not3A : vector<16xi32>
    %select_n3A_328 = arith.select %gt3A_323, %and3A_326, %not3A_327 : vector<16xi1>, vector<16xi32>
    %bitcast_convert_type3A = tpu.bitcast %select_n3A_328 : vector<16xi32> -> vector<16xf32>
    %add3A_329 = arith.constant 0 : i32
    %add3A_330 = arith.addi %mul3A_2, %add3A_329 : i32
    %add3A_331 = arith.constant 2 : i32
    %add3A_332 = arith.addi %add3A_330, %add3A_331 : i32
    %dma_start3A_333 = arith.constant 0 : i32
    %dma_start3A_334 = tpu.memref_slice %arg2[%add3A_332, %dma_start3A_333] : memref<128x32768xf32, #tpu.memory_space<hbm>> -> memref<1x32768xf32, #tpu.memory_space<hbm>>
    %dma_start3A_335 = tpu.memref_squeeze %dma_start3A_334 : memref<1x32768xf32, #tpu.memory_space<hbm>> -> memref<32768xf32, #tpu.memory_space<hbm>>
    %dma_start3A_336 = arith.constant 0 : i32
    %dma_start3A_337 = tpu.memref_slice %arg2[%add3A_332, %dma_start3A_336] : memref<128x32768xf32, #tpu.memory_space<hbm>> -> memref<1x32768xf32, #tpu.memory_space<hbm>>
    %dma_start3A_338 = tpu.memref_squeeze %dma_start3A_337 : memref<1x32768xf32, #tpu.memory_space<hbm>> -> memref<32768xf32, #tpu.memory_space<hbm>>
    tpu.enqueue_dma source(%dma_start3A_338 : memref<32768xf32, #tpu.memory_space<hbm>>) target(%arg6 : memref<32768xf32, #tpu.memory_space<vmem>>) target_semaphore(%arg12 : memref<!tpu.dma_semaphore, #tpu.memory_space<semaphore_mem>>)
    %broadcast_in_dim3A_339 = arith.constant 0.000000e+00 : f32
    %broadcast_in_dim3A_340 = vector.broadcast %broadcast_in_dim3A_339 : f32 to vector<16xf32>
    %parallel_loop3A_341 = arith.constant 0 : i32
    %parallel_loop3A_342 = arith.constant 32768 : i32
    %parallel_loop3A_343 = arith.constant 16 : i32
    scf.for %parallel_loop3A_1448 = %parallel_loop3A_341 to %parallel_loop3A_342 step %parallel_loop3A_343  : i32 {
      %parallel_loop3A_1449 = arith.index_cast %parallel_loop3A_1448 : i32 to index
      %parallel_loop3A_1450 = tpu.vector_load %arg4[%parallel_loop3A_1449] {strides = array<i32>} : memref<32768xf32, #tpu.memory_space<vmem>>, vector<16xf32>,
      %parallel_loop3A_1451 = arith.cmpf oge, %parallel_loop3A_1450, %bitcast_convert_type3A : vector<16xf32>
      %parallel_loop3A_1452 = arith.select %parallel_loop3A_1451, %parallel_loop3A_1450, %broadcast_in_dim3A_340 : vector<16xi1>, vector<16xf32>
      %parallel_loop3A_1453 = arith.index_cast %parallel_loop3A_1448 : i32 to index
      %parallel_loop3A_1454 = tpu.vector_load %arg4[%parallel_loop3A_1453] {strides = array<i32>} : memref<32768xf32, #tpu.memory_space<vmem>>, vector<16xf32>,
      tpu.vector_store %arg4[%parallel_loop3A_1453], %parallel_loop3A_1452 {strides = array<i32>} : memref<32768xf32, #tpu.memory_space<vmem>>, vector<16xf32>,
    } {sc.loop_unroll_factor = 8 : i64, sc.parallel_access}
    %add3A_344 = arith.constant 0 : i32
    %add3A_345 = arith.addi %mul3A_2, %add3A_344 : i32
    %dma_start3A_346 = arith.constant 0 : i32
    %dma_start3A_347 = tpu.memref_slice %arg3[%add3A_345, %dma_start3A_346] : memref<128x32768xf32, #tpu.memory_space<hbm>> -> memref<1x32768xf32, #tpu.memory_space<hbm>>
    %dma_start3A_348 = tpu.memref_squeeze %dma_start3A_347 : memref<1x32768xf32, #tpu.memory_space<hbm>> -> memref<32768xf32, #tpu.memory_space<hbm>>
    %dma_start3A_349 = arith.constant 0 : i32
    %dma_start3A_350 = tpu.memref_slice %arg3[%add3A_345, %dma_start3A_349] : memref<128x32768xf32, #tpu.memory_space<hbm>> -> memref<1x32768xf32, #tpu.memory_space<hbm>>
    %dma_start3A_351 = tpu.memref_squeeze %dma_start3A_350 : memref<1x32768xf32, #tpu.memory_space<hbm>> -> memref<32768xf32, #tpu.memory_space<hbm>>
    tpu.enqueue_dma source(%arg4 : memref<32768xf32, #tpu.memory_space<vmem>>) target(%dma_start3A_351 : memref<32768xf32, #tpu.memory_space<hbm>>) target_semaphore(%arg13 : memref<!tpu.dma_semaphore, #tpu.memory_space<semaphore_mem>>)
    %dma_wait3A_352 = arith.constant 0 : i32
    %dma_wait3A_353 = tpu.memref_slice %arg2[%add3A_9, %dma_wait3A_352] : memref<128x32768xf32, #tpu.memory_space<hbm>> -> memref<1x32768xf32, #tpu.memory_space<hbm>>
    %dma_wait3A_354 = tpu.memref_squeeze %dma_wait3A_353 : memref<1x32768xf32, #tpu.memory_space<hbm>> -> memref<32768xf32, #tpu.memory_space<hbm>>
    %dma_wait3A_355 = arith.constant 0 : i32
    %dma_wait3A_356 = tpu.memref_slice %arg2[%add3A_9, %dma_wait3A_355] : memref<128x32768xf32, #tpu.memory_space<hbm>> -> memref<1x32768xf32, #tpu.memory_space<hbm>>
    %dma_wait3A_357 = tpu.memref_squeeze %dma_wait3A_356 : memref<1x32768xf32, #tpu.memory_space<hbm>> -> memref<32768xf32, #tpu.memory_space<hbm>>
    tpu.wait_dma2 semaphore(%arg11 : memref<!tpu.dma_semaphore, #tpu.memory_space<semaphore_mem>>) src(%dma_wait3A_357 : memref<32768xf32, #tpu.memory_space<hbm>>) dst(%arg5 : memref<32768xf32, #tpu.memory_space<vmem>>)
    %parallel_loop3A_358 = arith.constant 0 : i32
    %parallel_loop3A_359 = arith.constant 2048 : i32
    %parallel_loop3A_360 = arith.constant 16 : i32
    scf.for %parallel_loop3A_1448 = %parallel_loop3A_358 to %parallel_loop3A_359 step %parallel_loop3A_360  : i32 {
      %parallel_loop3A_1449 = arith.constant 0 : i32
      %parallel_loop3A_1450 = vector.broadcast %parallel_loop3A_1449 : i32 to vector<16xi32>
      %parallel_loop3A_1451 = arith.index_cast %parallel_loop3A_1448 : i32 to index
      %parallel_loop3A_1452 = tpu.vector_load %arg7[%parallel_loop3A_1451] {strides = array<i32>} : memref<2048xi32, #tpu.memory_space<vmem>>, vector<16xi32>,
      tpu.vector_store %arg7[%parallel_loop3A_1451], %parallel_loop3A_1450 {strides = array<i32>} : memref<2048xi32, #tpu.memory_space<vmem>>, vector<16xi32>,
    } {sc.loop_unroll_factor = 8 : i64, sc.parallel_access}
    %broadcast_in_dim3A_361 = arith.constant 1 : i32
    %broadcast_in_dim3A_362 = vector.broadcast %broadcast_in_dim3A_361 : i32 to vector<16xi32>
    %parallel_loop3A_363 = arith.constant 0 : i32
    %parallel_loop3A_364 = arith.constant 32768 : i32
    %parallel_loop3A_365 = arith.constant 16 : i32
    scf.for %parallel_loop3A_1448 = %parallel_loop3A_363 to %parallel_loop3A_364 step %parallel_loop3A_365  : i32 {
      %parallel_loop3A_1449 = arith.index_cast %parallel_loop3A_1448 : i32 to index
      %parallel_loop3A_1450 = tpu.vector_load %arg5[%parallel_loop3A_1449] {strides = array<i32>} : memref<32768xf32, #tpu.memory_space<vmem>>, vector<16xf32>,
      %parallel_loop3A_1451 = tpu.bitcast %parallel_loop3A_1450 : vector<16xf32> -> vector<16xi32>
      %parallel_loop3A_1452 = arith.constant 31 : i32
      %parallel_loop3A_1453 = vector.broadcast %parallel_loop3A_1452 : i32 to vector<16xi32>
      %parallel_loop3A_1454 = arith.shrui %parallel_loop3A_1451, %parallel_loop3A_1453 : vector<16xi32>
      %parallel_loop3A_1455 = arith.constant 0 : i32
      %parallel_loop3A_1456 = vector.broadcast %parallel_loop3A_1455 : i32 to vector<16xi32>
      %parallel_loop3A_1457 = arith.cmpi ugt, %parallel_loop3A_1454, %parallel_loop3A_1456 : vector<16xi32>
      %parallel_loop3A_1458 = arith.constant dense<-1> : vector<16xi32>
      %parallel_loop3A_1459 = arith.xori %parallel_loop3A_1451, %parallel_loop3A_1458 : vector<16xi32>
      %parallel_loop3A_1460 = arith.constant -2147483648 : i32
      %parallel_loop3A_1461 = vector.broadcast %parallel_loop3A_1460 : i32 to vector<16xi32>
      %parallel_loop3A_1462 = arith.ori %parallel_loop3A_1451, %parallel_loop3A_1461 : vector<16xi32>
      %parallel_loop3A_1463 = arith.select %parallel_loop3A_1457, %parallel_loop3A_1459, %parallel_loop3A_1462 : vector<16xi1>, vector<16xi32>
      %parallel_loop3A_1464 = arith.constant 21 : i32
      %parallel_loop3A_1465 = vector.broadcast %parallel_loop3A_1464 : i32 to vector<16xi32>
      %parallel_loop3A_1466 = arith.shrui %parallel_loop3A_1463, %parallel_loop3A_1465 : vector<16xi32>
      tpu.vector_store_idx %arg7[%parallel_loop3A_1466], %broadcast_in_dim3A_362 {add = true} : memref<2048xi32, #tpu.memory_space<vmem>>[vector<16xi32>], vector<16xi32>,
    } {sc.loop_unroll_factor = 8 : i64, sc.parallel_access}
    %parallel_loop3A_366 = arith.constant 0 : i32
    %parallel_loop3A_367 = arith.constant 8 : i32
    %parallel_loop3A_368 = arith.constant 1 : i32
    scf.for %parallel_loop3A_1448 = %parallel_loop3A_366 to %parallel_loop3A_367 step %parallel_loop3A_368  : i32 {
      %parallel_loop3A_1449 = arith.constant 0 : i32
      %parallel_loop3A_1450 = vector.broadcast %parallel_loop3A_1449 : i32 to vector<16xi32>
      %parallel_loop3A_1451 = arith.constant 16 : i32
      %parallel_loop3A_1452 = arith.muli %parallel_loop3A_1448, %parallel_loop3A_1451 : i32
      %parallel_loop3A_1453 = arith.index_cast %parallel_loop3A_1452 : i32 to index
      %parallel_loop3A_1454 = tpu.vector_load %arg8[%parallel_loop3A_1453] {strides = array<i32>} : memref<128xi32, #tpu.memory_space<vmem>>, vector<16xi32>,
      tpu.vector_store %arg8[%parallel_loop3A_1453], %parallel_loop3A_1450 {strides = array<i32>} : memref<128xi32, #tpu.memory_space<vmem>>, vector<16xi32>,
    } {sc.loop_unroll_factor = 1 : i64, sc.parallel_access}
    %eq3A_369 = arith.constant 0 : i32
    %eq3A_370 = vector.broadcast %eq3A_369 : i32 to vector<16xi32>
    %eq3A_371 = arith.cmpi eq, %iota3A, %eq3A_370 : vector<16xi32>
    %parallel_loop3A_372 = arith.constant 0 : i32
    %parallel_loop3A_373 = arith.constant 128 : i32
    %parallel_loop3A_374 = arith.constant 1 : i32
    scf.for %parallel_loop3A_1448 = %parallel_loop3A_372 to %parallel_loop3A_373 step %parallel_loop3A_374  : i32 {
      %parallel_loop3A_1449 = arith.constant 16 : i32
      %parallel_loop3A_1450 = arith.muli %parallel_loop3A_1448, %parallel_loop3A_1449 : i32
      %parallel_loop3A_1451 = arith.index_cast %parallel_loop3A_1450 : i32 to index
      %parallel_loop3A_1452 = tpu.vector_load %arg7[%parallel_loop3A_1451] {strides = array<i32>} : memref<2048xi32, #tpu.memory_space<vmem>>, vector<16xi32>,
      %parallel_loop3A_1453 = arith.constant true
      %parallel_loop3A_1454 = vector.broadcast %parallel_loop3A_1453 : i1 to vector<16xi1>
      %parallel_loop3A_1455 = tpu.scan <sum>, %parallel_loop3A_1452 masked %parallel_loop3A_1454 : vector<16xi32>, vector<16xi1> -> vector<16xi32>
      %parallel_loop3A_1456 = vector.extract %parallel_loop3A_1455[15] : i32 from vector<16xi32>
      %parallel_loop3A_1457 = vector.broadcast %parallel_loop3A_1456 : i32 to vector<16xi32>
      %parallel_loop3A_1458 = vector.broadcast %parallel_loop3A_1448 : i32 to vector<16xi32>
      tpu.vector_store_idx %arg8[%parallel_loop3A_1458], %parallel_loop3A_1457 masked %eq3A_371 {add = true} : memref<128xi32, #tpu.memory_space<vmem>>[vector<16xi32>], vector<16xi32>, vector<16xi1>
    } {sc.loop_unroll_factor = 4 : i64, sc.parallel_access}
    %sub3A_375 = arith.constant 32768 : i32
    %sub3A_376 = arith.constant 64 : i32
    %sub3A_377 = arith.subi %sub3A_375, %sub3A_376 : i32
    %get3A_378 = arith.constant 0 : index
    %get3A_379 = tpu.vector_load %arg8[%get3A_378] {strides = array<i32>} : memref<128xi32, #tpu.memory_space<vmem>>, vector<16xi32>,
    %broadcast_in_dim3A_380 = arith.constant true
    %broadcast_in_dim3A_381 = vector.broadcast %broadcast_in_dim3A_380 : i1 to vector<16xi1>
    %masked_cumsum3A_382 = tpu.scan <sum>, %get3A_379 masked %broadcast_in_dim3A_381 : vector<16xi32>, vector<16xi1> -> vector<16xi32>
    %add3A_383 = arith.constant 0 : i32
    %add3A_384 = vector.broadcast %add3A_383 : i32 to vector<16xi32>
    %add3A_385 = arith.addi %add3A_384, %masked_cumsum3A_382 : vector<16xi32>
    %sub3A_386 = arith.subi %add3A_385, %get3A_379 : vector<16xi32>
    %le3A_387 = vector.broadcast %sub3A_377 : i32 to vector<16xi32>
    %le3A_388 = arith.cmpi sle, %sub3A_386, %le3A_387 : vector<16xi32>
    %all_reduce_population_count3A_389 = tpu.all_reduce %le3A_388 {dim = 0 : i64, kind = #tpu.reduction_kind<sum>} : vector<16xi1> -> vector<16xi32>
    %slice3A_390 = vector.extract_strided_slice %all_reduce_population_count3A_389 {offsets = [0], sizes = [1], strides = [1]} : vector<16xi32> to vector<1xi32>
    %squeeze3A_391 = vector.extract %slice3A_390[0] : i32 from vector<1xi32>
    %add3A_392 = arith.constant 0 : i32
    %add3A_393 = arith.addi %add3A_392, %squeeze3A_391 : i32
    %slice3A_394 = vector.extract_strided_slice %masked_cumsum3A_382 {offsets = [15], sizes = [1], strides = [1]} : vector<16xi32> to vector<1xi32>
    %squeeze3A_395 = vector.extract %slice3A_394[0] : i32 from vector<1xi32>
    %add3A_396 = arith.constant 0 : i32
    %add3A_397 = arith.addi %add3A_396, %squeeze3A_395 : i32
    %get3A_398 = arith.constant 16 : index
    %get3A_399 = tpu.vector_load %arg8[%get3A_398] {strides = array<i32>} : memref<128xi32, #tpu.memory_space<vmem>>, vector<16xi32>,
    %broadcast_in_dim3A_400 = arith.constant true
    %broadcast_in_dim3A_401 = vector.broadcast %broadcast_in_dim3A_400 : i1 to vector<16xi1>
    %masked_cumsum3A_402 = tpu.scan <sum>, %get3A_399 masked %broadcast_in_dim3A_401 : vector<16xi32>, vector<16xi1> -> vector<16xi32>
    %add3A_403 = vector.broadcast %add3A_397 : i32 to vector<16xi32>
    %add3A_404 = arith.addi %add3A_403, %masked_cumsum3A_402 : vector<16xi32>
    %sub3A_405 = arith.subi %add3A_404, %get3A_399 : vector<16xi32>
    %le3A_406 = vector.broadcast %sub3A_377 : i32 to vector<16xi32>
    %le3A_407 = arith.cmpi sle, %sub3A_405, %le3A_406 : vector<16xi32>
    %all_reduce_population_count3A_408 = tpu.all_reduce %le3A_407 {dim = 0 : i64, kind = #tpu.reduction_kind<sum>} : vector<16xi1> -> vector<16xi32>
    %slice3A_409 = vector.extract_strided_slice %all_reduce_population_count3A_408 {offsets = [0], sizes = [1], strides = [1]} : vector<16xi32> to vector<1xi32>
    %squeeze3A_410 = vector.extract %slice3A_409[0] : i32 from vector<1xi32>
    %add3A_411 = arith.addi %add3A_393, %squeeze3A_410 : i32
    %slice3A_412 = vector.extract_strided_slice %masked_cumsum3A_402 {offsets = [15], sizes = [1], strides = [1]} : vector<16xi32> to vector<1xi32>
    %squeeze3A_413 = vector.extract %slice3A_412[0] : i32 from vector<1xi32>
    %add3A_414 = arith.addi %add3A_397, %squeeze3A_413 : i32
    %get3A_415 = arith.constant 32 : index
    %get3A_416 = tpu.vector_load %arg8[%get3A_415] {strides = array<i32>} : memref<128xi32, #tpu.memory_space<vmem>>, vector<16xi32>,
    %broadcast_in_dim3A_417 = arith.constant true
    %broadcast_in_dim3A_418 = vector.broadcast %broadcast_in_dim3A_417 : i1 to vector<16xi1>
    %masked_cumsum3A_419 = tpu.scan <sum>, %get3A_416 masked %broadcast_in_dim3A_418 : vector<16xi32>, vector<16xi1> -> vector<16xi32>
    %add3A_420 = vector.broadcast %add3A_414 : i32 to vector<16xi32>
    %add3A_421 = arith.addi %add3A_420, %masked_cumsum3A_419 : vector<16xi32>
    %sub3A_422 = arith.subi %add3A_421, %get3A_416 : vector<16xi32>
    %le3A_423 = vector.broadcast %sub3A_377 : i32 to vector<16xi32>
    %le3A_424 = arith.cmpi sle, %sub3A_422, %le3A_423 : vector<16xi32>
    %all_reduce_population_count3A_425 = tpu.all_reduce %le3A_424 {dim = 0 : i64, kind = #tpu.reduction_kind<sum>} : vector<16xi1> -> vector<16xi32>
    %slice3A_426 = vector.extract_strided_slice %all_reduce_population_count3A_425 {offsets = [0], sizes = [1], strides = [1]} : vector<16xi32> to vector<1xi32>
    %squeeze3A_427 = vector.extract %slice3A_426[0] : i32 from vector<1xi32>
    %add3A_428 = arith.addi %add3A_411, %squeeze3A_427 : i32
    %slice3A_429 = vector.extract_strided_slice %masked_cumsum3A_419 {offsets = [15], sizes = [1], strides = [1]} : vector<16xi32> to vector<1xi32>
    %squeeze3A_430 = vector.extract %slice3A_429[0] : i32 from vector<1xi32>
    %add3A_431 = arith.addi %add3A_414, %squeeze3A_430 : i32
    %get3A_432 = arith.constant 48 : index
    %get3A_433 = tpu.vector_load %arg8[%get3A_432] {strides = array<i32>} : memref<128xi32, #tpu.memory_space<vmem>>, vector<16xi32>,
    %broadcast_in_dim3A_434 = arith.constant true
    %broadcast_in_dim3A_435 = vector.broadcast %broadcast_in_dim3A_434 : i1 to vector<16xi1>
    %masked_cumsum3A_436 = tpu.scan <sum>, %get3A_433 masked %broadcast_in_dim3A_435 : vector<16xi32>, vector<16xi1> -> vector<16xi32>
    %add3A_437 = vector.broadcast %add3A_431 : i32 to vector<16xi32>
    %add3A_438 = arith.addi %add3A_437, %masked_cumsum3A_436 : vector<16xi32>
    %sub3A_439 = arith.subi %add3A_438, %get3A_433 : vector<16xi32>
    %le3A_440 = vector.broadcast %sub3A_377 : i32 to vector<16xi32>
    %le3A_441 = arith.cmpi sle, %sub3A_439, %le3A_440 : vector<16xi32>
    %all_reduce_population_count3A_442 = tpu.all_reduce %le3A_441 {dim = 0 : i64, kind = #tpu.reduction_kind<sum>} : vector<16xi1> -> vector<16xi32>
    %slice3A_443 = vector.extract_strided_slice %all_reduce_population_count3A_442 {offsets = [0], sizes = [1], strides = [1]} : vector<16xi32> to vector<1xi32>
    %squeeze3A_444 = vector.extract %slice3A_443[0] : i32 from vector<1xi32>
    %add3A_445 = arith.addi %add3A_428, %squeeze3A_444 : i32
    %slice3A_446 = vector.extract_strided_slice %masked_cumsum3A_436 {offsets = [15], sizes = [1], strides = [1]} : vector<16xi32> to vector<1xi32>
    %squeeze3A_447 = vector.extract %slice3A_446[0] : i32 from vector<1xi32>
    %add3A_448 = arith.addi %add3A_431, %squeeze3A_447 : i32
    %get3A_449 = arith.constant 64 : index
    %get3A_450 = tpu.vector_load %arg8[%get3A_449] {strides = array<i32>} : memref<128xi32, #tpu.memory_space<vmem>>, vector<16xi32>,
    %broadcast_in_dim3A_451 = arith.constant true
    %broadcast_in_dim3A_452 = vector.broadcast %broadcast_in_dim3A_451 : i1 to vector<16xi1>
    %masked_cumsum3A_453 = tpu.scan <sum>, %get3A_450 masked %broadcast_in_dim3A_452 : vector<16xi32>, vector<16xi1> -> vector<16xi32>
    %add3A_454 = vector.broadcast %add3A_448 : i32 to vector<16xi32>
    %add3A_455 = arith.addi %add3A_454, %masked_cumsum3A_453 : vector<16xi32>
    %sub3A_456 = arith.subi %add3A_455, %get3A_450 : vector<16xi32>
    %le3A_457 = vector.broadcast %sub3A_377 : i32 to vector<16xi32>
    %le3A_458 = arith.cmpi sle, %sub3A_456, %le3A_457 : vector<16xi32>
    %all_reduce_population_count3A_459 = tpu.all_reduce %le3A_458 {dim = 0 : i64, kind = #tpu.reduction_kind<sum>} : vector<16xi1> -> vector<16xi32>
    %slice3A_460 = vector.extract_strided_slice %all_reduce_population_count3A_459 {offsets = [0], sizes = [1], strides = [1]} : vector<16xi32> to vector<1xi32>
    %squeeze3A_461 = vector.extract %slice3A_460[0] : i32 from vector<1xi32>
    %add3A_462 = arith.addi %add3A_445, %squeeze3A_461 : i32
    %slice3A_463 = vector.extract_strided_slice %masked_cumsum3A_453 {offsets = [15], sizes = [1], strides = [1]} : vector<16xi32> to vector<1xi32>
    %squeeze3A_464 = vector.extract %slice3A_463[0] : i32 from vector<1xi32>
    %add3A_465 = arith.addi %add3A_448, %squeeze3A_464 : i32
    %get3A_466 = arith.constant 80 : index
    %get3A_467 = tpu.vector_load %arg8[%get3A_466] {strides = array<i32>} : memref<128xi32, #tpu.memory_space<vmem>>, vector<16xi32>,
    %broadcast_in_dim3A_468 = arith.constant true
    %broadcast_in_dim3A_469 = vector.broadcast %broadcast_in_dim3A_468 : i1 to vector<16xi1>
    %masked_cumsum3A_470 = tpu.scan <sum>, %get3A_467 masked %broadcast_in_dim3A_469 : vector<16xi32>, vector<16xi1> -> vector<16xi32>
    %add3A_471 = vector.broadcast %add3A_465 : i32 to vector<16xi32>
    %add3A_472 = arith.addi %add3A_471, %masked_cumsum3A_470 : vector<16xi32>
    %sub3A_473 = arith.subi %add3A_472, %get3A_467 : vector<16xi32>
    %le3A_474 = vector.broadcast %sub3A_377 : i32 to vector<16xi32>
    %le3A_475 = arith.cmpi sle, %sub3A_473, %le3A_474 : vector<16xi32>
    %all_reduce_population_count3A_476 = tpu.all_reduce %le3A_475 {dim = 0 : i64, kind = #tpu.reduction_kind<sum>} : vector<16xi1> -> vector<16xi32>
    %slice3A_477 = vector.extract_strided_slice %all_reduce_population_count3A_476 {offsets = [0], sizes = [1], strides = [1]} : vector<16xi32> to vector<1xi32>
    %squeeze3A_478 = vector.extract %slice3A_477[0] : i32 from vector<1xi32>
    %add3A_479 = arith.addi %add3A_462, %squeeze3A_478 : i32
    %slice3A_480 = vector.extract_strided_slice %masked_cumsum3A_470 {offsets = [15], sizes = [1], strides = [1]} : vector<16xi32> to vector<1xi32>
    %squeeze3A_481 = vector.extract %slice3A_480[0] : i32 from vector<1xi32>
    %add3A_482 = arith.addi %add3A_465, %squeeze3A_481 : i32
    %get3A_483 = arith.constant 96 : index
    %get3A_484 = tpu.vector_load %arg8[%get3A_483] {strides = array<i32>} : memref<128xi32, #tpu.memory_space<vmem>>, vector<16xi32>,
    %broadcast_in_dim3A_485 = arith.constant true
    %broadcast_in_dim3A_486 = vector.broadcast %broadcast_in_dim3A_485 : i1 to vector<16xi1>
    %masked_cumsum3A_487 = tpu.scan <sum>, %get3A_484 masked %broadcast_in_dim3A_486 : vector<16xi32>, vector<16xi1> -> vector<16xi32>
    %add3A_488 = vector.broadcast %add3A_482 : i32 to vector<16xi32>
    %add3A_489 = arith.addi %add3A_488, %masked_cumsum3A_487 : vector<16xi32>
    %sub3A_490 = arith.subi %add3A_489, %get3A_484 : vector<16xi32>
    %le3A_491 = vector.broadcast %sub3A_377 : i32 to vector<16xi32>
    %le3A_492 = arith.cmpi sle, %sub3A_490, %le3A_491 : vector<16xi32>
    %all_reduce_population_count3A_493 = tpu.all_reduce %le3A_492 {dim = 0 : i64, kind = #tpu.reduction_kind<sum>} : vector<16xi1> -> vector<16xi32>
    %slice3A_494 = vector.extract_strided_slice %all_reduce_population_count3A_493 {offsets = [0], sizes = [1], strides = [1]} : vector<16xi32> to vector<1xi32>
    %squeeze3A_495 = vector.extract %slice3A_494[0] : i32 from vector<1xi32>
    %add3A_496 = arith.addi %add3A_479, %squeeze3A_495 : i32
    %slice3A_497 = vector.extract_strided_slice %masked_cumsum3A_487 {offsets = [15], sizes = [1], strides = [1]} : vector<16xi32> to vector<1xi32>
    %squeeze3A_498 = vector.extract %slice3A_497[0] : i32 from vector<1xi32>
    %add3A_499 = arith.addi %add3A_482, %squeeze3A_498 : i32
    %get3A_500 = arith.constant 112 : index
    %get3A_501 = tpu.vector_load %arg8[%get3A_500] {strides = array<i32>} : memref<128xi32, #tpu.memory_space<vmem>>, vector<16xi32>,
    %broadcast_in_dim3A_502 = arith.constant true
    %broadcast_in_dim3A_503 = vector.broadcast %broadcast_in_dim3A_502 : i1 to vector<16xi1>
    %masked_cumsum3A_504 = tpu.scan <sum>, %get3A_501 masked %broadcast_in_dim3A_503 : vector<16xi32>, vector<16xi1> -> vector<16xi32>
    %add3A_505 = vector.broadcast %add3A_499 : i32 to vector<16xi32>
    %add3A_506 = arith.addi %add3A_505, %masked_cumsum3A_504 : vector<16xi32>
    %sub3A_507 = arith.subi %add3A_506, %get3A_501 : vector<16xi32>
    %le3A_508 = vector.broadcast %sub3A_377 : i32 to vector<16xi32>
    %le3A_509 = arith.cmpi sle, %sub3A_507, %le3A_508 : vector<16xi32>
    %all_reduce_population_count3A_510 = tpu.all_reduce %le3A_509 {dim = 0 : i64, kind = #tpu.reduction_kind<sum>} : vector<16xi1> -> vector<16xi32>
    %slice3A_511 = vector.extract_strided_slice %all_reduce_population_count3A_510 {offsets = [0], sizes = [1], strides = [1]} : vector<16xi32> to vector<1xi32>
    %squeeze3A_512 = vector.extract %slice3A_511[0] : i32 from vector<1xi32>
    %add3A_513 = arith.addi %add3A_496, %squeeze3A_512 : i32
    %slice3A_514 = vector.extract_strided_slice %masked_cumsum3A_504 {offsets = [15], sizes = [1], strides = [1]} : vector<16xi32> to vector<1xi32>
    %squeeze3A_515 = vector.extract %slice3A_514[0] : i32 from vector<1xi32>
    %add3A_516 = arith.addi %add3A_499, %squeeze3A_515 : i32
    %sub3A_517 = arith.constant 1 : i32
    %sub3A_518 = arith.subi %add3A_513, %sub3A_517 : i32
    %jit3A_519 = arith.constant 16 : i32
    %div3A_520 = arith.divsi %sub3A_518, %jit3A_519 : i32
    %sign3A_521 = arith.constant 0 : i32
    %sign3A_522 = arith.cmpi sgt, %sub3A_518, %sign3A_521 : i32
    %sign3A_523 = arith.extui %sign3A_522 : i1 to i32
    %sign3A_524 = arith.constant 0 : i32
    %sign3A_525 = arith.cmpi slt, %sub3A_518, %sign3A_524 : i32
    %sign3A_526 = arith.extui %sign3A_525 : i1 to i32
    %sign3A_527 = arith.subi %sign3A_523, %sign3A_526 : i32
    %sign3A_528 = arith.constant 0 : i32
    %sign3A_529 = arith.cmpi sgt, %jit3A_519, %sign3A_528 : i32
    %sign3A_530 = arith.extui %sign3A_529 : i1 to i32
    %sign3A_531 = arith.constant 0 : i32
    %sign3A_532 = arith.cmpi slt, %jit3A_519, %sign3A_531 : i32
    %sign3A_533 = arith.extui %sign3A_532 : i1 to i32
    %sign3A_534 = arith.subi %sign3A_530, %sign3A_533 : i32
    %ne3A_535 = arith.cmpi ne, %sign3A_527, %sign3A_534 : i32
    %rem3A_536 = arith.remsi %sub3A_518, %jit3A_519 : i32
    %ne3A_537 = arith.constant 0 : i32
    %ne3A_538 = arith.cmpi ne, %rem3A_536, %ne3A_537 : i32
    %and3A_539 = arith.andi %ne3A_535, %ne3A_538 : i1
    %sub3A_540 = arith.constant 1 : i32
    %sub3A_541 = arith.subi %div3A_520, %sub3A_540 : i32
    %select_n3A_542 = arith.select %and3A_539, %sub3A_541, %div3A_520 : i32
    %jit3A_543 = arith.constant 16 : i32
    %eq3A_544 = arith.constant 0 : i32
    %eq3A_545 = arith.cmpi eq, %jit3A_543, %eq3A_544 : i32
    %jit3A_546 = arith.constant 1 : i32
    %select_n3A_547 = arith.select %eq3A_545, %jit3A_546, %jit3A_543 : i32
    %rem3A_548 = arith.remsi %sub3A_518, %select_n3A_547 : i32
    %ne3A_549 = arith.constant 0 : i32
    %ne3A_550 = arith.cmpi ne, %rem3A_548, %ne3A_549 : i32
    %lt3A_551 = arith.constant 0 : i32
    %lt3A_552 = arith.cmpi slt, %rem3A_548, %lt3A_551 : i32
    %lt3A_553 = arith.constant 0 : i32
    %lt3A_554 = arith.cmpi slt, %select_n3A_547, %lt3A_553 : i32
    %ne3A_555 = arith.xori %lt3A_552, %lt3A_554 : i1
    %and3A_556 = arith.andi %ne3A_555, %ne3A_550 : i1
    %add3A_557 = arith.addi %rem3A_548, %select_n3A_547 : i32
    %select_n3A_558 = arith.select %and3A_556, %add3A_557, %rem3A_548 : i32
    %eq3A_559 = arith.constant 0 : i32
    %eq3A_560 = arith.cmpi eq, %select_n3A_542, %eq3A_559 : i32
    %jit3A_561 = arith.constant 0 : i32
    %jit3A_562 = arith.constant 0 : i32
    %select_n3A_563 = arith.select %eq3A_560, %jit3A_561, %jit3A_562 : i32
    %eq3A_564 = arith.constant 1 : i32
    %eq3A_565 = arith.cmpi eq, %select_n3A_542, %eq3A_564 : i32
    %select_n3A_566 = arith.select %eq3A_565, %add3A_397, %select_n3A_563 : i32
    %eq3A_567 = arith.constant 2 : i32
    %eq3A_568 = arith.cmpi eq, %select_n3A_542, %eq3A_567 : i32
    %select_n3A_569 = arith.select %eq3A_568, %add3A_414, %select_n3A_566 : i32
    %eq3A_570 = arith.constant 3 : i32
    %eq3A_571 = arith.cmpi eq, %select_n3A_542, %eq3A_570 : i32
    %select_n3A_572 = arith.select %eq3A_571, %add3A_431, %select_n3A_569 : i32
    %eq3A_573 = arith.constant 4 : i32
    %eq3A_574 = arith.cmpi eq, %select_n3A_542, %eq3A_573 : i32
    %select_n3A_575 = arith.select %eq3A_574, %add3A_448, %select_n3A_572 : i32
    %eq3A_576 = arith.constant 5 : i32
    %eq3A_577 = arith.cmpi eq, %select_n3A_542, %eq3A_576 : i32
    %select_n3A_578 = arith.select %eq3A_577, %add3A_465, %select_n3A_575 : i32
    %eq3A_579 = arith.constant 6 : i32
    %eq3A_580 = arith.cmpi eq, %select_n3A_542, %eq3A_579 : i32
    %select_n3A_581 = arith.select %eq3A_580, %add3A_482, %select_n3A_578 : i32
    %eq3A_582 = arith.constant 7 : i32
    %eq3A_583 = arith.cmpi eq, %select_n3A_542, %eq3A_582 : i32
    %select_n3A_584 = arith.select %eq3A_583, %add3A_499, %select_n3A_581 : i32
    %mul3A_585 = arith.constant 16 : i32
    %mul3A_586 = arith.muli %select_n3A_542, %mul3A_585 : i32
    %get3A_587 = arith.index_cast %mul3A_586 : i32 to index
    %get3A_588 = tpu.vector_load %arg8[%get3A_587] {strides = array<i32>} : memref<128xi32, #tpu.memory_space<vmem>>, vector<16xi32>,
    %broadcast_in_dim3A_589 = arith.constant true
    %broadcast_in_dim3A_590 = vector.broadcast %broadcast_in_dim3A_589 : i1 to vector<16xi1>
    %masked_cumsum3A_591 = tpu.scan <sum>, %get3A_588 masked %broadcast_in_dim3A_590 : vector<16xi32>, vector<16xi1> -> vector<16xi32>
    %add3A_592 = vector.broadcast %select_n3A_584 : i32 to vector<16xi32>
    %add3A_593 = arith.addi %add3A_592, %masked_cumsum3A_591 : vector<16xi32>
    %sub3A_594 = arith.subi %add3A_593, %get3A_588 : vector<16xi32>
    %eq3A_595 = vector.broadcast %select_n3A_558 : i32 to vector<16xi32>
    %eq3A_596 = arith.cmpi eq, %iota3A, %eq3A_595 : vector<16xi32>
    %jit3A_597 = arith.constant 0 : i32
    %broadcast_in_dim3A_598 = vector.broadcast %jit3A_597 : i32 to vector<16xi32>
    %select_n3A_599 = arith.select %eq3A_596, %sub3A_594, %broadcast_in_dim3A_598 : vector<16xi1>, vector<16xi32>
    %reduce_sum3A_600 = arith.constant true
    %reduce_sum3A_601 = vector.broadcast %reduce_sum3A_600 : i1 to vector<16xi1>
    %reduce_sum3A_602 = tpu.scan <sum>, %select_n3A_599 masked %reduce_sum3A_601 : vector<16xi32>, vector<16xi1> -> vector<16xi32>
    %reduce_sum3A_603 = vector.extract %reduce_sum3A_602[15] : i32 from vector<16xi32>
    %mul3A_604 = arith.constant 16 : i32
    %mul3A_605 = arith.muli %sub3A_518, %mul3A_604 : i32
    %get3A_606 = arith.index_cast %mul3A_605 : i32 to index
    %get3A_607 = tpu.vector_load %arg7[%get3A_606] {strides = array<i32>} : memref<2048xi32, #tpu.memory_space<vmem>>, vector<16xi32>,
    %broadcast_in_dim3A_608 = arith.constant true
    %broadcast_in_dim3A_609 = vector.broadcast %broadcast_in_dim3A_608 : i1 to vector<16xi1>
    %masked_cumsum3A_610 = tpu.scan <sum>, %get3A_607 masked %broadcast_in_dim3A_609 : vector<16xi32>, vector<16xi1> -> vector<16xi32>
    %add3A_611 = vector.broadcast %reduce_sum3A_603 : i32 to vector<16xi32>
    %add3A_612 = arith.addi %add3A_611, %masked_cumsum3A_610 : vector<16xi32>
    %sub3A_613 = arith.subi %add3A_612, %get3A_607 : vector<16xi32>
    %le3A_614 = vector.broadcast %sub3A_377 : i32 to vector<16xi32>
    %le3A_615 = arith.cmpi sle, %sub3A_613, %le3A_614 : vector<16xi32>
    %all_reduce_population_count3A_616 = tpu.all_reduce %le3A_615 {dim = 0 : i64, kind = #tpu.reduction_kind<sum>} : vector<16xi1> -> vector<16xi32>
    %slice3A_617 = vector.extract_strided_slice %all_reduce_population_count3A_616 {offsets = [0], sizes = [1], strides = [1]} : vector<16xi32> to vector<1xi32>
    %squeeze3A_618 = vector.extract %slice3A_617[0] : i32 from vector<1xi32>
    %sub3A_619 = arith.constant 1 : i32
    %sub3A_620 = arith.subi %squeeze3A_618, %sub3A_619 : i32
    %eq3A_621 = vector.broadcast %sub3A_620 : i32 to vector<16xi32>
    %eq3A_622 = arith.cmpi eq, %iota3A, %eq3A_621 : vector<16xi32>
    %jit3A_623 = arith.constant 0 : i32
    %broadcast_in_dim3A_624 = vector.broadcast %jit3A_623 : i32 to vector<16xi32>
    %select_n3A_625 = arith.select %eq3A_622, %get3A_607, %broadcast_in_dim3A_624 : vector<16xi1>, vector<16xi32>
    %reduce_sum3A_626 = arith.constant true
    %reduce_sum3A_627 = vector.broadcast %reduce_sum3A_626 : i1 to vector<16xi1>
    %reduce_sum3A_628 = tpu.scan <sum>, %select_n3A_625 masked %reduce_sum3A_627 : vector<16xi32>, vector<16xi1> -> vector<16xi32>
    %reduce_sum3A_629 = vector.extract %reduce_sum3A_628[15] : i32 from vector<16xi32>
    %eq3A_630 = vector.broadcast %sub3A_620 : i32 to vector<16xi32>
    %eq3A_631 = arith.cmpi eq, %iota3A, %eq3A_630 : vector<16xi32>
    %jit3A_632 = arith.constant 0 : i32
    %broadcast_in_dim3A_633 = vector.broadcast %jit3A_632 : i32 to vector<16xi32>
    %select_n3A_634 = arith.select %eq3A_631, %sub3A_613, %broadcast_in_dim3A_633 : vector<16xi1>, vector<16xi32>
    %reduce_sum3A_635 = arith.constant true
    %reduce_sum3A_636 = vector.broadcast %reduce_sum3A_635 : i1 to vector<16xi1>
    %reduce_sum3A_637 = tpu.scan <sum>, %select_n3A_634 masked %reduce_sum3A_636 : vector<16xi32>, vector<16xi1> -> vector<16xi32>
    %reduce_sum3A_638 = vector.extract %reduce_sum3A_637[15] : i32 from vector<16xi32>
    %mul3A_639 = arith.constant 16 : i32
    %mul3A_640 = arith.muli %sub3A_518, %mul3A_639 : i32
    %add3A_641 = arith.addi %mul3A_640, %sub3A_620 : i32
    %sub3A_642 = arith.constant 32768 : i32
    %sub3A_643 = arith.subi %sub3A_642, %reduce_sum3A_638 : i32
    %sub3A_644 = arith.subi %sub3A_643, %reduce_sum3A_629 : i32
    %sub3A_645 = arith.constant 64 : i32
    %sub3A_646 = arith.subi %sub3A_645, %sub3A_644 : i32
    %broadcast_in_dim3A_647 = arith.constant 4096 : i32
    %broadcast_in_dim3A_648 = vector.broadcast %broadcast_in_dim3A_647 : i32 to vector<16xi32>
    %broadcast_in_dim3A_649 = arith.constant 0 : i32
    %broadcast_in_dim3A_650 = vector.broadcast %broadcast_in_dim3A_649 : i32 to vector<16xi32>
    %parallel_loop3A_651 = arith.constant 0 : i32
    %parallel_loop3A_652 = arith.constant 32768 : i32
    %parallel_loop3A_653 = arith.constant 16 : i32
    %parallel_loop3A_654 = arith.constant 2097151 : i32
    %parallel_loop3A_655 = scf.for %parallel_loop3A_1448 = %parallel_loop3A_651 to %parallel_loop3A_652 step %parallel_loop3A_653 iter_args(%parallel_loop3A_1449 = %broadcast_in_dim3A_650) -> (vector<16xi32>)  : i32 {
      %parallel_loop3A_1450 = arith.index_cast %parallel_loop3A_1448 : i32 to index
      %parallel_loop3A_1451 = tpu.vector_load %arg5[%parallel_loop3A_1450] {strides = array<i32>} : memref<32768xf32, #tpu.memory_space<vmem>>, vector<16xf32>,
      %parallel_loop3A_1452 = tpu.bitcast %parallel_loop3A_1451 : vector<16xf32> -> vector<16xi32>
      %parallel_loop3A_1453 = arith.constant 31 : i32
      %parallel_loop3A_1454 = vector.broadcast %parallel_loop3A_1453 : i32 to vector<16xi32>
      %parallel_loop3A_1455 = arith.shrui %parallel_loop3A_1452, %parallel_loop3A_1454 : vector<16xi32>
      %parallel_loop3A_1456 = arith.constant 0 : i32
      %parallel_loop3A_1457 = vector.broadcast %parallel_loop3A_1456 : i32 to vector<16xi32>
      %parallel_loop3A_1458 = arith.cmpi ugt, %parallel_loop3A_1455, %parallel_loop3A_1457 : vector<16xi32>
      %parallel_loop3A_1459 = arith.constant dense<-1> : vector<16xi32>
      %parallel_loop3A_1460 = arith.xori %parallel_loop3A_1452, %parallel_loop3A_1459 : vector<16xi32>
      %parallel_loop3A_1461 = arith.constant -2147483648 : i32
      %parallel_loop3A_1462 = vector.broadcast %parallel_loop3A_1461 : i32 to vector<16xi32>
      %parallel_loop3A_1463 = arith.ori %parallel_loop3A_1452, %parallel_loop3A_1462 : vector<16xi32>
      %parallel_loop3A_1464 = arith.select %parallel_loop3A_1458, %parallel_loop3A_1460, %parallel_loop3A_1463 : vector<16xi1>, vector<16xi32>
      %parallel_loop3A_1465 = arith.constant 21 : i32
      %parallel_loop3A_1466 = vector.broadcast %parallel_loop3A_1465 : i32 to vector<16xi32>
      %parallel_loop3A_1467 = arith.shrui %parallel_loop3A_1464, %parallel_loop3A_1466 : vector<16xi32>
      %parallel_loop3A_1468 = vector.broadcast %add3A_641 : i32 to vector<16xi32>
      %parallel_loop3A_1469 = arith.cmpi eq, %parallel_loop3A_1467, %parallel_loop3A_1468 : vector<16xi32>
      %parallel_loop3A_1470 = vector.broadcast %parallel_loop3A_654 : i32 to vector<16xi32>
      %parallel_loop3A_1471 = arith.andi %parallel_loop3A_1464, %parallel_loop3A_1470 : vector<16xi32>
      %parallel_loop3A_1472 = arith.extui %parallel_loop3A_1469 : vector<16xi1> to vector<16xi32>
      %parallel_loop3A_1473 = arith.constant true
      %parallel_loop3A_1474 = vector.broadcast %parallel_loop3A_1473 : i1 to vector<16xi1>
      %parallel_loop3A_1475 = tpu.scan <sum>, %parallel_loop3A_1472 masked %parallel_loop3A_1474 : vector<16xi32>, vector<16xi1> -> vector<16xi32>
      %parallel_loop3A_1476 = arith.subi %parallel_loop3A_1475, %parallel_loop3A_1472 : vector<16xi32>
      %parallel_loop3A_1477 = arith.addi %parallel_loop3A_1449, %parallel_loop3A_1476 : vector<16xi32>
      %parallel_loop3A_1478 = arith.minsi %parallel_loop3A_1477, %broadcast_in_dim3A_648 : vector<16xi32>
      tpu.vector_store_idx %arg9[%parallel_loop3A_1478], %parallel_loop3A_1471 masked %parallel_loop3A_1469 : memref<4128xi32, #tpu.memory_space<vmem>>[vector<16xi32>], vector<16xi32>, vector<16xi1>
      %parallel_loop3A_1479 = tpu.all_reduce %parallel_loop3A_1469 {dim = 0 : i64, kind = #tpu.reduction_kind<sum>} : vector<16xi1> -> vector<16xi32>
      %parallel_loop3A_1480 = arith.addi %parallel_loop3A_1449, %parallel_loop3A_1479 : vector<16xi32>
      scf.yield %parallel_loop3A_1480 : vector<16xi32>
    } {sc.loop_unroll_factor = 4 : i64, sc.parallel_access}
    %eq3A_656 = arith.constant 0 : i32
    %eq3A_657 = vector.broadcast %eq3A_656 : i32 to vector<16xi32>
    %eq3A_658 = arith.cmpi eq, %iota3A, %eq3A_657 : vector<16xi32>
    %jit3A_659 = arith.constant 0 : i32
    %broadcast_in_dim3A_660 = vector.broadcast %jit3A_659 : i32 to vector<16xi32>
    %select_n3A_661 = arith.select %eq3A_658, %parallel_loop3A_655, %broadcast_in_dim3A_660 : vector<16xi1>, vector<16xi32>
    %reduce_sum3A_662 = arith.constant true
    %reduce_sum3A_663 = vector.broadcast %reduce_sum3A_662 : i1 to vector<16xi1>
    %reduce_sum3A_664 = tpu.scan <sum>, %select_n3A_661 masked %reduce_sum3A_663 : vector<16xi32>, vector<16xi1> -> vector<16xi32>
    %reduce_sum3A_665 = vector.extract %reduce_sum3A_664[15] : i32 from vector<16xi32>
    %min3A_666 = arith.constant 4096 : i32
    %min3A_667 = arith.minsi %reduce_sum3A_665, %min3A_666 : i32
    %broadcast_in_dim3A_668 = arith.constant 0 : i32
    %broadcast_in_dim3A_669 = vector.broadcast %broadcast_in_dim3A_668 : i32 to vector<16xi32>
    %swap3A_670 = arith.index_cast %min3A_667 : i32 to index
    %swap3A_671 = tpu.vector_load %arg9[%swap3A_670] {strides = array<i32>} : memref<4128xi32, #tpu.memory_space<vmem>>, vector<16xi32>,
    tpu.vector_store %arg9[%swap3A_670], %broadcast_in_dim3A_669 {strides = array<i32>} : memref<4128xi32, #tpu.memory_space<vmem>>, vector<16xi32>,
    %le3A_672 = arith.constant 4096 : i32
    %le3A_673 = arith.cmpi sle, %reduce_sum3A_665, %le3A_672 : i32
    %convert_element_type3A_674 = arith.extui %le3A_673 : i1 to i32
    %cond3A_675 = arith.constant 0 : i32
    %cond3A_676 = arith.cmpi ne, %convert_element_type3A_674, %cond3A_675 : i32
    %cond3A_677 = scf.if %cond3A_676 -> (i32) {
      %add3A_1448 = arith.constant 16 : i32
      %add3A_1449 = arith.addi %reduce_sum3A_665, %add3A_1448 : i32
      %sub3A_1450 = arith.constant 1 : i32
      %sub3A_1451 = arith.subi %add3A_1449, %sub3A_1450 : i32
      %jit3A_1452 = arith.constant 16 : i32
      %div3A_1453 = arith.divsi %sub3A_1451, %jit3A_1452 : i32
      %sign3A_1454 = arith.constant 0 : i32
      %sign3A_1455 = arith.cmpi sgt, %sub3A_1451, %sign3A_1454 : i32
      %sign3A_1456 = arith.extui %sign3A_1455 : i1 to i32
      %sign3A_1457 = arith.constant 0 : i32
      %sign3A_1458 = arith.cmpi slt, %sub3A_1451, %sign3A_1457 : i32
      %sign3A_1459 = arith.extui %sign3A_1458 : i1 to i32
      %sign3A_1460 = arith.subi %sign3A_1456, %sign3A_1459 : i32
      %sign3A_1461 = arith.constant 0 : i32
      %sign3A_1462 = arith.cmpi sgt, %jit3A_1452, %sign3A_1461 : i32
      %sign3A_1463 = arith.extui %sign3A_1462 : i1 to i32
      %sign3A_1464 = arith.constant 0 : i32
      %sign3A_1465 = arith.cmpi slt, %jit3A_1452, %sign3A_1464 : i32
      %sign3A_1466 = arith.extui %sign3A_1465 : i1 to i32
      %sign3A_1467 = arith.subi %sign3A_1463, %sign3A_1466 : i32
      %ne3A_1468 = arith.cmpi ne, %sign3A_1460, %sign3A_1467 : i32
      %rem3A_1469 = arith.remsi %sub3A_1451, %jit3A_1452 : i32
      %ne3A_1470 = arith.constant 0 : i32
      %ne3A_1471 = arith.cmpi ne, %rem3A_1469, %ne3A_1470 : i32
      %and3A_1472 = arith.andi %ne3A_1468, %ne3A_1471 : i1
      %sub3A_1473 = arith.constant 1 : i32
      %sub3A_1474 = arith.subi %div3A_1453, %sub3A_1473 : i32
      %select_n3A_1475 = arith.select %and3A_1472, %sub3A_1474, %div3A_1453 : i32
      %scan3A = arith.constant 0 : i32
      %scan3A_1476 = arith.constant 0 : i32
      %scan3A_1477 = arith.constant 21 : i32
      %scan3A_1478 = arith.addi %scan3A_1476, %scan3A_1477 : i32
      %scan3A_1479 = arith.constant 1 : i32
      %scan3A_1480 = scf.for %scan3A_1482 = %scan3A_1476 to %scan3A_1478 step %scan3A_1479 iter_args(%scan3A_1483 = %scan3A) -> (i32)  : i32 {
        %sub3A_1484 = arith.constant 20 : i32
        %sub3A_1485 = arith.subi %sub3A_1484, %scan3A_1482 : i32
        %shift_left3A_1486 = arith.constant 1 : i32
        %shift_left3A_1487 = arith.shli %shift_left3A_1486, %sub3A_1485 : i32
        %or3A_1488 = arith.ori %scan3A_1483, %shift_left3A_1487 : i32
        %while3A = arith.constant 0 : i32
        %while3A_1489 = arith.constant 0 : i32
        %while3A_1490 = arith.subi %select_n3A_1475, %while3A : i32
        %while3A_1491 = arith.addi %while3A, %while3A_1490 : i32
        %while3A_1492 = arith.constant 1 : i32
        %while3A_1493 = arith.divsi %while3A_1490, %while3A_1492 : i32
        %while3A_1494 = arith.muli %while3A_1493, %while3A_1492 : i32
        %while3A_1495 = arith.addi %while3A, %while3A_1494 : i32
        %while3A_1496 = arith.constant 1 : i32
        %while3A_1497 = scf.for %while3A_1501 = %while3A to %while3A_1495 step %while3A_1496 iter_args(%while3A_1502 = %while3A_1489) -> (i32)  : i32 {
          %mul3A_1503 = arith.constant 16 : i32
          %mul3A_1504 = arith.muli %while3A_1501, %mul3A_1503 : i32
          %get3A_1505 = arith.index_cast %mul3A_1504 : i32 to index
          %get3A_1506 = tpu.vector_load %arg9[%get3A_1505] {strides = array<i32>} : memref<4128xi32, #tpu.memory_space<vmem>>, vector<16xi32>,
          %ge3A_1507 = vector.broadcast %or3A_1488 : i32 to vector<16xi32>
          %ge3A_1508 = arith.cmpi sge, %get3A_1506, %ge3A_1507 : vector<16xi32>
          %all_reduce_population_count3A_1509 = tpu.all_reduce %ge3A_1508 {dim = 0 : i64, kind = #tpu.reduction_kind<sum>} : vector<16xi1> -> vector<16xi32>
          %slice3A_1510 = vector.extract_strided_slice %all_reduce_population_count3A_1509 {offsets = [0], sizes = [1], strides = [1]} : vector<16xi32> to vector<1xi32>
          %squeeze3A_1511 = vector.extract %slice3A_1510[0] : i32 from vector<1xi32>
          %add3A_1512 = arith.addi %while3A_1502, %squeeze3A_1511 : i32
          scf.yield %add3A_1512 : i32
        }
        %while3A_1498 = arith.constant 1 : i32
        %while3A_1499 = scf.for %while3A_1501 = %while3A_1495 to %while3A_1491 step %while3A_1498 iter_args(%while3A_1502 = %while3A_1497) -> (i32)  : i32 {
          %mul3A_1503 = arith.constant 16 : i32
          %mul3A_1504 = arith.muli %while3A_1501, %mul3A_1503 : i32
          %get3A_1505 = arith.index_cast %mul3A_1504 : i32 to index
          %get3A_1506 = tpu.vector_load %arg9[%get3A_1505] {strides = array<i32>} : memref<4128xi32, #tpu.memory_space<vmem>>, vector<16xi32>,
          %ge3A_1507 = vector.broadcast %or3A_1488 : i32 to vector<16xi32>
          %ge3A_1508 = arith.cmpi sge, %get3A_1506, %ge3A_1507 : vector<16xi32>
          %all_reduce_population_count3A_1509 = tpu.all_reduce %ge3A_1508 {dim = 0 : i64, kind = #tpu.reduction_kind<sum>} : vector<16xi1> -> vector<16xi32>
          %slice3A_1510 = vector.extract_strided_slice %all_reduce_population_count3A_1509 {offsets = [0], sizes = [1], strides = [1]} : vector<16xi32> to vector<1xi32>
          %squeeze3A_1511 = vector.extract %slice3A_1510[0] : i32 from vector<1xi32>
          %add3A_1512 = arith.addi %while3A_1502, %squeeze3A_1511 : i32
          scf.yield %add3A_1512 : i32
        }
        %ge3A = arith.cmpi sge, %while3A_1499, %sub3A_646 : i32
        %select_n3A_1500 = arith.select %ge3A, %or3A_1488, %scan3A_1483 : i32
        scf.yield %select_n3A_1500 : i32
      }
      %scan3A_1481 = arith.constant 21 : i32
      scf.yield %scan3A_1480 : i32
    } else {
      %shift_left3A_1448 = arith.constant 21 : i32
      %shift_left3A_1449 = arith.shli %add3A_641, %shift_left3A_1448 : i32
      %scan3A = arith.constant 0 : i32
      %scan3A_1450 = arith.constant 0 : i32
      %scan3A_1451 = arith.constant 21 : i32
      %scan3A_1452 = arith.addi %scan3A_1450, %scan3A_1451 : i32
      %scan3A_1453 = arith.constant 1 : i32
      %scan3A_1454 = scf.for %scan3A_1456 = %scan3A_1450 to %scan3A_1452 step %scan3A_1453 iter_args(%scan3A_1457 = %scan3A) -> (i32)  : i32 {
        %sub3A_1458 = arith.constant 20 : i32
        %sub3A_1459 = arith.subi %sub3A_1458, %scan3A_1456 : i32
        %shift_left3A_1460 = arith.constant 1 : i32
        %shift_left3A_1461 = arith.shli %shift_left3A_1460, %sub3A_1459 : i32
        %or3A_1462 = arith.ori %scan3A_1457, %shift_left3A_1461 : i32
        %or3A_1463 = arith.ori %shift_left3A_1449, %or3A_1462 : i32
        %scan3A_1464 = arith.constant 0 : i32
        %scan3A_1465 = arith.constant 0 : i32
        %scan3A_1466 = arith.constant 2048 : i32
        %scan3A_1467 = arith.addi %scan3A_1465, %scan3A_1466 : i32
        %scan3A_1468 = arith.constant 1 : i32
        %scan3A_1469 = scf.for %scan3A_1473 = %scan3A_1465 to %scan3A_1467 step %scan3A_1468 iter_args(%scan3A_1474 = %scan3A_1464) -> (i32)  : i32 {
          %mul3A_1475 = arith.constant 16 : i32
          %mul3A_1476 = arith.muli %scan3A_1473, %mul3A_1475 : i32
          %get3A_1477 = arith.index_cast %mul3A_1476 : i32 to index
          %get3A_1478 = tpu.vector_load %arg5[%get3A_1477] {strides = array<i32>} : memref<32768xf32, #tpu.memory_space<vmem>>, vector<16xf32>,
          %bitcast_convert_type3A_1479 = tpu.bitcast %get3A_1478 : vector<16xf32> -> vector<16xi32>
          %shift_right_logical3A_1480 = arith.constant 31 : i32
          %shift_right_logical3A_1481 = vector.broadcast %shift_right_logical3A_1480 : i32 to vector<16xi32>
          %shift_right_logical3A_1482 = arith.shrui %bitcast_convert_type3A_1479, %shift_right_logical3A_1481 : vector<16xi32>
          %gt3A_1483 = arith.constant 0 : i32
          %gt3A_1484 = vector.broadcast %gt3A_1483 : i32 to vector<16xi32>
          %gt3A_1485 = arith.cmpi ugt, %shift_right_logical3A_1482, %gt3A_1484 : vector<16xi32>
          %not3A_1486 = arith.constant dense<-1> : vector<16xi32>
          %not3A_1487 = arith.xori %bitcast_convert_type3A_1479, %not3A_1486 : vector<16xi32>
          %or3A_1488 = arith.constant -2147483648 : i32
          %or3A_1489 = vector.broadcast %or3A_1488 : i32 to vector<16xi32>
          %or3A_1490 = arith.ori %bitcast_convert_type3A_1479, %or3A_1489 : vector<16xi32>
          %select_n3A_1491 = arith.select %gt3A_1485, %not3A_1487, %or3A_1490 : vector<16xi1>, vector<16xi32>
          %ge3A_1492 = vector.broadcast %or3A_1463 : i32 to vector<16xi32>
          %ge3A_1493 = arith.cmpi uge, %select_n3A_1491, %ge3A_1492 : vector<16xi32>
          %all_reduce_population_count3A_1494 = tpu.all_reduce %ge3A_1493 {dim = 0 : i64, kind = #tpu.reduction_kind<sum>} : vector<16xi1> -> vector<16xi32>
          %slice3A_1495 = vector.extract_strided_slice %all_reduce_population_count3A_1494 {offsets = [0], sizes = [1], strides = [1]} : vector<16xi32> to vector<1xi32>
          %squeeze3A_1496 = vector.extract %slice3A_1495[0] : i32 from vector<1xi32>
          %add3A_1497 = arith.addi %scan3A_1474, %squeeze3A_1496 : i32
          scf.yield %add3A_1497 : i32
        }
        %scan3A_1470 = arith.constant 2048 : i32
        %ge3A = arith.constant 64 : i32
        %ge3A_1471 = arith.cmpi sge, %scan3A_1469, %ge3A : i32
        %select_n3A_1472 = arith.select %ge3A_1471, %or3A_1462, %scan3A_1457 : i32
        scf.yield %select_n3A_1472 : i32
      }
      %scan3A_1455 = arith.constant 21 : i32
      scf.yield %scan3A_1454 : i32
    }
    %shift_left3A_678 = arith.constant 21 : i32
    %shift_left3A_679 = arith.shli %add3A_641, %shift_left3A_678 : i32
    %or3A_680 = arith.ori %shift_left3A_679, %cond3A_677 : i32
    %broadcast_in_dim3A_681 = vector.broadcast %or3A_680 : i32 to vector<16xi32>
    %shift_right_logical3A_682 = arith.constant 31 : i32
    %shift_right_logical3A_683 = vector.broadcast %shift_right_logical3A_682 : i32 to vector<16xi32>
    %shift_right_logical3A_684 = arith.shrui %broadcast_in_dim3A_681, %shift_right_logical3A_683 : vector<16xi32>
    %gt3A_685 = arith.constant 0 : i32
    %gt3A_686 = vector.broadcast %gt3A_685 : i32 to vector<16xi32>
    %gt3A_687 = arith.cmpi ugt, %shift_right_logical3A_684, %gt3A_686 : vector<16xi32>
    %and3A_688 = arith.constant 2147483647 : i32
    %and3A_689 = vector.broadcast %and3A_688 : i32 to vector<16xi32>
    %and3A_690 = arith.andi %broadcast_in_dim3A_681, %and3A_689 : vector<16xi32>
    %not3A_691 = arith.constant dense<-1> : vector<16xi32>
    %not3A_692 = arith.xori %broadcast_in_dim3A_681, %not3A_691 : vector<16xi32>
    %select_n3A_693 = arith.select %gt3A_687, %and3A_690, %not3A_692 : vector<16xi1>, vector<16xi32>
    %bitcast_convert_type3A_694 = tpu.bitcast %select_n3A_693 : vector<16xi32> -> vector<16xf32>
    %dma_wait3A_695 = arith.constant 0 : i32
    %dma_wait3A_696 = tpu.memref_slice %arg3[%add3A_345, %dma_wait3A_695] : memref<128x32768xf32, #tpu.memory_space<hbm>> -> memref<1x32768xf32, #tpu.memory_space<hbm>>
    %dma_wait3A_697 = tpu.memref_squeeze %dma_wait3A_696 : memref<1x32768xf32, #tpu.memory_space<hbm>> -> memref<32768xf32, #tpu.memory_space<hbm>>
    %dma_wait3A_698 = arith.constant 0 : i32
    %dma_wait3A_699 = tpu.memref_slice %arg3[%add3A_345, %dma_wait3A_698] : memref<128x32768xf32, #tpu.memory_space<hbm>> -> memref<1x32768xf32, #tpu.memory_space<hbm>>
    %dma_wait3A_700 = tpu.memref_squeeze %dma_wait3A_699 : memref<1x32768xf32, #tpu.memory_space<hbm>> -> memref<32768xf32, #tpu.memory_space<hbm>>
    tpu.wait_dma2 semaphore(%arg13 : memref<!tpu.dma_semaphore, #tpu.memory_space<semaphore_mem>>) src(%arg4 : memref<32768xf32, #tpu.memory_space<vmem>>) dst(%dma_wait3A_700 : memref<32768xf32, #tpu.memory_space<hbm>>)
    %add3A_701 = arith.constant 1 : i32
    %add3A_702 = arith.addi %mul3A_2, %add3A_701 : i32
    %add3A_703 = arith.constant 2 : i32
    %add3A_704 = arith.addi %add3A_702, %add3A_703 : i32
    %dma_start3A_705 = arith.constant 0 : i32
    %dma_start3A_706 = tpu.memref_slice %arg2[%add3A_704, %dma_start3A_705] : memref<128x32768xf32, #tpu.memory_space<hbm>> -> memref<1x32768xf32, #tpu.memory_space<hbm>>
    %dma_start3A_707 = tpu.memref_squeeze %dma_start3A_706 : memref<1x32768xf32, #tpu.memory_space<hbm>> -> memref<32768xf32, #tpu.memory_space<hbm>>
    %dma_start3A_708 = arith.constant 0 : i32
    %dma_start3A_709 = tpu.memref_slice %arg2[%add3A_704, %dma_start3A_708] : memref<128x32768xf32, #tpu.memory_space<hbm>> -> memref<1x32768xf32, #tpu.memory_space<hbm>>
    %dma_start3A_710 = tpu.memref_squeeze %dma_start3A_709 : memref<1x32768xf32, #tpu.memory_space<hbm>> -> memref<32768xf32, #tpu.memory_space<hbm>>
    tpu.enqueue_dma source(%dma_start3A_710 : memref<32768xf32, #tpu.memory_space<hbm>>) target(%arg4 : memref<32768xf32, #tpu.memory_space<vmem>>) target_semaphore(%arg10 : memref<!tpu.dma_semaphore, #tpu.memory_space<semaphore_mem>>)
    %broadcast_in_dim3A_711 = arith.constant 0.000000e+00 : f32
    %broadcast_in_dim3A_712 = vector.broadcast %broadcast_in_dim3A_711 : f32 to vector<16xf32>
    %parallel_loop3A_713 = arith.constant 0 : i32
    %parallel_loop3A_714 = arith.constant 32768 : i32
    %parallel_loop3A_715 = arith.constant 16 : i32
    scf.for %parallel_loop3A_1448 = %parallel_loop3A_713 to %parallel_loop3A_714 step %parallel_loop3A_715  : i32 {
      %parallel_loop3A_1449 = arith.index_cast %parallel_loop3A_1448 : i32 to index
      %parallel_loop3A_1450 = tpu.vector_load %arg5[%parallel_loop3A_1449] {strides = array<i32>} : memref<32768xf32, #tpu.memory_space<vmem>>, vector<16xf32>,
      %parallel_loop3A_1451 = arith.cmpf oge, %parallel_loop3A_1450, %bitcast_convert_type3A_694 : vector<16xf32>
      %parallel_loop3A_1452 = arith.select %parallel_loop3A_1451, %parallel_loop3A_1450, %broadcast_in_dim3A_712 : vector<16xi1>, vector<16xf32>
      %parallel_loop3A_1453 = arith.index_cast %parallel_loop3A_1448 : i32 to index
      %parallel_loop3A_1454 = tpu.vector_load %arg5[%parallel_loop3A_1453] {strides = array<i32>} : memref<32768xf32, #tpu.memory_space<vmem>>, vector<16xf32>,
      tpu.vector_store %arg5[%parallel_loop3A_1453], %parallel_loop3A_1452 {strides = array<i32>} : memref<32768xf32, #tpu.memory_space<vmem>>, vector<16xf32>,
    } {sc.loop_unroll_factor = 8 : i64, sc.parallel_access}
    %add3A_716 = arith.constant 1 : i32
    %add3A_717 = arith.addi %mul3A_2, %add3A_716 : i32
    %dma_start3A_718 = arith.constant 0 : i32
    %dma_start3A_719 = tpu.memref_slice %arg3[%add3A_717, %dma_start3A_718] : memref<128x32768xf32, #tpu.memory_space<hbm>> -> memref<1x32768xf32, #tpu.memory_space<hbm>>
    %dma_start3A_720 = tpu.memref_squeeze %dma_start3A_719 : memref<1x32768xf32, #tpu.memory_space<hbm>> -> memref<32768xf32, #tpu.memory_space<hbm>>
    %dma_start3A_721 = arith.constant 0 : i32
    %dma_start3A_722 = tpu.memref_slice %arg3[%add3A_717, %dma_start3A_721] : memref<128x32768xf32, #tpu.memory_space<hbm>> -> memref<1x32768xf32, #tpu.memory_space<hbm>>
    %dma_start3A_723 = tpu.memref_squeeze %dma_start3A_722 : memref<1x32768xf32, #tpu.memory_space<hbm>> -> memref<32768xf32, #tpu.memory_space<hbm>>
    tpu.enqueue_dma source(%arg5 : memref<32768xf32, #tpu.memory_space<vmem>>) target(%dma_start3A_723 : memref<32768xf32, #tpu.memory_space<hbm>>) target_semaphore(%arg14 : memref<!tpu.dma_semaphore, #tpu.memory_space<semaphore_mem>>)
    %dma_wait3A_724 = arith.constant 0 : i32
    %dma_wait3A_725 = tpu.memref_slice %arg2[%add3A_332, %dma_wait3A_724] : memref<128x32768xf32, #tpu.memory_space<hbm>> -> memref<1x32768xf32, #tpu.memory_space<hbm>>
    %dma_wait3A_726 = tpu.memref_squeeze %dma_wait3A_725 : memref<1x32768xf32, #tpu.memory_space<hbm>> -> memref<32768xf32, #tpu.memory_space<hbm>>
    %dma_wait3A_727 = arith.constant 0 : i32
    %dma_wait3A_728 = tpu.memref_slice %arg2[%add3A_332, %dma_wait3A_727] : memref<128x32768xf32, #tpu.memory_space<hbm>> -> memref<1x32768xf32, #tpu.memory_space<hbm>>
    %dma_wait3A_729 = tpu.memref_squeeze %dma_wait3A_728 : memref<1x32768xf32, #tpu.memory_space<hbm>> -> memref<32768xf32, #tpu.memory_space<hbm>>
    tpu.wait_dma2 semaphore(%arg12 : memref<!tpu.dma_semaphore, #tpu.memory_space<semaphore_mem>>) src(%dma_wait3A_729 : memref<32768xf32, #tpu.memory_space<hbm>>) dst(%arg6 : memref<32768xf32, #tpu.memory_space<vmem>>)
    %parallel_loop3A_730 = arith.constant 0 : i32
    %parallel_loop3A_731 = arith.constant 2048 : i32
    %parallel_loop3A_732 = arith.constant 16 : i32
    scf.for %parallel_loop3A_1448 = %parallel_loop3A_730 to %parallel_loop3A_731 step %parallel_loop3A_732  : i32 {
      %parallel_loop3A_1449 = arith.constant 0 : i32
      %parallel_loop3A_1450 = vector.broadcast %parallel_loop3A_1449 : i32 to vector<16xi32>
      %parallel_loop3A_1451 = arith.index_cast %parallel_loop3A_1448 : i32 to index
      %parallel_loop3A_1452 = tpu.vector_load %arg7[%parallel_loop3A_1451] {strides = array<i32>} : memref<2048xi32, #tpu.memory_space<vmem>>, vector<16xi32>,
      tpu.vector_store %arg7[%parallel_loop3A_1451], %parallel_loop3A_1450 {strides = array<i32>} : memref<2048xi32, #tpu.memory_space<vmem>>, vector<16xi32>,
    } {sc.loop_unroll_factor = 8 : i64, sc.parallel_access}
    %broadcast_in_dim3A_733 = arith.constant 1 : i32
    %broadcast_in_dim3A_734 = vector.broadcast %broadcast_in_dim3A_733 : i32 to vector<16xi32>
    %parallel_loop3A_735 = arith.constant 0 : i32
    %parallel_loop3A_736 = arith.constant 32768 : i32
    %parallel_loop3A_737 = arith.constant 16 : i32
    scf.for %parallel_loop3A_1448 = %parallel_loop3A_735 to %parallel_loop3A_736 step %parallel_loop3A_737  : i32 {
      %parallel_loop3A_1449 = arith.index_cast %parallel_loop3A_1448 : i32 to index
      %parallel_loop3A_1450 = tpu.vector_load %arg6[%parallel_loop3A_1449] {strides = array<i32>} : memref<32768xf32, #tpu.memory_space<vmem>>, vector<16xf32>,
      %parallel_loop3A_1451 = tpu.bitcast %parallel_loop3A_1450 : vector<16xf32> -> vector<16xi32>
      %parallel_loop3A_1452 = arith.constant 31 : i32
      %parallel_loop3A_1453 = vector.broadcast %parallel_loop3A_1452 : i32 to vector<16xi32>
      %parallel_loop3A_1454 = arith.shrui %parallel_loop3A_1451, %parallel_loop3A_1453 : vector<16xi32>
      %parallel_loop3A_1455 = arith.constant 0 : i32
      %parallel_loop3A_1456 = vector.broadcast %parallel_loop3A_1455 : i32 to vector<16xi32>
      %parallel_loop3A_1457 = arith.cmpi ugt, %parallel_loop3A_1454, %parallel_loop3A_1456 : vector<16xi32>
      %parallel_loop3A_1458 = arith.constant dense<-1> : vector<16xi32>
      %parallel_loop3A_1459 = arith.xori %parallel_loop3A_1451, %parallel_loop3A_1458 : vector<16xi32>
      %parallel_loop3A_1460 = arith.constant -2147483648 : i32
      %parallel_loop3A_1461 = vector.broadcast %parallel_loop3A_1460 : i32 to vector<16xi32>
      %parallel_loop3A_1462 = arith.ori %parallel_loop3A_1451, %parallel_loop3A_1461 : vector<16xi32>
      %parallel_loop3A_1463 = arith.select %parallel_loop3A_1457, %parallel_loop3A_1459, %parallel_loop3A_1462 : vector<16xi1>, vector<16xi32>
      %parallel_loop3A_1464 = arith.constant 21 : i32
      %parallel_loop3A_1465 = vector.broadcast %parallel_loop3A_1464 : i32 to vector<16xi32>
      %parallel_loop3A_1466 = arith.shrui %parallel_loop3A_1463, %parallel_loop3A_1465 : vector<16xi32>
      tpu.vector_store_idx %arg7[%parallel_loop3A_1466], %broadcast_in_dim3A_734 {add = true} : memref<2048xi32, #tpu.memory_space<vmem>>[vector<16xi32>], vector<16xi32>,
    } {sc.loop_unroll_factor = 8 : i64, sc.parallel_access}
    %parallel_loop3A_738 = arith.constant 0 : i32
    %parallel_loop3A_739 = arith.constant 8 : i32
    %parallel_loop3A_740 = arith.constant 1 : i32
    scf.for %parallel_loop3A_1448 = %parallel_loop3A_738 to %parallel_loop3A_739 step %parallel_loop3A_740  : i32 {
      %parallel_loop3A_1449 = arith.constant 0 : i32
      %parallel_loop3A_1450 = vector.broadcast %parallel_loop3A_1449 : i32 to vector<16xi32>
      %parallel_loop3A_1451 = arith.constant 16 : i32
      %parallel_loop3A_1452 = arith.muli %parallel_loop3A_1448, %parallel_loop3A_1451 : i32
      %parallel_loop3A_1453 = arith.index_cast %parallel_loop3A_1452 : i32 to index
      %parallel_loop3A_1454 = tpu.vector_load %arg8[%parallel_loop3A_1453] {strides = array<i32>} : memref<128xi32, #tpu.memory_space<vmem>>, vector<16xi32>,
      tpu.vector_store %arg8[%parallel_loop3A_1453], %parallel_loop3A_1450 {strides = array<i32>} : memref<128xi32, #tpu.memory_space<vmem>>, vector<16xi32>,
    } {sc.loop_unroll_factor = 1 : i64, sc.parallel_access}
    %eq3A_741 = arith.constant 0 : i32
    %eq3A_742 = vector.broadcast %eq3A_741 : i32 to vector<16xi32>
    %eq3A_743 = arith.cmpi eq, %iota3A, %eq3A_742 : vector<16xi32>
    %parallel_loop3A_744 = arith.constant 0 : i32
    %parallel_loop3A_745 = arith.constant 128 : i32
    %parallel_loop3A_746 = arith.constant 1 : i32
    scf.for %parallel_loop3A_1448 = %parallel_loop3A_744 to %parallel_loop3A_745 step %parallel_loop3A_746  : i32 {
      %parallel_loop3A_1449 = arith.constant 16 : i32
      %parallel_loop3A_1450 = arith.muli %parallel_loop3A_1448, %parallel_loop3A_1449 : i32
      %parallel_loop3A_1451 = arith.index_cast %parallel_loop3A_1450 : i32 to index
      %parallel_loop3A_1452 = tpu.vector_load %arg7[%parallel_loop3A_1451] {strides = array<i32>} : memref<2048xi32, #tpu.memory_space<vmem>>, vector<16xi32>,
      %parallel_loop3A_1453 = arith.constant true
      %parallel_loop3A_1454 = vector.broadcast %parallel_loop3A_1453 : i1 to vector<16xi1>
      %parallel_loop3A_1455 = tpu.scan <sum>, %parallel_loop3A_1452 masked %parallel_loop3A_1454 : vector<16xi32>, vector<16xi1> -> vector<16xi32>
      %parallel_loop3A_1456 = vector.extract %parallel_loop3A_1455[15] : i32 from vector<16xi32>
      %parallel_loop3A_1457 = vector.broadcast %parallel_loop3A_1456 : i32 to vector<16xi32>
      %parallel_loop3A_1458 = vector.broadcast %parallel_loop3A_1448 : i32 to vector<16xi32>
      tpu.vector_store_idx %arg8[%parallel_loop3A_1458], %parallel_loop3A_1457 masked %eq3A_743 {add = true} : memref<128xi32, #tpu.memory_space<vmem>>[vector<16xi32>], vector<16xi32>, vector<16xi1>
    } {sc.loop_unroll_factor = 4 : i64, sc.parallel_access}
    %sub3A_747 = arith.constant 32768 : i32
    %sub3A_748 = arith.constant 64 : i32
    %sub3A_749 = arith.subi %sub3A_747, %sub3A_748 : i32
    %get3A_750 = arith.constant 0 : index
    %get3A_751 = tpu.vector_load %arg8[%get3A_750] {strides = array<i32>} : memref<128xi32, #tpu.memory_space<vmem>>, vector<16xi32>,
    %broadcast_in_dim3A_752 = arith.constant true
    %broadcast_in_dim3A_753 = vector.broadcast %broadcast_in_dim3A_752 : i1 to vector<16xi1>
    %masked_cumsum3A_754 = tpu.scan <sum>, %get3A_751 masked %broadcast_in_dim3A_753 : vector<16xi32>, vector<16xi1> -> vector<16xi32>
    %add3A_755 = arith.constant 0 : i32
    %add3A_756 = vector.broadcast %add3A_755 : i32 to vector<16xi32>
    %add3A_757 = arith.addi %add3A_756, %masked_cumsum3A_754 : vector<16xi32>
    %sub3A_758 = arith.subi %add3A_757, %get3A_751 : vector<16xi32>
    %le3A_759 = vector.broadcast %sub3A_749 : i32 to vector<16xi32>
    %le3A_760 = arith.cmpi sle, %sub3A_758, %le3A_759 : vector<16xi32>
    %all_reduce_population_count3A_761 = tpu.all_reduce %le3A_760 {dim = 0 : i64, kind = #tpu.reduction_kind<sum>} : vector<16xi1> -> vector<16xi32>
    %slice3A_762 = vector.extract_strided_slice %all_reduce_population_count3A_761 {offsets = [0], sizes = [1], strides = [1]} : vector<16xi32> to vector<1xi32>
    %squeeze3A_763 = vector.extract %slice3A_762[0] : i32 from vector<1xi32>
    %add3A_764 = arith.constant 0 : i32
    %add3A_765 = arith.addi %add3A_764, %squeeze3A_763 : i32
    %slice3A_766 = vector.extract_strided_slice %masked_cumsum3A_754 {offsets = [15], sizes = [1], strides = [1]} : vector<16xi32> to vector<1xi32>
    %squeeze3A_767 = vector.extract %slice3A_766[0] : i32 from vector<1xi32>
    %add3A_768 = arith.constant 0 : i32
    %add3A_769 = arith.addi %add3A_768, %squeeze3A_767 : i32
    %get3A_770 = arith.constant 16 : index
    %get3A_771 = tpu.vector_load %arg8[%get3A_770] {strides = array<i32>} : memref<128xi32, #tpu.memory_space<vmem>>, vector<16xi32>,
    %broadcast_in_dim3A_772 = arith.constant true
    %broadcast_in_dim3A_773 = vector.broadcast %broadcast_in_dim3A_772 : i1 to vector<16xi1>
    %masked_cumsum3A_774 = tpu.scan <sum>, %get3A_771 masked %broadcast_in_dim3A_773 : vector<16xi32>, vector<16xi1> -> vector<16xi32>
    %add3A_775 = vector.broadcast %add3A_769 : i32 to vector<16xi32>
    %add3A_776 = arith.addi %add3A_775, %masked_cumsum3A_774 : vector<16xi32>
    %sub3A_777 = arith.subi %add3A_776, %get3A_771 : vector<16xi32>
    %le3A_778 = vector.broadcast %sub3A_749 : i32 to vector<16xi32>
    %le3A_779 = arith.cmpi sle, %sub3A_777, %le3A_778 : vector<16xi32>
    %all_reduce_population_count3A_780 = tpu.all_reduce %le3A_779 {dim = 0 : i64, kind = #tpu.reduction_kind<sum>} : vector<16xi1> -> vector<16xi32>
    %slice3A_781 = vector.extract_strided_slice %all_reduce_population_count3A_780 {offsets = [0], sizes = [1], strides = [1]} : vector<16xi32> to vector<1xi32>
    %squeeze3A_782 = vector.extract %slice3A_781[0] : i32 from vector<1xi32>
    %add3A_783 = arith.addi %add3A_765, %squeeze3A_782 : i32
    %slice3A_784 = vector.extract_strided_slice %masked_cumsum3A_774 {offsets = [15], sizes = [1], strides = [1]} : vector<16xi32> to vector<1xi32>
    %squeeze3A_785 = vector.extract %slice3A_784[0] : i32 from vector<1xi32>
    %add3A_786 = arith.addi %add3A_769, %squeeze3A_785 : i32
    %get3A_787 = arith.constant 32 : index
    %get3A_788 = tpu.vector_load %arg8[%get3A_787] {strides = array<i32>} : memref<128xi32, #tpu.memory_space<vmem>>, vector<16xi32>,
    %broadcast_in_dim3A_789 = arith.constant true
    %broadcast_in_dim3A_790 = vector.broadcast %broadcast_in_dim3A_789 : i1 to vector<16xi1>
    %masked_cumsum3A_791 = tpu.scan <sum>, %get3A_788 masked %broadcast_in_dim3A_790 : vector<16xi32>, vector<16xi1> -> vector<16xi32>
    %add3A_792 = vector.broadcast %add3A_786 : i32 to vector<16xi32>
    %add3A_793 = arith.addi %add3A_792, %masked_cumsum3A_791 : vector<16xi32>
    %sub3A_794 = arith.subi %add3A_793, %get3A_788 : vector<16xi32>
    %le3A_795 = vector.broadcast %sub3A_749 : i32 to vector<16xi32>
    %le3A_796 = arith.cmpi sle, %sub3A_794, %le3A_795 : vector<16xi32>
    %all_reduce_population_count3A_797 = tpu.all_reduce %le3A_796 {dim = 0 : i64, kind = #tpu.reduction_kind<sum>} : vector<16xi1> -> vector<16xi32>
    %slice3A_798 = vector.extract_strided_slice %all_reduce_population_count3A_797 {offsets = [0], sizes = [1], strides = [1]} : vector<16xi32> to vector<1xi32>
    %squeeze3A_799 = vector.extract %slice3A_798[0] : i32 from vector<1xi32>
    %add3A_800 = arith.addi %add3A_783, %squeeze3A_799 : i32
    %slice3A_801 = vector.extract_strided_slice %masked_cumsum3A_791 {offsets = [15], sizes = [1], strides = [1]} : vector<16xi32> to vector<1xi32>
    %squeeze3A_802 = vector.extract %slice3A_801[0] : i32 from vector<1xi32>
    %add3A_803 = arith.addi %add3A_786, %squeeze3A_802 : i32
    %get3A_804 = arith.constant 48 : index
    %get3A_805 = tpu.vector_load %arg8[%get3A_804] {strides = array<i32>} : memref<128xi32, #tpu.memory_space<vmem>>, vector<16xi32>,
    %broadcast_in_dim3A_806 = arith.constant true
    %broadcast_in_dim3A_807 = vector.broadcast %broadcast_in_dim3A_806 : i1 to vector<16xi1>
    %masked_cumsum3A_808 = tpu.scan <sum>, %get3A_805 masked %broadcast_in_dim3A_807 : vector<16xi32>, vector<16xi1> -> vector<16xi32>
    %add3A_809 = vector.broadcast %add3A_803 : i32 to vector<16xi32>
    %add3A_810 = arith.addi %add3A_809, %masked_cumsum3A_808 : vector<16xi32>
    %sub3A_811 = arith.subi %add3A_810, %get3A_805 : vector<16xi32>
    %le3A_812 = vector.broadcast %sub3A_749 : i32 to vector<16xi32>
    %le3A_813 = arith.cmpi sle, %sub3A_811, %le3A_812 : vector<16xi32>
    %all_reduce_population_count3A_814 = tpu.all_reduce %le3A_813 {dim = 0 : i64, kind = #tpu.reduction_kind<sum>} : vector<16xi1> -> vector<16xi32>
    %slice3A_815 = vector.extract_strided_slice %all_reduce_population_count3A_814 {offsets = [0], sizes = [1], strides = [1]} : vector<16xi32> to vector<1xi32>
    %squeeze3A_816 = vector.extract %slice3A_815[0] : i32 from vector<1xi32>
    %add3A_817 = arith.addi %add3A_800, %squeeze3A_816 : i32
    %slice3A_818 = vector.extract_strided_slice %masked_cumsum3A_808 {offsets = [15], sizes = [1], strides = [1]} : vector<16xi32> to vector<1xi32>
    %squeeze3A_819 = vector.extract %slice3A_818[0] : i32 from vector<1xi32>
    %add3A_820 = arith.addi %add3A_803, %squeeze3A_819 : i32
    %get3A_821 = arith.constant 64 : index
    %get3A_822 = tpu.vector_load %arg8[%get3A_821] {strides = array<i32>} : memref<128xi32, #tpu.memory_space<vmem>>, vector<16xi32>,
    %broadcast_in_dim3A_823 = arith.constant true
    %broadcast_in_dim3A_824 = vector.broadcast %broadcast_in_dim3A_823 : i1 to vector<16xi1>
    %masked_cumsum3A_825 = tpu.scan <sum>, %get3A_822 masked %broadcast_in_dim3A_824 : vector<16xi32>, vector<16xi1> -> vector<16xi32>
    %add3A_826 = vector.broadcast %add3A_820 : i32 to vector<16xi32>
    %add3A_827 = arith.addi %add3A_826, %masked_cumsum3A_825 : vector<16xi32>
    %sub3A_828 = arith.subi %add3A_827, %get3A_822 : vector<16xi32>
    %le3A_829 = vector.broadcast %sub3A_749 : i32 to vector<16xi32>
    %le3A_830 = arith.cmpi sle, %sub3A_828, %le3A_829 : vector<16xi32>
    %all_reduce_population_count3A_831 = tpu.all_reduce %le3A_830 {dim = 0 : i64, kind = #tpu.reduction_kind<sum>} : vector<16xi1> -> vector<16xi32>
    %slice3A_832 = vector.extract_strided_slice %all_reduce_population_count3A_831 {offsets = [0], sizes = [1], strides = [1]} : vector<16xi32> to vector<1xi32>
    %squeeze3A_833 = vector.extract %slice3A_832[0] : i32 from vector<1xi32>
    %add3A_834 = arith.addi %add3A_817, %squeeze3A_833 : i32
    %slice3A_835 = vector.extract_strided_slice %masked_cumsum3A_825 {offsets = [15], sizes = [1], strides = [1]} : vector<16xi32> to vector<1xi32>
    %squeeze3A_836 = vector.extract %slice3A_835[0] : i32 from vector<1xi32>
    %add3A_837 = arith.addi %add3A_820, %squeeze3A_836 : i32
    %get3A_838 = arith.constant 80 : index
    %get3A_839 = tpu.vector_load %arg8[%get3A_838] {strides = array<i32>} : memref<128xi32, #tpu.memory_space<vmem>>, vector<16xi32>,
    %broadcast_in_dim3A_840 = arith.constant true
    %broadcast_in_dim3A_841 = vector.broadcast %broadcast_in_dim3A_840 : i1 to vector<16xi1>
    %masked_cumsum3A_842 = tpu.scan <sum>, %get3A_839 masked %broadcast_in_dim3A_841 : vector<16xi32>, vector<16xi1> -> vector<16xi32>
    %add3A_843 = vector.broadcast %add3A_837 : i32 to vector<16xi32>
    %add3A_844 = arith.addi %add3A_843, %masked_cumsum3A_842 : vector<16xi32>
    %sub3A_845 = arith.subi %add3A_844, %get3A_839 : vector<16xi32>
    %le3A_846 = vector.broadcast %sub3A_749 : i32 to vector<16xi32>
    %le3A_847 = arith.cmpi sle, %sub3A_845, %le3A_846 : vector<16xi32>
    %all_reduce_population_count3A_848 = tpu.all_reduce %le3A_847 {dim = 0 : i64, kind = #tpu.reduction_kind<sum>} : vector<16xi1> -> vector<16xi32>
    %slice3A_849 = vector.extract_strided_slice %all_reduce_population_count3A_848 {offsets = [0], sizes = [1], strides = [1]} : vector<16xi32> to vector<1xi32>
    %squeeze3A_850 = vector.extract %slice3A_849[0] : i32 from vector<1xi32>
    %add3A_851 = arith.addi %add3A_834, %squeeze3A_850 : i32
    %slice3A_852 = vector.extract_strided_slice %masked_cumsum3A_842 {offsets = [15], sizes = [1], strides = [1]} : vector<16xi32> to vector<1xi32>
    %squeeze3A_853 = vector.extract %slice3A_852[0] : i32 from vector<1xi32>
    %add3A_854 = arith.addi %add3A_837, %squeeze3A_853 : i32
    %get3A_855 = arith.constant 96 : index
    %get3A_856 = tpu.vector_load %arg8[%get3A_855] {strides = array<i32>} : memref<128xi32, #tpu.memory_space<vmem>>, vector<16xi32>,
    %broadcast_in_dim3A_857 = arith.constant true
    %broadcast_in_dim3A_858 = vector.broadcast %broadcast_in_dim3A_857 : i1 to vector<16xi1>
    %masked_cumsum3A_859 = tpu.scan <sum>, %get3A_856 masked %broadcast_in_dim3A_858 : vector<16xi32>, vector<16xi1> -> vector<16xi32>
    %add3A_860 = vector.broadcast %add3A_854 : i32 to vector<16xi32>
    %add3A_861 = arith.addi %add3A_860, %masked_cumsum3A_859 : vector<16xi32>
    %sub3A_862 = arith.subi %add3A_861, %get3A_856 : vector<16xi32>
    %le3A_863 = vector.broadcast %sub3A_749 : i32 to vector<16xi32>
    %le3A_864 = arith.cmpi sle, %sub3A_862, %le3A_863 : vector<16xi32>
    %all_reduce_population_count3A_865 = tpu.all_reduce %le3A_864 {dim = 0 : i64, kind = #tpu.reduction_kind<sum>} : vector<16xi1> -> vector<16xi32>
    %slice3A_866 = vector.extract_strided_slice %all_reduce_population_count3A_865 {offsets = [0], sizes = [1], strides = [1]} : vector<16xi32> to vector<1xi32>
    %squeeze3A_867 = vector.extract %slice3A_866[0] : i32 from vector<1xi32>
    %add3A_868 = arith.addi %add3A_851, %squeeze3A_867 : i32
    %slice3A_869 = vector.extract_strided_slice %masked_cumsum3A_859 {offsets = [15], sizes = [1], strides = [1]} : vector<16xi32> to vector<1xi32>
    %squeeze3A_870 = vector.extract %slice3A_869[0] : i32 from vector<1xi32>
    %add3A_871 = arith.addi %add3A_854, %squeeze3A_870 : i32
    %get3A_872 = arith.constant 112 : index
    %get3A_873 = tpu.vector_load %arg8[%get3A_872] {strides = array<i32>} : memref<128xi32, #tpu.memory_space<vmem>>, vector<16xi32>,
    %broadcast_in_dim3A_874 = arith.constant true
    %broadcast_in_dim3A_875 = vector.broadcast %broadcast_in_dim3A_874 : i1 to vector<16xi1>
    %masked_cumsum3A_876 = tpu.scan <sum>, %get3A_873 masked %broadcast_in_dim3A_875 : vector<16xi32>, vector<16xi1> -> vector<16xi32>
    %add3A_877 = vector.broadcast %add3A_871 : i32 to vector<16xi32>
    %add3A_878 = arith.addi %add3A_877, %masked_cumsum3A_876 : vector<16xi32>
    %sub3A_879 = arith.subi %add3A_878, %get3A_873 : vector<16xi32>
    %le3A_880 = vector.broadcast %sub3A_749 : i32 to vector<16xi32>
    %le3A_881 = arith.cmpi sle, %sub3A_879, %le3A_880 : vector<16xi32>
    %all_reduce_population_count3A_882 = tpu.all_reduce %le3A_881 {dim = 0 : i64, kind = #tpu.reduction_kind<sum>} : vector<16xi1> -> vector<16xi32>
    %slice3A_883 = vector.extract_strided_slice %all_reduce_population_count3A_882 {offsets = [0], sizes = [1], strides = [1]} : vector<16xi32> to vector<1xi32>
    %squeeze3A_884 = vector.extract %slice3A_883[0] : i32 from vector<1xi32>
    %add3A_885 = arith.addi %add3A_868, %squeeze3A_884 : i32
    %slice3A_886 = vector.extract_strided_slice %masked_cumsum3A_876 {offsets = [15], sizes = [1], strides = [1]} : vector<16xi32> to vector<1xi32>
    %squeeze3A_887 = vector.extract %slice3A_886[0] : i32 from vector<1xi32>
    %add3A_888 = arith.addi %add3A_871, %squeeze3A_887 : i32
    %sub3A_889 = arith.constant 1 : i32
    %sub3A_890 = arith.subi %add3A_885, %sub3A_889 : i32
    %jit3A_891 = arith.constant 16 : i32
    %div3A_892 = arith.divsi %sub3A_890, %jit3A_891 : i32
    %sign3A_893 = arith.constant 0 : i32
    %sign3A_894 = arith.cmpi sgt, %sub3A_890, %sign3A_893 : i32
    %sign3A_895 = arith.extui %sign3A_894 : i1 to i32
    %sign3A_896 = arith.constant 0 : i32
    %sign3A_897 = arith.cmpi slt, %sub3A_890, %sign3A_896 : i32
    %sign3A_898 = arith.extui %sign3A_897 : i1 to i32
    %sign3A_899 = arith.subi %sign3A_895, %sign3A_898 : i32
    %sign3A_900 = arith.constant 0 : i32
    %sign3A_901 = arith.cmpi sgt, %jit3A_891, %sign3A_900 : i32
    %sign3A_902 = arith.extui %sign3A_901 : i1 to i32
    %sign3A_903 = arith.constant 0 : i32
    %sign3A_904 = arith.cmpi slt, %jit3A_891, %sign3A_903 : i32
    %sign3A_905 = arith.extui %sign3A_904 : i1 to i32
    %sign3A_906 = arith.subi %sign3A_902, %sign3A_905 : i32
    %ne3A_907 = arith.cmpi ne, %sign3A_899, %sign3A_906 : i32
    %rem3A_908 = arith.remsi %sub3A_890, %jit3A_891 : i32
    %ne3A_909 = arith.constant 0 : i32
    %ne3A_910 = arith.cmpi ne, %rem3A_908, %ne3A_909 : i32
    %and3A_911 = arith.andi %ne3A_907, %ne3A_910 : i1
    %sub3A_912 = arith.constant 1 : i32
    %sub3A_913 = arith.subi %div3A_892, %sub3A_912 : i32
    %select_n3A_914 = arith.select %and3A_911, %sub3A_913, %div3A_892 : i32
    %jit3A_915 = arith.constant 16 : i32
    %eq3A_916 = arith.constant 0 : i32
    %eq3A_917 = arith.cmpi eq, %jit3A_915, %eq3A_916 : i32
    %jit3A_918 = arith.constant 1 : i32
    %select_n3A_919 = arith.select %eq3A_917, %jit3A_918, %jit3A_915 : i32
    %rem3A_920 = arith.remsi %sub3A_890, %select_n3A_919 : i32
    %ne3A_921 = arith.constant 0 : i32
    %ne3A_922 = arith.cmpi ne, %rem3A_920, %ne3A_921 : i32
    %lt3A_923 = arith.constant 0 : i32
    %lt3A_924 = arith.cmpi slt, %rem3A_920, %lt3A_923 : i32
    %lt3A_925 = arith.constant 0 : i32
    %lt3A_926 = arith.cmpi slt, %select_n3A_919, %lt3A_925 : i32
    %ne3A_927 = arith.xori %lt3A_924, %lt3A_926 : i1
    %and3A_928 = arith.andi %ne3A_927, %ne3A_922 : i1
    %add3A_929 = arith.addi %rem3A_920, %select_n3A_919 : i32
    %select_n3A_930 = arith.select %and3A_928, %add3A_929, %rem3A_920 : i32
    %eq3A_931 = arith.constant 0 : i32
    %eq3A_932 = arith.cmpi eq, %select_n3A_914, %eq3A_931 : i32
    %jit3A_933 = arith.constant 0 : i32
    %jit3A_934 = arith.constant 0 : i32
    %select_n3A_935 = arith.select %eq3A_932, %jit3A_933, %jit3A_934 : i32
    %eq3A_936 = arith.constant 1 : i32
    %eq3A_937 = arith.cmpi eq, %select_n3A_914, %eq3A_936 : i32
    %select_n3A_938 = arith.select %eq3A_937, %add3A_769, %select_n3A_935 : i32
    %eq3A_939 = arith.constant 2 : i32
    %eq3A_940 = arith.cmpi eq, %select_n3A_914, %eq3A_939 : i32
    %select_n3A_941 = arith.select %eq3A_940, %add3A_786, %select_n3A_938 : i32
    %eq3A_942 = arith.constant 3 : i32
    %eq3A_943 = arith.cmpi eq, %select_n3A_914, %eq3A_942 : i32
    %select_n3A_944 = arith.select %eq3A_943, %add3A_803, %select_n3A_941 : i32
    %eq3A_945 = arith.constant 4 : i32
    %eq3A_946 = arith.cmpi eq, %select_n3A_914, %eq3A_945 : i32
    %select_n3A_947 = arith.select %eq3A_946, %add3A_820, %select_n3A_944 : i32
    %eq3A_948 = arith.constant 5 : i32
    %eq3A_949 = arith.cmpi eq, %select_n3A_914, %eq3A_948 : i32
    %select_n3A_950 = arith.select %eq3A_949, %add3A_837, %select_n3A_947 : i32
    %eq3A_951 = arith.constant 6 : i32
    %eq3A_952 = arith.cmpi eq, %select_n3A_914, %eq3A_951 : i32
    %select_n3A_953 = arith.select %eq3A_952, %add3A_854, %select_n3A_950 : i32
    %eq3A_954 = arith.constant 7 : i32
    %eq3A_955 = arith.cmpi eq, %select_n3A_914, %eq3A_954 : i32
    %select_n3A_956 = arith.select %eq3A_955, %add3A_871, %select_n3A_953 : i32
    %mul3A_957 = arith.constant 16 : i32
    %mul3A_958 = arith.muli %select_n3A_914, %mul3A_957 : i32
    %get3A_959 = arith.index_cast %mul3A_958 : i32 to index
    %get3A_960 = tpu.vector_load %arg8[%get3A_959] {strides = array<i32>} : memref<128xi32, #tpu.memory_space<vmem>>, vector<16xi32>,
    %broadcast_in_dim3A_961 = arith.constant true
    %broadcast_in_dim3A_962 = vector.broadcast %broadcast_in_dim3A_961 : i1 to vector<16xi1>
    %masked_cumsum3A_963 = tpu.scan <sum>, %get3A_960 masked %broadcast_in_dim3A_962 : vector<16xi32>, vector<16xi1> -> vector<16xi32>
    %add3A_964 = vector.broadcast %select_n3A_956 : i32 to vector<16xi32>
    %add3A_965 = arith.addi %add3A_964, %masked_cumsum3A_963 : vector<16xi32>
    %sub3A_966 = arith.subi %add3A_965, %get3A_960 : vector<16xi32>
    %eq3A_967 = vector.broadcast %select_n3A_930 : i32 to vector<16xi32>
    %eq3A_968 = arith.cmpi eq, %iota3A, %eq3A_967 : vector<16xi32>
    %jit3A_969 = arith.constant 0 : i32
    %broadcast_in_dim3A_970 = vector.broadcast %jit3A_969 : i32 to vector<16xi32>
    %select_n3A_971 = arith.select %eq3A_968, %sub3A_966, %broadcast_in_dim3A_970 : vector<16xi1>, vector<16xi32>
    %reduce_sum3A_972 = arith.constant true
    %reduce_sum3A_973 = vector.broadcast %reduce_sum3A_972 : i1 to vector<16xi1>
    %reduce_sum3A_974 = tpu.scan <sum>, %select_n3A_971 masked %reduce_sum3A_973 : vector<16xi32>, vector<16xi1> -> vector<16xi32>
    %reduce_sum3A_975 = vector.extract %reduce_sum3A_974[15] : i32 from vector<16xi32>
    %mul3A_976 = arith.constant 16 : i32
    %mul3A_977 = arith.muli %sub3A_890, %mul3A_976 : i32
    %get3A_978 = arith.index_cast %mul3A_977 : i32 to index
    %get3A_979 = tpu.vector_load %arg7[%get3A_978] {strides = array<i32>} : memref<2048xi32, #tpu.memory_space<vmem>>, vector<16xi32>,
    %broadcast_in_dim3A_980 = arith.constant true
    %broadcast_in_dim3A_981 = vector.broadcast %broadcast_in_dim3A_980 : i1 to vector<16xi1>
    %masked_cumsum3A_982 = tpu.scan <sum>, %get3A_979 masked %broadcast_in_dim3A_981 : vector<16xi32>, vector<16xi1> -> vector<16xi32>
    %add3A_983 = vector.broadcast %reduce_sum3A_975 : i32 to vector<16xi32>
    %add3A_984 = arith.addi %add3A_983, %masked_cumsum3A_982 : vector<16xi32>
    %sub3A_985 = arith.subi %add3A_984, %get3A_979 : vector<16xi32>
    %le3A_986 = vector.broadcast %sub3A_749 : i32 to vector<16xi32>
    %le3A_987 = arith.cmpi sle, %sub3A_985, %le3A_986 : vector<16xi32>
    %all_reduce_population_count3A_988 = tpu.all_reduce %le3A_987 {dim = 0 : i64, kind = #tpu.reduction_kind<sum>} : vector<16xi1> -> vector<16xi32>
    %slice3A_989 = vector.extract_strided_slice %all_reduce_population_count3A_988 {offsets = [0], sizes = [1], strides = [1]} : vector<16xi32> to vector<1xi32>
    %squeeze3A_990 = vector.extract %slice3A_989[0] : i32 from vector<1xi32>
    %sub3A_991 = arith.constant 1 : i32
    %sub3A_992 = arith.subi %squeeze3A_990, %sub3A_991 : i32
    %eq3A_993 = vector.broadcast %sub3A_992 : i32 to vector<16xi32>
    %eq3A_994 = arith.cmpi eq, %iota3A, %eq3A_993 : vector<16xi32>
    %jit3A_995 = arith.constant 0 : i32
    %broadcast_in_dim3A_996 = vector.broadcast %jit3A_995 : i32 to vector<16xi32>
    %select_n3A_997 = arith.select %eq3A_994, %get3A_979, %broadcast_in_dim3A_996 : vector<16xi1>, vector<16xi32>
    %reduce_sum3A_998 = arith.constant true
    %reduce_sum3A_999 = vector.broadcast %reduce_sum3A_998 : i1 to vector<16xi1>
    %reduce_sum3A_1000 = tpu.scan <sum>, %select_n3A_997 masked %reduce_sum3A_999 : vector<16xi32>, vector<16xi1> -> vector<16xi32>
    %reduce_sum3A_1001 = vector.extract %reduce_sum3A_1000[15] : i32 from vector<16xi32>
    %eq3A_1002 = vector.broadcast %sub3A_992 : i32 to vector<16xi32>
    %eq3A_1003 = arith.cmpi eq, %iota3A, %eq3A_1002 : vector<16xi32>
    %jit3A_1004 = arith.constant 0 : i32
    %broadcast_in_dim3A_1005 = vector.broadcast %jit3A_1004 : i32 to vector<16xi32>
    %select_n3A_1006 = arith.select %eq3A_1003, %sub3A_985, %broadcast_in_dim3A_1005 : vector<16xi1>, vector<16xi32>
    %reduce_sum3A_1007 = arith.constant true
    %reduce_sum3A_1008 = vector.broadcast %reduce_sum3A_1007 : i1 to vector<16xi1>
    %reduce_sum3A_1009 = tpu.scan <sum>, %select_n3A_1006 masked %reduce_sum3A_1008 : vector<16xi32>, vector<16xi1> -> vector<16xi32>
    %reduce_sum3A_1010 = vector.extract %reduce_sum3A_1009[15] : i32 from vector<16xi32>
    %mul3A_1011 = arith.constant 16 : i32
    %mul3A_1012 = arith.muli %sub3A_890, %mul3A_1011 : i32
    %add3A_1013 = arith.addi %mul3A_1012, %sub3A_992 : i32
    %sub3A_1014 = arith.constant 32768 : i32
    %sub3A_1015 = arith.subi %sub3A_1014, %reduce_sum3A_1010 : i32
    %sub3A_1016 = arith.subi %sub3A_1015, %reduce_sum3A_1001 : i32
    %sub3A_1017 = arith.constant 64 : i32
    %sub3A_1018 = arith.subi %sub3A_1017, %sub3A_1016 : i32
    %broadcast_in_dim3A_1019 = arith.constant 4096 : i32
    %broadcast_in_dim3A_1020 = vector.broadcast %broadcast_in_dim3A_1019 : i32 to vector<16xi32>
    %broadcast_in_dim3A_1021 = arith.constant 0 : i32
    %broadcast_in_dim3A_1022 = vector.broadcast %broadcast_in_dim3A_1021 : i32 to vector<16xi32>
    %parallel_loop3A_1023 = arith.constant 0 : i32
    %parallel_loop3A_1024 = arith.constant 32768 : i32
    %parallel_loop3A_1025 = arith.constant 16 : i32
    %parallel_loop3A_1026 = arith.constant 2097151 : i32
    %parallel_loop3A_1027 = scf.for %parallel_loop3A_1448 = %parallel_loop3A_1023 to %parallel_loop3A_1024 step %parallel_loop3A_1025 iter_args(%parallel_loop3A_1449 = %broadcast_in_dim3A_1022) -> (vector<16xi32>)  : i32 {
      %parallel_loop3A_1450 = arith.index_cast %parallel_loop3A_1448 : i32 to index
      %parallel_loop3A_1451 = tpu.vector_load %arg6[%parallel_loop3A_1450] {strides = array<i32>} : memref<32768xf32, #tpu.memory_space<vmem>>, vector<16xf32>,
      %parallel_loop3A_1452 = tpu.bitcast %parallel_loop3A_1451 : vector<16xf32> -> vector<16xi32>
      %parallel_loop3A_1453 = arith.constant 31 : i32
      %parallel_loop3A_1454 = vector.broadcast %parallel_loop3A_1453 : i32 to vector<16xi32>
      %parallel_loop3A_1455 = arith.shrui %parallel_loop3A_1452, %parallel_loop3A_1454 : vector<16xi32>
      %parallel_loop3A_1456 = arith.constant 0 : i32
      %parallel_loop3A_1457 = vector.broadcast %parallel_loop3A_1456 : i32 to vector<16xi32>
      %parallel_loop3A_1458 = arith.cmpi ugt, %parallel_loop3A_1455, %parallel_loop3A_1457 : vector<16xi32>
      %parallel_loop3A_1459 = arith.constant dense<-1> : vector<16xi32>
      %parallel_loop3A_1460 = arith.xori %parallel_loop3A_1452, %parallel_loop3A_1459 : vector<16xi32>
      %parallel_loop3A_1461 = arith.constant -2147483648 : i32
      %parallel_loop3A_1462 = vector.broadcast %parallel_loop3A_1461 : i32 to vector<16xi32>
      %parallel_loop3A_1463 = arith.ori %parallel_loop3A_1452, %parallel_loop3A_1462 : vector<16xi32>
      %parallel_loop3A_1464 = arith.select %parallel_loop3A_1458, %parallel_loop3A_1460, %parallel_loop3A_1463 : vector<16xi1>, vector<16xi32>
      %parallel_loop3A_1465 = arith.constant 21 : i32
      %parallel_loop3A_1466 = vector.broadcast %parallel_loop3A_1465 : i32 to vector<16xi32>
      %parallel_loop3A_1467 = arith.shrui %parallel_loop3A_1464, %parallel_loop3A_1466 : vector<16xi32>
      %parallel_loop3A_1468 = vector.broadcast %add3A_1013 : i32 to vector<16xi32>
      %parallel_loop3A_1469 = arith.cmpi eq, %parallel_loop3A_1467, %parallel_loop3A_1468 : vector<16xi32>
      %parallel_loop3A_1470 = vector.broadcast %parallel_loop3A_1026 : i32 to vector<16xi32>
      %parallel_loop3A_1471 = arith.andi %parallel_loop3A_1464, %parallel_loop3A_1470 : vector<16xi32>
      %parallel_loop3A_1472 = arith.extui %parallel_loop3A_1469 : vector<16xi1> to vector<16xi32>
      %parallel_loop3A_1473 = arith.constant true
      %parallel_loop3A_1474 = vector.broadcast %parallel_loop3A_1473 : i1 to vector<16xi1>
      %parallel_loop3A_1475 = tpu.scan <sum>, %parallel_loop3A_1472 masked %parallel_loop3A_1474 : vector<16xi32>, vector<16xi1> -> vector<16xi32>
      %parallel_loop3A_1476 = arith.subi %parallel_loop3A_1475, %parallel_loop3A_1472 : vector<16xi32>
      %parallel_loop3A_1477 = arith.addi %parallel_loop3A_1449, %parallel_loop3A_1476 : vector<16xi32>
      %parallel_loop3A_1478 = arith.minsi %parallel_loop3A_1477, %broadcast_in_dim3A_1020 : vector<16xi32>
      tpu.vector_store_idx %arg9[%parallel_loop3A_1478], %parallel_loop3A_1471 masked %parallel_loop3A_1469 : memref<4128xi32, #tpu.memory_space<vmem>>[vector<16xi32>], vector<16xi32>, vector<16xi1>
      %parallel_loop3A_1479 = tpu.all_reduce %parallel_loop3A_1469 {dim = 0 : i64, kind = #tpu.reduction_kind<sum>} : vector<16xi1> -> vector<16xi32>
      %parallel_loop3A_1480 = arith.addi %parallel_loop3A_1449, %parallel_loop3A_1479 : vector<16xi32>
      scf.yield %parallel_loop3A_1480 : vector<16xi32>
    } {sc.loop_unroll_factor = 4 : i64, sc.parallel_access}
    %eq3A_1028 = arith.constant 0 : i32
    %eq3A_1029 = vector.broadcast %eq3A_1028 : i32 to vector<16xi32>
    %eq3A_1030 = arith.cmpi eq, %iota3A, %eq3A_1029 : vector<16xi32>
    %jit3A_1031 = arith.constant 0 : i32
    %broadcast_in_dim3A_1032 = vector.broadcast %jit3A_1031 : i32 to vector<16xi32>
    %select_n3A_1033 = arith.select %eq3A_1030, %parallel_loop3A_1027, %broadcast_in_dim3A_1032 : vector<16xi1>, vector<16xi32>
    %reduce_sum3A_1034 = arith.constant true
    %reduce_sum3A_1035 = vector.broadcast %reduce_sum3A_1034 : i1 to vector<16xi1>
    %reduce_sum3A_1036 = tpu.scan <sum>, %select_n3A_1033 masked %reduce_sum3A_1035 : vector<16xi32>, vector<16xi1> -> vector<16xi32>
    %reduce_sum3A_1037 = vector.extract %reduce_sum3A_1036[15] : i32 from vector<16xi32>
    %min3A_1038 = arith.constant 4096 : i32
    %min3A_1039 = arith.minsi %reduce_sum3A_1037, %min3A_1038 : i32
    %broadcast_in_dim3A_1040 = arith.constant 0 : i32
    %broadcast_in_dim3A_1041 = vector.broadcast %broadcast_in_dim3A_1040 : i32 to vector<16xi32>
    %swap3A_1042 = arith.index_cast %min3A_1039 : i32 to index
    %swap3A_1043 = tpu.vector_load %arg9[%swap3A_1042] {strides = array<i32>} : memref<4128xi32, #tpu.memory_space<vmem>>, vector<16xi32>,
    tpu.vector_store %arg9[%swap3A_1042], %broadcast_in_dim3A_1041 {strides = array<i32>} : memref<4128xi32, #tpu.memory_space<vmem>>, vector<16xi32>,
    %le3A_1044 = arith.constant 4096 : i32
    %le3A_1045 = arith.cmpi sle, %reduce_sum3A_1037, %le3A_1044 : i32
    %convert_element_type3A_1046 = arith.extui %le3A_1045 : i1 to i32
    %cond3A_1047 = arith.constant 0 : i32
    %cond3A_1048 = arith.cmpi ne, %convert_element_type3A_1046, %cond3A_1047 : i32
    %cond3A_1049 = scf.if %cond3A_1048 -> (i32) {
      %add3A_1448 = arith.constant 16 : i32
      %add3A_1449 = arith.addi %reduce_sum3A_1037, %add3A_1448 : i32
      %sub3A_1450 = arith.constant 1 : i32
      %sub3A_1451 = arith.subi %add3A_1449, %sub3A_1450 : i32
      %jit3A_1452 = arith.constant 16 : i32
      %div3A_1453 = arith.divsi %sub3A_1451, %jit3A_1452 : i32
      %sign3A_1454 = arith.constant 0 : i32
      %sign3A_1455 = arith.cmpi sgt, %sub3A_1451, %sign3A_1454 : i32
      %sign3A_1456 = arith.extui %sign3A_1455 : i1 to i32
      %sign3A_1457 = arith.constant 0 : i32
      %sign3A_1458 = arith.cmpi slt, %sub3A_1451, %sign3A_1457 : i32
      %sign3A_1459 = arith.extui %sign3A_1458 : i1 to i32
      %sign3A_1460 = arith.subi %sign3A_1456, %sign3A_1459 : i32
      %sign3A_1461 = arith.constant 0 : i32
      %sign3A_1462 = arith.cmpi sgt, %jit3A_1452, %sign3A_1461 : i32
      %sign3A_1463 = arith.extui %sign3A_1462 : i1 to i32
      %sign3A_1464 = arith.constant 0 : i32
      %sign3A_1465 = arith.cmpi slt, %jit3A_1452, %sign3A_1464 : i32
      %sign3A_1466 = arith.extui %sign3A_1465 : i1 to i32
      %sign3A_1467 = arith.subi %sign3A_1463, %sign3A_1466 : i32
      %ne3A_1468 = arith.cmpi ne, %sign3A_1460, %sign3A_1467 : i32
      %rem3A_1469 = arith.remsi %sub3A_1451, %jit3A_1452 : i32
      %ne3A_1470 = arith.constant 0 : i32
      %ne3A_1471 = arith.cmpi ne, %rem3A_1469, %ne3A_1470 : i32
      %and3A_1472 = arith.andi %ne3A_1468, %ne3A_1471 : i1
      %sub3A_1473 = arith.constant 1 : i32
      %sub3A_1474 = arith.subi %div3A_1453, %sub3A_1473 : i32
      %select_n3A_1475 = arith.select %and3A_1472, %sub3A_1474, %div3A_1453 : i32
      %scan3A = arith.constant 0 : i32
      %scan3A_1476 = arith.constant 0 : i32
      %scan3A_1477 = arith.constant 21 : i32
      %scan3A_1478 = arith.addi %scan3A_1476, %scan3A_1477 : i32
      %scan3A_1479 = arith.constant 1 : i32
      %scan3A_1480 = scf.for %scan3A_1482 = %scan3A_1476 to %scan3A_1478 step %scan3A_1479 iter_args(%scan3A_1483 = %scan3A) -> (i32)  : i32 {
        %sub3A_1484 = arith.constant 20 : i32
        %sub3A_1485 = arith.subi %sub3A_1484, %scan3A_1482 : i32
        %shift_left3A_1486 = arith.constant 1 : i32
        %shift_left3A_1487 = arith.shli %shift_left3A_1486, %sub3A_1485 : i32
        %or3A_1488 = arith.ori %scan3A_1483, %shift_left3A_1487 : i32
        %while3A = arith.constant 0 : i32
        %while3A_1489 = arith.constant 0 : i32
        %while3A_1490 = arith.subi %select_n3A_1475, %while3A : i32
        %while3A_1491 = arith.addi %while3A, %while3A_1490 : i32
        %while3A_1492 = arith.constant 1 : i32
        %while3A_1493 = arith.divsi %while3A_1490, %while3A_1492 : i32
        %while3A_1494 = arith.muli %while3A_1493, %while3A_1492 : i32
        %while3A_1495 = arith.addi %while3A, %while3A_1494 : i32
        %while3A_1496 = arith.constant 1 : i32
        %while3A_1497 = scf.for %while3A_1501 = %while3A to %while3A_1495 step %while3A_1496 iter_args(%while3A_1502 = %while3A_1489) -> (i32)  : i32 {
          %mul3A_1503 = arith.constant 16 : i32
          %mul3A_1504 = arith.muli %while3A_1501, %mul3A_1503 : i32
          %get3A_1505 = arith.index_cast %mul3A_1504 : i32 to index
          %get3A_1506 = tpu.vector_load %arg9[%get3A_1505] {strides = array<i32>} : memref<4128xi32, #tpu.memory_space<vmem>>, vector<16xi32>,
          %ge3A_1507 = vector.broadcast %or3A_1488 : i32 to vector<16xi32>
          %ge3A_1508 = arith.cmpi sge, %get3A_1506, %ge3A_1507 : vector<16xi32>
          %all_reduce_population_count3A_1509 = tpu.all_reduce %ge3A_1508 {dim = 0 : i64, kind = #tpu.reduction_kind<sum>} : vector<16xi1> -> vector<16xi32>
          %slice3A_1510 = vector.extract_strided_slice %all_reduce_population_count3A_1509 {offsets = [0], sizes = [1], strides = [1]} : vector<16xi32> to vector<1xi32>
          %squeeze3A_1511 = vector.extract %slice3A_1510[0] : i32 from vector<1xi32>
          %add3A_1512 = arith.addi %while3A_1502, %squeeze3A_1511 : i32
          scf.yield %add3A_1512 : i32
        }
        %while3A_1498 = arith.constant 1 : i32
        %while3A_1499 = scf.for %while3A_1501 = %while3A_1495 to %while3A_1491 step %while3A_1498 iter_args(%while3A_1502 = %while3A_1497) -> (i32)  : i32 {
          %mul3A_1503 = arith.constant 16 : i32
          %mul3A_1504 = arith.muli %while3A_1501, %mul3A_1503 : i32
          %get3A_1505 = arith.index_cast %mul3A_1504 : i32 to index
          %get3A_1506 = tpu.vector_load %arg9[%get3A_1505] {strides = array<i32>} : memref<4128xi32, #tpu.memory_space<vmem>>, vector<16xi32>,
          %ge3A_1507 = vector.broadcast %or3A_1488 : i32 to vector<16xi32>
          %ge3A_1508 = arith.cmpi sge, %get3A_1506, %ge3A_1507 : vector<16xi32>
          %all_reduce_population_count3A_1509 = tpu.all_reduce %ge3A_1508 {dim = 0 : i64, kind = #tpu.reduction_kind<sum>} : vector<16xi1> -> vector<16xi32>
          %slice3A_1510 = vector.extract_strided_slice %all_reduce_population_count3A_1509 {offsets = [0], sizes = [1], strides = [1]} : vector<16xi32> to vector<1xi32>
          %squeeze3A_1511 = vector.extract %slice3A_1510[0] : i32 from vector<1xi32>
          %add3A_1512 = arith.addi %while3A_1502, %squeeze3A_1511 : i32
          scf.yield %add3A_1512 : i32
        }
        %ge3A = arith.cmpi sge, %while3A_1499, %sub3A_1018 : i32
        %select_n3A_1500 = arith.select %ge3A, %or3A_1488, %scan3A_1483 : i32
        scf.yield %select_n3A_1500 : i32
      }
      %scan3A_1481 = arith.constant 21 : i32
      scf.yield %scan3A_1480 : i32
    } else {
      %shift_left3A_1448 = arith.constant 21 : i32
      %shift_left3A_1449 = arith.shli %add3A_1013, %shift_left3A_1448 : i32
      %scan3A = arith.constant 0 : i32
      %scan3A_1450 = arith.constant 0 : i32
      %scan3A_1451 = arith.constant 21 : i32
      %scan3A_1452 = arith.addi %scan3A_1450, %scan3A_1451 : i32
      %scan3A_1453 = arith.constant 1 : i32
      %scan3A_1454 = scf.for %scan3A_1456 = %scan3A_1450 to %scan3A_1452 step %scan3A_1453 iter_args(%scan3A_1457 = %scan3A) -> (i32)  : i32 {
        %sub3A_1458 = arith.constant 20 : i32
        %sub3A_1459 = arith.subi %sub3A_1458, %scan3A_1456 : i32
        %shift_left3A_1460 = arith.constant 1 : i32
        %shift_left3A_1461 = arith.shli %shift_left3A_1460, %sub3A_1459 : i32
        %or3A_1462 = arith.ori %scan3A_1457, %shift_left3A_1461 : i32
        %or3A_1463 = arith.ori %shift_left3A_1449, %or3A_1462 : i32
        %scan3A_1464 = arith.constant 0 : i32
        %scan3A_1465 = arith.constant 0 : i32
        %scan3A_1466 = arith.constant 2048 : i32
        %scan3A_1467 = arith.addi %scan3A_1465, %scan3A_1466 : i32
        %scan3A_1468 = arith.constant 1 : i32
        %scan3A_1469 = scf.for %scan3A_1473 = %scan3A_1465 to %scan3A_1467 step %scan3A_1468 iter_args(%scan3A_1474 = %scan3A_1464) -> (i32)  : i32 {
          %mul3A_1475 = arith.constant 16 : i32
          %mul3A_1476 = arith.muli %scan3A_1473, %mul3A_1475 : i32
          %get3A_1477 = arith.index_cast %mul3A_1476 : i32 to index
          %get3A_1478 = tpu.vector_load %arg6[%get3A_1477] {strides = array<i32>} : memref<32768xf32, #tpu.memory_space<vmem>>, vector<16xf32>,
          %bitcast_convert_type3A_1479 = tpu.bitcast %get3A_1478 : vector<16xf32> -> vector<16xi32>
          %shift_right_logical3A_1480 = arith.constant 31 : i32
          %shift_right_logical3A_1481 = vector.broadcast %shift_right_logical3A_1480 : i32 to vector<16xi32>
          %shift_right_logical3A_1482 = arith.shrui %bitcast_convert_type3A_1479, %shift_right_logical3A_1481 : vector<16xi32>
          %gt3A_1483 = arith.constant 0 : i32
          %gt3A_1484 = vector.broadcast %gt3A_1483 : i32 to vector<16xi32>
          %gt3A_1485 = arith.cmpi ugt, %shift_right_logical3A_1482, %gt3A_1484 : vector<16xi32>
          %not3A_1486 = arith.constant dense<-1> : vector<16xi32>
          %not3A_1487 = arith.xori %bitcast_convert_type3A_1479, %not3A_1486 : vector<16xi32>
          %or3A_1488 = arith.constant -2147483648 : i32
          %or3A_1489 = vector.broadcast %or3A_1488 : i32 to vector<16xi32>
          %or3A_1490 = arith.ori %bitcast_convert_type3A_1479, %or3A_1489 : vector<16xi32>
          %select_n3A_1491 = arith.select %gt3A_1485, %not3A_1487, %or3A_1490 : vector<16xi1>, vector<16xi32>
          %ge3A_1492 = vector.broadcast %or3A_1463 : i32 to vector<16xi32>
          %ge3A_1493 = arith.cmpi uge, %select_n3A_1491, %ge3A_1492 : vector<16xi32>
          %all_reduce_population_count3A_1494 = tpu.all_reduce %ge3A_1493 {dim = 0 : i64, kind = #tpu.reduction_kind<sum>} : vector<16xi1> -> vector<16xi32>
          %slice3A_1495 = vector.extract_strided_slice %all_reduce_population_count3A_1494 {offsets = [0], sizes = [1], strides = [1]} : vector<16xi32> to vector<1xi32>
          %squeeze3A_1496 = vector.extract %slice3A_1495[0] : i32 from vector<1xi32>
          %add3A_1497 = arith.addi %scan3A_1474, %squeeze3A_1496 : i32
          scf.yield %add3A_1497 : i32
        }
        %scan3A_1470 = arith.constant 2048 : i32
        %ge3A = arith.constant 64 : i32
        %ge3A_1471 = arith.cmpi sge, %scan3A_1469, %ge3A : i32
        %select_n3A_1472 = arith.select %ge3A_1471, %or3A_1462, %scan3A_1457 : i32
        scf.yield %select_n3A_1472 : i32
      }
      %scan3A_1455 = arith.constant 21 : i32
      scf.yield %scan3A_1454 : i32
    }
    %shift_left3A_1050 = arith.constant 21 : i32
    %shift_left3A_1051 = arith.shli %add3A_1013, %shift_left3A_1050 : i32
    %or3A_1052 = arith.ori %shift_left3A_1051, %cond3A_1049 : i32
    %broadcast_in_dim3A_1053 = vector.broadcast %or3A_1052 : i32 to vector<16xi32>
    %shift_right_logical3A_1054 = arith.constant 31 : i32
    %shift_right_logical3A_1055 = vector.broadcast %shift_right_logical3A_1054 : i32 to vector<16xi32>
    %shift_right_logical3A_1056 = arith.shrui %broadcast_in_dim3A_1053, %shift_right_logical3A_1055 : vector<16xi32>
    %gt3A_1057 = arith.constant 0 : i32
    %gt3A_1058 = vector.broadcast %gt3A_1057 : i32 to vector<16xi32>
    %gt3A_1059 = arith.cmpi ugt, %shift_right_logical3A_1056, %gt3A_1058 : vector<16xi32>
    %and3A_1060 = arith.constant 2147483647 : i32
    %and3A_1061 = vector.broadcast %and3A_1060 : i32 to vector<16xi32>
    %and3A_1062 = arith.andi %broadcast_in_dim3A_1053, %and3A_1061 : vector<16xi32>
    %not3A_1063 = arith.constant dense<-1> : vector<16xi32>
    %not3A_1064 = arith.xori %broadcast_in_dim3A_1053, %not3A_1063 : vector<16xi32>
    %select_n3A_1065 = arith.select %gt3A_1059, %and3A_1062, %not3A_1064 : vector<16xi1>, vector<16xi32>
    %bitcast_convert_type3A_1066 = tpu.bitcast %select_n3A_1065 : vector<16xi32> -> vector<16xf32>
    %broadcast_in_dim3A_1067 = arith.constant 0.000000e+00 : f32
    %broadcast_in_dim3A_1068 = vector.broadcast %broadcast_in_dim3A_1067 : f32 to vector<16xf32>
    %parallel_loop3A_1069 = arith.constant 0 : i32
    %parallel_loop3A_1070 = arith.constant 32768 : i32
    %parallel_loop3A_1071 = arith.constant 16 : i32
    scf.for %parallel_loop3A_1448 = %parallel_loop3A_1069 to %parallel_loop3A_1070 step %parallel_loop3A_1071  : i32 {
      %parallel_loop3A_1449 = arith.index_cast %parallel_loop3A_1448 : i32 to index
      %parallel_loop3A_1450 = tpu.vector_load %arg6[%parallel_loop3A_1449] {strides = array<i32>} : memref<32768xf32, #tpu.memory_space<vmem>>, vector<16xf32>,
      %parallel_loop3A_1451 = arith.cmpf oge, %parallel_loop3A_1450, %bitcast_convert_type3A_1066 : vector<16xf32>
      %parallel_loop3A_1452 = arith.select %parallel_loop3A_1451, %parallel_loop3A_1450, %broadcast_in_dim3A_1068 : vector<16xi1>, vector<16xf32>
      %parallel_loop3A_1453 = arith.index_cast %parallel_loop3A_1448 : i32 to index
      %parallel_loop3A_1454 = tpu.vector_load %arg6[%parallel_loop3A_1453] {strides = array<i32>} : memref<32768xf32, #tpu.memory_space<vmem>>, vector<16xf32>,
      tpu.vector_store %arg6[%parallel_loop3A_1453], %parallel_loop3A_1452 {strides = array<i32>} : memref<32768xf32, #tpu.memory_space<vmem>>, vector<16xf32>,
    } {sc.loop_unroll_factor = 8 : i64, sc.parallel_access}
    %add3A_1072 = arith.constant 2 : i32
    %add3A_1073 = arith.addi %mul3A_2, %add3A_1072 : i32
    %dma_start3A_1074 = arith.constant 0 : i32
    %dma_start3A_1075 = tpu.memref_slice %arg3[%add3A_1073, %dma_start3A_1074] : memref<128x32768xf32, #tpu.memory_space<hbm>> -> memref<1x32768xf32, #tpu.memory_space<hbm>>
    %dma_start3A_1076 = tpu.memref_squeeze %dma_start3A_1075 : memref<1x32768xf32, #tpu.memory_space<hbm>> -> memref<32768xf32, #tpu.memory_space<hbm>>
    %dma_start3A_1077 = arith.constant 0 : i32
    %dma_start3A_1078 = tpu.memref_slice %arg3[%add3A_1073, %dma_start3A_1077] : memref<128x32768xf32, #tpu.memory_space<hbm>> -> memref<1x32768xf32, #tpu.memory_space<hbm>>
    %dma_start3A_1079 = tpu.memref_squeeze %dma_start3A_1078 : memref<1x32768xf32, #tpu.memory_space<hbm>> -> memref<32768xf32, #tpu.memory_space<hbm>>
    tpu.enqueue_dma source(%arg6 : memref<32768xf32, #tpu.memory_space<vmem>>) target(%dma_start3A_1079 : memref<32768xf32, #tpu.memory_space<hbm>>) target_semaphore(%arg15 : memref<!tpu.dma_semaphore, #tpu.memory_space<semaphore_mem>>)
    %dma_wait3A_1080 = arith.constant 0 : i32
    %dma_wait3A_1081 = tpu.memref_slice %arg2[%add3A_704, %dma_wait3A_1080] : memref<128x32768xf32, #tpu.memory_space<hbm>> -> memref<1x32768xf32, #tpu.memory_space<hbm>>
    %dma_wait3A_1082 = tpu.memref_squeeze %dma_wait3A_1081 : memref<1x32768xf32, #tpu.memory_space<hbm>> -> memref<32768xf32, #tpu.memory_space<hbm>>
    %dma_wait3A_1083 = arith.constant 0 : i32
    %dma_wait3A_1084 = tpu.memref_slice %arg2[%add3A_704, %dma_wait3A_1083] : memref<128x32768xf32, #tpu.memory_space<hbm>> -> memref<1x32768xf32, #tpu.memory_space<hbm>>
    %dma_wait3A_1085 = tpu.memref_squeeze %dma_wait3A_1084 : memref<1x32768xf32, #tpu.memory_space<hbm>> -> memref<32768xf32, #tpu.memory_space<hbm>>
    tpu.wait_dma2 semaphore(%arg10 : memref<!tpu.dma_semaphore, #tpu.memory_space<semaphore_mem>>) src(%dma_wait3A_1085 : memref<32768xf32, #tpu.memory_space<hbm>>) dst(%arg4 : memref<32768xf32, #tpu.memory_space<vmem>>)
    %parallel_loop3A_1086 = arith.constant 0 : i32
    %parallel_loop3A_1087 = arith.constant 2048 : i32
    %parallel_loop3A_1088 = arith.constant 16 : i32
    scf.for %parallel_loop3A_1448 = %parallel_loop3A_1086 to %parallel_loop3A_1087 step %parallel_loop3A_1088  : i32 {
      %parallel_loop3A_1449 = arith.constant 0 : i32
      %parallel_loop3A_1450 = vector.broadcast %parallel_loop3A_1449 : i32 to vector<16xi32>
      %parallel_loop3A_1451 = arith.index_cast %parallel_loop3A_1448 : i32 to index
      %parallel_loop3A_1452 = tpu.vector_load %arg7[%parallel_loop3A_1451] {strides = array<i32>} : memref<2048xi32, #tpu.memory_space<vmem>>, vector<16xi32>,
      tpu.vector_store %arg7[%parallel_loop3A_1451], %parallel_loop3A_1450 {strides = array<i32>} : memref<2048xi32, #tpu.memory_space<vmem>>, vector<16xi32>,
    } {sc.loop_unroll_factor = 8 : i64, sc.parallel_access}
    %broadcast_in_dim3A_1089 = arith.constant 1 : i32
    %broadcast_in_dim3A_1090 = vector.broadcast %broadcast_in_dim3A_1089 : i32 to vector<16xi32>
    %parallel_loop3A_1091 = arith.constant 0 : i32
    %parallel_loop3A_1092 = arith.constant 32768 : i32
    %parallel_loop3A_1093 = arith.constant 16 : i32
    scf.for %parallel_loop3A_1448 = %parallel_loop3A_1091 to %parallel_loop3A_1092 step %parallel_loop3A_1093  : i32 {
      %parallel_loop3A_1449 = arith.index_cast %parallel_loop3A_1448 : i32 to index
      %parallel_loop3A_1450 = tpu.vector_load %arg4[%parallel_loop3A_1449] {strides = array<i32>} : memref<32768xf32, #tpu.memory_space<vmem>>, vector<16xf32>,
      %parallel_loop3A_1451 = tpu.bitcast %parallel_loop3A_1450 : vector<16xf32> -> vector<16xi32>
      %parallel_loop3A_1452 = arith.constant 31 : i32
      %parallel_loop3A_1453 = vector.broadcast %parallel_loop3A_1452 : i32 to vector<16xi32>
      %parallel_loop3A_1454 = arith.shrui %parallel_loop3A_1451, %parallel_loop3A_1453 : vector<16xi32>
      %parallel_loop3A_1455 = arith.constant 0 : i32
      %parallel_loop3A_1456 = vector.broadcast %parallel_loop3A_1455 : i32 to vector<16xi32>
      %parallel_loop3A_1457 = arith.cmpi ugt, %parallel_loop3A_1454, %parallel_loop3A_1456 : vector<16xi32>
      %parallel_loop3A_1458 = arith.constant dense<-1> : vector<16xi32>
      %parallel_loop3A_1459 = arith.xori %parallel_loop3A_1451, %parallel_loop3A_1458 : vector<16xi32>
      %parallel_loop3A_1460 = arith.constant -2147483648 : i32
      %parallel_loop3A_1461 = vector.broadcast %parallel_loop3A_1460 : i32 to vector<16xi32>
      %parallel_loop3A_1462 = arith.ori %parallel_loop3A_1451, %parallel_loop3A_1461 : vector<16xi32>
      %parallel_loop3A_1463 = arith.select %parallel_loop3A_1457, %parallel_loop3A_1459, %parallel_loop3A_1462 : vector<16xi1>, vector<16xi32>
      %parallel_loop3A_1464 = arith.constant 21 : i32
      %parallel_loop3A_1465 = vector.broadcast %parallel_loop3A_1464 : i32 to vector<16xi32>
      %parallel_loop3A_1466 = arith.shrui %parallel_loop3A_1463, %parallel_loop3A_1465 : vector<16xi32>
      tpu.vector_store_idx %arg7[%parallel_loop3A_1466], %broadcast_in_dim3A_1090 {add = true} : memref<2048xi32, #tpu.memory_space<vmem>>[vector<16xi32>], vector<16xi32>,
    } {sc.loop_unroll_factor = 8 : i64, sc.parallel_access}
    %parallel_loop3A_1094 = arith.constant 0 : i32
    %parallel_loop3A_1095 = arith.constant 8 : i32
    %parallel_loop3A_1096 = arith.constant 1 : i32
    scf.for %parallel_loop3A_1448 = %parallel_loop3A_1094 to %parallel_loop3A_1095 step %parallel_loop3A_1096  : i32 {
      %parallel_loop3A_1449 = arith.constant 0 : i32
      %parallel_loop3A_1450 = vector.broadcast %parallel_loop3A_1449 : i32 to vector<16xi32>
      %parallel_loop3A_1451 = arith.constant 16 : i32
      %parallel_loop3A_1452 = arith.muli %parallel_loop3A_1448, %parallel_loop3A_1451 : i32
      %parallel_loop3A_1453 = arith.index_cast %parallel_loop3A_1452 : i32 to index
      %parallel_loop3A_1454 = tpu.vector_load %arg8[%parallel_loop3A_1453] {strides = array<i32>} : memref<128xi32, #tpu.memory_space<vmem>>, vector<16xi32>,
      tpu.vector_store %arg8[%parallel_loop3A_1453], %parallel_loop3A_1450 {strides = array<i32>} : memref<128xi32, #tpu.memory_space<vmem>>, vector<16xi32>,
    } {sc.loop_unroll_factor = 1 : i64, sc.parallel_access}
    %eq3A_1097 = arith.constant 0 : i32
    %eq3A_1098 = vector.broadcast %eq3A_1097 : i32 to vector<16xi32>
    %eq3A_1099 = arith.cmpi eq, %iota3A, %eq3A_1098 : vector<16xi32>
    %parallel_loop3A_1100 = arith.constant 0 : i32
    %parallel_loop3A_1101 = arith.constant 128 : i32
    %parallel_loop3A_1102 = arith.constant 1 : i32
    scf.for %parallel_loop3A_1448 = %parallel_loop3A_1100 to %parallel_loop3A_1101 step %parallel_loop3A_1102  : i32 {
      %parallel_loop3A_1449 = arith.constant 16 : i32
      %parallel_loop3A_1450 = arith.muli %parallel_loop3A_1448, %parallel_loop3A_1449 : i32
      %parallel_loop3A_1451 = arith.index_cast %parallel_loop3A_1450 : i32 to index
      %parallel_loop3A_1452 = tpu.vector_load %arg7[%parallel_loop3A_1451] {strides = array<i32>} : memref<2048xi32, #tpu.memory_space<vmem>>, vector<16xi32>,
      %parallel_loop3A_1453 = arith.constant true
      %parallel_loop3A_1454 = vector.broadcast %parallel_loop3A_1453 : i1 to vector<16xi1>
      %parallel_loop3A_1455 = tpu.scan <sum>, %parallel_loop3A_1452 masked %parallel_loop3A_1454 : vector<16xi32>, vector<16xi1> -> vector<16xi32>
      %parallel_loop3A_1456 = vector.extract %parallel_loop3A_1455[15] : i32 from vector<16xi32>
      %parallel_loop3A_1457 = vector.broadcast %parallel_loop3A_1456 : i32 to vector<16xi32>
      %parallel_loop3A_1458 = vector.broadcast %parallel_loop3A_1448 : i32 to vector<16xi32>
      tpu.vector_store_idx %arg8[%parallel_loop3A_1458], %parallel_loop3A_1457 masked %eq3A_1099 {add = true} : memref<128xi32, #tpu.memory_space<vmem>>[vector<16xi32>], vector<16xi32>, vector<16xi1>
    } {sc.loop_unroll_factor = 4 : i64, sc.parallel_access}
    %sub3A_1103 = arith.constant 32768 : i32
    %sub3A_1104 = arith.constant 64 : i32
    %sub3A_1105 = arith.subi %sub3A_1103, %sub3A_1104 : i32
    %get3A_1106 = arith.constant 0 : index
    %get3A_1107 = tpu.vector_load %arg8[%get3A_1106] {strides = array<i32>} : memref<128xi32, #tpu.memory_space<vmem>>, vector<16xi32>,
    %broadcast_in_dim3A_1108 = arith.constant true
    %broadcast_in_dim3A_1109 = vector.broadcast %broadcast_in_dim3A_1108 : i1 to vector<16xi1>
    %masked_cumsum3A_1110 = tpu.scan <sum>, %get3A_1107 masked %broadcast_in_dim3A_1109 : vector<16xi32>, vector<16xi1> -> vector<16xi32>
    %add3A_1111 = arith.constant 0 : i32
    %add3A_1112 = vector.broadcast %add3A_1111 : i32 to vector<16xi32>
    %add3A_1113 = arith.addi %add3A_1112, %masked_cumsum3A_1110 : vector<16xi32>
    %sub3A_1114 = arith.subi %add3A_1113, %get3A_1107 : vector<16xi32>
    %le3A_1115 = vector.broadcast %sub3A_1105 : i32 to vector<16xi32>
    %le3A_1116 = arith.cmpi sle, %sub3A_1114, %le3A_1115 : vector<16xi32>
    %all_reduce_population_count3A_1117 = tpu.all_reduce %le3A_1116 {dim = 0 : i64, kind = #tpu.reduction_kind<sum>} : vector<16xi1> -> vector<16xi32>
    %slice3A_1118 = vector.extract_strided_slice %all_reduce_population_count3A_1117 {offsets = [0], sizes = [1], strides = [1]} : vector<16xi32> to vector<1xi32>
    %squeeze3A_1119 = vector.extract %slice3A_1118[0] : i32 from vector<1xi32>
    %add3A_1120 = arith.constant 0 : i32
    %add3A_1121 = arith.addi %add3A_1120, %squeeze3A_1119 : i32
    %slice3A_1122 = vector.extract_strided_slice %masked_cumsum3A_1110 {offsets = [15], sizes = [1], strides = [1]} : vector<16xi32> to vector<1xi32>
    %squeeze3A_1123 = vector.extract %slice3A_1122[0] : i32 from vector<1xi32>
    %add3A_1124 = arith.constant 0 : i32
    %add3A_1125 = arith.addi %add3A_1124, %squeeze3A_1123 : i32
    %get3A_1126 = arith.constant 16 : index
    %get3A_1127 = tpu.vector_load %arg8[%get3A_1126] {strides = array<i32>} : memref<128xi32, #tpu.memory_space<vmem>>, vector<16xi32>,
    %broadcast_in_dim3A_1128 = arith.constant true
    %broadcast_in_dim3A_1129 = vector.broadcast %broadcast_in_dim3A_1128 : i1 to vector<16xi1>
    %masked_cumsum3A_1130 = tpu.scan <sum>, %get3A_1127 masked %broadcast_in_dim3A_1129 : vector<16xi32>, vector<16xi1> -> vector<16xi32>
    %add3A_1131 = vector.broadcast %add3A_1125 : i32 to vector<16xi32>
    %add3A_1132 = arith.addi %add3A_1131, %masked_cumsum3A_1130 : vector<16xi32>
    %sub3A_1133 = arith.subi %add3A_1132, %get3A_1127 : vector<16xi32>
    %le3A_1134 = vector.broadcast %sub3A_1105 : i32 to vector<16xi32>
    %le3A_1135 = arith.cmpi sle, %sub3A_1133, %le3A_1134 : vector<16xi32>
    %all_reduce_population_count3A_1136 = tpu.all_reduce %le3A_1135 {dim = 0 : i64, kind = #tpu.reduction_kind<sum>} : vector<16xi1> -> vector<16xi32>
    %slice3A_1137 = vector.extract_strided_slice %all_reduce_population_count3A_1136 {offsets = [0], sizes = [1], strides = [1]} : vector<16xi32> to vector<1xi32>
    %squeeze3A_1138 = vector.extract %slice3A_1137[0] : i32 from vector<1xi32>
    %add3A_1139 = arith.addi %add3A_1121, %squeeze3A_1138 : i32
    %slice3A_1140 = vector.extract_strided_slice %masked_cumsum3A_1130 {offsets = [15], sizes = [1], strides = [1]} : vector<16xi32> to vector<1xi32>
    %squeeze3A_1141 = vector.extract %slice3A_1140[0] : i32 from vector<1xi32>
    %add3A_1142 = arith.addi %add3A_1125, %squeeze3A_1141 : i32
    %get3A_1143 = arith.constant 32 : index
    %get3A_1144 = tpu.vector_load %arg8[%get3A_1143] {strides = array<i32>} : memref<128xi32, #tpu.memory_space<vmem>>, vector<16xi32>,
    %broadcast_in_dim3A_1145 = arith.constant true
    %broadcast_in_dim3A_1146 = vector.broadcast %broadcast_in_dim3A_1145 : i1 to vector<16xi1>
    %masked_cumsum3A_1147 = tpu.scan <sum>, %get3A_1144 masked %broadcast_in_dim3A_1146 : vector<16xi32>, vector<16xi1> -> vector<16xi32>
    %add3A_1148 = vector.broadcast %add3A_1142 : i32 to vector<16xi32>
    %add3A_1149 = arith.addi %add3A_1148, %masked_cumsum3A_1147 : vector<16xi32>
    %sub3A_1150 = arith.subi %add3A_1149, %get3A_1144 : vector<16xi32>
    %le3A_1151 = vector.broadcast %sub3A_1105 : i32 to vector<16xi32>
    %le3A_1152 = arith.cmpi sle, %sub3A_1150, %le3A_1151 : vector<16xi32>
    %all_reduce_population_count3A_1153 = tpu.all_reduce %le3A_1152 {dim = 0 : i64, kind = #tpu.reduction_kind<sum>} : vector<16xi1> -> vector<16xi32>
    %slice3A_1154 = vector.extract_strided_slice %all_reduce_population_count3A_1153 {offsets = [0], sizes = [1], strides = [1]} : vector<16xi32> to vector<1xi32>
    %squeeze3A_1155 = vector.extract %slice3A_1154[0] : i32 from vector<1xi32>
    %add3A_1156 = arith.addi %add3A_1139, %squeeze3A_1155 : i32
    %slice3A_1157 = vector.extract_strided_slice %masked_cumsum3A_1147 {offsets = [15], sizes = [1], strides = [1]} : vector<16xi32> to vector<1xi32>
    %squeeze3A_1158 = vector.extract %slice3A_1157[0] : i32 from vector<1xi32>
    %add3A_1159 = arith.addi %add3A_1142, %squeeze3A_1158 : i32
    %get3A_1160 = arith.constant 48 : index
    %get3A_1161 = tpu.vector_load %arg8[%get3A_1160] {strides = array<i32>} : memref<128xi32, #tpu.memory_space<vmem>>, vector<16xi32>,
    %broadcast_in_dim3A_1162 = arith.constant true
    %broadcast_in_dim3A_1163 = vector.broadcast %broadcast_in_dim3A_1162 : i1 to vector<16xi1>
    %masked_cumsum3A_1164 = tpu.scan <sum>, %get3A_1161 masked %broadcast_in_dim3A_1163 : vector<16xi32>, vector<16xi1> -> vector<16xi32>
    %add3A_1165 = vector.broadcast %add3A_1159 : i32 to vector<16xi32>
    %add3A_1166 = arith.addi %add3A_1165, %masked_cumsum3A_1164 : vector<16xi32>
    %sub3A_1167 = arith.subi %add3A_1166, %get3A_1161 : vector<16xi32>
    %le3A_1168 = vector.broadcast %sub3A_1105 : i32 to vector<16xi32>
    %le3A_1169 = arith.cmpi sle, %sub3A_1167, %le3A_1168 : vector<16xi32>
    %all_reduce_population_count3A_1170 = tpu.all_reduce %le3A_1169 {dim = 0 : i64, kind = #tpu.reduction_kind<sum>} : vector<16xi1> -> vector<16xi32>
    %slice3A_1171 = vector.extract_strided_slice %all_reduce_population_count3A_1170 {offsets = [0], sizes = [1], strides = [1]} : vector<16xi32> to vector<1xi32>
    %squeeze3A_1172 = vector.extract %slice3A_1171[0] : i32 from vector<1xi32>
    %add3A_1173 = arith.addi %add3A_1156, %squeeze3A_1172 : i32
    %slice3A_1174 = vector.extract_strided_slice %masked_cumsum3A_1164 {offsets = [15], sizes = [1], strides = [1]} : vector<16xi32> to vector<1xi32>
    %squeeze3A_1175 = vector.extract %slice3A_1174[0] : i32 from vector<1xi32>
    %add3A_1176 = arith.addi %add3A_1159, %squeeze3A_1175 : i32
    %get3A_1177 = arith.constant 64 : index
    %get3A_1178 = tpu.vector_load %arg8[%get3A_1177] {strides = array<i32>} : memref<128xi32, #tpu.memory_space<vmem>>, vector<16xi32>,
    %broadcast_in_dim3A_1179 = arith.constant true
    %broadcast_in_dim3A_1180 = vector.broadcast %broadcast_in_dim3A_1179 : i1 to vector<16xi1>
    %masked_cumsum3A_1181 = tpu.scan <sum>, %get3A_1178 masked %broadcast_in_dim3A_1180 : vector<16xi32>, vector<16xi1> -> vector<16xi32>
    %add3A_1182 = vector.broadcast %add3A_1176 : i32 to vector<16xi32>
    %add3A_1183 = arith.addi %add3A_1182, %masked_cumsum3A_1181 : vector<16xi32>
    %sub3A_1184 = arith.subi %add3A_1183, %get3A_1178 : vector<16xi32>
    %le3A_1185 = vector.broadcast %sub3A_1105 : i32 to vector<16xi32>
    %le3A_1186 = arith.cmpi sle, %sub3A_1184, %le3A_1185 : vector<16xi32>
    %all_reduce_population_count3A_1187 = tpu.all_reduce %le3A_1186 {dim = 0 : i64, kind = #tpu.reduction_kind<sum>} : vector<16xi1> -> vector<16xi32>
    %slice3A_1188 = vector.extract_strided_slice %all_reduce_population_count3A_1187 {offsets = [0], sizes = [1], strides = [1]} : vector<16xi32> to vector<1xi32>
    %squeeze3A_1189 = vector.extract %slice3A_1188[0] : i32 from vector<1xi32>
    %add3A_1190 = arith.addi %add3A_1173, %squeeze3A_1189 : i32
    %slice3A_1191 = vector.extract_strided_slice %masked_cumsum3A_1181 {offsets = [15], sizes = [1], strides = [1]} : vector<16xi32> to vector<1xi32>
    %squeeze3A_1192 = vector.extract %slice3A_1191[0] : i32 from vector<1xi32>
    %add3A_1193 = arith.addi %add3A_1176, %squeeze3A_1192 : i32
    %get3A_1194 = arith.constant 80 : index
    %get3A_1195 = tpu.vector_load %arg8[%get3A_1194] {strides = array<i32>} : memref<128xi32, #tpu.memory_space<vmem>>, vector<16xi32>,
    %broadcast_in_dim3A_1196 = arith.constant true
    %broadcast_in_dim3A_1197 = vector.broadcast %broadcast_in_dim3A_1196 : i1 to vector<16xi1>
    %masked_cumsum3A_1198 = tpu.scan <sum>, %get3A_1195 masked %broadcast_in_dim3A_1197 : vector<16xi32>, vector<16xi1> -> vector<16xi32>
    %add3A_1199 = vector.broadcast %add3A_1193 : i32 to vector<16xi32>
    %add3A_1200 = arith.addi %add3A_1199, %masked_cumsum3A_1198 : vector<16xi32>
    %sub3A_1201 = arith.subi %add3A_1200, %get3A_1195 : vector<16xi32>
    %le3A_1202 = vector.broadcast %sub3A_1105 : i32 to vector<16xi32>
    %le3A_1203 = arith.cmpi sle, %sub3A_1201, %le3A_1202 : vector<16xi32>
    %all_reduce_population_count3A_1204 = tpu.all_reduce %le3A_1203 {dim = 0 : i64, kind = #tpu.reduction_kind<sum>} : vector<16xi1> -> vector<16xi32>
    %slice3A_1205 = vector.extract_strided_slice %all_reduce_population_count3A_1204 {offsets = [0], sizes = [1], strides = [1]} : vector<16xi32> to vector<1xi32>
    %squeeze3A_1206 = vector.extract %slice3A_1205[0] : i32 from vector<1xi32>
    %add3A_1207 = arith.addi %add3A_1190, %squeeze3A_1206 : i32
    %slice3A_1208 = vector.extract_strided_slice %masked_cumsum3A_1198 {offsets = [15], sizes = [1], strides = [1]} : vector<16xi32> to vector<1xi32>
    %squeeze3A_1209 = vector.extract %slice3A_1208[0] : i32 from vector<1xi32>
    %add3A_1210 = arith.addi %add3A_1193, %squeeze3A_1209 : i32
    %get3A_1211 = arith.constant 96 : index
    %get3A_1212 = tpu.vector_load %arg8[%get3A_1211] {strides = array<i32>} : memref<128xi32, #tpu.memory_space<vmem>>, vector<16xi32>,
    %broadcast_in_dim3A_1213 = arith.constant true
    %broadcast_in_dim3A_1214 = vector.broadcast %broadcast_in_dim3A_1213 : i1 to vector<16xi1>
    %masked_cumsum3A_1215 = tpu.scan <sum>, %get3A_1212 masked %broadcast_in_dim3A_1214 : vector<16xi32>, vector<16xi1> -> vector<16xi32>
    %add3A_1216 = vector.broadcast %add3A_1210 : i32 to vector<16xi32>
    %add3A_1217 = arith.addi %add3A_1216, %masked_cumsum3A_1215 : vector<16xi32>
    %sub3A_1218 = arith.subi %add3A_1217, %get3A_1212 : vector<16xi32>
    %le3A_1219 = vector.broadcast %sub3A_1105 : i32 to vector<16xi32>
    %le3A_1220 = arith.cmpi sle, %sub3A_1218, %le3A_1219 : vector<16xi32>
    %all_reduce_population_count3A_1221 = tpu.all_reduce %le3A_1220 {dim = 0 : i64, kind = #tpu.reduction_kind<sum>} : vector<16xi1> -> vector<16xi32>
    %slice3A_1222 = vector.extract_strided_slice %all_reduce_population_count3A_1221 {offsets = [0], sizes = [1], strides = [1]} : vector<16xi32> to vector<1xi32>
    %squeeze3A_1223 = vector.extract %slice3A_1222[0] : i32 from vector<1xi32>
    %add3A_1224 = arith.addi %add3A_1207, %squeeze3A_1223 : i32
    %slice3A_1225 = vector.extract_strided_slice %masked_cumsum3A_1215 {offsets = [15], sizes = [1], strides = [1]} : vector<16xi32> to vector<1xi32>
    %squeeze3A_1226 = vector.extract %slice3A_1225[0] : i32 from vector<1xi32>
    %add3A_1227 = arith.addi %add3A_1210, %squeeze3A_1226 : i32
    %get3A_1228 = arith.constant 112 : index
    %get3A_1229 = tpu.vector_load %arg8[%get3A_1228] {strides = array<i32>} : memref<128xi32, #tpu.memory_space<vmem>>, vector<16xi32>,
    %broadcast_in_dim3A_1230 = arith.constant true
    %broadcast_in_dim3A_1231 = vector.broadcast %broadcast_in_dim3A_1230 : i1 to vector<16xi1>
    %masked_cumsum3A_1232 = tpu.scan <sum>, %get3A_1229 masked %broadcast_in_dim3A_1231 : vector<16xi32>, vector<16xi1> -> vector<16xi32>
    %add3A_1233 = vector.broadcast %add3A_1227 : i32 to vector<16xi32>
    %add3A_1234 = arith.addi %add3A_1233, %masked_cumsum3A_1232 : vector<16xi32>
    %sub3A_1235 = arith.subi %add3A_1234, %get3A_1229 : vector<16xi32>
    %le3A_1236 = vector.broadcast %sub3A_1105 : i32 to vector<16xi32>
    %le3A_1237 = arith.cmpi sle, %sub3A_1235, %le3A_1236 : vector<16xi32>
    %all_reduce_population_count3A_1238 = tpu.all_reduce %le3A_1237 {dim = 0 : i64, kind = #tpu.reduction_kind<sum>} : vector<16xi1> -> vector<16xi32>
    %slice3A_1239 = vector.extract_strided_slice %all_reduce_population_count3A_1238 {offsets = [0], sizes = [1], strides = [1]} : vector<16xi32> to vector<1xi32>
    %squeeze3A_1240 = vector.extract %slice3A_1239[0] : i32 from vector<1xi32>
    %add3A_1241 = arith.addi %add3A_1224, %squeeze3A_1240 : i32
    %slice3A_1242 = vector.extract_strided_slice %masked_cumsum3A_1232 {offsets = [15], sizes = [1], strides = [1]} : vector<16xi32> to vector<1xi32>
    %squeeze3A_1243 = vector.extract %slice3A_1242[0] : i32 from vector<1xi32>
    %add3A_1244 = arith.addi %add3A_1227, %squeeze3A_1243 : i32
    %sub3A_1245 = arith.constant 1 : i32
    %sub3A_1246 = arith.subi %add3A_1241, %sub3A_1245 : i32
    %jit3A_1247 = arith.constant 16 : i32
    %div3A_1248 = arith.divsi %sub3A_1246, %jit3A_1247 : i32
    %sign3A_1249 = arith.constant 0 : i32
    %sign3A_1250 = arith.cmpi sgt, %sub3A_1246, %sign3A_1249 : i32
    %sign3A_1251 = arith.extui %sign3A_1250 : i1 to i32
    %sign3A_1252 = arith.constant 0 : i32
    %sign3A_1253 = arith.cmpi slt, %sub3A_1246, %sign3A_1252 : i32
    %sign3A_1254 = arith.extui %sign3A_1253 : i1 to i32
    %sign3A_1255 = arith.subi %sign3A_1251, %sign3A_1254 : i32
    %sign3A_1256 = arith.constant 0 : i32
    %sign3A_1257 = arith.cmpi sgt, %jit3A_1247, %sign3A_1256 : i32
    %sign3A_1258 = arith.extui %sign3A_1257 : i1 to i32
    %sign3A_1259 = arith.constant 0 : i32
    %sign3A_1260 = arith.cmpi slt, %jit3A_1247, %sign3A_1259 : i32
    %sign3A_1261 = arith.extui %sign3A_1260 : i1 to i32
    %sign3A_1262 = arith.subi %sign3A_1258, %sign3A_1261 : i32
    %ne3A_1263 = arith.cmpi ne, %sign3A_1255, %sign3A_1262 : i32
    %rem3A_1264 = arith.remsi %sub3A_1246, %jit3A_1247 : i32
    %ne3A_1265 = arith.constant 0 : i32
    %ne3A_1266 = arith.cmpi ne, %rem3A_1264, %ne3A_1265 : i32
    %and3A_1267 = arith.andi %ne3A_1263, %ne3A_1266 : i1
    %sub3A_1268 = arith.constant 1 : i32
    %sub3A_1269 = arith.subi %div3A_1248, %sub3A_1268 : i32
    %select_n3A_1270 = arith.select %and3A_1267, %sub3A_1269, %div3A_1248 : i32
    %jit3A_1271 = arith.constant 16 : i32
    %eq3A_1272 = arith.constant 0 : i32
    %eq3A_1273 = arith.cmpi eq, %jit3A_1271, %eq3A_1272 : i32
    %jit3A_1274 = arith.constant 1 : i32
    %select_n3A_1275 = arith.select %eq3A_1273, %jit3A_1274, %jit3A_1271 : i32
    %rem3A_1276 = arith.remsi %sub3A_1246, %select_n3A_1275 : i32
    %ne3A_1277 = arith.constant 0 : i32
    %ne3A_1278 = arith.cmpi ne, %rem3A_1276, %ne3A_1277 : i32
    %lt3A_1279 = arith.constant 0 : i32
    %lt3A_1280 = arith.cmpi slt, %rem3A_1276, %lt3A_1279 : i32
    %lt3A_1281 = arith.constant 0 : i32
    %lt3A_1282 = arith.cmpi slt, %select_n3A_1275, %lt3A_1281 : i32
    %ne3A_1283 = arith.xori %lt3A_1280, %lt3A_1282 : i1
    %and3A_1284 = arith.andi %ne3A_1283, %ne3A_1278 : i1
    %add3A_1285 = arith.addi %rem3A_1276, %select_n3A_1275 : i32
    %select_n3A_1286 = arith.select %and3A_1284, %add3A_1285, %rem3A_1276 : i32
    %eq3A_1287 = arith.constant 0 : i32
    %eq3A_1288 = arith.cmpi eq, %select_n3A_1270, %eq3A_1287 : i32
    %jit3A_1289 = arith.constant 0 : i32
    %jit3A_1290 = arith.constant 0 : i32
    %select_n3A_1291 = arith.select %eq3A_1288, %jit3A_1289, %jit3A_1290 : i32
    %eq3A_1292 = arith.constant 1 : i32
    %eq3A_1293 = arith.cmpi eq, %select_n3A_1270, %eq3A_1292 : i32
    %select_n3A_1294 = arith.select %eq3A_1293, %add3A_1125, %select_n3A_1291 : i32
    %eq3A_1295 = arith.constant 2 : i32
    %eq3A_1296 = arith.cmpi eq, %select_n3A_1270, %eq3A_1295 : i32
    %select_n3A_1297 = arith.select %eq3A_1296, %add3A_1142, %select_n3A_1294 : i32
    %eq3A_1298 = arith.constant 3 : i32
    %eq3A_1299 = arith.cmpi eq, %select_n3A_1270, %eq3A_1298 : i32
    %select_n3A_1300 = arith.select %eq3A_1299, %add3A_1159, %select_n3A_1297 : i32
    %eq3A_1301 = arith.constant 4 : i32
    %eq3A_1302 = arith.cmpi eq, %select_n3A_1270, %eq3A_1301 : i32
    %select_n3A_1303 = arith.select %eq3A_1302, %add3A_1176, %select_n3A_1300 : i32
    %eq3A_1304 = arith.constant 5 : i32
    %eq3A_1305 = arith.cmpi eq, %select_n3A_1270, %eq3A_1304 : i32
    %select_n3A_1306 = arith.select %eq3A_1305, %add3A_1193, %select_n3A_1303 : i32
    %eq3A_1307 = arith.constant 6 : i32
    %eq3A_1308 = arith.cmpi eq, %select_n3A_1270, %eq3A_1307 : i32
    %select_n3A_1309 = arith.select %eq3A_1308, %add3A_1210, %select_n3A_1306 : i32
    %eq3A_1310 = arith.constant 7 : i32
    %eq3A_1311 = arith.cmpi eq, %select_n3A_1270, %eq3A_1310 : i32
    %select_n3A_1312 = arith.select %eq3A_1311, %add3A_1227, %select_n3A_1309 : i32
    %mul3A_1313 = arith.constant 16 : i32
    %mul3A_1314 = arith.muli %select_n3A_1270, %mul3A_1313 : i32
    %get3A_1315 = arith.index_cast %mul3A_1314 : i32 to index
    %get3A_1316 = tpu.vector_load %arg8[%get3A_1315] {strides = array<i32>} : memref<128xi32, #tpu.memory_space<vmem>>, vector<16xi32>,
    %broadcast_in_dim3A_1317 = arith.constant true
    %broadcast_in_dim3A_1318 = vector.broadcast %broadcast_in_dim3A_1317 : i1 to vector<16xi1>
    %masked_cumsum3A_1319 = tpu.scan <sum>, %get3A_1316 masked %broadcast_in_dim3A_1318 : vector<16xi32>, vector<16xi1> -> vector<16xi32>
    %add3A_1320 = vector.broadcast %select_n3A_1312 : i32 to vector<16xi32>
    %add3A_1321 = arith.addi %add3A_1320, %masked_cumsum3A_1319 : vector<16xi32>
    %sub3A_1322 = arith.subi %add3A_1321, %get3A_1316 : vector<16xi32>
    %eq3A_1323 = vector.broadcast %select_n3A_1286 : i32 to vector<16xi32>
    %eq3A_1324 = arith.cmpi eq, %iota3A, %eq3A_1323 : vector<16xi32>
    %jit3A_1325 = arith.constant 0 : i32
    %broadcast_in_dim3A_1326 = vector.broadcast %jit3A_1325 : i32 to vector<16xi32>
    %select_n3A_1327 = arith.select %eq3A_1324, %sub3A_1322, %broadcast_in_dim3A_1326 : vector<16xi1>, vector<16xi32>
    %reduce_sum3A_1328 = arith.constant true
    %reduce_sum3A_1329 = vector.broadcast %reduce_sum3A_1328 : i1 to vector<16xi1>
    %reduce_sum3A_1330 = tpu.scan <sum>, %select_n3A_1327 masked %reduce_sum3A_1329 : vector<16xi32>, vector<16xi1> -> vector<16xi32>
    %reduce_sum3A_1331 = vector.extract %reduce_sum3A_1330[15] : i32 from vector<16xi32>
    %mul3A_1332 = arith.constant 16 : i32
    %mul3A_1333 = arith.muli %sub3A_1246, %mul3A_1332 : i32
    %get3A_1334 = arith.index_cast %mul3A_1333 : i32 to index
    %get3A_1335 = tpu.vector_load %arg7[%get3A_1334] {strides = array<i32>} : memref<2048xi32, #tpu.memory_space<vmem>>, vector<16xi32>,
    %broadcast_in_dim3A_1336 = arith.constant true
    %broadcast_in_dim3A_1337 = vector.broadcast %broadcast_in_dim3A_1336 : i1 to vector<16xi1>
    %masked_cumsum3A_1338 = tpu.scan <sum>, %get3A_1335 masked %broadcast_in_dim3A_1337 : vector<16xi32>, vector<16xi1> -> vector<16xi32>
    %add3A_1339 = vector.broadcast %reduce_sum3A_1331 : i32 to vector<16xi32>
    %add3A_1340 = arith.addi %add3A_1339, %masked_cumsum3A_1338 : vector<16xi32>
    %sub3A_1341 = arith.subi %add3A_1340, %get3A_1335 : vector<16xi32>
    %le3A_1342 = vector.broadcast %sub3A_1105 : i32 to vector<16xi32>
    %le3A_1343 = arith.cmpi sle, %sub3A_1341, %le3A_1342 : vector<16xi32>
    %all_reduce_population_count3A_1344 = tpu.all_reduce %le3A_1343 {dim = 0 : i64, kind = #tpu.reduction_kind<sum>} : vector<16xi1> -> vector<16xi32>
    %slice3A_1345 = vector.extract_strided_slice %all_reduce_population_count3A_1344 {offsets = [0], sizes = [1], strides = [1]} : vector<16xi32> to vector<1xi32>
    %squeeze3A_1346 = vector.extract %slice3A_1345[0] : i32 from vector<1xi32>
    %sub3A_1347 = arith.constant 1 : i32
    %sub3A_1348 = arith.subi %squeeze3A_1346, %sub3A_1347 : i32
    %eq3A_1349 = vector.broadcast %sub3A_1348 : i32 to vector<16xi32>
    %eq3A_1350 = arith.cmpi eq, %iota3A, %eq3A_1349 : vector<16xi32>
    %jit3A_1351 = arith.constant 0 : i32
    %broadcast_in_dim3A_1352 = vector.broadcast %jit3A_1351 : i32 to vector<16xi32>
    %select_n3A_1353 = arith.select %eq3A_1350, %get3A_1335, %broadcast_in_dim3A_1352 : vector<16xi1>, vector<16xi32>
    %reduce_sum3A_1354 = arith.constant true
    %reduce_sum3A_1355 = vector.broadcast %reduce_sum3A_1354 : i1 to vector<16xi1>
    %reduce_sum3A_1356 = tpu.scan <sum>, %select_n3A_1353 masked %reduce_sum3A_1355 : vector<16xi32>, vector<16xi1> -> vector<16xi32>
    %reduce_sum3A_1357 = vector.extract %reduce_sum3A_1356[15] : i32 from vector<16xi32>
    %eq3A_1358 = vector.broadcast %sub3A_1348 : i32 to vector<16xi32>
    %eq3A_1359 = arith.cmpi eq, %iota3A, %eq3A_1358 : vector<16xi32>
    %jit3A_1360 = arith.constant 0 : i32
    %broadcast_in_dim3A_1361 = vector.broadcast %jit3A_1360 : i32 to vector<16xi32>
    %select_n3A_1362 = arith.select %eq3A_1359, %sub3A_1341, %broadcast_in_dim3A_1361 : vector<16xi1>, vector<16xi32>
    %reduce_sum3A_1363 = arith.constant true
    %reduce_sum3A_1364 = vector.broadcast %reduce_sum3A_1363 : i1 to vector<16xi1>
    %reduce_sum3A_1365 = tpu.scan <sum>, %select_n3A_1362 masked %reduce_sum3A_1364 : vector<16xi32>, vector<16xi1> -> vector<16xi32>
    %reduce_sum3A_1366 = vector.extract %reduce_sum3A_1365[15] : i32 from vector<16xi32>
    %mul3A_1367 = arith.constant 16 : i32
    %mul3A_1368 = arith.muli %sub3A_1246, %mul3A_1367 : i32
    %add3A_1369 = arith.addi %mul3A_1368, %sub3A_1348 : i32
    %sub3A_1370 = arith.constant 32768 : i32
    %sub3A_1371 = arith.subi %sub3A_1370, %reduce_sum3A_1366 : i32
    %sub3A_1372 = arith.subi %sub3A_1371, %reduce_sum3A_1357 : i32
    %sub3A_1373 = arith.constant 64 : i32
    %sub3A_1374 = arith.subi %sub3A_1373, %sub3A_1372 : i32
    %broadcast_in_dim3A_1375 = arith.constant 4096 : i32
    %broadcast_in_dim3A_1376 = vector.broadcast %broadcast_in_dim3A_1375 : i32 to vector<16xi32>
    %broadcast_in_dim3A_1377 = arith.constant 0 : i32
    %broadcast_in_dim3A_1378 = vector.broadcast %broadcast_in_dim3A_1377 : i32 to vector<16xi32>
    %parallel_loop3A_1379 = arith.constant 0 : i32
    %parallel_loop3A_1380 = arith.constant 32768 : i32
    %parallel_loop3A_1381 = arith.constant 16 : i32
    %parallel_loop3A_1382 = arith.constant 2097151 : i32
    %parallel_loop3A_1383 = scf.for %parallel_loop3A_1448 = %parallel_loop3A_1379 to %parallel_loop3A_1380 step %parallel_loop3A_1381 iter_args(%parallel_loop3A_1449 = %broadcast_in_dim3A_1378) -> (vector<16xi32>)  : i32 {
      %parallel_loop3A_1450 = arith.index_cast %parallel_loop3A_1448 : i32 to index
      %parallel_loop3A_1451 = tpu.vector_load %arg4[%parallel_loop3A_1450] {strides = array<i32>} : memref<32768xf32, #tpu.memory_space<vmem>>, vector<16xf32>,
      %parallel_loop3A_1452 = tpu.bitcast %parallel_loop3A_1451 : vector<16xf32> -> vector<16xi32>
      %parallel_loop3A_1453 = arith.constant 31 : i32
      %parallel_loop3A_1454 = vector.broadcast %parallel_loop3A_1453 : i32 to vector<16xi32>
      %parallel_loop3A_1455 = arith.shrui %parallel_loop3A_1452, %parallel_loop3A_1454 : vector<16xi32>
      %parallel_loop3A_1456 = arith.constant 0 : i32
      %parallel_loop3A_1457 = vector.broadcast %parallel_loop3A_1456 : i32 to vector<16xi32>
      %parallel_loop3A_1458 = arith.cmpi ugt, %parallel_loop3A_1455, %parallel_loop3A_1457 : vector<16xi32>
      %parallel_loop3A_1459 = arith.constant dense<-1> : vector<16xi32>
      %parallel_loop3A_1460 = arith.xori %parallel_loop3A_1452, %parallel_loop3A_1459 : vector<16xi32>
      %parallel_loop3A_1461 = arith.constant -2147483648 : i32
      %parallel_loop3A_1462 = vector.broadcast %parallel_loop3A_1461 : i32 to vector<16xi32>
      %parallel_loop3A_1463 = arith.ori %parallel_loop3A_1452, %parallel_loop3A_1462 : vector<16xi32>
      %parallel_loop3A_1464 = arith.select %parallel_loop3A_1458, %parallel_loop3A_1460, %parallel_loop3A_1463 : vector<16xi1>, vector<16xi32>
      %parallel_loop3A_1465 = arith.constant 21 : i32
      %parallel_loop3A_1466 = vector.broadcast %parallel_loop3A_1465 : i32 to vector<16xi32>
      %parallel_loop3A_1467 = arith.shrui %parallel_loop3A_1464, %parallel_loop3A_1466 : vector<16xi32>
      %parallel_loop3A_1468 = vector.broadcast %add3A_1369 : i32 to vector<16xi32>
      %parallel_loop3A_1469 = arith.cmpi eq, %parallel_loop3A_1467, %parallel_loop3A_1468 : vector<16xi32>
      %parallel_loop3A_1470 = vector.broadcast %parallel_loop3A_1382 : i32 to vector<16xi32>
      %parallel_loop3A_1471 = arith.andi %parallel_loop3A_1464, %parallel_loop3A_1470 : vector<16xi32>
      %parallel_loop3A_1472 = arith.extui %parallel_loop3A_1469 : vector<16xi1> to vector<16xi32>
      %parallel_loop3A_1473 = arith.constant true
      %parallel_loop3A_1474 = vector.broadcast %parallel_loop3A_1473 : i1 to vector<16xi1>
      %parallel_loop3A_1475 = tpu.scan <sum>, %parallel_loop3A_1472 masked %parallel_loop3A_1474 : vector<16xi32>, vector<16xi1> -> vector<16xi32>
      %parallel_loop3A_1476 = arith.subi %parallel_loop3A_1475, %parallel_loop3A_1472 : vector<16xi32>
      %parallel_loop3A_1477 = arith.addi %parallel_loop3A_1449, %parallel_loop3A_1476 : vector<16xi32>
      %parallel_loop3A_1478 = arith.minsi %parallel_loop3A_1477, %broadcast_in_dim3A_1376 : vector<16xi32>
      tpu.vector_store_idx %arg9[%parallel_loop3A_1478], %parallel_loop3A_1471 masked %parallel_loop3A_1469 : memref<4128xi32, #tpu.memory_space<vmem>>[vector<16xi32>], vector<16xi32>, vector<16xi1>
      %parallel_loop3A_1479 = tpu.all_reduce %parallel_loop3A_1469 {dim = 0 : i64, kind = #tpu.reduction_kind<sum>} : vector<16xi1> -> vector<16xi32>
      %parallel_loop3A_1480 = arith.addi %parallel_loop3A_1449, %parallel_loop3A_1479 : vector<16xi32>
      scf.yield %parallel_loop3A_1480 : vector<16xi32>
    } {sc.loop_unroll_factor = 4 : i64, sc.parallel_access}
    %eq3A_1384 = arith.constant 0 : i32
    %eq3A_1385 = vector.broadcast %eq3A_1384 : i32 to vector<16xi32>
    %eq3A_1386 = arith.cmpi eq, %iota3A, %eq3A_1385 : vector<16xi32>
    %jit3A_1387 = arith.constant 0 : i32
    %broadcast_in_dim3A_1388 = vector.broadcast %jit3A_1387 : i32 to vector<16xi32>
    %select_n3A_1389 = arith.select %eq3A_1386, %parallel_loop3A_1383, %broadcast_in_dim3A_1388 : vector<16xi1>, vector<16xi32>
    %reduce_sum3A_1390 = arith.constant true
    %reduce_sum3A_1391 = vector.broadcast %reduce_sum3A_1390 : i1 to vector<16xi1>
    %reduce_sum3A_1392 = tpu.scan <sum>, %select_n3A_1389 masked %reduce_sum3A_1391 : vector<16xi32>, vector<16xi1> -> vector<16xi32>
    %reduce_sum3A_1393 = vector.extract %reduce_sum3A_1392[15] : i32 from vector<16xi32>
    %min3A_1394 = arith.constant 4096 : i32
    %min3A_1395 = arith.minsi %reduce_sum3A_1393, %min3A_1394 : i32
    %broadcast_in_dim3A_1396 = arith.constant 0 : i32
    %broadcast_in_dim3A_1397 = vector.broadcast %broadcast_in_dim3A_1396 : i32 to vector<16xi32>
    %swap3A_1398 = arith.index_cast %min3A_1395 : i32 to index
    %swap3A_1399 = tpu.vector_load %arg9[%swap3A_1398] {strides = array<i32>} : memref<4128xi32, #tpu.memory_space<vmem>>, vector<16xi32>,
    tpu.vector_store %arg9[%swap3A_1398], %broadcast_in_dim3A_1397 {strides = array<i32>} : memref<4128xi32, #tpu.memory_space<vmem>>, vector<16xi32>,
    %le3A_1400 = arith.constant 4096 : i32
    %le3A_1401 = arith.cmpi sle, %reduce_sum3A_1393, %le3A_1400 : i32
    %convert_element_type3A_1402 = arith.extui %le3A_1401 : i1 to i32
    %cond3A_1403 = arith.constant 0 : i32
    %cond3A_1404 = arith.cmpi ne, %convert_element_type3A_1402, %cond3A_1403 : i32
    %cond3A_1405 = scf.if %cond3A_1404 -> (i32) {
      %add3A_1448 = arith.constant 16 : i32
      %add3A_1449 = arith.addi %reduce_sum3A_1393, %add3A_1448 : i32
      %sub3A_1450 = arith.constant 1 : i32
      %sub3A_1451 = arith.subi %add3A_1449, %sub3A_1450 : i32
      %jit3A_1452 = arith.constant 16 : i32
      %div3A_1453 = arith.divsi %sub3A_1451, %jit3A_1452 : i32
      %sign3A_1454 = arith.constant 0 : i32
      %sign3A_1455 = arith.cmpi sgt, %sub3A_1451, %sign3A_1454 : i32
      %sign3A_1456 = arith.extui %sign3A_1455 : i1 to i32
      %sign3A_1457 = arith.constant 0 : i32
      %sign3A_1458 = arith.cmpi slt, %sub3A_1451, %sign3A_1457 : i32
      %sign3A_1459 = arith.extui %sign3A_1458 : i1 to i32
      %sign3A_1460 = arith.subi %sign3A_1456, %sign3A_1459 : i32
      %sign3A_1461 = arith.constant 0 : i32
      %sign3A_1462 = arith.cmpi sgt, %jit3A_1452, %sign3A_1461 : i32
      %sign3A_1463 = arith.extui %sign3A_1462 : i1 to i32
      %sign3A_1464 = arith.constant 0 : i32
      %sign3A_1465 = arith.cmpi slt, %jit3A_1452, %sign3A_1464 : i32
      %sign3A_1466 = arith.extui %sign3A_1465 : i1 to i32
      %sign3A_1467 = arith.subi %sign3A_1463, %sign3A_1466 : i32
      %ne3A_1468 = arith.cmpi ne, %sign3A_1460, %sign3A_1467 : i32
      %rem3A_1469 = arith.remsi %sub3A_1451, %jit3A_1452 : i32
      %ne3A_1470 = arith.constant 0 : i32
      %ne3A_1471 = arith.cmpi ne, %rem3A_1469, %ne3A_1470 : i32
      %and3A_1472 = arith.andi %ne3A_1468, %ne3A_1471 : i1
      %sub3A_1473 = arith.constant 1 : i32
      %sub3A_1474 = arith.subi %div3A_1453, %sub3A_1473 : i32
      %select_n3A_1475 = arith.select %and3A_1472, %sub3A_1474, %div3A_1453 : i32
      %scan3A = arith.constant 0 : i32
      %scan3A_1476 = arith.constant 0 : i32
      %scan3A_1477 = arith.constant 21 : i32
      %scan3A_1478 = arith.addi %scan3A_1476, %scan3A_1477 : i32
      %scan3A_1479 = arith.constant 1 : i32
      %scan3A_1480 = scf.for %scan3A_1482 = %scan3A_1476 to %scan3A_1478 step %scan3A_1479 iter_args(%scan3A_1483 = %scan3A) -> (i32)  : i32 {
        %sub3A_1484 = arith.constant 20 : i32
        %sub3A_1485 = arith.subi %sub3A_1484, %scan3A_1482 : i32
        %shift_left3A_1486 = arith.constant 1 : i32
        %shift_left3A_1487 = arith.shli %shift_left3A_1486, %sub3A_1485 : i32
        %or3A_1488 = arith.ori %scan3A_1483, %shift_left3A_1487 : i32
        %while3A = arith.constant 0 : i32
        %while3A_1489 = arith.constant 0 : i32
        %while3A_1490 = arith.subi %select_n3A_1475, %while3A : i32
        %while3A_1491 = arith.addi %while3A, %while3A_1490 : i32
        %while3A_1492 = arith.constant 1 : i32
        %while3A_1493 = arith.divsi %while3A_1490, %while3A_1492 : i32
        %while3A_1494 = arith.muli %while3A_1493, %while3A_1492 : i32
        %while3A_1495 = arith.addi %while3A, %while3A_1494 : i32
        %while3A_1496 = arith.constant 1 : i32
        %while3A_1497 = scf.for %while3A_1501 = %while3A to %while3A_1495 step %while3A_1496 iter_args(%while3A_1502 = %while3A_1489) -> (i32)  : i32 {
          %mul3A_1503 = arith.constant 16 : i32
          %mul3A_1504 = arith.muli %while3A_1501, %mul3A_1503 : i32
          %get3A_1505 = arith.index_cast %mul3A_1504 : i32 to index
          %get3A_1506 = tpu.vector_load %arg9[%get3A_1505] {strides = array<i32>} : memref<4128xi32, #tpu.memory_space<vmem>>, vector<16xi32>,
          %ge3A_1507 = vector.broadcast %or3A_1488 : i32 to vector<16xi32>
          %ge3A_1508 = arith.cmpi sge, %get3A_1506, %ge3A_1507 : vector<16xi32>
          %all_reduce_population_count3A_1509 = tpu.all_reduce %ge3A_1508 {dim = 0 : i64, kind = #tpu.reduction_kind<sum>} : vector<16xi1> -> vector<16xi32>
          %slice3A_1510 = vector.extract_strided_slice %all_reduce_population_count3A_1509 {offsets = [0], sizes = [1], strides = [1]} : vector<16xi32> to vector<1xi32>
          %squeeze3A_1511 = vector.extract %slice3A_1510[0] : i32 from vector<1xi32>
          %add3A_1512 = arith.addi %while3A_1502, %squeeze3A_1511 : i32
          scf.yield %add3A_1512 : i32
        }
        %while3A_1498 = arith.constant 1 : i32
        %while3A_1499 = scf.for %while3A_1501 = %while3A_1495 to %while3A_1491 step %while3A_1498 iter_args(%while3A_1502 = %while3A_1497) -> (i32)  : i32 {
          %mul3A_1503 = arith.constant 16 : i32
          %mul3A_1504 = arith.muli %while3A_1501, %mul3A_1503 : i32
          %get3A_1505 = arith.index_cast %mul3A_1504 : i32 to index
          %get3A_1506 = tpu.vector_load %arg9[%get3A_1505] {strides = array<i32>} : memref<4128xi32, #tpu.memory_space<vmem>>, vector<16xi32>,
          %ge3A_1507 = vector.broadcast %or3A_1488 : i32 to vector<16xi32>
          %ge3A_1508 = arith.cmpi sge, %get3A_1506, %ge3A_1507 : vector<16xi32>
          %all_reduce_population_count3A_1509 = tpu.all_reduce %ge3A_1508 {dim = 0 : i64, kind = #tpu.reduction_kind<sum>} : vector<16xi1> -> vector<16xi32>
          %slice3A_1510 = vector.extract_strided_slice %all_reduce_population_count3A_1509 {offsets = [0], sizes = [1], strides = [1]} : vector<16xi32> to vector<1xi32>
          %squeeze3A_1511 = vector.extract %slice3A_1510[0] : i32 from vector<1xi32>
          %add3A_1512 = arith.addi %while3A_1502, %squeeze3A_1511 : i32
          scf.yield %add3A_1512 : i32
        }
        %ge3A = arith.cmpi sge, %while3A_1499, %sub3A_1374 : i32
        %select_n3A_1500 = arith.select %ge3A, %or3A_1488, %scan3A_1483 : i32
        scf.yield %select_n3A_1500 : i32
      }
      %scan3A_1481 = arith.constant 21 : i32
      scf.yield %scan3A_1480 : i32
    } else {
      %shift_left3A_1448 = arith.constant 21 : i32
      %shift_left3A_1449 = arith.shli %add3A_1369, %shift_left3A_1448 : i32
      %scan3A = arith.constant 0 : i32
      %scan3A_1450 = arith.constant 0 : i32
      %scan3A_1451 = arith.constant 21 : i32
      %scan3A_1452 = arith.addi %scan3A_1450, %scan3A_1451 : i32
      %scan3A_1453 = arith.constant 1 : i32
      %scan3A_1454 = scf.for %scan3A_1456 = %scan3A_1450 to %scan3A_1452 step %scan3A_1453 iter_args(%scan3A_1457 = %scan3A) -> (i32)  : i32 {
        %sub3A_1458 = arith.constant 20 : i32
        %sub3A_1459 = arith.subi %sub3A_1458, %scan3A_1456 : i32
        %shift_left3A_1460 = arith.constant 1 : i32
        %shift_left3A_1461 = arith.shli %shift_left3A_1460, %sub3A_1459 : i32
        %or3A_1462 = arith.ori %scan3A_1457, %shift_left3A_1461 : i32
        %or3A_1463 = arith.ori %shift_left3A_1449, %or3A_1462 : i32
        %scan3A_1464 = arith.constant 0 : i32
        %scan3A_1465 = arith.constant 0 : i32
        %scan3A_1466 = arith.constant 2048 : i32
        %scan3A_1467 = arith.addi %scan3A_1465, %scan3A_1466 : i32
        %scan3A_1468 = arith.constant 1 : i32
        %scan3A_1469 = scf.for %scan3A_1473 = %scan3A_1465 to %scan3A_1467 step %scan3A_1468 iter_args(%scan3A_1474 = %scan3A_1464) -> (i32)  : i32 {
          %mul3A_1475 = arith.constant 16 : i32
          %mul3A_1476 = arith.muli %scan3A_1473, %mul3A_1475 : i32
          %get3A_1477 = arith.index_cast %mul3A_1476 : i32 to index
          %get3A_1478 = tpu.vector_load %arg4[%get3A_1477] {strides = array<i32>} : memref<32768xf32, #tpu.memory_space<vmem>>, vector<16xf32>,
          %bitcast_convert_type3A_1479 = tpu.bitcast %get3A_1478 : vector<16xf32> -> vector<16xi32>
          %shift_right_logical3A_1480 = arith.constant 31 : i32
          %shift_right_logical3A_1481 = vector.broadcast %shift_right_logical3A_1480 : i32 to vector<16xi32>
          %shift_right_logical3A_1482 = arith.shrui %bitcast_convert_type3A_1479, %shift_right_logical3A_1481 : vector<16xi32>
          %gt3A_1483 = arith.constant 0 : i32
          %gt3A_1484 = vector.broadcast %gt3A_1483 : i32 to vector<16xi32>
          %gt3A_1485 = arith.cmpi ugt, %shift_right_logical3A_1482, %gt3A_1484 : vector<16xi32>
          %not3A_1486 = arith.constant dense<-1> : vector<16xi32>
          %not3A_1487 = arith.xori %bitcast_convert_type3A_1479, %not3A_1486 : vector<16xi32>
          %or3A_1488 = arith.constant -2147483648 : i32
          %or3A_1489 = vector.broadcast %or3A_1488 : i32 to vector<16xi32>
          %or3A_1490 = arith.ori %bitcast_convert_type3A_1479, %or3A_1489 : vector<16xi32>
          %select_n3A_1491 = arith.select %gt3A_1485, %not3A_1487, %or3A_1490 : vector<16xi1>, vector<16xi32>
          %ge3A_1492 = vector.broadcast %or3A_1463 : i32 to vector<16xi32>
          %ge3A_1493 = arith.cmpi uge, %select_n3A_1491, %ge3A_1492 : vector<16xi32>
          %all_reduce_population_count3A_1494 = tpu.all_reduce %ge3A_1493 {dim = 0 : i64, kind = #tpu.reduction_kind<sum>} : vector<16xi1> -> vector<16xi32>
          %slice3A_1495 = vector.extract_strided_slice %all_reduce_population_count3A_1494 {offsets = [0], sizes = [1], strides = [1]} : vector<16xi32> to vector<1xi32>
          %squeeze3A_1496 = vector.extract %slice3A_1495[0] : i32 from vector<1xi32>
          %add3A_1497 = arith.addi %scan3A_1474, %squeeze3A_1496 : i32
          scf.yield %add3A_1497 : i32
        }
        %scan3A_1470 = arith.constant 2048 : i32
        %ge3A = arith.constant 64 : i32
        %ge3A_1471 = arith.cmpi sge, %scan3A_1469, %ge3A : i32
        %select_n3A_1472 = arith.select %ge3A_1471, %or3A_1462, %scan3A_1457 : i32
        scf.yield %select_n3A_1472 : i32
      }
      %scan3A_1455 = arith.constant 21 : i32
      scf.yield %scan3A_1454 : i32
    }
    %shift_left3A_1406 = arith.constant 21 : i32
    %shift_left3A_1407 = arith.shli %add3A_1369, %shift_left3A_1406 : i32
    %or3A_1408 = arith.ori %shift_left3A_1407, %cond3A_1405 : i32
    %broadcast_in_dim3A_1409 = vector.broadcast %or3A_1408 : i32 to vector<16xi32>
    %shift_right_logical3A_1410 = arith.constant 31 : i32
    %shift_right_logical3A_1411 = vector.broadcast %shift_right_logical3A_1410 : i32 to vector<16xi32>
    %shift_right_logical3A_1412 = arith.shrui %broadcast_in_dim3A_1409, %shift_right_logical3A_1411 : vector<16xi32>
    %gt3A_1413 = arith.constant 0 : i32
    %gt3A_1414 = vector.broadcast %gt3A_1413 : i32 to vector<16xi32>
    %gt3A_1415 = arith.cmpi ugt, %shift_right_logical3A_1412, %gt3A_1414 : vector<16xi32>
    %and3A_1416 = arith.constant 2147483647 : i32
    %and3A_1417 = vector.broadcast %and3A_1416 : i32 to vector<16xi32>
    %and3A_1418 = arith.andi %broadcast_in_dim3A_1409, %and3A_1417 : vector<16xi32>
    %not3A_1419 = arith.constant dense<-1> : vector<16xi32>
    %not3A_1420 = arith.xori %broadcast_in_dim3A_1409, %not3A_1419 : vector<16xi32>
    %select_n3A_1421 = arith.select %gt3A_1415, %and3A_1418, %not3A_1420 : vector<16xi1>, vector<16xi32>
    %bitcast_convert_type3A_1422 = tpu.bitcast %select_n3A_1421 : vector<16xi32> -> vector<16xf32>
    %broadcast_in_dim3A_1423 = arith.constant 0.000000e+00 : f32
    %broadcast_in_dim3A_1424 = vector.broadcast %broadcast_in_dim3A_1423 : f32 to vector<16xf32>
    %parallel_loop3A_1425 = arith.constant 0 : i32
    %parallel_loop3A_1426 = arith.constant 32768 : i32
    %parallel_loop3A_1427 = arith.constant 16 : i32
    scf.for %parallel_loop3A_1448 = %parallel_loop3A_1425 to %parallel_loop3A_1426 step %parallel_loop3A_1427  : i32 {
      %parallel_loop3A_1449 = arith.index_cast %parallel_loop3A_1448 : i32 to index
      %parallel_loop3A_1450 = tpu.vector_load %arg4[%parallel_loop3A_1449] {strides = array<i32>} : memref<32768xf32, #tpu.memory_space<vmem>>, vector<16xf32>,
      %parallel_loop3A_1451 = arith.cmpf oge, %parallel_loop3A_1450, %bitcast_convert_type3A_1422 : vector<16xf32>
      %parallel_loop3A_1452 = arith.select %parallel_loop3A_1451, %parallel_loop3A_1450, %broadcast_in_dim3A_1424 : vector<16xi1>, vector<16xf32>
      %parallel_loop3A_1453 = arith.index_cast %parallel_loop3A_1448 : i32 to index
      %parallel_loop3A_1454 = tpu.vector_load %arg4[%parallel_loop3A_1453] {strides = array<i32>} : memref<32768xf32, #tpu.memory_space<vmem>>, vector<16xf32>,
      tpu.vector_store %arg4[%parallel_loop3A_1453], %parallel_loop3A_1452 {strides = array<i32>} : memref<32768xf32, #tpu.memory_space<vmem>>, vector<16xf32>,
    } {sc.loop_unroll_factor = 8 : i64, sc.parallel_access}
    %add3A_1428 = arith.constant 3 : i32
    %add3A_1429 = arith.addi %mul3A_2, %add3A_1428 : i32
    %dma_start3A_1430 = arith.constant 0 : i32
    %dma_start3A_1431 = tpu.memref_slice %arg3[%add3A_1429, %dma_start3A_1430] : memref<128x32768xf32, #tpu.memory_space<hbm>> -> memref<1x32768xf32, #tpu.memory_space<hbm>>
    %dma_start3A_1432 = tpu.memref_squeeze %dma_start3A_1431 : memref<1x32768xf32, #tpu.memory_space<hbm>> -> memref<32768xf32, #tpu.memory_space<hbm>>
    %dma_start3A_1433 = arith.constant 0 : i32
    %dma_start3A_1434 = tpu.memref_slice %arg3[%add3A_1429, %dma_start3A_1433] : memref<128x32768xf32, #tpu.memory_space<hbm>> -> memref<1x32768xf32, #tpu.memory_space<hbm>>
    %dma_start3A_1435 = tpu.memref_squeeze %dma_start3A_1434 : memref<1x32768xf32, #tpu.memory_space<hbm>> -> memref<32768xf32, #tpu.memory_space<hbm>>
    tpu.enqueue_dma source(%arg4 : memref<32768xf32, #tpu.memory_space<vmem>>) target(%dma_start3A_1435 : memref<32768xf32, #tpu.memory_space<hbm>>) target_semaphore(%arg13 : memref<!tpu.dma_semaphore, #tpu.memory_space<semaphore_mem>>)
    %dma_wait3A_1436 = arith.constant 0 : i32
    %dma_wait3A_1437 = tpu.memref_slice %arg3[%add3A_1073, %dma_wait3A_1436] : memref<128x32768xf32, #tpu.memory_space<hbm>> -> memref<1x32768xf32, #tpu.memory_space<hbm>>
    %dma_wait3A_1438 = tpu.memref_squeeze %dma_wait3A_1437 : memref<1x32768xf32, #tpu.memory_space<hbm>> -> memref<32768xf32, #tpu.memory_space<hbm>>
    %dma_wait3A_1439 = arith.constant 0 : i32
    %dma_wait3A_1440 = tpu.memref_slice %arg3[%add3A_1073, %dma_wait3A_1439] : memref<128x32768xf32, #tpu.memory_space<hbm>> -> memref<1x32768xf32, #tpu.memory_space<hbm>>
    %dma_wait3A_1441 = tpu.memref_squeeze %dma_wait3A_1440 : memref<1x32768xf32, #tpu.memory_space<hbm>> -> memref<32768xf32, #tpu.memory_space<hbm>>
    tpu.wait_dma2 semaphore(%arg15 : memref<!tpu.dma_semaphore, #tpu.memory_space<semaphore_mem>>) src(%arg6 : memref<32768xf32, #tpu.memory_space<vmem>>) dst(%dma_wait3A_1441 : memref<32768xf32, #tpu.memory_space<hbm>>)
    %dma_wait3A_1442 = arith.constant 0 : i32
    %dma_wait3A_1443 = tpu.memref_slice %arg3[%add3A_1429, %dma_wait3A_1442] : memref<128x32768xf32, #tpu.memory_space<hbm>> -> memref<1x32768xf32, #tpu.memory_space<hbm>>
    %dma_wait3A_1444 = tpu.memref_squeeze %dma_wait3A_1443 : memref<1x32768xf32, #tpu.memory_space<hbm>> -> memref<32768xf32, #tpu.memory_space<hbm>>
    %dma_wait3A_1445 = arith.constant 0 : i32
    %dma_wait3A_1446 = tpu.memref_slice %arg3[%add3A_1429, %dma_wait3A_1445] : memref<128x32768xf32, #tpu.memory_space<hbm>> -> memref<1x32768xf32, #tpu.memory_space<hbm>>
    %dma_wait3A_1447 = tpu.memref_squeeze %dma_wait3A_1446 : memref<1x32768xf32, #tpu.memory_space<hbm>> -> memref<32768xf32, #tpu.memory_space<hbm>>
    tpu.wait_dma2 semaphore(%arg13 : memref<!tpu.dma_semaphore, #tpu.memory_space<semaphore_mem>>) src(%arg4 : memref<32768xf32, #tpu.memory_space<vmem>>) dst(%dma_wait3A_1447 : memref<32768xf32, #tpu.memory_space<hbm>>)
    return
  }
}

</mosaic_0001>

<sc_bundles>
// kernel: kernel.3.cloned.1.call-start
scs
__scs_entry_jumppad:
0x0: {  	(pc) =	sbr.rel $0x88, $3  }
0x1: {  	(tag) =	ssettag $0x0;
	lr =	simm.s32 $0x1  }
0x2: {  	[smem:$0x3FA0] =	sst lr;
	_ =	strace $0xD0000000  }
0x3: {  	_ = 	snop  }
0x4: {  	_ = 	snop  }
0x5: {  	_ = 	snop  }
0x6: {  	_ = 	snop  }
0x7: {  	_ = 	snop  }
__scs_overlays_trampoline_lowered:
0x8: {  	[smem:$0x3FAF] =	sst s0  }
0x9: {  	[smem:$0x3FB0] =	sst s1  }
0xa: {  	[smem:$0x3FB1] =	sst s2  }
0xb: {  	[smem:$0x3FB2] =	sst s3  }
0xc: {  	[smem:$0x3FB3] =	sst s4  }
0xd: {  	[smem:$0x3FB4] =	sst s5  }
0xe: {  	[smem:$0x3FB5] =	sst s6  }
0xf: {  	[smem:$0x3FB6] =	sst s7  }
0x10: {  	[smem:$0x3FB7] =	sst s8  }
0x11: {  	[smem:$0x3FB8] =	sst s9;
	s0 =	simm.s32 @!p0 $0x0  }
0x12: {  	s1 =	sld [smem:$0x3F9E];
	s0 =	simm.s32 @p0 $0x1  }
0x13: {  	[smem:$0x3FB9] =	sst s0;
	s0 =	simm.s32 @!p1 $0x0  }
0x14: {  	s2 =	sld [smem:$0x3F9D];
	s0 =	simm.s32 @p1 $0x1  }
0x15: {  	[smem:$0x3FBA] =	sst s0;
	s0 =	simm.s32 @!p2 $0x0  }
0x16: {  	s3 =	sld [smem:$0x3FDB];
	s0 =	simm.s32 @p2 $0x1  }
0x17: {  	s4 =	simm.s32 $0x1BF5;
	[smem:$0x3FBC] =	sst s0  }
0x18: {  	s0 =	sld [smem:$0x3F9F];
	_ =	swait.ge [sflag:s4], $0x0  }
0x19: {  	s7 =	sld [smem:$0x3FA0]  }
0x1a: {  	s8 =	sadd.s32 $0xFFFFE003, lr  }
0x1b: {  	s9 =	sadd.s32 $0xFFFFFEF7, lr;
	s5 =	simm.s32 $0xFFFFFFFF;
	p2 =	slt.u32 s8, $0xFFFFF086  }
0x1c: {  	p1 =	slt.u32 s9, $0xF7A;
	s5 =	simm.s32 @!p2 $0x0  }
0x1d: {  	s5 =	simm.s32 @p1 $0x1;
	p0 =	seq.s32 s7, s2  }
0x1e: {  	s7 =	smul.u32 @!p0 $0xF7A, s2;
	p2 =	seq.s32 @!p0 s5, $0x0  }
0x1f: {  	s9 =	smul.u32 $0xF7A, s1;
	s8 =	simm.s32 @!p0 $0x1BF5;
	p2 =	por !p2, p0  }
0x20: {  	[sflag:s8] =	ssyncset.s32 @!p0 $0xFFFFF086;
	s6 =	sadd.s32 @!p0 s3, s7;
	s7 =	simm.s32 @!p0 $0x108  }
0x21: {  	s3 =	sadd.s32 s3, s9;
	s6 =	sadd.s32 @!p0 $0x88, s6;
	s7 =	simm.s32 @p2 $0x1082  }
0x22: {  	[simem:s7], [sflag:s8] =	dma.local @!p0 [hbm:s6], $0xF7A  }
0x23: {  	s9 =	sor.u32 $0xD0000000, s2;
	s6 =	simm.s32 $0x108;
	_ =	swait.ge @!p0 [sflag:s8], $0x0  }
0x24: {  	s3 =	sadd.s32 $0x88, s3;
	s6 =	simm.s32 @!p1 $0x1082;
	[sflag:s4] =	ssyncset.s32 $0xFFFFF086  }
0x25: {  	[simem:s6], [sflag:s4] =	dma.local [hbm:s3], $0xF7A  }
0x26: {  	[smem:$0x3FA0] =	sst s1;
	(tag) =	ssettag s2;
	_ =	strace s9  }
0x27: {  	s1 =	sld [smem:$0x3FB0]  }
0x28: {  	s2 =	sld [smem:$0x3FB1]  }
0x29: {  	s4 =	sld [smem:$0x3FB3]  }
0x2a: {  	p0 =	seq.s32 s5, $0x0;
	s5 =	sld [smem:$0x3FB4]  }
0x2b: {  	s6 =	sld [smem:$0x3FB5]  }
0x2c: {  	s7 =	sld [smem:$0x3FB6]  }
0x2d: {  	s3 =	simm.s32 $0x108;
	s8 =	sld [smem:$0x3FB7]  }
0x2e: {  	s3 =	simm.s32 @!p0 $0x1082;
	s9 =	sld [smem:$0x3FB8]  }
0x2f: {  	lr =	sadd.s32 s0, s3;
	s0 =	sld [smem:$0x3FAF]  }
0x30: {  	s3 =	sld [smem:$0x3FB2]  }
0x31: {  	[smem:$0x3FBB] =	sst s10  }
0x32: {  	s10 =	sld [smem:$0x3FB9];
	_ =	sdelay $0x3  }
0x33: {  	p0 =	seq.s32 s10, $0x1;
	s10 =	sld [smem:$0x3FBB];
	_ =	sdelay $0x3  }
0x34: {  	[smem:$0x3FBB] =	sst s10  }
0x35: {  	s10 =	sld [smem:$0x3FBA];
	_ =	sdelay $0x3  }
0x36: {  	p1 =	seq.s32 s10, $0x1;
	s10 =	sld [smem:$0x3FBB];
	_ =	sdelay $0x3  }
0x37: {  	[smem:$0x3FBB] =	sst s10  }
0x38: {  	s10 =	sld [smem:$0x3FBC]  }
0x39: {  	_ = 	snop;
	(pc) =	sbr.ind lr, $3  }
0x3a: {  	_ = 	snop  }
0x3b: {  	_ = 	snop  }
0x3c: {  	p2 =	seq.s32 s10, $0x1;
	s10 =	sld [smem:$0x3FBB]  }
0x3d: {  	_ =	shalt  }
0x3e: {  	_ =	shalt  }
0x3f: {  	_ =	shalt  }
0x40: {  	_ =	shalt  }
0x41: {  	_ =	shalt  }
0x42: {  	_ =	shalt  }
0x43: {  	_ =	shalt  }
0x44: {  	_ =	shalt  }
0x45: {  	_ =	shalt  }
0x46: {  	_ =	shalt  }
0x47: {  	_ =	shalt  }
0x48: {  	_ =	shalt  }
0x49: {  	_ =	shalt  }
0x4a: {  	_ =	shalt  }
0x4b: {  	_ =	shalt  }
0x4c: {  	_ =	shalt  }
0x4d: {  	_ =	shalt  }
0x4e: {  	_ =	shalt  }
0x4f: {  	_ =	shalt  }
0x50: {  	_ =	shalt  }
0x51: {  	_ =	shalt  }
0x52: {  	_ =	shalt  }
0x53: {  	_ =	shalt  }
0x54: {  	_ =	shalt  }
0x55: {  	_ =	shalt  }
0x56: {  	_ =	shalt  }
0x57: {  	_ =	shalt  }
0x58: {  	_ =	shalt  }
0x59: {  	_ =	shalt  }
0x5a: {  	_ =	shalt  }
0x5b: {  	_ =	shalt  }
0x5c: {  	_ =	shalt  }
0x5d: {  	_ =	shalt  }
0x5e: {  	_ =	shalt  }
0x5f: {  	_ =	shalt  }
0x60: {  	_ =	shalt  }
0x61: {  	_ =	shalt  }
0x62: {  	_ =	shalt  }
0x63: {  	_ =	shalt  }
0x64: {  	_ =	shalt  }
0x65: {  	_ =	shalt  }
0x66: {  	_ =	shalt  }
0x67: {  	_ =	shalt  }
0x68: {  	_ =	shalt  }
0x69: {  	_ =	shalt  }
0x6a: {  	_ =	shalt  }
0x6b: {  	_ =	shalt  }
0x6c: {  	_ =	shalt  }
0x6d: {  	_ =	shalt  }
0x6e: {  	_ =	shalt  }
0x6f: {  	_ =	shalt  }
0x70: {  	_ =	shalt  }
0x71: {  	_ =	shalt  }
0x72: {  	_ =	shalt  }
0x73: {  	_ =	shalt  }
0x74: {  	_ =	shalt  }
0x75: {  	_ =	shalt  }
0x76: {  	_ =	shalt  }
0x77: {  	_ =	shalt  }
0x78: {  	_ =	shalt  }
0x79: {  	_ =	shalt  }
0x7a: {  	_ =	shalt  }
0x7b: {  	_ =	shalt  }
0x7c: {  	_ =	shalt  }
0x7d: {  	_ =	shalt  }
0x7e: {  	_ =	shalt  }
0x7f: {  	_ =	shalt  }
0x80: {  	_ =	shalt  }
0x81: {  	_ =	shalt  }
0x82: {  	_ =	shalt  }
0x83: {  	_ =	shalt  }
0x84: {  	_ =	shalt  }
0x85: {  	_ =	shalt  }
0x86: {  	_ =	shalt  }
0x87: {  	_ =	shalt  }
.Lfunc_end0:
.L_simem_size_0:
called_computation_lowered:
.L_overlay_start_0:
0x88: {  	s2 =	sld [smem:$0x3FD9]  }
0x89: {  	s3 =	sld [smem:$0x3FFE];
	_ =	sdelay $0x1  }
0x8a: {  	s1 =	srdreg.scid  }
0x8b: {  	s0 =	sand.u32 $0x1, s1  }
0x8c: {  	s18 =	sshll.u32 s0, $0xA;
	s2 =	sadd.s32 s3, s2  }
0x8d: {  	s2 =	sadd.s32 s2, s18  }
0x8e: {  	[smem:$0x3FC7] =	sst s2  }
0x8f: {  	_ = 	snop  }
0x90: {  	s2 =	sld [smem:$0x3FC9]  }
0x91: {  	s19 =	sld [smem:$0x3FD0];
	(tm) =	ssettm $0x1  }
0x92: {  	s4 =	sld [smem:$0x3FFB];
	_ =	sdelay $0x3  }
0x93: {  	_ =	strace s4  }
0x94: {  	s4 =	sld [smem:$0x3FFC];
	_ =	sdelay $0x3  }
0x95: {  	_ =	strace s4  }
0x96: {  	s4 =	sld [smem:$0x3FFD];
	_ =	sdelay $0x3  }
0x97: {  	_ =	strace s4  }
0x98: {  	_ =	strace $0x8FFFFFFF  }
0x99: {  	s20 =	sld [smem:$0x3FDB];
	_ =	sdelay $0x1  }
0x9a: {  	s5 =	simm.s32 $_scs_section_size  }
0x9b: {  	s6 =	simm.s32 $_size__tile_overlayer_lowered;
	s7 =	simm.s32 $_tile_overlayer_lowered  }
0x9c: {  	s23 =	simm.s32 $0x1BFF;
	s22 =	sshll.u32 s7, $0x1;
	s4 =	sadd.s32 s5, s20  }
0x9d: {  	s8 =	simm.s32 $0x0;
	s21 =	sshll.u32 s6, $0x1;
	s6 =	sadd.s32 s22, s4  }
0x9e: {  	[timem:s8], [sflag:s23] =	dma.local [hbm:s6], s21  }
0x9f: {  	_ =	swait.ge [sflag:s23], s21  }
0xa0: {  	s5 =	ssub.s32 $0x0, s21;
	[sflag:s23] =	ssyncset.done $0x0  }
0xa1: {  	[sflag:s23] =	ssyncadd.s32 s5;
	_ =	sdelay $0x1  }
0xa2: {  	s24 =	simm.s32 $0x1B8B  }
0xa3: {  	_ =	swait.ge [sflag:s24], $0x1  }
0xa4: {  	[sflag:s24] =	ssyncset.done $0x0  }
0xa5: {  	s25 =	simm.s32 $0x1B8E;
	[sflag:s24] =	ssyncadd.s32 $0xFFFFFFFF  }
0xa6: {  	s26 =	simm.s32 $execute0_lowered;
	[smem:$0x3FD2] =	sst s25  }
0xa7: {  	s5 =	sshll.u32 s26, $0x1;
	_ =	strace $0x80000046;
	[dreg:$0x1] =	wrdreg $0xFFFFFFFF  }
0xa8: {  	s28 =	simm.s32 $_size_execute0_lowered;
	s4 =	sadd.s32 s4, s5;
	[dreg:$0x0] =	wrdreg $0x0  }
0xa9: {  	s5 =	sshll.u32 s28, $0x1;
	[dreg:$0x2] =	wrdreg s4  }
0xaa: {  	[dreg:$0x3] =	wrdreg s5  }
0xab: {  	[dreg:$0x4] =	wrdreg $0xC0  }
0xac: {  	_ =	task [dreg:s8], $0x5FFFF  }
0xad: {  	[dreg:$0x1] =	wrdreg $0xFFFFFFFF  }
0xae: {  	[dreg:$0x0] =	wrdreg $0x60  }
0xaf: {  	[dreg:$0x2] =	wrdreg s2  }
0xb0: {  	[dreg:$0x3] =	wrdreg s19  }
0xb1: {  	[dreg:$0x4] =	wrdreg $0x9  }
0xb2: {  	_ =	task.clear_ibuf [dreg:s8], $0x5FFFF;
	_ =	strace $0x90000046  }
0xb3: {  	s29 =	simm.s32 $0x9;
	_ =	strace $0x80000048  }
0xb4: {  	_ =	swait.ge [sflag:s29], $0x1  }
0xb5: {  	[sflag:s29] =	ssyncadd.s32 $0xFFFFFFFF  }
0xb6: {  	_ =	strace $0x90000048  }
0xb7: {  	_ =	sfence  }
0xb8: {  	s30 =	sld [smem:$0x0];
	_ =	sdelay $0x2  }
0xb9: {  	s31 =	sshll.u32 s1, $0xD;
	s1 =	sshrl.u32 s1, $0x2  }
0xba: {  	s3 =	sand.u32 $0x4000, s31;
	s1 =	sadd.s32 s1, s30  }
0xbb: {  	s0 =	sor.u32 s3, s0;
	s1 =	sshll.u32 s1, $0x11  }
0xbc: {  	s0 =	sor.u32 s1, s0  }
0xbd: {  	s0 =	sadd.s32 $0x8F2B, s0  }
0xbe: {  	[sflag:s0] =	ssyncadd.remote.s32 $0x1  }
0xbf: {  	_ =	sfence.sel $0xFFFF  }
0xc0: {  	[dreg:$0x0] =	wrdreg $0xFFFFFFFF;
	(pc) =	sbr.abs _section_cstart, $3  }
0xc1: {  	[dreg:$0x1] =	wrdreg $0xFFFFFFFF  }
0xc2: {  	_ =	task.clear_ibuf [dreg:s8], $0x2FFFF;
	_ =	strace $0x9FFFFFFF  }
0xc3: {  	(tm) =	ssettm $0x7FFFFFFF  }
tec
execute0_lowered:
.L_overlay_start_1:
0x0: {  	(tag) =	ssettag $0x1  }
0x1: {  	s0 =	rddreg [dreg:$0x0]  }
0x2: {  	s1 =	rddreg [dreg:$0x1];
	s2 =	simm.s32 $0x0;
	s3 =	srdreg.scid  }
0x3: {  	s5 =	stileid.u32;
	s12 =	simm.s32 $0x80;
	s13 =	simm.s32 $0x400  }
0x4: {  	s15 =	simm.s32 $0x1;
	s16 =	simm.s32 $0x18000;
	s17 =	simm.s32 $0x18800  }
0x5: {  	s18 =	simm.s32 $0x18880;
	s19 =	simm.s32 $0x100000;
	s21 =	simm.s32 $0x2  }
0x6: {  	s22 =	simm.s32 $0x4;
	s23 =	simm.s32 $0x3;
	s24 =	simm.s32 $0x6  }
0x7: {  	s25 =	simm.s32 $0x0;
	[smem:$0x7FF] =	sst s2;
	s3 =	sand.u32 $0x1, s3  }
0x8: {  	s5 =	sshll.u32 s5, $0xF;
	s4 =	ssub.s32 $0x2, s3;
	s3 =	sshll.u32 s3, $0x6  }
0x9: {  	_ =	strace $0x80000047;
	s6 =	sshrl.u32 s4, $0x1;
	s3 =	sor.u32 s3, s5  }
0xa: {  	s5 =	sadd.s32 s0, s3;
	s8 =	sor.u32 $0x10, s3;
	s9 =	sor.u32 $0x20, s3  }
0xb: {  	s10 =	sor.u32 $0x30, s3;
	s3 =	sadd.s32 s1, s3;
	[dreg:$0x3] =	wrdreg s5  }
0xc: {  	s4 =	ssub.s32 s4, s6;
	s30 =	sadd.s32 s0, s8;
	[dreg:$0x6] =	wrdreg s3  }
0xd: {  	s31 =	sadd.s32 s0, s9;
	s0 =	sadd.s32 s0, s10;
	[dreg:$0x4] =	wrdreg s30  }
0xe: {  	v0 =	vimm.s32 $0x0;
	s8 =	sadd.s32 s1, s8;
	s9 =	sadd.s32 s1, s9;
	[dreg:$0x5] =	wrdreg s31  }
0xf: {  	v1 =	vimm.s32 $0x1;
	v2 =	vlaneseq.u32;
	vm0 =	vmmov $0x1;
	s10 =	sadd.s32 s1, s10;
	s11 =	smax.u32 s4, $0x1;
	[dreg:$0x7] =	wrdreg s0  }
.LBB2_1:
0x10: {  	s0 =	rddreg [dreg:$0x3]  }
0x11: {  	[tilespmem:s2], [sflag:$0x1] =	stream.strided.gather [hbm4b:s0+s12], $0x8000, s13, s12, $0x38;
	[tilespmem:$0x19900] =	vst v63  }
0x12: {  	s31 =	rddreg [dreg:$0x4];
	s1 =	simm.s32 $0x8000  }
0x13: {  	[tilespmem:s1], [sflag:$0x2] =	stream.strided.gather [hbm4b:s31+s12], $0x8000, s13, s12, $0x38;
	[tilespmem:$0x19900] =	vst v63  }
0x14: {  	_ =	swait.ge [sflag:s15], $0x8000  }
0x15: {  	[sflag:s15] =	ssyncset.done $0x0  }
0x16: {  	s0 =	simm.s32 $0x18040;
	[sflag:s15] =	ssyncadd.s32 $0xFFFF8000  }
0x17: {  	[tilespmem:s0+$0xFFFFFFC0] =	vst v0  }
0x18: {  	[tilespmem:s0+$0x30] =	vst v0  }
0x19: {  	[tilespmem:s0+$0x20] =	vst v0  }
0x1a: {  	[tilespmem:s0+$0x10] =	vst v0  }
0x1b: {  	[tilespmem:s0+$0x0] =	vst v0  }
0x1c: {  	[tilespmem:s0+$0xFFFFFFF0] =	vst v0  }
0x1d: {  	s3 =	simm.s32 $0x0;
	[tilespmem:s0+$0xFFFFFFE0] =	vst v0  }
.LBB2_2:
0x1e: {  	s3 =	sadd.s32 $0x80, s3;
	[tilespmem:s0+$0xFFFFFFD0] =	vst v0;
	s0 =	sadd.s32 $0x80, s0;
	s1 =	simm.s32 $0x40  }
0x1f: {  	[tilespmem:s0+$0xFFFFFFC0] =	vst v0;
	p0 =	slt.u32 s3, $0x780  }
0x20: {  	[tilespmem:s0+$0x30] =	vst v0  }
.Ltmp0:
0x21: {  	[tilespmem:s0+$0x20] =	vst v0;
	(pc) =	sbr.rel @p0 .LBB2_2-.Ltmp0, $4  }
0x22: {  	[tilespmem:s0+$0x10] =	vst v0  }
0x23: {  	[tilespmem:s0+$0x0] =	vst v0  }
0x24: {  	[tilespmem:s0+$0xFFFFFFF0] =	vst v0  }
0x25: {  	[tilespmem:s0+$0xFFFFFFE0] =	vst v0  }
0x26: {  	[tilespmem:s0+$0xFFFFFFD0] =	vst v0  }
0x27: {  	v3 =	vld [tilespmem:s1+$0xFFFFFFC0]  }
0x28: {  	v5 =	vld [tilespmem:s1+$0x20];
	_ =	sdelay $0x2  }
0x29: {  	v7 =	vld [tilespmem:s1+$0x30]  }
0x2a: {  	v6 =	vxor.u32 $0xFFFFFFFF, v3  }
0x2b: {  	v9 =	vld [tilespmem:s1+$0x0];
	v8 =	vor.u32 $0x80000000, v3;
	vm1 =	vlt.s32 v3, $0x0;
	v10 =	vor.u32 $0x80000000, v5  }
0x2c: {  	v4 =	vld [tilespmem:s1+$0xFFFFFFE0];
	v3 =	vsel vm1, v6, v8;
	v6 =	vxor.u32 $0xFFFFFFFF, v5;
	vm1 =	vlt.s32 v5, $0x0  }
0x2d: {  	v8 =	vld [tilespmem:s1+$0xFFFFFFF0];
	v5 =	vsel vm1, v6, v10;
	v6 =	vshrl.u32 v3, $0x15  }
0x2e: {  	v3 =	vor.u32 $0x80000000, v7;
	vm1 =	vlt.s32 v7, $0x0;
	v7 =	vxor.u32 $0xFFFFFFFF, v7  }
0x2f: {  	v3 =	vsel vm1, v7, v3;
	v7 =	vld [tilespmem:s1+$0xFFFFFFD0];
	v10 =	vshrl.u32 v5, $0x15  }
0x30: {  	v11 =	vor.u32 $0x80000000, v9;
	v12 =	vxor.u32 $0xFFFFFFFF, v9;
	vm2 =	vlt.s32 v9, $0x0  }
0x31: {  	v9 =	vld [tilespmem:s1+$0x10];
	v13 =	vsel vm2, v12, v11;
	v12 =	vxor.u32 $0xFFFFFFFF, v4  }
0x32: {  	s0 =	simm.s32 $0x0;
	s1 =	simm.s32 $0xC0;
	v5 =	vshrl.u32 v3, $0x15;
	v3 =	vshrl.u32 v13, $0x15;
	v11 =	vxor.u32 $0xFFFFFFFF, v8  }
.LBB2_4:
0x33: {  	v13 =	vld [tilespmem:s1+$0xFFFFFFC0];
	s0 =	sadd.s32 $0x80, s0;
	v14 =	vor.u32 $0x80000000, v4;
	vm1 =	vlt.s32 v4, $0x0;
	v4 =	vor.u32 $0x80000000, v8  }
0x34: {  	v15 =	vxor.u32 $0xFFFFFFFF, v7;
	p0 =	slt.u32 s0, $0x7F80;
	v12 =	vsel vm1, v12, v14;
	vm1 =	vlt.s32 v8, $0x0;
	[tilespmem:v10+s16+$0x0] =	vst.idx.add.s32.msk $0xffff, v1  }
0x35: {  	vm2 =	vlt.s32 v7, $0x0;
	v14 =	vld [tilespmem:s1+$0x30];
	v12 =	vshrl.u32 v12, $0x15;
	v10 =	vsel vm1, v11, v4  }
0x36: {  	v4 =	vor.u32 $0x80000000, v7;
	[tilespmem:v6+s16+$0x0] =	vst.idx.add.s32.msk $0xffff, v1;
	v6 =	vor.u32 $0x80000000, v9  }
0x37: {  	vm1 =	vlt.s32 v9, $0x0;
	v11 =	vsel vm2, v15, v4;
	v4 =	vxor.u32 $0xFFFFFFFF, v9;
	v8 =	vld [tilespmem:s1+$0x20]  }
0x38: {  	v6 =	vsel vm1, v4, v6;
	v7 =	vxor.u32 $0xFFFFFFFF, v13;
	v9 =	vor.u32 $0x80000000, v13;
	v15 =	vld [tilespmem:s1+$0x0]  }
0x39: {  	vm1 =	vlt.s32 v13, $0x0;
	v13 =	vshrl.u32 v6, $0x15;
	v4 =	vld [tilespmem:s1+$0xFFFFFFE0]  }
0x3a: {  	v11 =	vshrl.u32 v11, $0x15;
	v6 =	vsel vm1, v7, v9;
	v7 =	vld [tilespmem:s1+$0xFFFFFFD0]  }
0x3b: {  	v9 =	vld [tilespmem:s1+$0x10]  }
0x3c: {  	v16 =	vxor.u32 $0xFFFFFFFF, v8;
	v17 =	vor.u32 $0x80000000, v8;
	vm1 =	vlt.s32 v8, $0x0;
	[tilespmem:v5+s16+$0x0] =	vst.idx.add.s32.msk $0xffff, v1  }
0x3d: {  	v8 =	vld [tilespmem:s1+$0xFFFFFFF0];
	v5 =	vsel vm1, v16, v17;
	v16 =	vshrl.u32 v10, $0x15  }
.Ltmp1:
0x3e: {  	v6 =	vshrl.u32 v6, $0x15;
	v17 =	vor.u32 $0x80000000, v14;
	vm1 =	vlt.s32 v14, $0x0;
	[tilespmem:v13+s16+$0x0] =	vst.idx.add.s32.msk $0xffff, v1;
	(pc) =	sbr.rel @p0 .LBB2_4-.Ltmp1, $4  }
0x3f: {  	v13 =	vor.u32 $0x80000000, v15;
	v10 =	vshrl.u32 v5, $0x15;
	v5 =	vxor.u32 $0xFFFFFFFF, v14;
	[tilespmem:v11+s16+$0x0] =	vst.idx.add.s32.msk $0xffff, v1  }
0x40: {  	vm2 =	vlt.s32 v15, $0x0;
	v11 =	vxor.u32 $0xFFFFFFFF, v15;
	v5 =	vsel vm1, v5, v17;
	[tilespmem:v3+s16+$0x0] =	vst.idx.add.s32.msk $0xffff, v1  }
0x41: {  	v3 =	vsel vm2, v11, v13;
	v5 =	vshrl.u32 v5, $0x15;
	[tilespmem:v12+s16+$0x0] =	vst.idx.add.s32.msk $0xffff, v1  }
0x42: {  	s1 =	sadd.s32 $0x80, s1;
	v12 =	vxor.u32 $0xFFFFFFFF, v4;
	v3 =	vshrl.u32 v3, $0x15;
	v11 =	vxor.u32 $0xFFFFFFFF, v8;
	[tilespmem:v16+s16+$0x0] =	vst.idx.add.s32.msk $0xffff, v1  }
0x43: {  	v13 =	vxor.u32 $0xFFFFFFFF, v7;
	v14 =	vor.u32 $0x80000000, v9;
	vm1 =	vlt.s32 v9, $0x0  }
0x44: {  	v57 =	vxor.u32 $0xFFFFFFFF, v9;
	v58 =	vor.u32 $0x80000000, v7;
	v59 =	vor.u32 $0x80000000, v4  }
0x45: {  	v61 =	vor.u32 $0x80000000, v8;
	v9 =	vsel vm1, v57, v14;
	vm1 =	vlt.s32 v7, $0x0  }
0x46: {  	v7 =	vsel vm1, v13, v58;
	v9 =	vshrl.u32 v9, $0x15;
	vm1 =	vlt.s32 v4, $0x0  }
0x47: {  	[tilespmem:v10+s16+$0x0] =	vst.idx.add.s32.msk $0xffff, v1;
	v60 =	vshrl.u32 v7, $0x15;
	v12 =	vsel vm1, v12, v59;
	vm1 =	vlt.s32 v8, $0x0  }
0x48: {  	[tilespmem:v6+s16+$0x0] =	vst.idx.add.s32.msk $0xffff, v1;
	v62 =	vshrl.u32 v12, $0x15;
	v7 =	vsel vm1, v11, v61  }
0x49: {  	[tilespmem:v5+s16+$0x0] =	vst.idx.add.s32.msk $0xffff, v1;
	v63 =	vshrl.u32 v7, $0x15  }
0x4a: {  	[tilespmem:v3+s16+$0x0] =	vst.idx.add.s32.msk $0xffff, v1  }
0x4b: {  	[tilespmem:v9+s16+$0x0] =	vst.idx.add.s32.msk $0xffff, v1  }
0x4c: {  	[tilespmem:v60+s16+$0x0] =	vst.idx.add.s32.msk $0xffff, v1  }
0x4d: {  	[tilespmem:v62+s16+$0x0] =	vst.idx.add.s32.msk $0xffff, v1  }
0x4e: {  	s0 =	simm.s32 $0x0;
	s1 =	simm.s32 $0x0;
	[tilespmem:v63+s16+$0x0] =	vst.idx.add.s32.msk $0xffff, v1  }
.LBB2_6:
0x4f: {  	p0 =	sne.s32 s1, $0x1C0  }
.Ltmp2:
0x50: {  	_ = 	snop;
	(pc) =	sbr.rel @p0 .LBB2_6-.Ltmp2, $3  }
0x51: {  	_ =	sdelay $0x1  }
0x52: {  	s3 =	sshra.s32 s1, $0x2  }
0x53: {  	s1 =	sadd.s32 $0x40, s1;
	[tilespmem:s3+$0x18800] =	vst v0  }
0x54: {  	s1 =	simm.s32 $0x18020  }
0x55: {  	v3 =	vld [tilespmem:s1+$0x10];
	_ =	sdelay $0x2  }
0x56: {  	v4 =	vld [tilespmem:s1+$0xFFFFFFF0]  }
0x57: {  	v5 =	vld [tilespmem:s1+$0x0]  }
0x58: {  	v6 =	vld [tilespmem:s1+$0xFFFFFFE0];
	(xrf0) =	vadd.scan.msk.s32 $0xffff, v3;
	_ =	sdelay $0x1  }
0x59: {  	s26 =	simm.s32 $0x1  }
0x5a: {  	s29 =	simm.s32 $0x18060;
	v3 =	vmov s26;
	(xrf0) =	vadd.scan.msk.s32 $0xffff, v4  }
0x5b: {  	s3 =	simm.s32 $0x3;
	v4 =	vld [tilespmem:s29+$0x10];
	v3 =	vand.u32 $0xFFFFFFFD, v3;
	(xrf0) =	vadd.scan.msk.s32 $0xffff, v5  }
0x5c: {  	v5 =	vld [tilespmem:s29+$0xFFFFFFF0];
	(xrf0) =	vadd.scan.msk.s32 $0xffff, v6;
	v6 =	vbroadcast v3, $0x0;
	v3 =	vmov s3  }
0x5d: {  	v10 =	vmov s0;
	v7 =	vld [tilespmem:s29+$0x0];
	v8, _, _ =	vpop (xrf0)  }
0x5e: {  	v9 =	vld [tilespmem:s29+$0xFFFFFFE0];
	v10 =	vand.u32 $0xFFFFFFFC, v10;
	v8 =	vbroadcast v8, $0xF  }
0x5f: {  	s31 =	simm.s32 $0x2  }
0x60: {  	v13 =	vmov s31;
	v11, _, _ =	vpop (xrf0);
	(xrf0) =	vadd.scan.msk.s32 $0xffff, v4;
	v4 =	vbroadcast v10, $0x0  }
0x61: {  	s30 =	simm.s32 $0x5;
	s26 =	simm.s32 $0x180A0;
	v11 =	vbroadcast v11, $0xF;
	v10, _, _ =	vpop (xrf0);
	(xrf0) =	vadd.scan.msk.s32 $0xffff, v5;
	v5 =	vand.u32 $0xFFFFFFFE, v13;
	[tilespmem:v3+s17+$0x0] =	vst.idx.add.s32.msk $0x1, v8  }
0x62: {  	s0 =	simm.s32 $0x8;
	v12 =	vmov s30;
	v3 =	vbroadcast v10, $0xF;
	(xrf0) =	vadd.scan.msk.s32 $0xffff, v7;
	v5 =	vbroadcast v5, $0x0;
	v7 =	vld [tilespmem:s26+$0x10];
	v8, _, _ =	vpop (xrf0)  }
0x63: {  	s28 =	simm.s32 $0xC;
	s1 =	simm.s32 $0x4;
	s3 =	simm.s32 $0x7;
	[tilespmem:v6+s17+$0x0] =	vst.idx.add.s32.msk $0x1, v11;
	(xrf0) =	vadd.scan.msk.s32 $0xffff, v9;
	v6 =	vbroadcast v8, $0xF;
	v8 =	vand.u32 $0xFFFFFFFD, v12  }
.LBB2_8:
0x64: {  	p0 =	slt.u32 s28, $0x7C;
	v9 =	vld [tilespmem:s26+$0xFFFFFFF0];
	v8 =	vbroadcast v8, $0x0;
	v10 =	vmov s3  }
0x65: {  	v12 =	vmov s1;
	v11 =	vld [tilespmem:s26+$0x0]  }
0x66: {  	s3 =	sadd.s32 $0x1, s0;
	s4 =	sadd.s32 $0x2, s1;
	s1 =	smov.u32 s0;
	v12 =	vand.u32 $0xFFFFFFFC, v12;
	v13 =	vld [tilespmem:s26+$0xFFFFFFE0];
	v14, _, _ =	vpop (xrf0)  }
.Ltmp3:
0x67: {  	s0 =	smov.u32 s28;
	v15 =	vmov s3;
	v16 =	vmov s4;
	v14 =	vbroadcast v14, $0xF;
	v17, _, _ =	vpop (xrf0);
	[tilespmem:v4+s17+$0x0] =	vst.idx.add.s32.msk $0x1, v6;
	(pc) =	sbr.rel @p0 .LBB2_8-.Ltmp3, $4  }
0x68: {  	v4 =	vbroadcast v12, $0x0;
	(xrf0) =	vadd.scan.msk.s32 $0xffff, v7;
	v7 =	vbroadcast v17, $0xF;
	v6, _, _ =	vpop (xrf0);
	[tilespmem:v5+s17+$0x0] =	vst.idx.add.s32.msk $0x1, v3  }
0x69: {  	v5 =	vand.u32 $0xFFFFFFFE, v16;
	(xrf0) =	vadd.scan.msk.s32 $0xffff, v9;
	v3 =	vbroadcast v6, $0xF;
	[tilespmem:v10+s17+$0x0] =	vst.idx.add.s32.msk $0x1, v14;
	v6, _, _ =	vpop (xrf0)  }
0x6a: {  	s26 =	sadd.s32 $0x40, s26;
	v5 =	vbroadcast v5, $0x0;
	(xrf0) =	vadd.scan.msk.s32 $0xffff, v11;
	v6 =	vbroadcast v6, $0xF;
	[tilespmem:v8+s17+$0x0] =	vst.idx.add.s32.msk $0x1, v7  }
0x6b: {  	s28 =	sadd.s32 $0x4, s28;
	s3 =	sadd.s32 $0x3, s1;
	v8 =	vand.u32 $0xFFFFFFFD, v15;
	v7 =	vld [tilespmem:s26+$0x10];
	(xrf0) =	vadd.scan.msk.s32 $0xffff, v13  }
0x6c: {  	v9 =	vld [tilespmem:s26+$0xFFFFFFF0]  }
0x6d: {  	v10 =	vld [tilespmem:s26+$0x0]  }
0x6e: {  	v11 =	vld [tilespmem:s26+$0xFFFFFFE0]  }
0x6f: {  	v8 =	vbroadcast v8, $0x0;
	v12 =	vmov s1;
	s6 =	sadd.s32 $0x2, s1;
	s7 =	sadd.s32 $0x1, s0  }
0x70: {  	v13 =	vmov s6;
	v14 =	vmov s7;
	(xrf0) =	vadd.scan.msk.s32 $0xffff, v7;
	v7 =	vmov s3  }
0x71: {  	v12 =	vand.u32 $0xFFFFFFFC, v12;
	v13 =	vand.u32 $0xFFFFFFFE, v13;
	v14 =	vand.u32 $0xFFFFFFFD, v14;
	(xrf0) =	vadd.scan.msk.s32 $0xffff, v9;
	v9, _, _ =	vpop (xrf0)  }
0x72: {  	[tilespmem:v4+s17+$0x0] =	vst.idx.add.s32.msk $0x1, v6;
	v12 =	vbroadcast v12, $0x0;
	v13 =	vbroadcast v13, $0x0;
	(xrf0) =	vadd.scan.msk.s32 $0xffff, v10;
	v10, _, _ =	vpop (xrf0)  }
0x73: {  	s20 =	sadd.s32 $0x2, s0;
	v9 =	vbroadcast v9, $0xF;
	(xrf0) =	vadd.scan.msk.s32 $0xffff, v11;
	v11, _, _ =	vpop (xrf0);
	v4 =	vbroadcast v10, $0xF;
	v10 =	vmov s0  }
0x74: {  	s14 =	sadd.s32 $0x3, s0;
	[tilespmem:v5+s17+$0x0] =	vst.idx.add.s32.msk $0x1, v3;
	v6 =	vbroadcast v14, $0x0;
	v14, _, _ =	vpop (xrf0);
	v5 =	vand.u32 $0xFFFFFFFC, v10;
	v10 =	vmov s20  }
0x75: {  	v3 =	vmov s14;
	[tilespmem:v7+s17+$0x0] =	vst.idx.add.s32.msk $0x1, v9;
	v7 =	vbroadcast v14, $0xF;
	v10 =	vand.u32 $0xFFFFFFFE, v10  }
0x76: {  	v11 =	vbroadcast v11, $0xF;
	[tilespmem:v8+s17+$0x0] =	vst.idx.add.s32.msk $0x1, v4;
	v8 =	vbroadcast v10, $0x0  }
0x77: {  	v5 =	vbroadcast v5, $0x0;
	v9, _, _ =	vpop (xrf0)  }
0x78: {  	[tilespmem:v13+s17+$0x0] =	vst.idx.add.s32.msk $0x1, v11;
	v4, _, _ =	vpop (xrf0);
	v9 =	vbroadcast v9, $0xF  }
0x79: {  	[tilespmem:v12+s17+$0x0] =	vst.idx.add.s32.msk $0x1, v7;
	v4 =	vbroadcast v4, $0xF;
	v7, _, _ =	vpop (xrf0)  }
0x7a: {  	[tilespmem:v3+s17+$0x0] =	vst.idx.add.s32.msk $0x1, v9;
	v10, _, _ =	vpop (xrf0);
	v7 =	vbroadcast v7, $0xF  }
0x7b: {  	[tilespmem:v6+s17+$0x0] =	vst.idx.add.s32.msk $0x1, v4;
	v3 =	vbroadcast v10, $0xF  }
0x7c: {  	[tilespmem:v8+s17+$0x0] =	vst.idx.add.s32.msk $0x1, v7  }
0x7d: {  	[tilespmem:v5+s17+$0x0] =	vst.idx.add.s32.msk $0x1, v3  }
0x7e: {  	v3 =	vld [tilespmem:$0x18800];
	_ =	sdelay $0x3  }
0x7f: {  	v4 =	vld [tilespmem:$0x18810]  }
0x80: {  	(xrf0) =	vadd.scan.msk.s32 $0xffff, v3;
	_ =	sdelay $0x3  }
0x81: {  	(xrf0) =	vadd.scan.msk.s32 $0xffff, v4;
	_ =	sdelay $0x1  }
0x82: {  	v5, _, _ =	vpop (xrf0)  }
0x83: {  	v3 =	vsub.s32 v5, v3  }
0x84: {  	v6 =	vbroadcast v5, $0xF;
	_ =	sdelay $0x1  }
0x85: {  	vm1 =	vlt.s32 v3, $0x7FC1;
	v4 =	vsub.s32 v6, v4;
	v3, _, _ =	vpop (xrf0)  }
0x86: {  	v6 =	vmpcnt.ones.xlane vm1;
	v4 =	vadd.s32 v3, v4  }
0x87: {  	vm1 =	vlt.s32 v4, $0x7FC1  }
0x88: {  	(v2sf) =	vpush v6, $0x0;
	v4 =	vmpcnt.ones.xlane vm1  }
0x89: {  	(v2sf) =	vpush v5, $0xF  }
0x8a: {  	(v2sf) =	vpush v4, $0x0  }
0x8b: {  	(v2sf) =	vpush v3, $0xF;
	_ =	sdelay $0x3  }
0x8c: {  	v3 =	vld [tilespmem:$0x18820];
	_ =	sdelay $0x4  }
0x8d: {  	(xrf0) =	vadd.scan.msk.s32 $0xffff, v3;
	_ =	sdelay $0x2  }
0x8e: {  	s29 =	spop (v2sf)  }
0x8f: {  	s0 =	spop (v2sf)  }
0x90: {  	s30 =	spop (v2sf)  }
0x91: {  	v4, _, _ =	vpop (xrf0);
	s26 =	spop (v2sf)  }
0x92: {  	v3 =	vsub.s32 v4, v3;
	s1 =	sadd.s32 s0, s26  }
0x93: {  	v3 =	vadd.s32 s1, v3  }
0x94: {  	vm1 =	vlt.s32 v3, $0x7FC1  }
0x95: {  	v3 =	vmpcnt.ones.xlane vm1;
	_ =	sdelay $0x1  }
0x96: {  	(v2sf) =	vpush v3, $0x0  }
0x97: {  	(v2sf) =	vpush v4, $0xF;
	_ =	sdelay $0x3  }
0x98: {  	v3 =	vld [tilespmem:$0x18830];
	_ =	sdelay $0x4  }
0x99: {  	(xrf0) =	vadd.scan.msk.s32 $0xffff, v3;
	_ =	sdelay $0x4  }
0x9a: {  	s3 =	spop (v2sf)  }
0x9b: {  	v4, _, _ =	vpop (xrf0);
	s4 =	spop (v2sf)  }
0x9c: {  	v3 =	vsub.s32 v4, v3;
	s26 =	sadd.s32 s1, s4  }
0x9d: {  	v3 =	vadd.s32 s26, v3  }
0x9e: {  	vm1 =	vlt.s32 v3, $0x7FC1  }
0x9f: {  	v3 =	vmpcnt.ones.xlane vm1;
	_ =	sdelay $0x1  }
0xa0: {  	(v2sf) =	vpush v3, $0x0  }
0xa1: {  	(v2sf) =	vpush v4, $0xF;
	_ =	sdelay $0x3  }
0xa2: {  	v3 =	vld [tilespmem:$0x18840];
	_ =	sdelay $0x4  }
0xa3: {  	(xrf0) =	vadd.scan.msk.s32 $0xffff, v3;
	_ =	sdelay $0x4  }
0xa4: {  	s4 =	spop (v2sf)  }
0xa5: {  	v4, _, _ =	vpop (xrf0);
	s14 =	spop (v2sf)  }
0xa6: {  	v3 =	vsub.s32 v4, v3;
	s28 =	sadd.s32 s26, s14  }
0xa7: {  	v3 =	vadd.s32 s28, v3  }
0xa8: {  	vm1 =	vlt.s32 v3, $0x7FC1  }
0xa9: {  	v3 =	vmpcnt.ones.xlane vm1;
	_ =	sdelay $0x1  }
0xaa: {  	(v2sf) =	vpush v3, $0x0  }
0xab: {  	(v2sf) =	vpush v4, $0xF;
	_ =	sdelay $0x3  }
0xac: {  	v3 =	vld [tilespmem:$0x18850];
	_ =	sdelay $0x4  }
0xad: {  	(xrf0) =	vadd.scan.msk.s32 $0xffff, v3;
	_ =	sdelay $0x4  }
0xae: {  	s14 =	spop (v2sf)  }
0xaf: {  	v4, _, _ =	vpop (xrf0);
	s20 =	spop (v2sf)  }
0xb0: {  	v3 =	vsub.s32 v4, v3;
	s31 =	sadd.s32 s28, s20  }
0xb1: {  	v3 =	vadd.s32 s31, v3  }
0xb2: {  	vm1 =	vlt.s32 v3, $0x7FC1  }
0xb3: {  	v3 =	vmpcnt.ones.xlane vm1;
	_ =	sdelay $0x1  }
0xb4: {  	(v2sf) =	vpush v3, $0x0  }
0xb5: {  	(v2sf) =	vpush v4, $0xF;
	_ =	sdelay $0x3  }
0xb6: {  	v3 =	vld [tilespmem:$0x18860];
	_ =	sdelay $0x4  }
0xb7: {  	(xrf0) =	vadd.scan.msk.s32 $0xffff, v3;
	_ =	sdelay $0x4  }
0xb8: {  	s20 =	spop (v2sf)  }
0xb9: {  	v4, _, _ =	vpop (xrf0);
	s5 =	spop (v2sf)  }
0xba: {  	v3 =	vsub.s32 v4, v3;
	s5 =	sadd.s32 s31, s5  }
0xbb: {  	v3 =	vadd.s32 s5, v3  }
0xbc: {  	vm1 =	vlt.s32 v3, $0x7FC1  }
0xbd: {  	v3 =	vmpcnt.ones.xlane vm1;
	_ =	sdelay $0x1  }
0xbe: {  	(v2sf) =	vpush v3, $0x0  }
0xbf: {  	(v2sf) =	vpush v4, $0xF;
	_ =	sdelay $0x3  }
0xc0: {  	v3 =	vld [tilespmem:$0x18870];
	_ =	sdelay $0x4  }
0xc1: {  	(xrf0) =	vadd.scan.msk.s32 $0xffff, v3;
	_ =	sdelay $0x4  }
0xc2: {  	s6 =	spop (v2sf)  }
0xc3: {  	v4, _, _ =	vpop (xrf0);
	s7 =	spop (v2sf)  }
0xc4: {  	v3 =	vsub.s32 v4, v3;
	s7 =	sadd.s32 s5, s7  }
0xc5: {  	v3 =	vadd.s32 s7, v3  }
0xc6: {  	vm1 =	vlt.s32 v3, $0x7FC1  }
0xc7: {  	v3 =	vmpcnt.ones.xlane vm1;
	_ =	sdelay $0x1  }
0xc8: {  	(v2sf) =	vpush v3, $0x0;
	_ =	sdelay $0x9  }
0xc9: {  	s29 =	sadd.s32 s30, s29  }
0xca: {  	s3 =	sadd.s32 s3, s29  }
0xcb: {  	s3 =	sadd.s32 s4, s3  }
0xcc: {  	s3 =	sadd.s32 s14, s3  }
0xcd: {  	s3 =	sadd.s32 s20, s3  }
0xce: {  	s3 =	sadd.s32 s6, s3;
	s30 =	spop (v2sf)  }
0xcf: {  	s3 =	sadd.s32 s30, s3  }
0xd0: {  	s3 =	sadd.s32 $0xFFFFFFFF, s3  }
0xd1: {  	s14 =	sshra.s32 s3, $0x1F  }
0xd2: {  	s4 =	sshrl.u32 s14, $0x1C  }
0xd3: {  	s4 =	sadd.s32 s4, s3  }
0xd4: {  	s20 =	sand.u32 $0xFFFFFFF0, s4  }
0xd5: {  	p0 =	slt.s32 s3, $0x1;
	p1 =	sne.s32 s3, s20  }
0xd6: {  	p0 =	por !p0, !p1  }
0xd7: {  	s6 =	simm.s32 $0x1;
	p0 =	por !p0, !p0  }
0xd8: {  	s4 =	sshra.s32 s4, $0x4;
	s6 =	simm.s32 @!p0 $0x0  }
0xd9: {  	s4 =	ssub.s32 s4, s6  }
0xda: {  	s6 =	sshll.u32 s4, $0x6  }
0xdb: {  	s6 =	sshra.s32 s6, $0x2  }
0xdc: {  	v4 =	vld [tilespmem:s6+$0x18800];
	_ =	sdelay $0x4  }
0xdd: {  	p0 =	seq.s32 s4, $0x1;
	(xrf0) =	vadd.scan.msk.s32 $0xffff, v4  }
0xde: {  	s0 =	simm.s32 @!p0 $0x0;
	p0 =	seq.s32 s4, $0x2  }
0xdf: {  	s0 =	smov.u32 @p0 s1;
	p0 =	seq.s32 s4, $0x3  }
0xe0: {  	s0 =	smov.u32 @p0 s26;
	p0 =	seq.s32 s4, $0x4  }
0xe1: {  	s0 =	smov.u32 @p0 s28;
	p0 =	seq.s32 s4, $0x5  }
0xe2: {  	s26 =	sshll.u32 s3, $0x4;
	s0 =	smov.u32 @p0 s31;
	p0 =	seq.s32 s4, $0x6  }
0xe3: {  	s3 =	sand.u32 $0xF, s3;
	v3 =	vld [tilespmem:s26+$0x18000];
	s0 =	smov.u32 @p0 s5;
	p0 =	seq.s32 s4, $0x7;
	v5, _, _ =	vpop (xrf0)  }
0xe4: {  	s0 =	smov.u32 @p0 s7;
	v4 =	vsub.s32 v5, v4;
	v5 =	vmov s3  }
0xe5: {  	v4 =	vadd.s32 s0, v4;
	vm1 =	veq.s32 v5, v2  }
0xe6: {  	v4 =	vnsel vm1, $0x0, v4  }
0xe7: {  	(xrf0) =	vadd.scan.msk.s32 $0xffff, v4  }
0xe8: {  	(xrf0) =	vadd.scan.msk.s32 $0xffff, v3;
	_ =	sdelay $0x4  }
0xe9: {  	v4, _, _ =	vpop (xrf0)  }
0xea: {  	v5, _, _ =	vpop (xrf0);
	v4 =	vbroadcast v4, $0xF  }
0xeb: {  	v5 =	vsub.s32 v5, v3  }
0xec: {  	v4 =	vadd.s32 v4, v5  }
0xed: {  	vm1 =	vlt.s32 v4, $0x7FC1  }
0xee: {  	v5 =	vmpcnt.ones.xlane vm1;
	_ =	sdelay $0x1  }
0xef: {  	(v2sf) =	vpush v5, $0x0;
	_ =	sdelay $0x4  }
0xf0: {  	s29 =	simm.s32 $0x60  }
0xf1: {  	v19 =	vld [tilespmem:s29+$0x0];
	s30 =	simm.s32 $0x20  }
0xf2: {  	v6 =	vld [tilespmem:s30+$0xFFFFFFE0]  }
0xf3: {  	v7 =	vld [tilespmem:s30+$0xFFFFFFF0]  }
0xf4: {  	v8 =	vld [tilespmem:s30+$0x0];
	_ =	sdelay $0x1  }
0xf5: {  	v9 =	vld [tilespmem:s30+$0x10]  }
0xf6: {  	v10 =	vimm.s32 $0x0;
	v22 =	vxor.u32 $0xFFFFFFFF, v19;
	v23 =	vor.u32 $0x80000000, v19  }
0xf7: {  	vm8 =	vlt.s32 v19, $0x0;
	v11 =	vxor.u32 $0xFFFFFFFF, v6;
	v12 =	vor.u32 $0x80000000, v6  }
0xf8: {  	v13 =	vor.u32 $0x80000000, v7;
	vm2 =	vlt.s32 v7, $0x0;
	v14 =	vor.u32 $0x80000000, v8  }
0xf9: {  	vm3 =	vlt.s32 v8, $0x0;
	vm1 =	vlt.s32 v6, $0x0;
	v6 =	vxor.u32 $0xFFFFFFFF, v7;
	s31 =	spop (v2sf)  }
0xfa: {  	v7 =	vxor.u32 $0xFFFFFFFF, v8;
	v8 =	vxor.u32 $0xFFFFFFFF, v9;
	v11 =	vsel vm1, v11, v12;
	s28 =	sadd.s32 $0xFFFFFFFF, s31  }
0xfb: {  	v12 =	vor.u32 $0x80000000, v9;
	vm1 =	vlt.s32 v9, $0x0;
	v9 =	vsel vm2, v6, v13;
	s26 =	sadd.s32 s26, s28  }
0xfc: {  	v7 =	vsel vm3, v7, v14;
	v6 =	vshrl.u32 v11, $0x15;
	v5 =	vmov s26  }
0xfd: {  	v13 =	vshrl.u32 v9, $0x15;
	v8 =	vsel vm1, v8, v12;
	vm3 =	veq.s32 v6, v5  }
0xfe: {  	v12 =	vshrl.u32 v7, $0x15;
	v61 =	vand.u32 $0x1FFFFF, v7;
	v6 =	vmpcnt.ones.xlane vm3  }
0xff: {  	vm4 =	veq.s32 v13, v5;
	vm6 =	veq.s32 v12, v5;
	v14 =	vsel vm3, $0x1, v0  }
0x100: {  	v12 =	vshrl.u32 v8, $0x15;
	(xrf0) =	vadd.scan.msk.s32 $0xffff, v14;
	v15 =	vadd.s32 v10, v6;
	v6 =	vsel vm4, $0x1, v0  }
0x101: {  	v13 =	vmpcnt.ones.xlane vm4;
	vm2 =	veq.s32 v12, v5;
	v12 =	vmpcnt.ones.xlane vm6;
	(xrf0) =	vadd.scan.msk.s32 $0xffff, v6  }
0x102: {  	v17 =	vsel vm6, $0xFFFFFFFF, v0;
	vm1 =	vmmov vm2;
	v14 =	vsel vm6, $0x1, v0  }
0x103: {  	v16 =	vsel vm1, $0x1, v0;
	v13 =	vadd.s32 v15, v13;
	(xrf0) =	vadd.scan.msk.s32 $0xffff, v14;
	v14 =	vsel vm3, $0xFFFFFFFF, v0  }
0x104: {  	v12 =	vadd.s32 v13, v12;
	v13 =	vadd.s32 v17, v13;
	v17 =	vand.u32 $0x1FFFFF, v9;
	v9 =	vld [tilespmem:s29+$0xFFFFFFF0];
	(xrf0) =	vadd.scan.msk.s32 $0xffff, v16  }
0x105: {  	v7 =	vand.u32 $0x1FFFFF, v8;
	v6 =	vmpcnt.ones.xlane vm2;
	v16 =	vsel vm4, $0xFFFFFFFF, v0  }
0x106: {  	v10 =	vadd.s32 v14, v10;
	v15 =	vadd.s32 v16, v15;
	v16 =	vand.u32 $0x1FFFFF, v11;
	v11 =	vld [tilespmem:s29+$0xFFFFFFE0];
	v14, _, _ =	vpop (xrf0)  }
0x107: {  	v18 =	vsel vm1, $0xFFFFFFFF, v0;
	v6 =	vadd.s32 v12, v6;
	v10 =	vadd.s32 v14, v10;
	v14, _, _ =	vpop (xrf0)  }
0x108: {  	v12 =	vadd.s32 v18, v12;
	vm2 =	vlt.s32 v10, $0x1000;
	v8 =	vadd.s32 v14, v15  }
0x109: {  	v21 =	vor.u32 $0x80000000, v9;
	v14, _, _ =	vpop (xrf0);
	v15 =	vld [tilespmem:s29+$0x10];
	v20 =	vnsel vm2, $0x1000, v10;
	vm2 =	vlt.s32 v8, $0x1000  }
0x10a: {  	vm7 =	vlt.s32 v9, $0x0;
	v10 =	vadd.s32 v14, v13;
	v13, _, _ =	vpop (xrf0);
	v14 =	vnsel vm2, $0x1000, v8  }
0x10b: {  	vm2 =	vlt.s32 v10, $0x1000;
	v8 =	vadd.s32 v13, v12;
	v12 =	vxor.u32 $0xFFFFFFFF, v11  }
0x10c: {  	v13 =	vnsel vm2, $0x1000, v10;
	v10 =	vor.u32 $0x80000000, v11;
	vm2 =	vlt.s32 v11, $0x0  }
0x10d: {  	vm5 =	vlt.s32 v8, $0x1000;
	v11 =	vxor.u32 $0xFFFFFFFF, v9;
	v9 =	vsel vm2, v12, v10  }
0x10e: {  	v11 =	vsel vm7, v11, v21;
	v10 =	vsel vm8, v22, v23;
	v62 =	vxor.u32 $0xFFFFFFFF, v15  }
0x10f: {  	v12 =	vor.u32 $0x80000000, v15;
	vm9 =	vlt.s32 v15, $0x0;
	v15 =	vshrl.u32 v9, $0x15  }
0x110: {  	v63 =	vshrl.u32 v10, $0x15;
	vm2 =	veq.s32 v15, v5;
	v15 =	vshrl.u32 v11, $0x15  }
0x111: {  	[tilespmem:v20+s18+$0x0] =	vst.idx.msk vm3, v16;
	v12 =	vsel vm9, v62, v12;
	v16 =	vmpcnt.ones.xlane vm2;
	vm3 =	veq.s32 v15, v5  }
0x112: {  	[tilespmem:v14+s18+$0x0] =	vst.idx.msk vm4, v17;
	vm4 =	veq.s32 v63, v5;
	v17 =	vshrl.u32 v12, $0x15;
	v15 =	vmpcnt.ones.xlane vm3  }
0x113: {  	s0 =	simm.s32 $0x40;
	[tilespmem:v13+s18+$0x0] =	vst.idx.msk vm6, v61;
	v14 =	vmpcnt.ones.xlane vm4;
	vm7 =	veq.s32 v17, v5;
	v13 =	vadd.s32 v6, v16  }
.LBB2_10:
0x114: {  	v16 =	vsel vm2, $0x1, v0;
	v15 =	vadd.s32 v13, v15  }
0x115: {  	s0 =	sadd.s32 $0x40, s0;
	v17 =	vmpcnt.ones.xlane vm7;
	vm6 =	vmmov vm1;
	vm1 =	vmmov vm7  }
0x116: {  	v18 =	vsel vm3, $0x1, v0;
	v19 =	vsel vm4, $0x1, v0;
	p0 =	slt.u32 s0, $0x7FC0;
	v14 =	vadd.s32 v15, v14;
	(xrf0) =	vadd.scan.msk.s32 $0xffff, v16  }
0x117: {  	v16 =	vsel vm2, $0xFFFFFFFF, v0;
	v20 =	vsel vm1, $0x1, v0;
	v17 =	vadd.s32 v14, v17;
	(xrf0) =	vadd.scan.msk.s32 $0xffff, v18  }
0x118: {  	v21 =	vsel vm4, $0xFFFFFFFF, v0;
	v22 =	vsel vm1, $0xFFFFFFFF, v0;
	v18 =	vsel vm3, $0xFFFFFFFF, v0;
	(xrf0) =	vadd.scan.msk.s32 $0xffff, v19  }
0x119: {  	v15 =	vadd.s32 v21, v15;
	v14 =	vadd.s32 v22, v14;
	v13 =	vadd.s32 v18, v13;
	(xrf0) =	vadd.scan.msk.s32 $0xffff, v20  }
0x11a: {  	v9 =	vand.u32 $0x1FFFFF, v9;
	v8 =	vnsel vm5, $0x1000, v8;
	v16 =	vadd.s32 v16, v6;
	v6 =	vmovc v17  }
0x11b: {  	v11 =	vand.u32 $0x1FFFFF, v11;
	s29 =	sadd.s32 $0x40, s29;
	v18 =	vand.u32 $0x1FFFFF, v10;
	v10 =	vand.u32 $0x1FFFFF, v12  }
0x11c: {  	v12 =	vld [tilespmem:s29+$0xFFFFFFE0];
	v19, _, _ =	vpop (xrf0)  }
0x11d: {  	v20 =	vld [tilespmem:s29+$0xFFFFFFF0];
	v16 =	vadd.s32 v19, v16;
	v19, _, _ =	vpop (xrf0)  }
0x11e: {  	v21 =	vld [tilespmem:s29+$0x0];
	vm5 =	vlt.s32 v16, $0x1000;
	v13 =	vadd.s32 v19, v13;
	v19, _, _ =	vpop (xrf0)  }
0x11f: {  	v22 =	vld [tilespmem:s29+$0x10];
	v16 =	vnsel vm5, $0x1000, v16;
	vm5 =	vlt.s32 v13, $0x1000;
	v15 =	vadd.s32 v19, v15;
	v19, _, _ =	vpop (xrf0);
	[tilespmem:v8+s18+$0x0] =	vst.idx.msk vm6, v7  }
0x120: {  	v7 =	vmovc v10;
	v13 =	vnsel vm5, $0x1000, v13;
	vm5 =	vlt.s32 v15, $0x1000;
	v8 =	vadd.s32 v19, v14  }
0x121: {  	v10 =	vxor.u32 $0xFFFFFFFF, v12;
	v14 =	vnsel vm5, $0x1000, v15;
	vm5 =	vlt.s32 v8, $0x1000  }
0x122: {  	v15 =	vor.u32 $0x80000000, v12;
	vm6 =	vlt.s32 v12, $0x0;
	v12 =	vxor.u32 $0xFFFFFFFF, v20  }
0x123: {  	v19 =	vor.u32 $0x80000000, v20;
	vm7 =	vlt.s32 v20, $0x0;
	v20 =	vxor.u32 $0xFFFFFFFF, v21  }
0x124: {  	v23 =	vor.u32 $0x80000000, v21;
	vm8 =	vlt.s32 v21, $0x0;
	v21 =	vxor.u32 $0xFFFFFFFF, v22;
	[tilespmem:v16+s18+$0x0] =	vst.idx.msk vm2, v9  }
0x125: {  	v9 =	vsel vm6, v10, v15;
	v15 =	vor.u32 $0x80000000, v22;
	vm6 =	vlt.s32 v22, $0x0;
	[tilespmem:v13+s18+$0x0] =	vst.idx.msk vm3, v11  }
.Ltmp4:
0x126: {  	v10 =	vsel vm8, v20, v23;
	v13 =	vshrl.u32 v9, $0x15;
	v11 =	vsel vm7, v12, v19;
	[tilespmem:v14+s18+$0x0] =	vst.idx.msk vm4, v18;
	(pc) =	sbr.rel @p0 .LBB2_10-.Ltmp4, $4  }
0x127: {  	v12 =	vsel vm6, v21, v15;
	vm2 =	veq.s32 v13, v5;
	v13 =	vshrl.u32 v11, $0x15  }
0x128: {  	v14 =	vmpcnt.ones.xlane vm2;
	vm3 =	veq.s32 v13, v5;
	v13 =	vshrl.u32 v10, $0x15  }
0x129: {  	v16 =	vshrl.u32 v12, $0x15;
	v15 =	vmpcnt.ones.xlane vm3;
	vm4 =	veq.s32 v13, v5  }
0x12a: {  	vm7 =	veq.s32 v16, v5;
	v13 =	vadd.s32 v17, v14;
	v14 =	vmpcnt.ones.xlane vm4  }
0x12b: {  	v5 =	vsel vm2, $0x1, v0  }
0x12c: {  	v15 =	vadd.s32 v13, v15;
	v16 =	vsel vm3, $0x1, v0;
	vm6 =	vmmov vm7;
	(xrf0) =	vadd.scan.msk.s32 $0xffff, v5  }
0x12d: {  	v48 =	vsel vm4, $0x1, v0;
	v49 =	vmov s28;
	v17 =	vmpcnt.ones.xlane vm7;
	(xrf0) =	vadd.scan.msk.s32 $0xffff, v16  }
0x12e: {  	v18 =	vsel vm6, $0x1, v0;
	vm11 =	veq.s32 v49, v2;
	v50 =	vadd.s32 v15, v14;
	(xrf0) =	vadd.scan.msk.s32 $0xffff, v48  }
0x12f: {  	v3 =	vnsel vm11, $0x0, v3;
	v14 =	vadd.s32 v50, v17;
	(xrf0) =	vadd.scan.msk.s32 $0xffff, v18  }
0x130: {  	v4 =	vnsel vm11, $0x0, v4;
	(xrf0) =	vadd.scan.msk.s32 $0xffff, v3;
	v3 =	vnsel vm0, $0x0, v14  }
0x131: {  	(xrf0) =	vadd.scan.msk.s32 $0xffff, v4  }
0x132: {  	v51, _, _ =	vpop (xrf0);
	(xrf0) =	vadd.scan.msk.s32 $0xffff, v3  }
0x133: {  	v3, _, _ =	vpop (xrf0)  }
0x134: {  	v52, _, _ =	vpop (xrf0)  }
0x135: {  	v53, _, _ =	vpop (xrf0)  }
0x136: {  	v54, _, _ =	vpop (xrf0)  }
0x137: {  	(v2sf) =	vpush v54, $0xF;
	v55, _, _ =	vpop (xrf0)  }
0x138: {  	(v2sf) =	vpush v55, $0xF;
	v56, _, _ =	vpop (xrf0)  }
0x139: {  	(v2sf) =	vpush v56, $0xF;
	_ =	sdelay $0x7  }
0x13a: {  	vm1 =	vmmov vm1  }
0x13b: {  	v57 =	vsel vm2, $0xFFFFFFFF, v0;
	v58 =	vsel vm3, $0xFFFFFFFF, v0;
	v19 =	vsel vm4, $0xFFFFFFFF, v0  }
0x13c: {  	v60 =	vnsel vm5, $0x1000, v8;
	v20 =	vsel vm6, $0xFFFFFFFF, v0;
	v6 =	vadd.s32 v57, v6  }
0x13d: {  	v59 =	vadd.s32 v58, v13;
	v15 =	vadd.s32 v19, v15;
	v4 =	vadd.s32 v51, v6  }
0x13e: {  	v5 =	vadd.s32 v20, v50;
	vm12 =	vlt.s32 v4, $0x1000;
	v3 =	vadd.s32 v3, v59  }
0x13f: {  	v4 =	vnsel vm12, $0x1000, v4;
	vm13 =	vlt.s32 v3, $0x1000;
	v61 =	vadd.s32 v52, v15;
	s0 =	spop (v2sf)  }
0x140: {  	v3 =	vnsel vm13, $0x1000, v3;
	vm14 =	vlt.s32 v61, $0x1000;
	v5 =	vadd.s32 v53, v5;
	s1 =	spop (v2sf)  }
0x141: {  	vm6 =	vmmov vm6;
	v8 =	vnsel vm14, $0x1000, v61;
	vm15 =	vlt.s32 v5, $0x1000;
	s3 =	spop (v2sf)  }
0x142: {  	v5 =	vnsel vm15, $0x1000, v5;
	p0 =	slt.s32 s3, $0x1000;
	s4 =	smov.u32 s3  }
0x143: {  	v9 =	vand.u32 $0x1FFFFF, v9;
	[tilespmem:v60+s18+$0x0] =	vst.idx.msk vm1, v7;
	s4 =	simm.s32 @!p0 $0x1000;
	p0 =	sgt.s32 s3, $0x1000  }
.Ltmp5:
0x144: {  	v62 =	vand.u32 $0x1FFFFF, v11;
	[tilespmem:v4+s18+$0x0] =	vst.idx.msk vm2, v9;
	(pc) =	sbr.rel @p0 .LBB2_27-.Ltmp5, $4  }
0x145: {  	v63 =	vand.u32 $0x1FFFFF, v10;
	[tilespmem:v3+s18+$0x0] =	vst.idx.msk vm3, v62  }
0x146: {  	v3 =	vand.u32 $0x1FFFFF, v12;
	[tilespmem:v8+s18+$0x0] =	vst.idx.msk vm4, v63  }
0x147: {  	[tilespmem:v5+s18+$0x0] =	vst.idx.msk vm6, v3  }
0x148: {  	[tilespmem:s4+$0x18880] =	vst v0  }
0x149: {  	s4 =	sadd.s32 $0xF, s3  }
0x14a: {  	s5 =	sand.u32 $0xF, s4  }
0x14b: {  	p0 =	slt.s32 s3, $0xFFFFFFF2;
	s20 =	sshra.s32 s4, $0x1F;
	p1 =	sne.s32 s5, $0x0  }
.Ltmp6:
0x14c: {  	s3 =	sshrl.u32 s20, $0x1C;
	p0 =	por !p0, !p1;
	(pc) =	sbr.rel .LBB2_13-.Ltmp6, $4  }
0x14d: {  	s3 =	sadd.s32 s3, s4;
	s4 =	simm.s32 $0x1;
	p0 =	por !p0, !p0  }
0x14e: {  	s28 =	sshra.s32 s3, $0x4;
	s4 =	simm.s32 @!p0 $0x0  }
0x14f: {  	s0 =	sadd.s32 s1, s0;
	s31 =	simm.s32 $0x0;
	s30 =	ssub.s32 s28, s4  }
0x150: {  	s29 =	sadd.s32 $0xFFFF8040, s0;
	s0 =	simm.s32 $0x0;
	p0 =	slt.s32 s30, $0x1  }
.LBB2_27:
0x151: {  	s0 =	sshll.u32 s26, $0x15;
	s28 =	simm.s32 $0x0;
	s1 =	simm.s32 $0x0  }
.LBB2_28:
0x152: {  	s3 =	simm.s32 $0x0  }
0x153: {  	v3 =	vld [tilespmem:s3+$0x0]  }
0x154: {  	s29 =	simm.s32 $0x10  }
0x155: {  	v4 =	vld [tilespmem:s29+$0x0]  }
0x156: {  	s30 =	sshrl.u32 s19, s1;
	s4 =	simm.s32 $0x20  }
0x157: {  	s26 =	sor.u32 s30, s28;
	v5 =	vld [tilespmem:s4+$0x0]  }
0x158: {  	s3 =	sor.u32 s0, s26;
	v6 =	vxor.u32 $0xFFFFFFFF, v3;
	v7 =	vor.u32 $0x80000000, v3;
	vm1 =	vlt.s32 v3, $0x0  }
0x159: {  	v3 =	vmov s3;
	v6 =	vsel vm1, v6, v7  }
0x15a: {  	v7 =	vxor.u32 $0xFFFFFFFF, v4;
	vm1 =	vlt.s32 v4, $0x0;
	v4 =	vor.u32 $0x80000000, v4  }
0x15b: {  	vm2 =	vge.u32 v6, v3;
	v4 =	vsel vm1, v7, v4  }
0x15c: {  	v6 =	vxor.u32 $0xFFFFFFFF, v5;
	vm1 =	vlt.s32 v5, $0x0;
	v5 =	vor.u32 $0x80000000, v5  }
0x15d: {  	v5 =	vsel vm1, v6, v5;
	v6 =	vmpcnt.ones.xlane vm2  }
0x15e: {  	vm1 =	vge.u32 v4, v3  }
0x15f: {  	v4 =	vmpcnt.ones.xlane vm1;
	vm1 =	vge.u32 v5, v3;
	(v2sf) =	vpush v6, $0x0  }
0x160: {  	v5 =	vmpcnt.ones.xlane vm1  }
0x161: {  	(v2sf) =	vpush v4, $0x0  }
0x162: {  	(v2sf) =	vpush v5, $0x0;
	_ =	sdelay $0x3  }
0x163: {  	s31 =	simm.s32 $0x30  }
0x164: {  	v4 =	vld [tilespmem:s31+$0x0];
	_ =	sdelay $0x3  }
0x165: {  	s20 =	simm.s32 $0x100;
	s14 =	simm.s32 $0x0  }
.LBB2_29:
0x166: {  	s3 =	sshra.s32 s20, $0x2;
	p0 =	sne.s32 s20, $0x1FFC0;
	s20 =	sadd.s32 $0x40, s20;
	v5 =	vxor.u32 $0xFFFFFFFF, v4;
	v6 =	vor.u32 $0x80000000, v4;
	vm1 =	vlt.s32 v4, $0x0  }
.Ltmp7:
0x167: {  	v4 =	vld [tilespmem:s3+$0x0];
	v5 =	vsel vm1, v5, v6;
	(pc) =	sbr.rel @p0 .LBB2_29-.Ltmp7, $3  }
0x168: {  	vm1 =	vge.u32 v5, v3;
	s3 =	spop (v2sf)  }
0x169: {  	v5 =	vmpcnt.ones.xlane vm1;
	s14 =	sadd.s32 s14, s3;
	_ =	sdelay $0x1  }
0x16a: {  	(v2sf) =	vpush v5, $0x0  }
0x16b: {  	v5 =	vxor.u32 $0xFFFFFFFF, v4;
	v6 =	vor.u32 $0x80000000, v4;
	vm1 =	vlt.s32 v4, $0x0  }
0x16c: {  	v4 =	vsel vm1, v5, v6  }
0x16d: {  	vm1 =	vge.u32 v4, v3  }
0x16e: {  	v3 =	vmpcnt.ones.xlane vm1;
	_ =	sdelay $0x1  }
0x16f: {  	(v2sf) =	vpush v3, $0x0;
	_ =	sdelay $0xb  }
0x170: {  	s3 =	spop (v2sf);
	s1 =	sadd.s32 $0x1, s1  }
0x171: {  	s3 =	sadd.s32 s14, s3;
	s4 =	spop (v2sf);
	p1 =	seq.s32 s1, $0x15  }
.Ltmp8:
0x172: {  	s3 =	sadd.s32 s3, s4;
	s30 =	spop (v2sf);
	(pc) =	sbr.rel @!p1 .LBB2_28-.Ltmp8, $4  }
.Ltmp9:
0x173: {  	s3 =	sadd.s32 s3, s30;
	s31 =	spop (v2sf);
	(pc) =	sbr.rel @p1 .LBB2_31-.Ltmp9, $4  }
0x174: {  	s3 =	sadd.s32 s3, s31  }
0x175: {  	p0 =	sgt.s32 s3, $0x3F  }
0x176: {  	s28 =	smov.u32 @p0 s26  }
0x177: {  	_ = 	snop  }
.LBB2_15:
0x178: {  	s14 =	simm.s32 $0x0  }
.LBB2_24:
0x179: {  	v3 =	vmpcnt.ones.xlane vm1;
	_ =	sdelay $0x1  }
0x17a: {  	(v2sf) =	vpush v3, $0x0;
	_ =	sdelay $0x9  }
0x17b: {  	s3 =	sadd.s32 @p3 s14, s20;
	s4 =	spop @p2 (v2sf);
	s5 =	simm.s32 $0x0  }
0x17c: {  	s4 =	smov.u32 @p2 s4;
	s5 =	smov.u32 @p3 s3  }
0x17d: {  	s3 =	sadd.s32 @p2 s5, s4;
	s5 =	simm.s32 $0x0;
	s4 =	spop @p1 (v2sf)  }
0x17e: {  	s5 =	smov.u32 @p2 s3;
	s4 =	smov.u32 @p1 s4  }
0x17f: {  	s3 =	sadd.s32 @p1 s5, s4  }
0x180: {  	s1 =	smov.u32 @p1 s3;
	s20 =	spop (v2sf)  }
0x181: {  	s1 =	sadd.s32 s1, s20  }
.LBB2_25:
0x182: {  	p1 =	slt.s32 s1, s29;
	s0 =	sadd.s32 $0x1, s0  }
0x183: {  	s28 =	smov.u32 @p1 s31;
	p1 =	seq.s32 s0, $0x15  }
.Ltmp10:
0x184: {  	_ = 	snop;
	(pc) =	sbr.rel @p1 .LBB2_26-.Ltmp10, $2  }
0x185: {  	_ =	sdelay $0x2  }
0x186: {  	s31 =	smov.u32 s28  }
.LBB2_13:
.Ltmp11:
0x187: {  	(pc) =	sbr.rel @p0 .LBB2_25-.Ltmp11, $3  }
0x188: {  	_ =	sdelay $0x1  }
0x189: {  	s1 =	sshrl.u32 s19, s0  }
0x18a: {  	s28 =	sor.u32 s1, s31;
	s1 =	simm.s32 $0x0  }
0x18b: {  	s1 =	simm.s32 $0x18880  }
0x18c: {  	p4 =	sne.s32 s30, $0x1;
	v4 =	vld [tilespmem:s1+$0x0]  }
.Ltmp12:
0x18d: {  	_ = 	snop;
	(pc) =	sbr.rel @!p4 .LBB2_15-.Ltmp12, $3  }
0x18e: {  	_ =	sdelay $0x1  }
0x18f: {  	v3 =	vmov s28;
	s3 =	sadd.s32 $0xFFFFFFFF, s30;
	s4 =	simm.s32 $0x18890;
	p1 =	por $0x0, $0x0  }
0x190: {  	p2 =	por $0x0, $0x0;
	p3 =	por $0x0, $0x0;
	s1 =	simm.s32 $0x0;
	vm1 =	vge.s32 v4, v3  }
0x191: {  	v4 =	vld [tilespmem:s4+$0x0];
	p4 =	sne.s32 s3, $0x1  }
.Ltmp13:
0x192: {  	v5 =	vmpcnt.ones.xlane vm1;
	(pc) =	sbr.rel @!p4 .LBB2_17-.Ltmp13, $3  }
0x193: {  	_ = 	snop  }
0x194: {  	(v2sf) =	vpush v5, $0x0;
	_ =	sdelay $0x1  }
0x195: {  	s3 =	sadd.s32 $0xFFFFFFFF, s3;
	s4 =	simm.s32 $0x188A0;
	p1 =	por $0x1, $0x1;
	vm1 =	vge.s32 v4, v3  }
0x196: {  	v5 =	vmpcnt.ones.xlane vm1;
	_ =	sdelay $0x1  }
0x197: {  	(v2sf) =	vpush v5, $0x0;
	_ =	sdelay $0x3  }
0x198: {  	v4 =	vld [tilespmem:s4+$0x0];
	p4 =	sne.s32 s3, $0x1  }
.Ltmp14:
0x199: {  	_ = 	snop;
	(pc) =	sbr.rel @!p4 .LBB2_19-.Ltmp14, $2  }
0x19a: {  	_ =	sdelay $0x2  }
0x19b: {  	s3 =	sadd.s32 $0xFFFFFFFF, s3;
	s4 =	simm.s32 $0x188B0;
	p2 =	por $0x1, $0x1;
	vm1 =	vge.s32 v4, v3  }
0x19c: {  	v5 =	vmpcnt.ones.xlane vm1;
	_ =	sdelay $0x1  }
0x19d: {  	(v2sf) =	vpush v5, $0x0;
	_ =	sdelay $0x2  }
0x19e: {  	v4 =	vld [tilespmem:s4+$0x0];
	p4 =	sne.s32 s3, $0x1  }
.Ltmp15:
0x19f: {  	_ = 	snop;
	(pc) =	sbr.rel @!p4 .LBB2_21-.Ltmp15, $3  }
0x1a0: {  	_ =	sdelay $0x1  }
0x1a1: {  	s3 =	sadd.s32 $0xFFFFFFFF, s3;
	s4 =	simm.s32 $0x188C0  }
0x1a2: {  	s20 =	spop (v2sf);
	p3 =	por $0x1, $0x1;
	s14 =	simm.s32 $0x0;
	vm1 =	vge.s32 v4, v3  }
.LBB2_22:
0x1a3: {  	v4 =	vld [tilespmem:s4+$0x0];
	p4 =	sne.s32 s3, $0x1;
	s3 =	sadd.s32 $0xFFFFFFFF, s3;
	v5 =	vmpcnt.ones.xlane vm1;
	s14 =	sadd.s32 s14, s20  }
.Ltmp16:
0x1a4: {  	(pc) =	sbr.rel @p4 .LBB2_22-.Ltmp16, $2  }
0x1a5: {  	(v2sf) =	vpush v5, $0x0;
	_ =	sdelay $0x3  }
0x1a6: {  	s4 =	sadd.s32 $0x10, s4;
	vm1 =	vge.s32 v4, v3;
	s20 =	spop (v2sf)  }
.Ltmp17:
0x1a7: {  	(pc) =	sbr.rel .LBB2_24-.Ltmp17, $1  }
0x1a8: {  	_ =	sdelay $0x3  }
.LBB2_17:
.Ltmp18:
0x1a9: {  	(pc) =	sbr.rel .LBB2_24-.Ltmp18, $2  }
0x1aa: {  	_ =	sdelay $0x2  }
0x1ab: {  	s14 =	simm.s32 $0x0  }
.LBB2_19:
.Ltmp19:
0x1ac: {  	(pc) =	sbr.rel .LBB2_24-.Ltmp19, $2  }
0x1ad: {  	_ =	sdelay $0x2  }
0x1ae: {  	s14 =	simm.s32 $0x0  }
.LBB2_21:
.Ltmp20:
0x1af: {  	(pc) =	sbr.rel .LBB2_24-.Ltmp20, $2  }
0x1b0: {  	_ =	sdelay $0x2  }
0x1b1: {  	s14 =	simm.s32 $0x0  }
.LBB2_26:
0x1b2: {  	s0 =	sshll.u32 s26, $0x15  }
.LBB2_31:
0x1b3: {  	s1 =	rddreg [dreg:$0x5];
	s3 =	simm.s32 $0x10000  }
0x1b4: {  	[tilespmem:s3], [sflag:$0x3] =	stream.strided.gather [hbm4b:s1+s12], $0x8000, s13, s12, $0x38;
	[tilespmem:$0x19900] =	vst v63  }
0x1b5: {  	s1 =	simm.s32 $0x40  }
0x1b6: {  	v7 =	vld [tilespmem:s1+$0x30]  }
0x1b7: {  	s0 =	sor.u32 s0, s28;
	v10 =	vld [tilespmem:s1+$0xFFFFFFD0]  }
0x1b8: {  	v3 =	vmov s0;
	v8 =	vld [tilespmem:s1+$0xFFFFFFE0]  }
0x1b9: {  	v4 =	vand.u32 $0x7FFFFFFF, v3;
	v5 =	vxor.u32 $0xFFFFFFFF, v3;
	vm1 =	vlt.s32 v3, $0x0;
	v9 =	vld [tilespmem:s1+$0xFFFFFFF0]  }
0x1ba: {  	v6 =	vld [tilespmem:s1+$0x0];
	v3 =	vsel vm1, v4, v5  }
0x1bb: {  	v5 =	vld [tilespmem:s1+$0x10];
	vm1 =	vge.f32 v7, v3  }
0x1bc: {  	v4 =	vld [tilespmem:s1+$0x20];
	vm2 =	vge.f32 v10, v3;
	v11 =	vnsel vm1, $0x0, v7  }
0x1bd: {  	s26 =	simm.s32 $0xC0;
	s0 =	simm.s32 $0x0;
	v7 =	vld [tilespmem:s1+$0xFFFFFFC0];
	v10 =	vnsel vm2, $0x0, v10;
	vm1 =	vge.f32 v8, v3;
	[tilespmem:s1+$0x30] =	vst v11  }
.LBB2_32:
0x1be: {  	v11 =	vld [tilespmem:s26+$0x30];
	s0 =	sadd.s32 $0x80, s0;
	[tilespmem:s1+$0xFFFFFFD0] =	vst v10;
	v8 =	vnsel vm1, $0x0, v8;
	vm1 =	vge.f32 v9, v3  }
0x1bf: {  	v10 =	vld [tilespmem:s26+$0xFFFFFFD0];
	p0 =	slt.u32 s0, $0x7F80;
	[tilespmem:s1+$0xFFFFFFE0] =	vst v8;
	v9 =	vnsel vm1, $0x0, v9;
	vm1 =	vge.f32 v6, v3  }
0x1c0: {  	v8 =	vld [tilespmem:s26+$0xFFFFFFE0];
	[tilespmem:s1+$0xFFFFFFF0] =	vst v9;
	v6 =	vnsel vm1, $0x0, v6;
	vm1 =	vge.f32 v5, v3  }
.Ltmp21:
0x1c1: {  	v9 =	vld [tilespmem:s26+$0xFFFFFFF0];
	[tilespmem:s1+$0x0] =	vst v6;
	v5 =	vnsel vm1, $0x0, v5;
	vm1 =	vge.f32 v4, v3;
	(pc) =	sbr.rel @p0 .LBB2_32-.Ltmp21, $4  }
0x1c2: {  	v6 =	vld [tilespmem:s26+$0x0];
	vm2 =	vge.f32 v7, v3;
	[tilespmem:s1+$0x10] =	vst v5;
	v4 =	vnsel vm1, $0x0, v4  }
0x1c3: {  	v5 =	vld [tilespmem:s26+$0x10];
	vm1 =	vge.f32 v11, v3;
	v7 =	vnsel vm2, $0x0, v7;
	[tilespmem:s1+$0x20] =	vst v4  }
0x1c4: {  	vm2 =	vge.f32 v10, v3;
	v4 =	vld [tilespmem:s26+$0x20];
	v11 =	vnsel vm1, $0x0, v11;
	[tilespmem:s1+$0xFFFFFFC0] =	vst v7;
	s1 =	smov.u32 s26  }
0x1c5: {  	s26 =	sadd.s32 $0x80, s26;
	v7 =	vld [tilespmem:s1+$0xFFFFFFC0];
	v10 =	vnsel vm2, $0x0, v10;
	vm1 =	vge.f32 v8, v3;
	[tilespmem:s1+$0x30] =	vst v11  }
0x1c6: {  	[tilespmem:s1+$0xFFFFFFD0] =	vst v10;
	v8 =	vnsel vm1, $0x0, v8;
	vm1 =	vge.f32 v9, v3  }
0x1c7: {  	[tilespmem:s1+$0xFFFFFFE0] =	vst v8;
	v62 =	vnsel vm1, $0x0, v9;
	vm1 =	vge.f32 v6, v3  }
0x1c8: {  	[tilespmem:s1+$0xFFFFFFF0] =	vst v62;
	v6 =	vnsel vm1, $0x0, v6;
	vm1 =	vge.f32 v5, v3  }
0x1c9: {  	[tilespmem:s1+$0x0] =	vst v6;
	v5 =	vnsel vm1, $0x0, v5;
	vm1 =	vge.f32 v4, v3  }
0x1ca: {  	vm2 =	vge.f32 v7, v3;
	[tilespmem:s1+$0x10] =	vst v5;
	v3 =	vnsel vm1, $0x0, v4  }
0x1cb: {  	v63 =	vnsel vm2, $0x0, v7;
	[tilespmem:s1+$0x20] =	vst v3  }
0x1cc: {  	[tilespmem:s1+$0xFFFFFFC0] =	vst v63  }
0x1cd: {  	s0 =	rddreg [dreg:$0x6]  }
0x1ce: {  	[hbm4b:s0+s12] =	stream.strided.scatter [tilespmem:s2], [sflag:$0x4], $0x8000, s13, s12, $0x38;
	[tilespmem:$0x19900] =	vst v63  }
0x1cf: {  	_ =	swait.ge [sflag:s21], $0x8000  }
0x1d0: {  	[sflag:s21] =	ssyncset.done $0x0  }
0x1d1: {  	s0 =	simm.s32 $0x18040;
	[sflag:s21] =	ssyncadd.s32 $0xFFFF8000  }
0x1d2: {  	[tilespmem:s0+$0xFFFFFFC0] =	vst v0  }
0x1d3: {  	[tilespmem:s0+$0x30] =	vst v0  }
0x1d4: {  	[tilespmem:s0+$0x20] =	vst v0  }
0x1d5: {  	[tilespmem:s0+$0x10] =	vst v0  }
0x1d6: {  	[tilespmem:s0+$0x0] =	vst v0  }
0x1d7: {  	[tilespmem:s0+$0xFFFFFFF0] =	vst v0  }
0x1d8: {  	s3 =	simm.s32 $0x0;
	[tilespmem:s0+$0xFFFFFFE0] =	vst v0  }
.LBB2_34:
0x1d9: {  	s3 =	sadd.s32 $0x80, s3;
	[tilespmem:s0+$0xFFFFFFD0] =	vst v0;
	s0 =	sadd.s32 $0x80, s0;
	s1 =	simm.s32 $0x8040  }
0x1da: {  	[tilespmem:s0+$0xFFFFFFC0] =	vst v0;
	p0 =	slt.u32 s3, $0x780  }
0x1db: {  	[tilespmem:s0+$0x30] =	vst v0  }
.Ltmp22:
0x1dc: {  	[tilespmem:s0+$0x20] =	vst v0;
	(pc) =	sbr.rel @p0 .LBB2_34-.Ltmp22, $4  }
0x1dd: {  	[tilespmem:s0+$0x10] =	vst v0  }
0x1de: {  	[tilespmem:s0+$0x0] =	vst v0  }
0x1df: {  	[tilespmem:s0+$0xFFFFFFF0] =	vst v0  }
0x1e0: {  	[tilespmem:s0+$0xFFFFFFE0] =	vst v0  }
0x1e1: {  	[tilespmem:s0+$0xFFFFFFD0] =	vst v0  }
0x1e2: {  	v3 =	vld [tilespmem:s1+$0xFFFFFFC0]  }
0x1e3: {  	v5 =	vld [tilespmem:s1+$0x20];
	_ =	sdelay $0x2  }
0x1e4: {  	v7 =	vld [tilespmem:s1+$0x30]  }
0x1e5: {  	v6 =	vxor.u32 $0xFFFFFFFF, v3  }
0x1e6: {  	v9 =	vld [tilespmem:s1+$0x0];
	v8 =	vor.u32 $0x80000000, v3;
	vm1 =	vlt.s32 v3, $0x0;
	v10 =	vor.u32 $0x80000000, v5  }
0x1e7: {  	v4 =	vld [tilespmem:s1+$0xFFFFFFE0];
	v3 =	vsel vm1, v6, v8;
	v6 =	vxor.u32 $0xFFFFFFFF, v5;
	vm1 =	vlt.s32 v5, $0x0  }
0x1e8: {  	v8 =	vld [tilespmem:s1+$0xFFFFFFF0];
	v5 =	vsel vm1, v6, v10;
	v6 =	vshrl.u32 v3, $0x15  }
0x1e9: {  	v3 =	vor.u32 $0x80000000, v7;
	vm1 =	vlt.s32 v7, $0x0;
	v7 =	vxor.u32 $0xFFFFFFFF, v7  }
0x1ea: {  	v3 =	vsel vm1, v7, v3;
	v7 =	vld [tilespmem:s1+$0xFFFFFFD0];
	v10 =	vshrl.u32 v5, $0x15  }
0x1eb: {  	v11 =	vor.u32 $0x80000000, v9;
	v12 =	vxor.u32 $0xFFFFFFFF, v9;
	vm2 =	vlt.s32 v9, $0x0  }
0x1ec: {  	v9 =	vld [tilespmem:s1+$0x10];
	v13 =	vsel vm2, v12, v11;
	v12 =	vxor.u32 $0xFFFFFFFF, v4  }
0x1ed: {  	s0 =	simm.s32 $0x0;
	s1 =	simm.s32 $0x80C0;
	v5 =	vshrl.u32 v3, $0x15;
	v3 =	vshrl.u32 v13, $0x15;
	v11 =	vxor.u32 $0xFFFFFFFF, v8  }
.LBB2_36:
0x1ee: {  	v13 =	vld [tilespmem:s1+$0xFFFFFFC0];
	s0 =	sadd.s32 $0x80, s0;
	v14 =	vor.u32 $0x80000000, v4;
	vm1 =	vlt.s32 v4, $0x0;
	v4 =	vor.u32 $0x80000000, v8  }
0x1ef: {  	v15 =	vxor.u32 $0xFFFFFFFF, v7;
	p0 =	slt.u32 s0, $0x7F80;
	v12 =	vsel vm1, v12, v14;
	vm1 =	vlt.s32 v8, $0x0;
	[tilespmem:v10+s16+$0x0] =	vst.idx.add.s32.msk $0xffff, v1  }
0x1f0: {  	vm2 =	vlt.s32 v7, $0x0;
	v14 =	vld [tilespmem:s1+$0x30];
	v12 =	vshrl.u32 v12, $0x15;
	v10 =	vsel vm1, v11, v4  }
0x1f1: {  	v4 =	vor.u32 $0x80000000, v7;
	[tilespmem:v6+s16+$0x0] =	vst.idx.add.s32.msk $0xffff, v1;
	v6 =	vor.u32 $0x80000000, v9  }
0x1f2: {  	vm1 =	vlt.s32 v9, $0x0;
	v11 =	vsel vm2, v15, v4;
	v4 =	vxor.u32 $0xFFFFFFFF, v9;
	v8 =	vld [tilespmem:s1+$0x20]  }
0x1f3: {  	v6 =	vsel vm1, v4, v6;
	v7 =	vxor.u32 $0xFFFFFFFF, v13;
	v9 =	vor.u32 $0x80000000, v13;
	v15 =	vld [tilespmem:s1+$0x0]  }
0x1f4: {  	vm1 =	vlt.s32 v13, $0x0;
	v13 =	vshrl.u32 v6, $0x15;
	v4 =	vld [tilespmem:s1+$0xFFFFFFE0]  }
0x1f5: {  	v11 =	vshrl.u32 v11, $0x15;
	v6 =	vsel vm1, v7, v9;
	v7 =	vld [tilespmem:s1+$0xFFFFFFD0]  }
0x1f6: {  	v9 =	vld [tilespmem:s1+$0x10]  }
0x1f7: {  	v16 =	vxor.u32 $0xFFFFFFFF, v8;
	v17 =	vor.u32 $0x80000000, v8;
	vm1 =	vlt.s32 v8, $0x0;
	[tilespmem:v5+s16+$0x0] =	vst.idx.add.s32.msk $0xffff, v1  }
0x1f8: {  	v8 =	vld [tilespmem:s1+$0xFFFFFFF0];
	v5 =	vsel vm1, v16, v17;
	v16 =	vshrl.u32 v10, $0x15  }
.Ltmp23:
0x1f9: {  	v6 =	vshrl.u32 v6, $0x15;
	v17 =	vor.u32 $0x80000000, v14;
	vm1 =	vlt.s32 v14, $0x0;
	[tilespmem:v13+s16+$0x0] =	vst.idx.add.s32.msk $0xffff, v1;
	(pc) =	sbr.rel @p0 .LBB2_36-.Ltmp23, $4  }
0x1fa: {  	v13 =	vor.u32 $0x80000000, v15;
	v10 =	vshrl.u32 v5, $0x15;
	v5 =	vxor.u32 $0xFFFFFFFF, v14;
	[tilespmem:v11+s16+$0x0] =	vst.idx.add.s32.msk $0xffff, v1  }
0x1fb: {  	vm2 =	vlt.s32 v15, $0x0;
	v11 =	vxor.u32 $0xFFFFFFFF, v15;
	v5 =	vsel vm1, v5, v17;
	[tilespmem:v3+s16+$0x0] =	vst.idx.add.s32.msk $0xffff, v1  }
0x1fc: {  	v3 =	vsel vm2, v11, v13;
	v5 =	vshrl.u32 v5, $0x15;
	[tilespmem:v12+s16+$0x0] =	vst.idx.add.s32.msk $0xffff, v1  }
0x1fd: {  	s1 =	sadd.s32 $0x80, s1;
	v12 =	vxor.u32 $0xFFFFFFFF, v4;
	v3 =	vshrl.u32 v3, $0x15;
	v11 =	vxor.u32 $0xFFFFFFFF, v8;
	[tilespmem:v16+s16+$0x0] =	vst.idx.add.s32.msk $0xffff, v1  }
0x1fe: {  	v13 =	vxor.u32 $0xFFFFFFFF, v7;
	v14 =	vor.u32 $0x80000000, v9;
	vm1 =	vlt.s32 v9, $0x0  }
0x1ff: {  	v57 =	vxor.u32 $0xFFFFFFFF, v9;
	v58 =	vor.u32 $0x80000000, v7;
	v59 =	vor.u32 $0x80000000, v4  }
0x200: {  	v61 =	vor.u32 $0x80000000, v8;
	v9 =	vsel vm1, v57, v14;
	vm1 =	vlt.s32 v7, $0x0  }
0x201: {  	v7 =	vsel vm1, v13, v58;
	v9 =	vshrl.u32 v9, $0x15;
	vm1 =	vlt.s32 v4, $0x0  }
0x202: {  	[tilespmem:v10+s16+$0x0] =	vst.idx.add.s32.msk $0xffff, v1;
	v60 =	vshrl.u32 v7, $0x15;
	v12 =	vsel vm1, v12, v59;
	vm1 =	vlt.s32 v8, $0x0  }
0x203: {  	[tilespmem:v6+s16+$0x0] =	vst.idx.add.s32.msk $0xffff, v1;
	v62 =	vshrl.u32 v12, $0x15;
	v7 =	vsel vm1, v11, v61  }
0x204: {  	[tilespmem:v5+s16+$0x0] =	vst.idx.add.s32.msk $0xffff, v1;
	v63 =	vshrl.u32 v7, $0x15  }
0x205: {  	[tilespmem:v3+s16+$0x0] =	vst.idx.add.s32.msk $0xffff, v1  }
0x206: {  	[tilespmem:v9+s16+$0x0] =	vst.idx.add.s32.msk $0xffff, v1  }
0x207: {  	[tilespmem:v60+s16+$0x0] =	vst.idx.add.s32.msk $0xffff, v1  }
0x208: {  	[tilespmem:v62+s16+$0x0] =	vst.idx.add.s32.msk $0xffff, v1  }
0x209: {  	s0 =	simm.s32 $0x0;
	s1 =	simm.s32 $0x0;
	[tilespmem:v63+s16+$0x0] =	vst.idx.add.s32.msk $0xffff, v1  }
.LBB2_38:
0x20a: {  	p0 =	sne.s32 s1, $0x1C0  }
.Ltmp24:
0x20b: {  	_ = 	snop;
	(pc) =	sbr.rel @p0 .LBB2_38-.Ltmp24, $3  }
0x20c: {  	_ =	sdelay $0x1  }
0x20d: {  	s3 =	sshra.s32 s1, $0x2  }
0x20e: {  	s1 =	sadd.s32 $0x40, s1;
	[tilespmem:s3+$0x18800] =	vst v0  }
0x20f: {  	s1 =	simm.s32 $0x18020  }
0x210: {  	v3 =	vld [tilespmem:s1+$0x10];
	_ =	sdelay $0x2  }
0x211: {  	v4 =	vld [tilespmem:s1+$0xFFFFFFF0]  }
0x212: {  	v5 =	vld [tilespmem:s1+$0x0]  }
0x213: {  	v6 =	vld [tilespmem:s1+$0xFFFFFFE0];
	(xrf0) =	vadd.scan.msk.s32 $0xffff, v3;
	_ =	sdelay $0x1  }
0x214: {  	s26 =	simm.s32 $0x1  }
0x215: {  	s29 =	simm.s32 $0x18060;
	v3 =	vmov s26;
	(xrf0) =	vadd.scan.msk.s32 $0xffff, v4  }
0x216: {  	s3 =	simm.s32 $0x3;
	v4 =	vld [tilespmem:s29+$0x10];
	v3 =	vand.u32 $0xFFFFFFFD, v3;
	(xrf0) =	vadd.scan.msk.s32 $0xffff, v5  }
0x217: {  	v5 =	vld [tilespmem:s29+$0xFFFFFFF0];
	(xrf0) =	vadd.scan.msk.s32 $0xffff, v6;
	v6 =	vbroadcast v3, $0x0;
	v3 =	vmov s3  }
0x218: {  	v10 =	vmov s0;
	v7 =	vld [tilespmem:s29+$0x0];
	v8, _, _ =	vpop (xrf0)  }
0x219: {  	v9 =	vld [tilespmem:s29+$0xFFFFFFE0];
	v10 =	vand.u32 $0xFFFFFFFC, v10;
	v8 =	vbroadcast v8, $0xF  }
0x21a: {  	s31 =	simm.s32 $0x2  }
0x21b: {  	v13 =	vmov s31;
	v11, _, _ =	vpop (xrf0);
	(xrf0) =	vadd.scan.msk.s32 $0xffff, v4;
	v4 =	vbroadcast v10, $0x0  }
0x21c: {  	s30 =	simm.s32 $0x5;
	s26 =	simm.s32 $0x180A0;
	v11 =	vbroadcast v11, $0xF;
	v10, _, _ =	vpop (xrf0);
	(xrf0) =	vadd.scan.msk.s32 $0xffff, v5;
	v5 =	vand.u32 $0xFFFFFFFE, v13;
	[tilespmem:v3+s17+$0x0] =	vst.idx.add.s32.msk $0x1, v8  }
0x21d: {  	s0 =	simm.s32 $0x8;
	v12 =	vmov s30;
	v3 =	vbroadcast v10, $0xF;
	(xrf0) =	vadd.scan.msk.s32 $0xffff, v7;
	v5 =	vbroadcast v5, $0x0;
	v7 =	vld [tilespmem:s26+$0x10];
	v8, _, _ =	vpop (xrf0)  }
0x21e: {  	s28 =	simm.s32 $0xC;
	s1 =	simm.s32 $0x4;
	s3 =	simm.s32 $0x7;
	[tilespmem:v6+s17+$0x0] =	vst.idx.add.s32.msk $0x1, v11;
	(xrf0) =	vadd.scan.msk.s32 $0xffff, v9;
	v6 =	vbroadcast v8, $0xF;
	v8 =	vand.u32 $0xFFFFFFFD, v12  }
.LBB2_40:
0x21f: {  	p0 =	slt.u32 s28, $0x7C;
	v9 =	vld [tilespmem:s26+$0xFFFFFFF0];
	v8 =	vbroadcast v8, $0x0;
	v10 =	vmov s3  }
0x220: {  	v12 =	vmov s1;
	v11 =	vld [tilespmem:s26+$0x0]  }
0x221: {  	s3 =	sadd.s32 $0x1, s0;
	s4 =	sadd.s32 $0x2, s1;
	s1 =	smov.u32 s0;
	v12 =	vand.u32 $0xFFFFFFFC, v12;
	v13 =	vld [tilespmem:s26+$0xFFFFFFE0];
	v14, _, _ =	vpop (xrf0)  }
.Ltmp25:
0x222: {  	s0 =	smov.u32 s28;
	v15 =	vmov s3;
	v16 =	vmov s4;
	v14 =	vbroadcast v14, $0xF;
	v17, _, _ =	vpop (xrf0);
	[tilespmem:v4+s17+$0x0] =	vst.idx.add.s32.msk $0x1, v6;
	(pc) =	sbr.rel @p0 .LBB2_40-.Ltmp25, $4  }
0x223: {  	v4 =	vbroadcast v12, $0x0;
	(xrf0) =	vadd.scan.msk.s32 $0xffff, v7;
	v7 =	vbroadcast v17, $0xF;
	v6, _, _ =	vpop (xrf0);
	[tilespmem:v5+s17+$0x0] =	vst.idx.add.s32.msk $0x1, v3  }
0x224: {  	v5 =	vand.u32 $0xFFFFFFFE, v16;
	(xrf0) =	vadd.scan.msk.s32 $0xffff, v9;
	v3 =	vbroadcast v6, $0xF;
	[tilespmem:v10+s17+$0x0] =	vst.idx.add.s32.msk $0x1, v14;
	v6, _, _ =	vpop (xrf0)  }
0x225: {  	s26 =	sadd.s32 $0x40, s26;
	v5 =	vbroadcast v5, $0x0;
	(xrf0) =	vadd.scan.msk.s32 $0xffff, v11;
	v6 =	vbroadcast v6, $0xF;
	[tilespmem:v8+s17+$0x0] =	vst.idx.add.s32.msk $0x1, v7  }
0x226: {  	s28 =	sadd.s32 $0x4, s28;
	s3 =	sadd.s32 $0x3, s1;
	v8 =	vand.u32 $0xFFFFFFFD, v15;
	v7 =	vld [tilespmem:s26+$0x10];
	(xrf0) =	vadd.scan.msk.s32 $0xffff, v13  }
0x227: {  	v9 =	vld [tilespmem:s26+$0xFFFFFFF0]  }
0x228: {  	v10 =	vld [tilespmem:s26+$0x0]  }
0x229: {  	v11 =	vld [tilespmem:s26+$0xFFFFFFE0]  }
0x22a: {  	v8 =	vbroadcast v8, $0x0;
	v12 =	vmov s1;
	s26 =	sadd.s32 $0x2, s1;
	s30 =	sadd.s32 $0x1, s0  }
0x22b: {  	v13 =	vmov s26;
	v14 =	vmov s30;
	(xrf0) =	vadd.scan.msk.s32 $0xffff, v7;
	v7 =	vmov s3  }
0x22c: {  	v12 =	vand.u32 $0xFFFFFFFC, v12;
	v13 =	vand.u32 $0xFFFFFFFE, v13;
	v14 =	vand.u32 $0xFFFFFFFD, v14;
	(xrf0) =	vadd.scan.msk.s32 $0xffff, v9;
	v9, _, _ =	vpop (xrf0)  }
0x22d: {  	[tilespmem:v4+s17+$0x0] =	vst.idx.add.s32.msk $0x1, v6;
	v12 =	vbroadcast v12, $0x0;
	v13 =	vbroadcast v13, $0x0;
	(xrf0) =	vadd.scan.msk.s32 $0xffff, v10;
	v10, _, _ =	vpop (xrf0)  }
0x22e: {  	s3 =	sadd.s32 $0x2, s0;
	v9 =	vbroadcast v9, $0xF;
	(xrf0) =	vadd.scan.msk.s32 $0xffff, v11;
	v11, _, _ =	vpop (xrf0);
	v4 =	vbroadcast v10, $0xF;
	v10 =	vmov s0  }
0x22f: {  	s31 =	sadd.s32 $0x3, s0;
	[tilespmem:v5+s17+$0x0] =	vst.idx.add.s32.msk $0x1, v3;
	v6 =	vbroadcast v14, $0x0;
	v14, _, _ =	vpop (xrf0);
	v5 =	vand.u32 $0xFFFFFFFC, v10;
	v10 =	vmov s3  }
0x230: {  	v3 =	vmov s31;
	[tilespmem:v7+s17+$0x0] =	vst.idx.add.s32.msk $0x1, v9;
	v7 =	vbroadcast v14, $0xF;
	v10 =	vand.u32 $0xFFFFFFFE, v10  }
0x231: {  	v11 =	vbroadcast v11, $0xF;
	[tilespmem:v8+s17+$0x0] =	vst.idx.add.s32.msk $0x1, v4;
	v8 =	vbroadcast v10, $0x0  }
0x232: {  	v5 =	vbroadcast v5, $0x0;
	v9, _, _ =	vpop (xrf0)  }
0x233: {  	[tilespmem:v13+s17+$0x0] =	vst.idx.add.s32.msk $0x1, v11;
	v4, _, _ =	vpop (xrf0);
	v9 =	vbroadcast v9, $0xF  }
0x234: {  	[tilespmem:v12+s17+$0x0] =	vst.idx.add.s32.msk $0x1, v7;
	v4 =	vbroadcast v4, $0xF;
	v7, _, _ =	vpop (xrf0)  }
0x235: {  	[tilespmem:v3+s17+$0x0] =	vst.idx.add.s32.msk $0x1, v9;
	v10, _, _ =	vpop (xrf0);
	v7 =	vbroadcast v7, $0xF  }
0x236: {  	[tilespmem:v6+s17+$0x0] =	vst.idx.add.s32.msk $0x1, v4;
	v3 =	vbroadcast v10, $0xF  }
0x237: {  	[tilespmem:v8+s17+$0x0] =	vst.idx.add.s32.msk $0x1, v7  }
0x238: {  	[tilespmem:v5+s17+$0x0] =	vst.idx.add.s32.msk $0x1, v3  }
0x239: {  	v3 =	vld [tilespmem:$0x18800];
	_ =	sdelay $0x3  }
0x23a: {  	v4 =	vld [tilespmem:$0x18810]  }
0x23b: {  	(xrf0) =	vadd.scan.msk.s32 $0xffff, v3;
	_ =	sdelay $0x3  }
0x23c: {  	(xrf0) =	vadd.scan.msk.s32 $0xffff, v4;
	_ =	sdelay $0x1  }
0x23d: {  	v5, _, _ =	vpop (xrf0)  }
0x23e: {  	v3 =	vsub.s32 v5, v3  }
0x23f: {  	v6 =	vbroadcast v5, $0xF;
	_ =	sdelay $0x1  }
0x240: {  	vm1 =	vlt.s32 v3, $0x7FC1;
	v4 =	vsub.s32 v6, v4;
	v3, _, _ =	vpop (xrf0)  }
0x241: {  	v6 =	vmpcnt.ones.xlane vm1;
	v4 =	vadd.s32 v3, v4  }
0x242: {  	vm1 =	vlt.s32 v4, $0x7FC1  }
0x243: {  	(v2sf) =	vpush v6, $0x0;
	v4 =	vmpcnt.ones.xlane vm1  }
0x244: {  	(v2sf) =	vpush v5, $0xF  }
0x245: {  	(v2sf) =	vpush v4, $0x0  }
0x246: {  	(v2sf) =	vpush v3, $0xF;
	_ =	sdelay $0x3  }
0x247: {  	v3 =	vld [tilespmem:$0x18820];
	_ =	sdelay $0x4  }
0x248: {  	(xrf0) =	vadd.scan.msk.s32 $0xffff, v3;
	_ =	sdelay $0x2  }
0x249: {  	s29 =	spop (v2sf)  }
0x24a: {  	s0 =	spop (v2sf)  }
0x24b: {  	s30 =	spop (v2sf)  }
0x24c: {  	v4, _, _ =	vpop (xrf0);
	s4 =	spop (v2sf)  }
0x24d: {  	v3 =	vsub.s32 v4, v3;
	s1 =	sadd.s32 s0, s4  }
0x24e: {  	v3 =	vadd.s32 s1, v3  }
0x24f: {  	vm1 =	vlt.s32 v3, $0x7FC1  }
0x250: {  	v3 =	vmpcnt.ones.xlane vm1;
	_ =	sdelay $0x1  }
0x251: {  	(v2sf) =	vpush v3, $0x0  }
0x252: {  	(v2sf) =	vpush v4, $0xF;
	_ =	sdelay $0x3  }
0x253: {  	v3 =	vld [tilespmem:$0x18830];
	_ =	sdelay $0x4  }
0x254: {  	(xrf0) =	vadd.scan.msk.s32 $0xffff, v3;
	_ =	sdelay $0x4  }
0x255: {  	s3 =	spop (v2sf)  }
0x256: {  	v4, _, _ =	vpop (xrf0);
	s4 =	spop (v2sf)  }
0x257: {  	v3 =	vsub.s32 v4, v3;
	s26 =	sadd.s32 s1, s4  }
0x258: {  	v3 =	vadd.s32 s26, v3  }
0x259: {  	vm1 =	vlt.s32 v3, $0x7FC1  }
0x25a: {  	v3 =	vmpcnt.ones.xlane vm1;
	_ =	sdelay $0x1  }
0x25b: {  	(v2sf) =	vpush v3, $0x0  }
0x25c: {  	(v2sf) =	vpush v4, $0xF;
	_ =	sdelay $0x3  }
0x25d: {  	v3 =	vld [tilespmem:$0x18840];
	_ =	sdelay $0x4  }
0x25e: {  	(xrf0) =	vadd.scan.msk.s32 $0xffff, v3;
	_ =	sdelay $0x4  }
0x25f: {  	s4 =	spop (v2sf)  }
0x260: {  	v4, _, _ =	vpop (xrf0);
	s5 =	spop (v2sf)  }
0x261: {  	v3 =	vsub.s32 v4, v3;
	s28 =	sadd.s32 s26, s5  }
0x262: {  	v3 =	vadd.s32 s28, v3  }
0x263: {  	vm1 =	vlt.s32 v3, $0x7FC1  }
0x264: {  	v3 =	vmpcnt.ones.xlane vm1;
	_ =	sdelay $0x1  }
0x265: {  	(v2sf) =	vpush v3, $0x0  }
0x266: {  	(v2sf) =	vpush v4, $0xF;
	_ =	sdelay $0x3  }
0x267: {  	v3 =	vld [tilespmem:$0x18850];
	_ =	sdelay $0x4  }
0x268: {  	(xrf0) =	vadd.scan.msk.s32 $0xffff, v3;
	_ =	sdelay $0x4  }
0x269: {  	s5 =	spop (v2sf)  }
0x26a: {  	v4, _, _ =	vpop (xrf0);
	s6 =	spop (v2sf)  }
0x26b: {  	v3 =	vsub.s32 v4, v3;
	s31 =	sadd.s32 s28, s6  }
0x26c: {  	v3 =	vadd.s32 s31, v3  }
0x26d: {  	vm1 =	vlt.s32 v3, $0x7FC1  }
0x26e: {  	v3 =	vmpcnt.ones.xlane vm1;
	_ =	sdelay $0x1  }
0x26f: {  	(v2sf) =	vpush v3, $0x0  }
0x270: {  	(v2sf) =	vpush v4, $0xF;
	_ =	sdelay $0x3  }
0x271: {  	v3 =	vld [tilespmem:$0x18860];
	_ =	sdelay $0x4  }
0x272: {  	(xrf0) =	vadd.scan.msk.s32 $0xffff, v3;
	_ =	sdelay $0x4  }
0x273: {  	s6 =	spop (v2sf)  }
0x274: {  	v4, _, _ =	vpop (xrf0);
	s7 =	spop (v2sf)  }
0x275: {  	v3 =	vsub.s32 v4, v3;
	s7 =	sadd.s32 s31, s7  }
0x276: {  	v3 =	vadd.s32 s7, v3  }
0x277: {  	vm1 =	vlt.s32 v3, $0x7FC1  }
0x278: {  	v3 =	vmpcnt.ones.xlane vm1;
	_ =	sdelay $0x1  }
0x279: {  	(v2sf) =	vpush v3, $0x0  }
0x27a: {  	(v2sf) =	vpush v4, $0xF;
	_ =	sdelay $0x3  }
0x27b: {  	v3 =	vld [tilespmem:$0x18870];
	_ =	sdelay $0x4  }
0x27c: {  	(xrf0) =	vadd.scan.msk.s32 $0xffff, v3;
	_ =	sdelay $0x4  }
0x27d: {  	s14 =	spop (v2sf)  }
0x27e: {  	v4, _, _ =	vpop (xrf0);
	s20 =	spop (v2sf)  }
0x27f: {  	v3 =	vsub.s32 v4, v3;
	s20 =	sadd.s32 s7, s20  }
0x280: {  	v3 =	vadd.s32 s20, v3  }
0x281: {  	vm1 =	vlt.s32 v3, $0x7FC1  }
0x282: {  	v3 =	vmpcnt.ones.xlane vm1;
	_ =	sdelay $0x1  }
0x283: {  	(v2sf) =	vpush v3, $0x0;
	_ =	sdelay $0x9  }
0x284: {  	s29 =	sadd.s32 s30, s29  }
0x285: {  	s3 =	sadd.s32 s3, s29  }
0x286: {  	s3 =	sadd.s32 s4, s3  }
0x287: {  	s3 =	sadd.s32 s5, s3  }
0x288: {  	s3 =	sadd.s32 s6, s3  }
0x289: {  	s3 =	sadd.s32 s14, s3;
	s5 =	spop (v2sf)  }
0x28a: {  	s3 =	sadd.s32 s5, s3  }
0x28b: {  	s3 =	sadd.s32 $0xFFFFFFFF, s3  }
0x28c: {  	s6 =	sshra.s32 s3, $0x1F  }
0x28d: {  	s4 =	sshrl.u32 s6, $0x1C  }
0x28e: {  	s4 =	sadd.s32 s4, s3  }
0x28f: {  	s14 =	sand.u32 $0xFFFFFFF0, s4  }
0x290: {  	p0 =	slt.s32 s3, $0x1;
	p1 =	sne.s32 s3, s14  }
0x291: {  	p0 =	por !p0, !p1  }
0x292: {  	s5 =	simm.s32 $0x1;
	p0 =	por !p0, !p0  }
0x293: {  	s4 =	sshra.s32 s4, $0x4;
	s5 =	simm.s32 @!p0 $0x0  }
0x294: {  	s4 =	ssub.s32 s4, s5  }
0x295: {  	s5 =	sshll.u32 s4, $0x6  }
0x296: {  	s5 =	sshra.s32 s5, $0x2  }
0x297: {  	v4 =	vld [tilespmem:s5+$0x18800];
	_ =	sdelay $0x4  }
0x298: {  	p0 =	seq.s32 s4, $0x1;
	(xrf0) =	vadd.scan.msk.s32 $0xffff, v4  }
0x299: {  	s0 =	simm.s32 @!p0 $0x0;
	p0 =	seq.s32 s4, $0x2  }
0x29a: {  	s0 =	smov.u32 @p0 s1;
	p0 =	seq.s32 s4, $0x3  }
0x29b: {  	s0 =	smov.u32 @p0 s26;
	p0 =	seq.s32 s4, $0x4  }
0x29c: {  	s0 =	smov.u32 @p0 s28;
	p0 =	seq.s32 s4, $0x5  }
0x29d: {  	s26 =	sshll.u32 s3, $0x4;
	s0 =	smov.u32 @p0 s31;
	p0 =	seq.s32 s4, $0x6  }
0x29e: {  	s3 =	sand.u32 $0xF, s3;
	v3 =	vld [tilespmem:s26+$0x18000];
	s0 =	smov.u32 @p0 s7;
	p0 =	seq.s32 s4, $0x7;
	v5, _, _ =	vpop (xrf0)  }
0x29f: {  	s0 =	smov.u32 @p0 s20;
	v4 =	vsub.s32 v5, v4;
	v5 =	vmov s3  }
0x2a0: {  	v4 =	vadd.s32 s0, v4;
	vm1 =	veq.s32 v5, v2  }
0x2a1: {  	v4 =	vnsel vm1, $0x0, v4  }
0x2a2: {  	(xrf0) =	vadd.scan.msk.s32 $0xffff, v4  }
0x2a3: {  	(xrf0) =	vadd.scan.msk.s32 $0xffff, v3;
	_ =	sdelay $0x4  }
0x2a4: {  	v4, _, _ =	vpop (xrf0)  }
0x2a5: {  	v5, _, _ =	vpop (xrf0);
	v4 =	vbroadcast v4, $0xF  }
0x2a6: {  	v5 =	vsub.s32 v5, v3  }
0x2a7: {  	v4 =	vadd.s32 v4, v5  }
0x2a8: {  	vm1 =	vlt.s32 v4, $0x7FC1  }
0x2a9: {  	v5 =	vmpcnt.ones.xlane vm1;
	_ =	sdelay $0x1  }
0x2aa: {  	(v2sf) =	vpush v5, $0x0;
	_ =	sdelay $0x4  }
0x2ab: {  	s30 =	simm.s32 $0x8020  }
0x2ac: {  	v6 =	vld [tilespmem:s30+$0xFFFFFFE0]  }
0x2ad: {  	v7 =	vld [tilespmem:s30+$0xFFFFFFF0]  }
0x2ae: {  	v8 =	vld [tilespmem:s30+$0x0];
	s29 =	simm.s32 $0x8060  }
0x2af: {  	v19 =	vld [tilespmem:s29+$0x0];
	_ =	sdelay $0x1  }
0x2b0: {  	v9 =	vld [tilespmem:s30+$0x10]  }
0x2b1: {  	v10 =	vimm.s32 $0x0;
	v11 =	vxor.u32 $0xFFFFFFFF, v6;
	v12 =	vor.u32 $0x80000000, v6  }
0x2b2: {  	v13 =	vor.u32 $0x80000000, v7;
	vm2 =	vlt.s32 v7, $0x0;
	v14 =	vor.u32 $0x80000000, v8  }
0x2b3: {  	vm3 =	vlt.s32 v8, $0x0;
	v22 =	vxor.u32 $0xFFFFFFFF, v19;
	v23 =	vor.u32 $0x80000000, v19  }
0x2b4: {  	vm8 =	vlt.s32 v19, $0x0;
	vm1 =	vlt.s32 v6, $0x0;
	v6 =	vxor.u32 $0xFFFFFFFF, v7;
	s31 =	spop (v2sf)  }
0x2b5: {  	v7 =	vxor.u32 $0xFFFFFFFF, v8;
	v8 =	vxor.u32 $0xFFFFFFFF, v9;
	v11 =	vsel vm1, v11, v12;
	s28 =	sadd.s32 $0xFFFFFFFF, s31  }
0x2b6: {  	v12 =	vor.u32 $0x80000000, v9;
	vm1 =	vlt.s32 v9, $0x0;
	v9 =	vsel vm2, v6, v13;
	s26 =	sadd.s32 s26, s28  }
0x2b7: {  	v7 =	vsel vm3, v7, v14;
	v6 =	vshrl.u32 v11, $0x15;
	v5 =	vmov s26  }
0x2b8: {  	v13 =	vshrl.u32 v9, $0x15;
	v8 =	vsel vm1, v8, v12;
	vm3 =	veq.s32 v6, v5  }
0x2b9: {  	v12 =	vshrl.u32 v7, $0x15;
	v61 =	vand.u32 $0x1FFFFF, v7;
	v6 =	vmpcnt.ones.xlane vm3  }
0x2ba: {  	vm4 =	veq.s32 v13, v5;
	vm6 =	veq.s32 v12, v5;
	v14 =	vsel vm3, $0x1, v0  }
0x2bb: {  	v12 =	vshrl.u32 v8, $0x15;
	(xrf0) =	vadd.scan.msk.s32 $0xffff, v14;
	v15 =	vadd.s32 v10, v6;
	v6 =	vsel vm4, $0x1, v0  }
0x2bc: {  	v13 =	vmpcnt.ones.xlane vm4;
	vm2 =	veq.s32 v12, v5;
	v12 =	vmpcnt.ones.xlane vm6;
	(xrf0) =	vadd.scan.msk.s32 $0xffff, v6  }
0x2bd: {  	v17 =	vsel vm6, $0xFFFFFFFF, v0;
	vm1 =	vmmov vm2;
	v14 =	vsel vm6, $0x1, v0  }
0x2be: {  	v16 =	vsel vm1, $0x1, v0;
	v13 =	vadd.s32 v15, v13;
	(xrf0) =	vadd.scan.msk.s32 $0xffff, v14;
	v14 =	vsel vm3, $0xFFFFFFFF, v0  }
0x2bf: {  	v12 =	vadd.s32 v13, v12;
	v13 =	vadd.s32 v17, v13;
	v17 =	vand.u32 $0x1FFFFF, v9;
	v9 =	vld [tilespmem:s29+$0xFFFFFFF0];
	(xrf0) =	vadd.scan.msk.s32 $0xffff, v16  }
0x2c0: {  	v7 =	vand.u32 $0x1FFFFF, v8;
	v6 =	vmpcnt.ones.xlane vm2;
	v16 =	vsel vm4, $0xFFFFFFFF, v0  }
0x2c1: {  	v10 =	vadd.s32 v14, v10;
	v15 =	vadd.s32 v16, v15;
	v16 =	vand.u32 $0x1FFFFF, v11;
	v11 =	vld [tilespmem:s29+$0xFFFFFFE0];
	v14, _, _ =	vpop (xrf0)  }
0x2c2: {  	v18 =	vsel vm1, $0xFFFFFFFF, v0;
	v6 =	vadd.s32 v12, v6;
	v10 =	vadd.s32 v14, v10;
	v14, _, _ =	vpop (xrf0)  }
0x2c3: {  	v12 =	vadd.s32 v18, v12;
	vm2 =	vlt.s32 v10, $0x1000;
	v8 =	vadd.s32 v14, v15  }
0x2c4: {  	v21 =	vor.u32 $0x80000000, v9;
	v14, _, _ =	vpop (xrf0);
	v15 =	vld [tilespmem:s29+$0x10];
	v20 =	vnsel vm2, $0x1000, v10;
	vm2 =	vlt.s32 v8, $0x1000  }
0x2c5: {  	vm7 =	vlt.s32 v9, $0x0;
	v10 =	vadd.s32 v14, v13;
	v13, _, _ =	vpop (xrf0);
	v14 =	vnsel vm2, $0x1000, v8  }
0x2c6: {  	vm2 =	vlt.s32 v10, $0x1000;
	v8 =	vadd.s32 v13, v12;
	v12 =	vxor.u32 $0xFFFFFFFF, v11  }
0x2c7: {  	v13 =	vnsel vm2, $0x1000, v10;
	v10 =	vor.u32 $0x80000000, v11;
	vm2 =	vlt.s32 v11, $0x0  }
0x2c8: {  	vm5 =	vlt.s32 v8, $0x1000;
	v11 =	vxor.u32 $0xFFFFFFFF, v9;
	v9 =	vsel vm2, v12, v10  }
0x2c9: {  	v11 =	vsel vm7, v11, v21;
	v10 =	vsel vm8, v22, v23;
	v62 =	vxor.u32 $0xFFFFFFFF, v15  }
0x2ca: {  	v12 =	vor.u32 $0x80000000, v15;
	vm9 =	vlt.s32 v15, $0x0;
	v15 =	vshrl.u32 v9, $0x15  }
0x2cb: {  	v63 =	vshrl.u32 v10, $0x15;
	vm2 =	veq.s32 v15, v5;
	v15 =	vshrl.u32 v11, $0x15  }
0x2cc: {  	[tilespmem:v20+s18+$0x0] =	vst.idx.msk vm3, v16;
	v12 =	vsel vm9, v62, v12;
	v16 =	vmpcnt.ones.xlane vm2;
	vm3 =	veq.s32 v15, v5  }
0x2cd: {  	[tilespmem:v14+s18+$0x0] =	vst.idx.msk vm4, v17;
	vm4 =	veq.s32 v63, v5;
	v17 =	vshrl.u32 v12, $0x15;
	v15 =	vmpcnt.ones.xlane vm3  }
0x2ce: {  	s0 =	simm.s32 $0x40;
	[tilespmem:v13+s18+$0x0] =	vst.idx.msk vm6, v61;
	v14 =	vmpcnt.ones.xlane vm4;
	vm7 =	veq.s32 v17, v5;
	v13 =	vadd.s32 v6, v16  }
.LBB2_42:
0x2cf: {  	v16 =	vsel vm2, $0x1, v0;
	v15 =	vadd.s32 v13, v15  }
0x2d0: {  	s0 =	sadd.s32 $0x40, s0;
	v17 =	vmpcnt.ones.xlane vm7;
	vm6 =	vmmov vm1;
	vm1 =	vmmov vm7  }
0x2d1: {  	v18 =	vsel vm3, $0x1, v0;
	v19 =	vsel vm4, $0x1, v0;
	p0 =	slt.u32 s0, $0x7FC0;
	v14 =	vadd.s32 v15, v14;
	(xrf0) =	vadd.scan.msk.s32 $0xffff, v16  }
0x2d2: {  	v16 =	vsel vm2, $0xFFFFFFFF, v0;
	v20 =	vsel vm1, $0x1, v0;
	v17 =	vadd.s32 v14, v17;
	(xrf0) =	vadd.scan.msk.s32 $0xffff, v18  }
0x2d3: {  	v21 =	vsel vm4, $0xFFFFFFFF, v0;
	v22 =	vsel vm1, $0xFFFFFFFF, v0;
	v18 =	vsel vm3, $0xFFFFFFFF, v0;
	(xrf0) =	vadd.scan.msk.s32 $0xffff, v19  }
0x2d4: {  	v15 =	vadd.s32 v21, v15;
	v14 =	vadd.s32 v22, v14;
	v13 =	vadd.s32 v18, v13;
	(xrf0) =	vadd.scan.msk.s32 $0xffff, v20  }
0x2d5: {  	v9 =	vand.u32 $0x1FFFFF, v9;
	v8 =	vnsel vm5, $0x1000, v8;
	v16 =	vadd.s32 v16, v6;
	v6 =	vmovc v17  }
0x2d6: {  	v11 =	vand.u32 $0x1FFFFF, v11;
	s29 =	sadd.s32 $0x40, s29;
	v18 =	vand.u32 $0x1FFFFF, v10;
	v10 =	vand.u32 $0x1FFFFF, v12  }
0x2d7: {  	v12 =	vld [tilespmem:s29+$0xFFFFFFE0];
	v19, _, _ =	vpop (xrf0)  }
0x2d8: {  	v20 =	vld [tilespmem:s29+$0xFFFFFFF0];
	v16 =	vadd.s32 v19, v16;
	v19, _, _ =	vpop (xrf0)  }
0x2d9: {  	v21 =	vld [tilespmem:s29+$0x0];
	vm5 =	vlt.s32 v16, $0x1000;
	v13 =	vadd.s32 v19, v13;
	v19, _, _ =	vpop (xrf0)  }
0x2da: {  	v22 =	vld [tilespmem:s29+$0x10];
	v16 =	vnsel vm5, $0x1000, v16;
	vm5 =	vlt.s32 v13, $0x1000;
	v15 =	vadd.s32 v19, v15;
	v19, _, _ =	vpop (xrf0);
	[tilespmem:v8+s18+$0x0] =	vst.idx.msk vm6, v7  }
0x2db: {  	v7 =	vmovc v10;
	v13 =	vnsel vm5, $0x1000, v13;
	vm5 =	vlt.s32 v15, $0x1000;
	v8 =	vadd.s32 v19, v14  }
0x2dc: {  	v10 =	vxor.u32 $0xFFFFFFFF, v12;
	v14 =	vnsel vm5, $0x1000, v15;
	vm5 =	vlt.s32 v8, $0x1000  }
0x2dd: {  	v15 =	vor.u32 $0x80000000, v12;
	vm6 =	vlt.s32 v12, $0x0;
	v12 =	vxor.u32 $0xFFFFFFFF, v20  }
0x2de: {  	v19 =	vor.u32 $0x80000000, v20;
	vm7 =	vlt.s32 v20, $0x0;
	v20 =	vxor.u32 $0xFFFFFFFF, v21  }
0x2df: {  	v23 =	vor.u32 $0x80000000, v21;
	vm8 =	vlt.s32 v21, $0x0;
	v21 =	vxor.u32 $0xFFFFFFFF, v22;
	[tilespmem:v16+s18+$0x0] =	vst.idx.msk vm2, v9  }
0x2e0: {  	v9 =	vsel vm6, v10, v15;
	v15 =	vor.u32 $0x80000000, v22;
	vm6 =	vlt.s32 v22, $0x0;
	[tilespmem:v13+s18+$0x0] =	vst.idx.msk vm3, v11  }
.Ltmp26:
0x2e1: {  	v10 =	vsel vm8, v20, v23;
	v13 =	vshrl.u32 v9, $0x15;
	v11 =	vsel vm7, v12, v19;
	[tilespmem:v14+s18+$0x0] =	vst.idx.msk vm4, v18;
	(pc) =	sbr.rel @p0 .LBB2_42-.Ltmp26, $4  }
0x2e2: {  	v12 =	vsel vm6, v21, v15;
	vm2 =	veq.s32 v13, v5;
	v13 =	vshrl.u32 v11, $0x15  }
0x2e3: {  	v14 =	vmpcnt.ones.xlane vm2;
	vm3 =	veq.s32 v13, v5;
	v13 =	vshrl.u32 v10, $0x15  }
0x2e4: {  	v16 =	vshrl.u32 v12, $0x15;
	v15 =	vmpcnt.ones.xlane vm3;
	vm4 =	veq.s32 v13, v5  }
0x2e5: {  	vm7 =	veq.s32 v16, v5;
	v13 =	vadd.s32 v17, v14;
	v14 =	vmpcnt.ones.xlane vm4  }
0x2e6: {  	v5 =	vsel vm2, $0x1, v0  }
0x2e7: {  	v15 =	vadd.s32 v13, v15;
	v16 =	vsel vm3, $0x1, v0;
	vm6 =	vmmov vm7;
	(xrf0) =	vadd.scan.msk.s32 $0xffff, v5  }
0x2e8: {  	v48 =	vsel vm4, $0x1, v0;
	v49 =	vmov s28;
	v17 =	vmpcnt.ones.xlane vm7;
	(xrf0) =	vadd.scan.msk.s32 $0xffff, v16  }
0x2e9: {  	v18 =	vsel vm6, $0x1, v0;
	vm11 =	veq.s32 v49, v2;
	v50 =	vadd.s32 v15, v14;
	(xrf0) =	vadd.scan.msk.s32 $0xffff, v48  }
0x2ea: {  	v3 =	vnsel vm11, $0x0, v3;
	v14 =	vadd.s32 v50, v17;
	(xrf0) =	vadd.scan.msk.s32 $0xffff, v18  }
0x2eb: {  	v4 =	vnsel vm11, $0x0, v4;
	(xrf0) =	vadd.scan.msk.s32 $0xffff, v3;
	v3 =	vnsel vm0, $0x0, v14  }
0x2ec: {  	(xrf0) =	vadd.scan.msk.s32 $0xffff, v4  }
0x2ed: {  	v51, _, _ =	vpop (xrf0);
	(xrf0) =	vadd.scan.msk.s32 $0xffff, v3  }
0x2ee: {  	v3, _, _ =	vpop (xrf0)  }
0x2ef: {  	v52, _, _ =	vpop (xrf0)  }
0x2f0: {  	v53, _, _ =	vpop (xrf0)  }
0x2f1: {  	v54, _, _ =	vpop (xrf0)  }
0x2f2: {  	(v2sf) =	vpush v54, $0xF;
	v55, _, _ =	vpop (xrf0)  }
0x2f3: {  	(v2sf) =	vpush v55, $0xF;
	v56, _, _ =	vpop (xrf0)  }
0x2f4: {  	(v2sf) =	vpush v56, $0xF;
	_ =	sdelay $0x7  }
0x2f5: {  	vm1 =	vmmov vm1  }
0x2f6: {  	v57 =	vsel vm2, $0xFFFFFFFF, v0;
	v58 =	vsel vm3, $0xFFFFFFFF, v0;
	v19 =	vsel vm4, $0xFFFFFFFF, v0  }
0x2f7: {  	v60 =	vnsel vm5, $0x1000, v8;
	v20 =	vsel vm6, $0xFFFFFFFF, v0;
	v6 =	vadd.s32 v57, v6  }
0x2f8: {  	v59 =	vadd.s32 v58, v13;
	v15 =	vadd.s32 v19, v15;
	v4 =	vadd.s32 v51, v6  }
0x2f9: {  	v5 =	vadd.s32 v20, v50;
	vm12 =	vlt.s32 v4, $0x1000;
	v3 =	vadd.s32 v3, v59  }
0x2fa: {  	v4 =	vnsel vm12, $0x1000, v4;
	vm13 =	vlt.s32 v3, $0x1000;
	v61 =	vadd.s32 v52, v15;
	s0 =	spop (v2sf)  }
0x2fb: {  	v3 =	vnsel vm13, $0x1000, v3;
	vm14 =	vlt.s32 v61, $0x1000;
	v5 =	vadd.s32 v53, v5;
	s1 =	spop (v2sf)  }
0x2fc: {  	vm6 =	vmmov vm6;
	v8 =	vnsel vm14, $0x1000, v61;
	vm15 =	vlt.s32 v5, $0x1000;
	s3 =	spop (v2sf)  }
0x2fd: {  	v5 =	vnsel vm15, $0x1000, v5;
	p0 =	slt.s32 s3, $0x1000;
	s4 =	smov.u32 s3  }
0x2fe: {  	v9 =	vand.u32 $0x1FFFFF, v9;
	[tilespmem:v60+s18+$0x0] =	vst.idx.msk vm1, v7;
	s4 =	simm.s32 @!p0 $0x1000;
	p0 =	sgt.s32 s3, $0x1000  }
.Ltmp27:
0x2ff: {  	v62 =	vand.u32 $0x1FFFFF, v11;
	[tilespmem:v4+s18+$0x0] =	vst.idx.msk vm2, v9;
	(pc) =	sbr.rel @p0 .LBB2_59-.Ltmp27, $4  }
0x300: {  	v63 =	vand.u32 $0x1FFFFF, v10;
	[tilespmem:v3+s18+$0x0] =	vst.idx.msk vm3, v62  }
0x301: {  	v3 =	vand.u32 $0x1FFFFF, v12;
	[tilespmem:v8+s18+$0x0] =	vst.idx.msk vm4, v63  }
0x302: {  	[tilespmem:v5+s18+$0x0] =	vst.idx.msk vm6, v3  }
0x303: {  	[tilespmem:s4+$0x18880] =	vst v0  }
0x304: {  	s4 =	sadd.s32 $0xF, s3  }
0x305: {  	s5 =	sand.u32 $0xF, s4  }
0x306: {  	p0 =	slt.s32 s3, $0xFFFFFFF2;
	s20 =	sshra.s32 s4, $0x1F;
	p1 =	sne.s32 s5, $0x0  }
.Ltmp28:
0x307: {  	s3 =	sshrl.u32 s20, $0x1C;
	p0 =	por !p0, !p1;
	(pc) =	sbr.rel .LBB2_45-.Ltmp28, $4  }
0x308: {  	s3 =	sadd.s32 s3, s4;
	s4 =	simm.s32 $0x1;
	p0 =	por !p0, !p0  }
0x309: {  	s28 =	sshra.s32 s3, $0x4;
	s4 =	simm.s32 @!p0 $0x0  }
0x30a: {  	s0 =	sadd.s32 s1, s0;
	s31 =	simm.s32 $0x0;
	s30 =	ssub.s32 s28, s4  }
0x30b: {  	s29 =	sadd.s32 $0xFFFF8040, s0;
	s0 =	simm.s32 $0x0;
	p0 =	slt.s32 s30, $0x1  }
.LBB2_59:
0x30c: {  	s0 =	sshll.u32 s26, $0x15;
	s28 =	simm.s32 $0x0;
	s1 =	simm.s32 $0x0  }
.LBB2_60:
0x30d: {  	s3 =	simm.s32 $0x0  }
0x30e: {  	v3 =	vld [tilespmem:s3+$0x8000]  }
0x30f: {  	s29 =	simm.s32 $0x10  }
0x310: {  	v4 =	vld [tilespmem:s29+$0x8000]  }
0x311: {  	s30 =	sshrl.u32 s19, s1;
	s4 =	simm.s32 $0x20  }
0x312: {  	s26 =	sor.u32 s30, s28;
	v5 =	vld [tilespmem:s4+$0x8000]  }
0x313: {  	s3 =	sor.u32 s0, s26;
	v6 =	vxor.u32 $0xFFFFFFFF, v3;
	v7 =	vor.u32 $0x80000000, v3;
	vm1 =	vlt.s32 v3, $0x0  }
0x314: {  	v3 =	vmov s3;
	v6 =	vsel vm1, v6, v7  }
0x315: {  	v7 =	vxor.u32 $0xFFFFFFFF, v4;
	vm1 =	vlt.s32 v4, $0x0;
	v4 =	vor.u32 $0x80000000, v4  }
0x316: {  	vm2 =	vge.u32 v6, v3;
	v4 =	vsel vm1, v7, v4  }
0x317: {  	v6 =	vxor.u32 $0xFFFFFFFF, v5;
	vm1 =	vlt.s32 v5, $0x0;
	v5 =	vor.u32 $0x80000000, v5  }
0x318: {  	v5 =	vsel vm1, v6, v5;
	v6 =	vmpcnt.ones.xlane vm2  }
0x319: {  	vm1 =	vge.u32 v4, v3  }
0x31a: {  	v4 =	vmpcnt.ones.xlane vm1;
	vm1 =	vge.u32 v5, v3;
	(v2sf) =	vpush v6, $0x0  }
0x31b: {  	v5 =	vmpcnt.ones.xlane vm1  }
0x31c: {  	(v2sf) =	vpush v4, $0x0  }
0x31d: {  	(v2sf) =	vpush v5, $0x0;
	_ =	sdelay $0x3  }
0x31e: {  	s31 =	simm.s32 $0x30  }
0x31f: {  	v4 =	vld [tilespmem:s31+$0x8000];
	_ =	sdelay $0x3  }
0x320: {  	s20 =	simm.s32 $0x100;
	s14 =	simm.s32 $0x0  }
.LBB2_61:
0x321: {  	s3 =	sshra.s32 s20, $0x2;
	p0 =	sne.s32 s20, $0x1FFC0;
	s20 =	sadd.s32 $0x40, s20;
	v5 =	vxor.u32 $0xFFFFFFFF, v4;
	v6 =	vor.u32 $0x80000000, v4;
	vm1 =	vlt.s32 v4, $0x0  }
.Ltmp29:
0x322: {  	v4 =	vld [tilespmem:s3+$0x8000];
	v5 =	vsel vm1, v5, v6;
	(pc) =	sbr.rel @p0 .LBB2_61-.Ltmp29, $3  }
0x323: {  	vm1 =	vge.u32 v5, v3;
	s3 =	spop (v2sf)  }
0x324: {  	v5 =	vmpcnt.ones.xlane vm1;
	s14 =	sadd.s32 s14, s3;
	_ =	sdelay $0x1  }
0x325: {  	(v2sf) =	vpush v5, $0x0  }
0x326: {  	v5 =	vxor.u32 $0xFFFFFFFF, v4;
	v6 =	vor.u32 $0x80000000, v4;
	vm1 =	vlt.s32 v4, $0x0  }
0x327: {  	v4 =	vsel vm1, v5, v6  }
0x328: {  	vm1 =	vge.u32 v4, v3  }
0x329: {  	v3 =	vmpcnt.ones.xlane vm1;
	_ =	sdelay $0x1  }
0x32a: {  	(v2sf) =	vpush v3, $0x0;
	_ =	sdelay $0xb  }
0x32b: {  	s3 =	spop (v2sf);
	s1 =	sadd.s32 $0x1, s1  }
0x32c: {  	s3 =	sadd.s32 s14, s3;
	s4 =	spop (v2sf);
	p1 =	seq.s32 s1, $0x15  }
.Ltmp30:
0x32d: {  	s3 =	sadd.s32 s3, s4;
	s30 =	spop (v2sf);
	(pc) =	sbr.rel @!p1 .LBB2_60-.Ltmp30, $4  }
.Ltmp31:
0x32e: {  	s3 =	sadd.s32 s3, s30;
	s31 =	spop (v2sf);
	(pc) =	sbr.rel @p1 .LBB2_63-.Ltmp31, $4  }
0x32f: {  	s3 =	sadd.s32 s3, s31  }
0x330: {  	p0 =	sgt.s32 s3, $0x3F  }
0x331: {  	s28 =	smov.u32 @p0 s26  }
0x332: {  	_ = 	snop  }
.LBB2_47:
0x333: {  	s14 =	simm.s32 $0x0  }
.LBB2_56:
0x334: {  	v3 =	vmpcnt.ones.xlane vm1;
	_ =	sdelay $0x1  }
0x335: {  	(v2sf) =	vpush v3, $0x0;
	_ =	sdelay $0x9  }
0x336: {  	s3 =	sadd.s32 @p3 s14, s20;
	s4 =	spop @p2 (v2sf);
	s5 =	simm.s32 $0x0  }
0x337: {  	s4 =	smov.u32 @p2 s4;
	s5 =	smov.u32 @p3 s3  }
0x338: {  	s3 =	sadd.s32 @p2 s5, s4;
	s5 =	simm.s32 $0x0;
	s4 =	spop @p1 (v2sf)  }
0x339: {  	s5 =	smov.u32 @p2 s3;
	s4 =	smov.u32 @p1 s4  }
0x33a: {  	s3 =	sadd.s32 @p1 s5, s4  }
0x33b: {  	s1 =	smov.u32 @p1 s3;
	s20 =	spop (v2sf)  }
0x33c: {  	s1 =	sadd.s32 s1, s20  }
.LBB2_57:
0x33d: {  	p1 =	slt.s32 s1, s29;
	s31 =	sadd.s32 $0x1, s31  }
0x33e: {  	s28 =	smov.u32 @p1 s0;
	p1 =	seq.s32 s31, $0x15  }
.Ltmp32:
0x33f: {  	_ = 	snop;
	(pc) =	sbr.rel @p1 .LBB2_58-.Ltmp32, $2  }
0x340: {  	_ =	sdelay $0x2  }
0x341: {  	s0 =	smov.u32 s28  }
.LBB2_45:
.Ltmp33:
0x342: {  	(pc) =	sbr.rel @p0 .LBB2_57-.Ltmp33, $3  }
0x343: {  	_ =	sdelay $0x1  }
0x344: {  	s1 =	sshrl.u32 s19, s31  }
0x345: {  	s28 =	sor.u32 s1, s0;
	s1 =	simm.s32 $0x0  }
0x346: {  	s1 =	simm.s32 $0x18880  }
0x347: {  	p4 =	sne.s32 s30, $0x1;
	v4 =	vld [tilespmem:s1+$0x0]  }
.Ltmp34:
0x348: {  	_ = 	snop;
	(pc) =	sbr.rel @!p4 .LBB2_47-.Ltmp34, $3  }
0x349: {  	_ =	sdelay $0x1  }
0x34a: {  	v3 =	vmov s28;
	s3 =	sadd.s32 $0xFFFFFFFF, s30;
	s4 =	simm.s32 $0x18890;
	p1 =	por $0x0, $0x0  }
0x34b: {  	p2 =	por $0x0, $0x0;
	p3 =	por $0x0, $0x0;
	s1 =	simm.s32 $0x0;
	vm1 =	vge.s32 v4, v3  }
0x34c: {  	v4 =	vld [tilespmem:s4+$0x0];
	p4 =	sne.s32 s3, $0x1  }
.Ltmp35:
0x34d: {  	v5 =	vmpcnt.ones.xlane vm1;
	(pc) =	sbr.rel @!p4 .LBB2_49-.Ltmp35, $3  }
0x34e: {  	_ = 	snop  }
0x34f: {  	(v2sf) =	vpush v5, $0x0;
	_ =	sdelay $0x1  }
0x350: {  	s3 =	sadd.s32 $0xFFFFFFFF, s3;
	s4 =	simm.s32 $0x188A0;
	p1 =	por $0x1, $0x1;
	vm1 =	vge.s32 v4, v3  }
0x351: {  	v5 =	vmpcnt.ones.xlane vm1;
	_ =	sdelay $0x1  }
0x352: {  	(v2sf) =	vpush v5, $0x0;
	_ =	sdelay $0x3  }
0x353: {  	v4 =	vld [tilespmem:s4+$0x0];
	p4 =	sne.s32 s3, $0x1  }
.Ltmp36:
0x354: {  	_ = 	snop;
	(pc) =	sbr.rel @!p4 .LBB2_51-.Ltmp36, $2  }
0x355: {  	_ =	sdelay $0x2  }
0x356: {  	s3 =	sadd.s32 $0xFFFFFFFF, s3;
	s4 =	simm.s32 $0x188B0;
	p2 =	por $0x1, $0x1;
	vm1 =	vge.s32 v4, v3  }
0x357: {  	v5 =	vmpcnt.ones.xlane vm1;
	_ =	sdelay $0x1  }
0x358: {  	(v2sf) =	vpush v5, $0x0;
	_ =	sdelay $0x2  }
0x359: {  	v4 =	vld [tilespmem:s4+$0x0];
	p4 =	sne.s32 s3, $0x1  }
.Ltmp37:
0x35a: {  	_ = 	snop;
	(pc) =	sbr.rel @!p4 .LBB2_53-.Ltmp37, $3  }
0x35b: {  	_ =	sdelay $0x1  }
0x35c: {  	s3 =	sadd.s32 $0xFFFFFFFF, s3;
	s4 =	simm.s32 $0x188C0  }
0x35d: {  	s20 =	spop (v2sf);
	p3 =	por $0x1, $0x1;
	s14 =	simm.s32 $0x0;
	vm1 =	vge.s32 v4, v3  }
.LBB2_54:
0x35e: {  	v4 =	vld [tilespmem:s4+$0x0];
	p4 =	sne.s32 s3, $0x1;
	s3 =	sadd.s32 $0xFFFFFFFF, s3;
	v5 =	vmpcnt.ones.xlane vm1;
	s14 =	sadd.s32 s14, s20  }
.Ltmp38:
0x35f: {  	(pc) =	sbr.rel @p4 .LBB2_54-.Ltmp38, $2  }
0x360: {  	(v2sf) =	vpush v5, $0x0;
	_ =	sdelay $0x3  }
0x361: {  	s4 =	sadd.s32 $0x10, s4;
	vm1 =	vge.s32 v4, v3;
	s20 =	spop (v2sf)  }
.Ltmp39:
0x362: {  	(pc) =	sbr.rel .LBB2_56-.Ltmp39, $1  }
0x363: {  	_ =	sdelay $0x3  }
.LBB2_49:
.Ltmp40:
0x364: {  	(pc) =	sbr.rel .LBB2_56-.Ltmp40, $2  }
0x365: {  	_ =	sdelay $0x2  }
0x366: {  	s14 =	simm.s32 $0x0  }
.LBB2_51:
.Ltmp41:
0x367: {  	(pc) =	sbr.rel .LBB2_56-.Ltmp41, $2  }
0x368: {  	_ =	sdelay $0x2  }
0x369: {  	s14 =	simm.s32 $0x0  }
.LBB2_53:
.Ltmp42:
0x36a: {  	(pc) =	sbr.rel .LBB2_56-.Ltmp42, $2  }
0x36b: {  	_ =	sdelay $0x2  }
0x36c: {  	s14 =	simm.s32 $0x0  }
.LBB2_58:
0x36d: {  	s0 =	sshll.u32 s26, $0x15  }
.LBB2_63:
0x36e: {  	_ =	swait.ge [sflag:s22], $0x8000  }
0x36f: {  	[sflag:s22] =	ssyncset.done $0x0  }
0x370: {  	s1 =	rddreg [dreg:$0x7];
	[sflag:s22] =	ssyncadd.s32 $0xFFFF8000  }
0x371: {  	[tilespmem:s2], [sflag:$0x1] =	stream.strided.gather [hbm4b:s1+s12], $0x8000, s13, s12, $0x38;
	[tilespmem:$0x19900] =	vst v63  }
0x372: {  	s1 =	simm.s32 $0x8040  }
0x373: {  	v7 =	vld [tilespmem:s1+$0x30]  }
0x374: {  	s0 =	sor.u32 s0, s28;
	v10 =	vld [tilespmem:s1+$0xFFFFFFD0]  }
0x375: {  	v3 =	vmov s0;
	v8 =	vld [tilespmem:s1+$0xFFFFFFE0]  }
0x376: {  	v4 =	vand.u32 $0x7FFFFFFF, v3;
	v5 =	vxor.u32 $0xFFFFFFFF, v3;
	vm1 =	vlt.s32 v3, $0x0;
	v9 =	vld [tilespmem:s1+$0xFFFFFFF0]  }
0x377: {  	v3 =	vsel vm1, v4, v5;
	v6 =	vld [tilespmem:s1+$0x0]  }
0x378: {  	v5 =	vld [tilespmem:s1+$0x10];
	vm1 =	vge.f32 v7, v3  }
0x379: {  	v4 =	vld [tilespmem:s1+$0x20];
	vm2 =	vge.f32 v10, v3;
	v11 =	vnsel vm1, $0x0, v7  }
0x37a: {  	s26 =	simm.s32 $0x80C0;
	s0 =	simm.s32 $0x0;
	v7 =	vld [tilespmem:s1+$0xFFFFFFC0];
	v10 =	vnsel vm2, $0x0, v10;
	vm1 =	vge.f32 v8, v3;
	[tilespmem:s1+$0x30] =	vst v11  }
.LBB2_64:
0x37b: {  	v11 =	vld [tilespmem:s26+$0x30];
	s0 =	sadd.s32 $0x80, s0;
	[tilespmem:s1+$0xFFFFFFD0] =	vst v10;
	v8 =	vnsel vm1, $0x0, v8;
	vm1 =	vge.f32 v9, v3  }
0x37c: {  	v10 =	vld [tilespmem:s26+$0xFFFFFFD0];
	p0 =	slt.u32 s0, $0x7F80;
	[tilespmem:s1+$0xFFFFFFE0] =	vst v8;
	v9 =	vnsel vm1, $0x0, v9;
	vm1 =	vge.f32 v6, v3  }
0x37d: {  	v8 =	vld [tilespmem:s26+$0xFFFFFFE0];
	[tilespmem:s1+$0xFFFFFFF0] =	vst v9;
	v6 =	vnsel vm1, $0x0, v6;
	vm1 =	vge.f32 v5, v3  }
.Ltmp43:
0x37e: {  	v9 =	vld [tilespmem:s26+$0xFFFFFFF0];
	[tilespmem:s1+$0x0] =	vst v6;
	v5 =	vnsel vm1, $0x0, v5;
	vm1 =	vge.f32 v4, v3;
	(pc) =	sbr.rel @p0 .LBB2_64-.Ltmp43, $4  }
0x37f: {  	v6 =	vld [tilespmem:s26+$0x0];
	vm2 =	vge.f32 v7, v3;
	[tilespmem:s1+$0x10] =	vst v5;
	v4 =	vnsel vm1, $0x0, v4  }
0x380: {  	v5 =	vld [tilespmem:s26+$0x10];
	vm1 =	vge.f32 v11, v3;
	v7 =	vnsel vm2, $0x0, v7;
	[tilespmem:s1+$0x20] =	vst v4  }
0x381: {  	vm2 =	vge.f32 v10, v3;
	v4 =	vld [tilespmem:s26+$0x20];
	v11 =	vnsel vm1, $0x0, v11;
	[tilespmem:s1+$0xFFFFFFC0] =	vst v7;
	s1 =	smov.u32 s26  }
0x382: {  	s26 =	sadd.s32 $0x80, s26;
	v7 =	vld [tilespmem:s1+$0xFFFFFFC0];
	v10 =	vnsel vm2, $0x0, v10;
	vm1 =	vge.f32 v8, v3;
	[tilespmem:s1+$0x30] =	vst v11  }
0x383: {  	[tilespmem:s1+$0xFFFFFFD0] =	vst v10;
	v8 =	vnsel vm1, $0x0, v8;
	vm1 =	vge.f32 v9, v3  }
0x384: {  	[tilespmem:s1+$0xFFFFFFE0] =	vst v8;
	v62 =	vnsel vm1, $0x0, v9;
	vm1 =	vge.f32 v6, v3  }
0x385: {  	[tilespmem:s1+$0xFFFFFFF0] =	vst v62;
	v6 =	vnsel vm1, $0x0, v6;
	vm1 =	vge.f32 v5, v3  }
0x386: {  	[tilespmem:s1+$0x0] =	vst v6;
	v5 =	vnsel vm1, $0x0, v5;
	vm1 =	vge.f32 v4, v3  }
0x387: {  	vm2 =	vge.f32 v7, v3;
	[tilespmem:s1+$0x10] =	vst v5;
	v3 =	vnsel vm1, $0x0, v4  }
0x388: {  	v63 =	vnsel vm2, $0x0, v7;
	[tilespmem:s1+$0x20] =	vst v3  }
0x389: {  	s0 =	simm.s32 $0x8000;
	[tilespmem:s1+$0xFFFFFFC0] =	vst v63  }
0x38a: {  	[hbm4b:s8+s12] =	stream.strided.scatter [tilespmem:s0], [sflag:$0x5], $0x8000, s13, s12, $0x38;
	[tilespmem:$0x19900] =	vst v63  }
0x38b: {  	_ =	swait.ge [sflag:s23], $0x8000  }
0x38c: {  	[sflag:s23] =	ssyncset.done $0x0  }
0x38d: {  	s0 =	simm.s32 $0x18040;
	[sflag:s23] =	ssyncadd.s32 $0xFFFF8000  }
0x38e: {  	[tilespmem:s0+$0xFFFFFFC0] =	vst v0  }
0x38f: {  	[tilespmem:s0+$0x30] =	vst v0  }
0x390: {  	[tilespmem:s0+$0x20] =	vst v0  }
0x391: {  	[tilespmem:s0+$0x10] =	vst v0  }
0x392: {  	[tilespmem:s0+$0x0] =	vst v0  }
0x393: {  	[tilespmem:s0+$0xFFFFFFF0] =	vst v0  }
0x394: {  	s3 =	simm.s32 $0x0;
	[tilespmem:s0+$0xFFFFFFE0] =	vst v0  }
.LBB2_66:
0x395: {  	s3 =	sadd.s32 $0x80, s3;
	[tilespmem:s0+$0xFFFFFFD0] =	vst v0;
	s0 =	sadd.s32 $0x80, s0;
	s1 =	simm.s32 $0x10040  }
0x396: {  	[tilespmem:s0+$0xFFFFFFC0] =	vst v0;
	p0 =	slt.u32 s3, $0x780  }
0x397: {  	[tilespmem:s0+$0x30] =	vst v0  }
.Ltmp44:
0x398: {  	[tilespmem:s0+$0x20] =	vst v0;
	(pc) =	sbr.rel @p0 .LBB2_66-.Ltmp44, $4  }
0x399: {  	[tilespmem:s0+$0x10] =	vst v0  }
0x39a: {  	[tilespmem:s0+$0x0] =	vst v0  }
0x39b: {  	[tilespmem:s0+$0xFFFFFFF0] =	vst v0  }
0x39c: {  	[tilespmem:s0+$0xFFFFFFE0] =	vst v0  }
0x39d: {  	[tilespmem:s0+$0xFFFFFFD0] =	vst v0  }
0x39e: {  	v3 =	vld [tilespmem:s1+$0xFFFFFFC0]  }
0x39f: {  	v5 =	vld [tilespmem:s1+$0x20];
	_ =	sdelay $0x2  }
0x3a0: {  	v7 =	vld [tilespmem:s1+$0x30]  }
0x3a1: {  	v6 =	vxor.u32 $0xFFFFFFFF, v3  }
0x3a2: {  	v9 =	vld [tilespmem:s1+$0x0];
	v8 =	vor.u32 $0x80000000, v3;
	vm1 =	vlt.s32 v3, $0x0;
	v10 =	vor.u32 $0x80000000, v5  }
0x3a3: {  	v4 =	vld [tilespmem:s1+$0xFFFFFFE0];
	v3 =	vsel vm1, v6, v8;
	v6 =	vxor.u32 $0xFFFFFFFF, v5;
	vm1 =	vlt.s32 v5, $0x0  }
0x3a4: {  	v8 =	vld [tilespmem:s1+$0xFFFFFFF0];
	v5 =	vsel vm1, v6, v10;
	v6 =	vshrl.u32 v3, $0x15  }
0x3a5: {  	v3 =	vor.u32 $0x80000000, v7;
	vm1 =	vlt.s32 v7, $0x0;
	v7 =	vxor.u32 $0xFFFFFFFF, v7  }
0x3a6: {  	v3 =	vsel vm1, v7, v3;
	v7 =	vld [tilespmem:s1+$0xFFFFFFD0];
	v10 =	vshrl.u32 v5, $0x15  }
0x3a7: {  	v11 =	vor.u32 $0x80000000, v9;
	v12 =	vxor.u32 $0xFFFFFFFF, v9;
	vm2 =	vlt.s32 v9, $0x0  }
0x3a8: {  	v9 =	vld [tilespmem:s1+$0x10];
	v13 =	vsel vm2, v12, v11;
	v12 =	vxor.u32 $0xFFFFFFFF, v4  }
0x3a9: {  	s0 =	simm.s32 $0x0;
	s1 =	simm.s32 $0x100C0;
	v5 =	vshrl.u32 v3, $0x15;
	v3 =	vshrl.u32 v13, $0x15;
	v11 =	vxor.u32 $0xFFFFFFFF, v8  }
.LBB2_68:
0x3aa: {  	v13 =	vld [tilespmem:s1+$0xFFFFFFC0];
	s0 =	sadd.s32 $0x80, s0;
	v14 =	vor.u32 $0x80000000, v4;
	vm1 =	vlt.s32 v4, $0x0;
	v4 =	vor.u32 $0x80000000, v8  }
0x3ab: {  	v15 =	vxor.u32 $0xFFFFFFFF, v7;
	p0 =	slt.u32 s0, $0x7F80;
	v12 =	vsel vm1, v12, v14;
	vm1 =	vlt.s32 v8, $0x0;
	[tilespmem:v10+s16+$0x0] =	vst.idx.add.s32.msk $0xffff, v1  }
0x3ac: {  	vm2 =	vlt.s32 v7, $0x0;
	v14 =	vld [tilespmem:s1+$0x30];
	v12 =	vshrl.u32 v12, $0x15;
	v10 =	vsel vm1, v11, v4  }
0x3ad: {  	v4 =	vor.u32 $0x80000000, v7;
	[tilespmem:v6+s16+$0x0] =	vst.idx.add.s32.msk $0xffff, v1;
	v6 =	vor.u32 $0x80000000, v9  }
0x3ae: {  	vm1 =	vlt.s32 v9, $0x0;
	v11 =	vsel vm2, v15, v4;
	v4 =	vxor.u32 $0xFFFFFFFF, v9;
	v8 =	vld [tilespmem:s1+$0x20]  }
0x3af: {  	v6 =	vsel vm1, v4, v6;
	v7 =	vxor.u32 $0xFFFFFFFF, v13;
	v9 =	vor.u32 $0x80000000, v13;
	v15 =	vld [tilespmem:s1+$0x0]  }
0x3b0: {  	vm1 =	vlt.s32 v13, $0x0;
	v13 =	vshrl.u32 v6, $0x15;
	v4 =	vld [tilespmem:s1+$0xFFFFFFE0]  }
0x3b1: {  	v11 =	vshrl.u32 v11, $0x15;
	v6 =	vsel vm1, v7, v9;
	v7 =	vld [tilespmem:s1+$0xFFFFFFD0]  }
0x3b2: {  	v9 =	vld [tilespmem:s1+$0x10]  }
0x3b3: {  	v16 =	vxor.u32 $0xFFFFFFFF, v8;
	v17 =	vor.u32 $0x80000000, v8;
	vm1 =	vlt.s32 v8, $0x0;
	[tilespmem:v5+s16+$0x0] =	vst.idx.add.s32.msk $0xffff, v1  }
0x3b4: {  	v8 =	vld [tilespmem:s1+$0xFFFFFFF0];
	v5 =	vsel vm1, v16, v17;
	v16 =	vshrl.u32 v10, $0x15  }
.Ltmp45:
0x3b5: {  	v6 =	vshrl.u32 v6, $0x15;
	v17 =	vor.u32 $0x80000000, v14;
	vm1 =	vlt.s32 v14, $0x0;
	[tilespmem:v13+s16+$0x0] =	vst.idx.add.s32.msk $0xffff, v1;
	(pc) =	sbr.rel @p0 .LBB2_68-.Ltmp45, $4  }
0x3b6: {  	v13 =	vor.u32 $0x80000000, v15;
	v10 =	vshrl.u32 v5, $0x15;
	v5 =	vxor.u32 $0xFFFFFFFF, v14;
	[tilespmem:v11+s16+$0x0] =	vst.idx.add.s32.msk $0xffff, v1  }
0x3b7: {  	vm2 =	vlt.s32 v15, $0x0;
	v11 =	vxor.u32 $0xFFFFFFFF, v15;
	v5 =	vsel vm1, v5, v17;
	[tilespmem:v3+s16+$0x0] =	vst.idx.add.s32.msk $0xffff, v1  }
0x3b8: {  	v3 =	vsel vm2, v11, v13;
	v5 =	vshrl.u32 v5, $0x15;
	[tilespmem:v12+s16+$0x0] =	vst.idx.add.s32.msk $0xffff, v1  }
0x3b9: {  	s1 =	sadd.s32 $0x80, s1;
	v12 =	vxor.u32 $0xFFFFFFFF, v4;
	v3 =	vshrl.u32 v3, $0x15;
	v11 =	vxor.u32 $0xFFFFFFFF, v8;
	[tilespmem:v16+s16+$0x0] =	vst.idx.add.s32.msk $0xffff, v1  }
0x3ba: {  	v13 =	vxor.u32 $0xFFFFFFFF, v7;
	v14 =	vor.u32 $0x80000000, v9;
	vm1 =	vlt.s32 v9, $0x0  }
0x3bb: {  	v57 =	vxor.u32 $0xFFFFFFFF, v9;
	v58 =	vor.u32 $0x80000000, v7;
	v59 =	vor.u32 $0x80000000, v4  }
0x3bc: {  	v61 =	vor.u32 $0x80000000, v8;
	v9 =	vsel vm1, v57, v14;
	vm1 =	vlt.s32 v7, $0x0  }
0x3bd: {  	v7 =	vsel vm1, v13, v58;
	v9 =	vshrl.u32 v9, $0x15;
	vm1 =	vlt.s32 v4, $0x0  }
0x3be: {  	[tilespmem:v10+s16+$0x0] =	vst.idx.add.s32.msk $0xffff, v1;
	v60 =	vshrl.u32 v7, $0x15;
	v12 =	vsel vm1, v12, v59;
	vm1 =	vlt.s32 v8, $0x0  }
0x3bf: {  	[tilespmem:v6+s16+$0x0] =	vst.idx.add.s32.msk $0xffff, v1;
	v62 =	vshrl.u32 v12, $0x15;
	v7 =	vsel vm1, v11, v61  }
0x3c0: {  	[tilespmem:v5+s16+$0x0] =	vst.idx.add.s32.msk $0xffff, v1;
	v63 =	vshrl.u32 v7, $0x15  }
0x3c1: {  	[tilespmem:v3+s16+$0x0] =	vst.idx.add.s32.msk $0xffff, v1  }
0x3c2: {  	[tilespmem:v9+s16+$0x0] =	vst.idx.add.s32.msk $0xffff, v1  }
0x3c3: {  	[tilespmem:v60+s16+$0x0] =	vst.idx.add.s32.msk $0xffff, v1  }
0x3c4: {  	[tilespmem:v62+s16+$0x0] =	vst.idx.add.s32.msk $0xffff, v1  }
0x3c5: {  	s0 =	simm.s32 $0x0;
	s1 =	simm.s32 $0x0;
	[tilespmem:v63+s16+$0x0] =	vst.idx.add.s32.msk $0xffff, v1  }
.LBB2_70:
0x3c6: {  	p0 =	sne.s32 s1, $0x1C0  }
.Ltmp46:
0x3c7: {  	_ = 	snop;
	(pc) =	sbr.rel @p0 .LBB2_70-.Ltmp46, $3  }
0x3c8: {  	_ =	sdelay $0x1  }
0x3c9: {  	s3 =	sshra.s32 s1, $0x2  }
0x3ca: {  	s1 =	sadd.s32 $0x40, s1;
	[tilespmem:s3+$0x18800] =	vst v0  }
0x3cb: {  	s1 =	simm.s32 $0x18020  }
0x3cc: {  	v3 =	vld [tilespmem:s1+$0x10];
	_ =	sdelay $0x2  }
0x3cd: {  	v4 =	vld [tilespmem:s1+$0xFFFFFFF0]  }
0x3ce: {  	v5 =	vld [tilespmem:s1+$0x0]  }
0x3cf: {  	v6 =	vld [tilespmem:s1+$0xFFFFFFE0];
	(xrf0) =	vadd.scan.msk.s32 $0xffff, v3;
	_ =	sdelay $0x1  }
0x3d0: {  	s26 =	simm.s32 $0x1  }
0x3d1: {  	s29 =	simm.s32 $0x18060;
	v3 =	vmov s26;
	(xrf0) =	vadd.scan.msk.s32 $0xffff, v4  }
0x3d2: {  	s3 =	simm.s32 $0x3;
	v4 =	vld [tilespmem:s29+$0x10];
	v3 =	vand.u32 $0xFFFFFFFD, v3;
	(xrf0) =	vadd.scan.msk.s32 $0xffff, v5  }
0x3d3: {  	v5 =	vld [tilespmem:s29+$0xFFFFFFF0];
	(xrf0) =	vadd.scan.msk.s32 $0xffff, v6;
	v6 =	vbroadcast v3, $0x0;
	v3 =	vmov s3  }
0x3d4: {  	v10 =	vmov s0;
	v7 =	vld [tilespmem:s29+$0x0];
	v8, _, _ =	vpop (xrf0)  }
0x3d5: {  	v9 =	vld [tilespmem:s29+$0xFFFFFFE0];
	v10 =	vand.u32 $0xFFFFFFFC, v10;
	v8 =	vbroadcast v8, $0xF  }
0x3d6: {  	s31 =	simm.s32 $0x2  }
0x3d7: {  	v13 =	vmov s31;
	v11, _, _ =	vpop (xrf0);
	(xrf0) =	vadd.scan.msk.s32 $0xffff, v4;
	v4 =	vbroadcast v10, $0x0  }
0x3d8: {  	s30 =	simm.s32 $0x5;
	s26 =	simm.s32 $0x180A0;
	v11 =	vbroadcast v11, $0xF;
	v10, _, _ =	vpop (xrf0);
	(xrf0) =	vadd.scan.msk.s32 $0xffff, v5;
	v5 =	vand.u32 $0xFFFFFFFE, v13;
	[tilespmem:v3+s17+$0x0] =	vst.idx.add.s32.msk $0x1, v8  }
0x3d9: {  	s0 =	simm.s32 $0x8;
	v12 =	vmov s30;
	v3 =	vbroadcast v10, $0xF;
	(xrf0) =	vadd.scan.msk.s32 $0xffff, v7;
	v5 =	vbroadcast v5, $0x0;
	v7 =	vld [tilespmem:s26+$0x10];
	v8, _, _ =	vpop (xrf0)  }
0x3da: {  	s28 =	simm.s32 $0xC;
	s1 =	simm.s32 $0x4;
	s3 =	simm.s32 $0x7;
	[tilespmem:v6+s17+$0x0] =	vst.idx.add.s32.msk $0x1, v11;
	(xrf0) =	vadd.scan.msk.s32 $0xffff, v9;
	v6 =	vbroadcast v8, $0xF;
	v8 =	vand.u32 $0xFFFFFFFD, v12  }
.LBB2_72:
0x3db: {  	p0 =	slt.u32 s28, $0x7C;
	v9 =	vld [tilespmem:s26+$0xFFFFFFF0];
	v8 =	vbroadcast v8, $0x0;
	v10 =	vmov s3  }
0x3dc: {  	v12 =	vmov s1;
	v11 =	vld [tilespmem:s26+$0x0]  }
0x3dd: {  	s3 =	sadd.s32 $0x1, s0;
	s4 =	sadd.s32 $0x2, s1;
	s1 =	smov.u32 s0;
	v12 =	vand.u32 $0xFFFFFFFC, v12;
	v13 =	vld [tilespmem:s26+$0xFFFFFFE0];
	v14, _, _ =	vpop (xrf0)  }
.Ltmp47:
0x3de: {  	s0 =	smov.u32 s28;
	v15 =	vmov s3;
	v16 =	vmov s4;
	v14 =	vbroadcast v14, $0xF;
	v17, _, _ =	vpop (xrf0);
	[tilespmem:v4+s17+$0x0] =	vst.idx.add.s32.msk $0x1, v6;
	(pc) =	sbr.rel @p0 .LBB2_72-.Ltmp47, $4  }
0x3df: {  	v4 =	vbroadcast v12, $0x0;
	(xrf0) =	vadd.scan.msk.s32 $0xffff, v7;
	v7 =	vbroadcast v17, $0xF;
	v6, _, _ =	vpop (xrf0);
	[tilespmem:v5+s17+$0x0] =	vst.idx.add.s32.msk $0x1, v3  }
0x3e0: {  	v5 =	vand.u32 $0xFFFFFFFE, v16;
	(xrf0) =	vadd.scan.msk.s32 $0xffff, v9;
	v3 =	vbroadcast v6, $0xF;
	[tilespmem:v10+s17+$0x0] =	vst.idx.add.s32.msk $0x1, v14;
	v6, _, _ =	vpop (xrf0)  }
0x3e1: {  	s26 =	sadd.s32 $0x40, s26;
	v5 =	vbroadcast v5, $0x0;
	(xrf0) =	vadd.scan.msk.s32 $0xffff, v11;
	v6 =	vbroadcast v6, $0xF;
	[tilespmem:v8+s17+$0x0] =	vst.idx.add.s32.msk $0x1, v7  }
0x3e2: {  	s28 =	sadd.s32 $0x4, s28;
	s3 =	sadd.s32 $0x3, s1;
	v8 =	vand.u32 $0xFFFFFFFD, v15;
	v7 =	vld [tilespmem:s26+$0x10];
	(xrf0) =	vadd.scan.msk.s32 $0xffff, v13  }
0x3e3: {  	v9 =	vld [tilespmem:s26+$0xFFFFFFF0]  }
0x3e4: {  	v10 =	vld [tilespmem:s26+$0x0]  }
0x3e5: {  	v11 =	vld [tilespmem:s26+$0xFFFFFFE0]  }
0x3e6: {  	v8 =	vbroadcast v8, $0x0;
	v12 =	vmov s1;
	s26 =	sadd.s32 $0x2, s1;
	s30 =	sadd.s32 $0x1, s0  }
0x3e7: {  	v13 =	vmov s26;
	v14 =	vmov s30;
	(xrf0) =	vadd.scan.msk.s32 $0xffff, v7;
	v7 =	vmov s3  }
0x3e8: {  	v12 =	vand.u32 $0xFFFFFFFC, v12;
	v13 =	vand.u32 $0xFFFFFFFE, v13;
	v14 =	vand.u32 $0xFFFFFFFD, v14;
	(xrf0) =	vadd.scan.msk.s32 $0xffff, v9;
	v9, _, _ =	vpop (xrf0)  }
0x3e9: {  	[tilespmem:v4+s17+$0x0] =	vst.idx.add.s32.msk $0x1, v6;
	v12 =	vbroadcast v12, $0x0;
	v13 =	vbroadcast v13, $0x0;
	(xrf0) =	vadd.scan.msk.s32 $0xffff, v10;
	v10, _, _ =	vpop (xrf0)  }
0x3ea: {  	s3 =	sadd.s32 $0x2, s0;
	v9 =	vbroadcast v9, $0xF;
	(xrf0) =	vadd.scan.msk.s32 $0xffff, v11;
	v11, _, _ =	vpop (xrf0);
	v4 =	vbroadcast v10, $0xF;
	v10 =	vmov s0  }
0x3eb: {  	s31 =	sadd.s32 $0x3, s0;
	[tilespmem:v5+s17+$0x0] =	vst.idx.add.s32.msk $0x1, v3;
	v6 =	vbroadcast v14, $0x0;
	v14, _, _ =	vpop (xrf0);
	v5 =	vand.u32 $0xFFFFFFFC, v10;
	v10 =	vmov s3  }
0x3ec: {  	v3 =	vmov s31;
	[tilespmem:v7+s17+$0x0] =	vst.idx.add.s32.msk $0x1, v9;
	v7 =	vbroadcast v14, $0xF;
	v10 =	vand.u32 $0xFFFFFFFE, v10  }
0x3ed: {  	v11 =	vbroadcast v11, $0xF;
	[tilespmem:v8+s17+$0x0] =	vst.idx.add.s32.msk $0x1, v4;
	v8 =	vbroadcast v10, $0x0  }
0x3ee: {  	v5 =	vbroadcast v5, $0x0;
	v9, _, _ =	vpop (xrf0)  }
0x3ef: {  	[tilespmem:v13+s17+$0x0] =	vst.idx.add.s32.msk $0x1, v11;
	v4, _, _ =	vpop (xrf0);
	v9 =	vbroadcast v9, $0xF  }
0x3f0: {  	[tilespmem:v12+s17+$0x0] =	vst.idx.add.s32.msk $0x1, v7;
	v4 =	vbroadcast v4, $0xF;
	v7, _, _ =	vpop (xrf0)  }
0x3f1: {  	[tilespmem:v3+s17+$0x0] =	vst.idx.add.s32.msk $0x1, v9;
	v10, _, _ =	vpop (xrf0);
	v7 =	vbroadcast v7, $0xF  }
0x3f2: {  	[tilespmem:v6+s17+$0x0] =	vst.idx.add.s32.msk $0x1, v4;
	v3 =	vbroadcast v10, $0xF  }
0x3f3: {  	[tilespmem:v8+s17+$0x0] =	vst.idx.add.s32.msk $0x1, v7  }
0x3f4: {  	[tilespmem:v5+s17+$0x0] =	vst.idx.add.s32.msk $0x1, v3  }
0x3f5: {  	v3 =	vld [tilespmem:$0x18800];
	_ =	sdelay $0x3  }
0x3f6: {  	v4 =	vld [tilespmem:$0x18810]  }
0x3f7: {  	(xrf0) =	vadd.scan.msk.s32 $0xffff, v3;
	_ =	sdelay $0x3  }
0x3f8: {  	(xrf0) =	vadd.scan.msk.s32 $0xffff, v4;
	_ =	sdelay $0x1  }
0x3f9: {  	v5, _, _ =	vpop (xrf0)  }
0x3fa: {  	v3 =	vsub.s32 v5, v3  }
0x3fb: {  	v6 =	vbroadcast v5, $0xF;
	_ =	sdelay $0x1  }
0x3fc: {  	vm1 =	vlt.s32 v3, $0x7FC1;
	v4 =	vsub.s32 v6, v4;
	v3, _, _ =	vpop (xrf0)  }
0x3fd: {  	v6 =	vmpcnt.ones.xlane vm1;
	v4 =	vadd.s32 v3, v4  }
0x3fe: {  	vm1 =	vlt.s32 v4, $0x7FC1  }
0x3ff: {  	(v2sf) =	vpush v6, $0x0;
	v4 =	vmpcnt.ones.xlane vm1  }
0x400: {  	(v2sf) =	vpush v5, $0xF  }
0x401: {  	(v2sf) =	vpush v4, $0x0  }
0x402: {  	(v2sf) =	vpush v3, $0xF;
	_ =	sdelay $0x3  }
0x403: {  	v3 =	vld [tilespmem:$0x18820];
	_ =	sdelay $0x4  }
0x404: {  	(xrf0) =	vadd.scan.msk.s32 $0xffff, v3;
	_ =	sdelay $0x2  }
0x405: {  	s29 =	spop (v2sf)  }
0x406: {  	s0 =	spop (v2sf)  }
0x407: {  	s30 =	spop (v2sf)  }
0x408: {  	v4, _, _ =	vpop (xrf0);
	s4 =	spop (v2sf)  }
0x409: {  	v3 =	vsub.s32 v4, v3;
	s1 =	sadd.s32 s0, s4  }
0x40a: {  	v3 =	vadd.s32 s1, v3  }
0x40b: {  	vm1 =	vlt.s32 v3, $0x7FC1  }
0x40c: {  	v3 =	vmpcnt.ones.xlane vm1;
	_ =	sdelay $0x1  }
0x40d: {  	(v2sf) =	vpush v3, $0x0  }
0x40e: {  	(v2sf) =	vpush v4, $0xF;
	_ =	sdelay $0x3  }
0x40f: {  	v3 =	vld [tilespmem:$0x18830];
	_ =	sdelay $0x4  }
0x410: {  	(xrf0) =	vadd.scan.msk.s32 $0xffff, v3;
	_ =	sdelay $0x4  }
0x411: {  	s3 =	spop (v2sf)  }
0x412: {  	v4, _, _ =	vpop (xrf0);
	s4 =	spop (v2sf)  }
0x413: {  	v3 =	vsub.s32 v4, v3;
	s26 =	sadd.s32 s1, s4  }
0x414: {  	v3 =	vadd.s32 s26, v3  }
0x415: {  	vm1 =	vlt.s32 v3, $0x7FC1  }
0x416: {  	v3 =	vmpcnt.ones.xlane vm1;
	_ =	sdelay $0x1  }
0x417: {  	(v2sf) =	vpush v3, $0x0  }
0x418: {  	(v2sf) =	vpush v4, $0xF;
	_ =	sdelay $0x3  }
0x419: {  	v3 =	vld [tilespmem:$0x18840];
	_ =	sdelay $0x4  }
0x41a: {  	(xrf0) =	vadd.scan.msk.s32 $0xffff, v3;
	_ =	sdelay $0x4  }
0x41b: {  	s4 =	spop (v2sf)  }
0x41c: {  	v4, _, _ =	vpop (xrf0);
	s5 =	spop (v2sf)  }
0x41d: {  	v3 =	vsub.s32 v4, v3;
	s28 =	sadd.s32 s26, s5  }
0x41e: {  	v3 =	vadd.s32 s28, v3  }
0x41f: {  	vm1 =	vlt.s32 v3, $0x7FC1  }
0x420: {  	v3 =	vmpcnt.ones.xlane vm1;
	_ =	sdelay $0x1  }
0x421: {  	(v2sf) =	vpush v3, $0x0  }
0x422: {  	(v2sf) =	vpush v4, $0xF;
	_ =	sdelay $0x3  }
0x423: {  	v3 =	vld [tilespmem:$0x18850];
	_ =	sdelay $0x4  }
0x424: {  	(xrf0) =	vadd.scan.msk.s32 $0xffff, v3;
	_ =	sdelay $0x4  }
0x425: {  	s5 =	spop (v2sf)  }
0x426: {  	v4, _, _ =	vpop (xrf0);
	s6 =	spop (v2sf)  }
0x427: {  	v3 =	vsub.s32 v4, v3;
	s31 =	sadd.s32 s28, s6  }
0x428: {  	v3 =	vadd.s32 s31, v3  }
0x429: {  	vm1 =	vlt.s32 v3, $0x7FC1  }
0x42a: {  	v3 =	vmpcnt.ones.xlane vm1;
	_ =	sdelay $0x1  }
0x42b: {  	(v2sf) =	vpush v3, $0x0  }
0x42c: {  	(v2sf) =	vpush v4, $0xF;
	_ =	sdelay $0x3  }
0x42d: {  	v3 =	vld [tilespmem:$0x18860];
	_ =	sdelay $0x4  }
0x42e: {  	(xrf0) =	vadd.scan.msk.s32 $0xffff, v3;
	_ =	sdelay $0x4  }
0x42f: {  	s6 =	spop (v2sf)  }
0x430: {  	v4, _, _ =	vpop (xrf0);
	s7 =	spop (v2sf)  }
0x431: {  	v3 =	vsub.s32 v4, v3;
	s7 =	sadd.s32 s31, s7  }
0x432: {  	v3 =	vadd.s32 s7, v3  }
0x433: {  	vm1 =	vlt.s32 v3, $0x7FC1  }
0x434: {  	v3 =	vmpcnt.ones.xlane vm1;
	_ =	sdelay $0x1  }
0x435: {  	(v2sf) =	vpush v3, $0x0  }
0x436: {  	(v2sf) =	vpush v4, $0xF;
	_ =	sdelay $0x3  }
0x437: {  	v3 =	vld [tilespmem:$0x18870];
	_ =	sdelay $0x4  }
0x438: {  	(xrf0) =	vadd.scan.msk.s32 $0xffff, v3;
	_ =	sdelay $0x4  }
0x439: {  	s14 =	spop (v2sf)  }
0x43a: {  	v4, _, _ =	vpop (xrf0);
	s20 =	spop (v2sf)  }
0x43b: {  	v3 =	vsub.s32 v4, v3;
	s20 =	sadd.s32 s7, s20  }
0x43c: {  	v3 =	vadd.s32 s20, v3  }
0x43d: {  	vm1 =	vlt.s32 v3, $0x7FC1  }
0x43e: {  	v3 =	vmpcnt.ones.xlane vm1;
	_ =	sdelay $0x1  }
0x43f: {  	(v2sf) =	vpush v3, $0x0;
	_ =	sdelay $0x9  }
0x440: {  	s29 =	sadd.s32 s30, s29  }
0x441: {  	s3 =	sadd.s32 s3, s29  }
0x442: {  	s3 =	sadd.s32 s4, s3  }
0x443: {  	s3 =	sadd.s32 s5, s3  }
0x444: {  	s3 =	sadd.s32 s6, s3  }
0x445: {  	s3 =	sadd.s32 s14, s3;
	s5 =	spop (v2sf)  }
0x446: {  	s3 =	sadd.s32 s5, s3  }
0x447: {  	s3 =	sadd.s32 $0xFFFFFFFF, s3  }
0x448: {  	s6 =	sshra.s32 s3, $0x1F  }
0x449: {  	s4 =	sshrl.u32 s6, $0x1C  }
0x44a: {  	s4 =	sadd.s32 s4, s3  }
0x44b: {  	s14 =	sand.u32 $0xFFFFFFF0, s4  }
0x44c: {  	p0 =	slt.s32 s3, $0x1;
	p1 =	sne.s32 s3, s14  }
0x44d: {  	p0 =	por !p0, !p1  }
0x44e: {  	s5 =	simm.s32 $0x1;
	p0 =	por !p0, !p0  }
0x44f: {  	s4 =	sshra.s32 s4, $0x4;
	s5 =	simm.s32 @!p0 $0x0  }
0x450: {  	s4 =	ssub.s32 s4, s5  }
0x451: {  	s5 =	sshll.u32 s4, $0x6  }
0x452: {  	s5 =	sshra.s32 s5, $0x2  }
0x453: {  	v4 =	vld [tilespmem:s5+$0x18800];
	_ =	sdelay $0x4  }
0x454: {  	p0 =	seq.s32 s4, $0x1;
	(xrf0) =	vadd.scan.msk.s32 $0xffff, v4  }
0x455: {  	s0 =	simm.s32 @!p0 $0x0;
	p0 =	seq.s32 s4, $0x2  }
0x456: {  	s0 =	smov.u32 @p0 s1;
	p0 =	seq.s32 s4, $0x3  }
0x457: {  	s0 =	smov.u32 @p0 s26;
	p0 =	seq.s32 s4, $0x4  }
0x458: {  	s0 =	smov.u32 @p0 s28;
	p0 =	seq.s32 s4, $0x5  }
0x459: {  	s26 =	sshll.u32 s3, $0x4;
	s0 =	smov.u32 @p0 s31;
	p0 =	seq.s32 s4, $0x6  }
0x45a: {  	s3 =	sand.u32 $0xF, s3;
	v3 =	vld [tilespmem:s26+$0x18000];
	s0 =	smov.u32 @p0 s7;
	p0 =	seq.s32 s4, $0x7;
	v5, _, _ =	vpop (xrf0)  }
0x45b: {  	s0 =	smov.u32 @p0 s20;
	v4 =	vsub.s32 v5, v4;
	v5 =	vmov s3  }
0x45c: {  	v4 =	vadd.s32 s0, v4;
	vm1 =	veq.s32 v5, v2  }
0x45d: {  	v4 =	vnsel vm1, $0x0, v4  }
0x45e: {  	(xrf0) =	vadd.scan.msk.s32 $0xffff, v4  }
0x45f: {  	(xrf0) =	vadd.scan.msk.s32 $0xffff, v3;
	_ =	sdelay $0x4  }
0x460: {  	v4, _, _ =	vpop (xrf0)  }
0x461: {  	v5, _, _ =	vpop (xrf0);
	v4 =	vbroadcast v4, $0xF  }
0x462: {  	v5 =	vsub.s32 v5, v3  }
0x463: {  	v4 =	vadd.s32 v4, v5  }
0x464: {  	vm1 =	vlt.s32 v4, $0x7FC1  }
0x465: {  	v5 =	vmpcnt.ones.xlane vm1;
	_ =	sdelay $0x1  }
0x466: {  	(v2sf) =	vpush v5, $0x0;
	_ =	sdelay $0x4  }
0x467: {  	s30 =	simm.s32 $0x10020  }
0x468: {  	v6 =	vld [tilespmem:s30+$0xFFFFFFE0]  }
0x469: {  	v7 =	vld [tilespmem:s30+$0xFFFFFFF0]  }
0x46a: {  	v8 =	vld [tilespmem:s30+$0x0];
	s29 =	simm.s32 $0x10060  }
0x46b: {  	v19 =	vld [tilespmem:s29+$0x0];
	_ =	sdelay $0x1  }
0x46c: {  	v9 =	vld [tilespmem:s30+$0x10]  }
0x46d: {  	v10 =	vimm.s32 $0x0;
	v11 =	vxor.u32 $0xFFFFFFFF, v6;
	v12 =	vor.u32 $0x80000000, v6  }
0x46e: {  	v13 =	vor.u32 $0x80000000, v7;
	vm2 =	vlt.s32 v7, $0x0;
	v14 =	vor.u32 $0x80000000, v8  }
0x46f: {  	vm3 =	vlt.s32 v8, $0x0;
	v22 =	vxor.u32 $0xFFFFFFFF, v19;
	v23 =	vor.u32 $0x80000000, v19  }
0x470: {  	vm8 =	vlt.s32 v19, $0x0;
	vm1 =	vlt.s32 v6, $0x0;
	v6 =	vxor.u32 $0xFFFFFFFF, v7;
	s31 =	spop (v2sf)  }
0x471: {  	v7 =	vxor.u32 $0xFFFFFFFF, v8;
	v8 =	vxor.u32 $0xFFFFFFFF, v9;
	v11 =	vsel vm1, v11, v12;
	s28 =	sadd.s32 $0xFFFFFFFF, s31  }
0x472: {  	v12 =	vor.u32 $0x80000000, v9;
	vm1 =	vlt.s32 v9, $0x0;
	v9 =	vsel vm2, v6, v13;
	s26 =	sadd.s32 s26, s28  }
0x473: {  	v7 =	vsel vm3, v7, v14;
	v6 =	vshrl.u32 v11, $0x15;
	v5 =	vmov s26  }
0x474: {  	v13 =	vshrl.u32 v9, $0x15;
	v8 =	vsel vm1, v8, v12;
	vm3 =	veq.s32 v6, v5  }
0x475: {  	v12 =	vshrl.u32 v7, $0x15;
	v61 =	vand.u32 $0x1FFFFF, v7;
	v6 =	vmpcnt.ones.xlane vm3  }
0x476: {  	vm4 =	veq.s32 v13, v5;
	vm6 =	veq.s32 v12, v5;
	v14 =	vsel vm3, $0x1, v0  }
0x477: {  	v12 =	vshrl.u32 v8, $0x15;
	(xrf0) =	vadd.scan.msk.s32 $0xffff, v14;
	v15 =	vadd.s32 v10, v6;
	v6 =	vsel vm4, $0x1, v0  }
0x478: {  	v13 =	vmpcnt.ones.xlane vm4;
	vm2 =	veq.s32 v12, v5;
	v12 =	vmpcnt.ones.xlane vm6;
	(xrf0) =	vadd.scan.msk.s32 $0xffff, v6  }
0x479: {  	v17 =	vsel vm6, $0xFFFFFFFF, v0;
	vm1 =	vmmov vm2;
	v14 =	vsel vm6, $0x1, v0  }
0x47a: {  	v16 =	vsel vm1, $0x1, v0;
	v13 =	vadd.s32 v15, v13;
	(xrf0) =	vadd.scan.msk.s32 $0xffff, v14;
	v14 =	vsel vm3, $0xFFFFFFFF, v0  }
0x47b: {  	v12 =	vadd.s32 v13, v12;
	v13 =	vadd.s32 v17, v13;
	v17 =	vand.u32 $0x1FFFFF, v9;
	v9 =	vld [tilespmem:s29+$0xFFFFFFF0];
	(xrf0) =	vadd.scan.msk.s32 $0xffff, v16  }
0x47c: {  	v7 =	vand.u32 $0x1FFFFF, v8;
	v6 =	vmpcnt.ones.xlane vm2;
	v16 =	vsel vm4, $0xFFFFFFFF, v0  }
0x47d: {  	v10 =	vadd.s32 v14, v10;
	v15 =	vadd.s32 v16, v15;
	v16 =	vand.u32 $0x1FFFFF, v11;
	v11 =	vld [tilespmem:s29+$0xFFFFFFE0];
	v14, _, _ =	vpop (xrf0)  }
0x47e: {  	v18 =	vsel vm1, $0xFFFFFFFF, v0;
	v6 =	vadd.s32 v12, v6;
	v10 =	vadd.s32 v14, v10;
	v14, _, _ =	vpop (xrf0)  }
0x47f: {  	v12 =	vadd.s32 v18, v12;
	vm2 =	vlt.s32 v10, $0x1000;
	v8 =	vadd.s32 v14, v15  }
0x480: {  	v21 =	vor.u32 $0x80000000, v9;
	v14, _, _ =	vpop (xrf0);
	v15 =	vld [tilespmem:s29+$0x10];
	v20 =	vnsel vm2, $0x1000, v10;
	vm2 =	vlt.s32 v8, $0x1000  }
0x481: {  	vm7 =	vlt.s32 v9, $0x0;
	v10 =	vadd.s32 v14, v13;
	v13, _, _ =	vpop (xrf0);
	v14 =	vnsel vm2, $0x1000, v8  }
0x482: {  	vm2 =	vlt.s32 v10, $0x1000;
	v8 =	vadd.s32 v13, v12;
	v12 =	vxor.u32 $0xFFFFFFFF, v11  }
0x483: {  	v13 =	vnsel vm2, $0x1000, v10;
	v10 =	vor.u32 $0x80000000, v11;
	vm2 =	vlt.s32 v11, $0x0  }
0x484: {  	vm5 =	vlt.s32 v8, $0x1000;
	v11 =	vxor.u32 $0xFFFFFFFF, v9;
	v9 =	vsel vm2, v12, v10  }
0x485: {  	v11 =	vsel vm7, v11, v21;
	v10 =	vsel vm8, v22, v23;
	v62 =	vxor.u32 $0xFFFFFFFF, v15  }
0x486: {  	v12 =	vor.u32 $0x80000000, v15;
	vm9 =	vlt.s32 v15, $0x0;
	v15 =	vshrl.u32 v9, $0x15  }
0x487: {  	v63 =	vshrl.u32 v10, $0x15;
	vm2 =	veq.s32 v15, v5;
	v15 =	vshrl.u32 v11, $0x15  }
0x488: {  	[tilespmem:v20+s18+$0x0] =	vst.idx.msk vm3, v16;
	v12 =	vsel vm9, v62, v12;
	v16 =	vmpcnt.ones.xlane vm2;
	vm3 =	veq.s32 v15, v5  }
0x489: {  	[tilespmem:v14+s18+$0x0] =	vst.idx.msk vm4, v17;
	vm4 =	veq.s32 v63, v5;
	v17 =	vshrl.u32 v12, $0x15;
	v15 =	vmpcnt.ones.xlane vm3  }
0x48a: {  	s0 =	simm.s32 $0x40;
	[tilespmem:v13+s18+$0x0] =	vst.idx.msk vm6, v61;
	v14 =	vmpcnt.ones.xlane vm4;
	vm7 =	veq.s32 v17, v5;
	v13 =	vadd.s32 v6, v16  }
.LBB2_74:
0x48b: {  	v16 =	vsel vm2, $0x1, v0;
	v15 =	vadd.s32 v13, v15  }
0x48c: {  	s0 =	sadd.s32 $0x40, s0;
	v17 =	vmpcnt.ones.xlane vm7;
	vm6 =	vmmov vm1;
	vm1 =	vmmov vm7  }
0x48d: {  	v18 =	vsel vm3, $0x1, v0;
	v19 =	vsel vm4, $0x1, v0;
	p0 =	slt.u32 s0, $0x7FC0;
	v14 =	vadd.s32 v15, v14;
	(xrf0) =	vadd.scan.msk.s32 $0xffff, v16  }
0x48e: {  	v16 =	vsel vm2, $0xFFFFFFFF, v0;
	v20 =	vsel vm1, $0x1, v0;
	v17 =	vadd.s32 v14, v17;
	(xrf0) =	vadd.scan.msk.s32 $0xffff, v18  }
0x48f: {  	v21 =	vsel vm4, $0xFFFFFFFF, v0;
	v22 =	vsel vm1, $0xFFFFFFFF, v0;
	v18 =	vsel vm3, $0xFFFFFFFF, v0;
	(xrf0) =	vadd.scan.msk.s32 $0xffff, v19  }
0x490: {  	v15 =	vadd.s32 v21, v15;
	v14 =	vadd.s32 v22, v14;
	v13 =	vadd.s32 v18, v13;
	(xrf0) =	vadd.scan.msk.s32 $0xffff, v20  }
0x491: {  	v9 =	vand.u32 $0x1FFFFF, v9;
	v8 =	vnsel vm5, $0x1000, v8;
	v16 =	vadd.s32 v16, v6;
	v6 =	vmovc v17  }
0x492: {  	v11 =	vand.u32 $0x1FFFFF, v11;
	s29 =	sadd.s32 $0x40, s29;
	v18 =	vand.u32 $0x1FFFFF, v10;
	v10 =	vand.u32 $0x1FFFFF, v12  }
0x493: {  	v12 =	vld [tilespmem:s29+$0xFFFFFFE0];
	v19, _, _ =	vpop (xrf0)  }
0x494: {  	v20 =	vld [tilespmem:s29+$0xFFFFFFF0];
	v16 =	vadd.s32 v19, v16;
	v19, _, _ =	vpop (xrf0)  }
0x495: {  	v21 =	vld [tilespmem:s29+$0x0];
	vm5 =	vlt.s32 v16, $0x1000;
	v13 =	vadd.s32 v19, v13;
	v19, _, _ =	vpop (xrf0)  }
0x496: {  	v22 =	vld [tilespmem:s29+$0x10];
	v16 =	vnsel vm5, $0x1000, v16;
	vm5 =	vlt.s32 v13, $0x1000;
	v15 =	vadd.s32 v19, v15;
	v19, _, _ =	vpop (xrf0);
	[tilespmem:v8+s18+$0x0] =	vst.idx.msk vm6, v7  }
0x497: {  	v7 =	vmovc v10;
	v13 =	vnsel vm5, $0x1000, v13;
	vm5 =	vlt.s32 v15, $0x1000;
	v8 =	vadd.s32 v19, v14  }
0x498: {  	v10 =	vxor.u32 $0xFFFFFFFF, v12;
	v14 =	vnsel vm5, $0x1000, v15;
	vm5 =	vlt.s32 v8, $0x1000  }
0x499: {  	v15 =	vor.u32 $0x80000000, v12;
	vm6 =	vlt.s32 v12, $0x0;
	v12 =	vxor.u32 $0xFFFFFFFF, v20  }
0x49a: {  	v19 =	vor.u32 $0x80000000, v20;
	vm7 =	vlt.s32 v20, $0x0;
	v20 =	vxor.u32 $0xFFFFFFFF, v21  }
0x49b: {  	v23 =	vor.u32 $0x80000000, v21;
	vm8 =	vlt.s32 v21, $0x0;
	v21 =	vxor.u32 $0xFFFFFFFF, v22;
	[tilespmem:v16+s18+$0x0] =	vst.idx.msk vm2, v9  }
0x49c: {  	v9 =	vsel vm6, v10, v15;
	v15 =	vor.u32 $0x80000000, v22;
	vm6 =	vlt.s32 v22, $0x0;
	[tilespmem:v13+s18+$0x0] =	vst.idx.msk vm3, v11  }
.Ltmp48:
0x49d: {  	v10 =	vsel vm8, v20, v23;
	v13 =	vshrl.u32 v9, $0x15;
	v11 =	vsel vm7, v12, v19;
	[tilespmem:v14+s18+$0x0] =	vst.idx.msk vm4, v18;
	(pc) =	sbr.rel @p0 .LBB2_74-.Ltmp48, $4  }
0x49e: {  	v12 =	vsel vm6, v21, v15;
	vm2 =	veq.s32 v13, v5;
	v13 =	vshrl.u32 v11, $0x15  }
0x49f: {  	v14 =	vmpcnt.ones.xlane vm2;
	vm3 =	veq.s32 v13, v5;
	v13 =	vshrl.u32 v10, $0x15  }
0x4a0: {  	v16 =	vshrl.u32 v12, $0x15;
	v15 =	vmpcnt.ones.xlane vm3;
	vm4 =	veq.s32 v13, v5  }
0x4a1: {  	vm7 =	veq.s32 v16, v5;
	v13 =	vadd.s32 v17, v14;
	v14 =	vmpcnt.ones.xlane vm4  }
0x4a2: {  	v5 =	vsel vm2, $0x1, v0  }
0x4a3: {  	v15 =	vadd.s32 v13, v15;
	v16 =	vsel vm3, $0x1, v0;
	vm6 =	vmmov vm7;
	(xrf0) =	vadd.scan.msk.s32 $0xffff, v5  }
0x4a4: {  	v48 =	vsel vm4, $0x1, v0;
	v49 =	vmov s28;
	v17 =	vmpcnt.ones.xlane vm7;
	(xrf0) =	vadd.scan.msk.s32 $0xffff, v16  }
0x4a5: {  	v18 =	vsel vm6, $0x1, v0;
	vm11 =	veq.s32 v49, v2;
	v50 =	vadd.s32 v15, v14;
	(xrf0) =	vadd.scan.msk.s32 $0xffff, v48  }
0x4a6: {  	v3 =	vnsel vm11, $0x0, v3;
	v14 =	vadd.s32 v50, v17;
	(xrf0) =	vadd.scan.msk.s32 $0xffff, v18  }
0x4a7: {  	v4 =	vnsel vm11, $0x0, v4;
	(xrf0) =	vadd.scan.msk.s32 $0xffff, v3;
	v3 =	vnsel vm0, $0x0, v14  }
0x4a8: {  	(xrf0) =	vadd.scan.msk.s32 $0xffff, v4  }
0x4a9: {  	v51, _, _ =	vpop (xrf0);
	(xrf0) =	vadd.scan.msk.s32 $0xffff, v3  }
0x4aa: {  	v3, _, _ =	vpop (xrf0)  }
0x4ab: {  	v52, _, _ =	vpop (xrf0)  }
0x4ac: {  	v53, _, _ =	vpop (xrf0)  }
0x4ad: {  	v54, _, _ =	vpop (xrf0)  }
0x4ae: {  	(v2sf) =	vpush v54, $0xF;
	v55, _, _ =	vpop (xrf0)  }
0x4af: {  	(v2sf) =	vpush v55, $0xF;
	v56, _, _ =	vpop (xrf0)  }
0x4b0: {  	(v2sf) =	vpush v56, $0xF;
	_ =	sdelay $0x7  }
0x4b1: {  	vm1 =	vmmov vm1  }
0x4b2: {  	v57 =	vsel vm2, $0xFFFFFFFF, v0;
	v58 =	vsel vm3, $0xFFFFFFFF, v0;
	v19 =	vsel vm4, $0xFFFFFFFF, v0  }
0x4b3: {  	v60 =	vnsel vm5, $0x1000, v8;
	v20 =	vsel vm6, $0xFFFFFFFF, v0;
	v6 =	vadd.s32 v57, v6  }
0x4b4: {  	v59 =	vadd.s32 v58, v13;
	v15 =	vadd.s32 v19, v15;
	v4 =	vadd.s32 v51, v6  }
0x4b5: {  	v5 =	vadd.s32 v20, v50;
	vm12 =	vlt.s32 v4, $0x1000;
	v3 =	vadd.s32 v3, v59  }
0x4b6: {  	v4 =	vnsel vm12, $0x1000, v4;
	vm13 =	vlt.s32 v3, $0x1000;
	v61 =	vadd.s32 v52, v15;
	s0 =	spop (v2sf)  }
0x4b7: {  	v3 =	vnsel vm13, $0x1000, v3;
	vm14 =	vlt.s32 v61, $0x1000;
	v5 =	vadd.s32 v53, v5;
	s1 =	spop (v2sf)  }
0x4b8: {  	vm6 =	vmmov vm6;
	v8 =	vnsel vm14, $0x1000, v61;
	vm15 =	vlt.s32 v5, $0x1000;
	s3 =	spop (v2sf)  }
0x4b9: {  	v5 =	vnsel vm15, $0x1000, v5;
	p0 =	slt.s32 s3, $0x1000;
	s4 =	smov.u32 s3  }
0x4ba: {  	v9 =	vand.u32 $0x1FFFFF, v9;
	[tilespmem:v60+s18+$0x0] =	vst.idx.msk vm1, v7;
	s4 =	simm.s32 @!p0 $0x1000;
	p0 =	sgt.s32 s3, $0x1000  }
.Ltmp49:
0x4bb: {  	v62 =	vand.u32 $0x1FFFFF, v11;
	[tilespmem:v4+s18+$0x0] =	vst.idx.msk vm2, v9;
	(pc) =	sbr.rel @p0 .LBB2_91-.Ltmp49, $4  }
0x4bc: {  	v63 =	vand.u32 $0x1FFFFF, v10;
	[tilespmem:v3+s18+$0x0] =	vst.idx.msk vm3, v62  }
0x4bd: {  	v3 =	vand.u32 $0x1FFFFF, v12;
	[tilespmem:v8+s18+$0x0] =	vst.idx.msk vm4, v63  }
0x4be: {  	[tilespmem:v5+s18+$0x0] =	vst.idx.msk vm6, v3  }
0x4bf: {  	[tilespmem:s4+$0x18880] =	vst v0  }
0x4c0: {  	s4 =	sadd.s32 $0xF, s3  }
0x4c1: {  	s5 =	sand.u32 $0xF, s4  }
0x4c2: {  	p0 =	slt.s32 s3, $0xFFFFFFF2;
	s20 =	sshra.s32 s4, $0x1F;
	p1 =	sne.s32 s5, $0x0  }
.Ltmp50:
0x4c3: {  	s3 =	sshrl.u32 s20, $0x1C;
	p0 =	por !p0, !p1;
	(pc) =	sbr.rel .LBB2_77-.Ltmp50, $4  }
0x4c4: {  	s3 =	sadd.s32 s3, s4;
	s4 =	simm.s32 $0x1;
	p0 =	por !p0, !p0  }
0x4c5: {  	s28 =	sshra.s32 s3, $0x4;
	s4 =	simm.s32 @!p0 $0x0  }
0x4c6: {  	s0 =	sadd.s32 s1, s0;
	s31 =	simm.s32 $0x0;
	s30 =	ssub.s32 s28, s4  }
0x4c7: {  	s29 =	sadd.s32 $0xFFFF8040, s0;
	s0 =	simm.s32 $0x0;
	p0 =	slt.s32 s30, $0x1  }
.LBB2_91:
0x4c8: {  	s0 =	sshll.u32 s26, $0x15;
	s28 =	simm.s32 $0x0;
	s1 =	simm.s32 $0x0  }
.LBB2_92:
0x4c9: {  	s3 =	simm.s32 $0x0  }
0x4ca: {  	v3 =	vld [tilespmem:s3+$0x10000]  }
0x4cb: {  	s29 =	simm.s32 $0x10  }
0x4cc: {  	v4 =	vld [tilespmem:s29+$0x10000]  }
0x4cd: {  	s30 =	sshrl.u32 s19, s1;
	s4 =	simm.s32 $0x20  }
0x4ce: {  	s26 =	sor.u32 s30, s28;
	v5 =	vld [tilespmem:s4+$0x10000]  }
0x4cf: {  	s3 =	sor.u32 s0, s26;
	v6 =	vxor.u32 $0xFFFFFFFF, v3;
	v7 =	vor.u32 $0x80000000, v3;
	vm1 =	vlt.s32 v3, $0x0  }
0x4d0: {  	v3 =	vmov s3;
	v6 =	vsel vm1, v6, v7  }
0x4d1: {  	v7 =	vxor.u32 $0xFFFFFFFF, v4;
	vm1 =	vlt.s32 v4, $0x0;
	v4 =	vor.u32 $0x80000000, v4  }
0x4d2: {  	vm2 =	vge.u32 v6, v3;
	v4 =	vsel vm1, v7, v4  }
0x4d3: {  	v6 =	vxor.u32 $0xFFFFFFFF, v5;
	vm1 =	vlt.s32 v5, $0x0;
	v5 =	vor.u32 $0x80000000, v5  }
0x4d4: {  	v5 =	vsel vm1, v6, v5;
	v6 =	vmpcnt.ones.xlane vm2  }
0x4d5: {  	vm1 =	vge.u32 v4, v3  }
0x4d6: {  	v4 =	vmpcnt.ones.xlane vm1;
	vm1 =	vge.u32 v5, v3;
	(v2sf) =	vpush v6, $0x0  }
0x4d7: {  	v5 =	vmpcnt.ones.xlane vm1  }
0x4d8: {  	(v2sf) =	vpush v4, $0x0  }
0x4d9: {  	(v2sf) =	vpush v5, $0x0;
	_ =	sdelay $0x3  }
0x4da: {  	s31 =	simm.s32 $0x30  }
0x4db: {  	v4 =	vld [tilespmem:s31+$0x10000];
	_ =	sdelay $0x3  }
0x4dc: {  	s20 =	simm.s32 $0x100;
	s14 =	simm.s32 $0x0  }
.LBB2_93:
0x4dd: {  	s3 =	sshra.s32 s20, $0x2;
	p0 =	sne.s32 s20, $0x1FFC0;
	s20 =	sadd.s32 $0x40, s20;
	v5 =	vxor.u32 $0xFFFFFFFF, v4;
	v6 =	vor.u32 $0x80000000, v4;
	vm1 =	vlt.s32 v4, $0x0  }
.Ltmp51:
0x4de: {  	v4 =	vld [tilespmem:s3+$0x10000];
	v5 =	vsel vm1, v5, v6;
	(pc) =	sbr.rel @p0 .LBB2_93-.Ltmp51, $3  }
0x4df: {  	vm1 =	vge.u32 v5, v3;
	s3 =	spop (v2sf)  }
0x4e0: {  	v5 =	vmpcnt.ones.xlane vm1;
	s14 =	sadd.s32 s14, s3;
	_ =	sdelay $0x1  }
0x4e1: {  	(v2sf) =	vpush v5, $0x0  }
0x4e2: {  	v5 =	vxor.u32 $0xFFFFFFFF, v4;
	v6 =	vor.u32 $0x80000000, v4;
	vm1 =	vlt.s32 v4, $0x0  }
0x4e3: {  	v4 =	vsel vm1, v5, v6  }
0x4e4: {  	vm1 =	vge.u32 v4, v3  }
0x4e5: {  	v3 =	vmpcnt.ones.xlane vm1;
	_ =	sdelay $0x1  }
0x4e6: {  	(v2sf) =	vpush v3, $0x0;
	_ =	sdelay $0xb  }
0x4e7: {  	s3 =	spop (v2sf);
	s1 =	sadd.s32 $0x1, s1  }
0x4e8: {  	s3 =	sadd.s32 s14, s3;
	s4 =	spop (v2sf);
	p1 =	seq.s32 s1, $0x15  }
.Ltmp52:
0x4e9: {  	s3 =	sadd.s32 s3, s4;
	s30 =	spop (v2sf);
	(pc) =	sbr.rel @!p1 .LBB2_92-.Ltmp52, $4  }
.Ltmp53:
0x4ea: {  	s3 =	sadd.s32 s3, s30;
	s31 =	spop (v2sf);
	(pc) =	sbr.rel @p1 .LBB2_95-.Ltmp53, $4  }
0x4eb: {  	s3 =	sadd.s32 s3, s31  }
0x4ec: {  	p0 =	sgt.s32 s3, $0x3F  }
0x4ed: {  	s28 =	smov.u32 @p0 s26  }
0x4ee: {  	_ = 	snop  }
.LBB2_79:
0x4ef: {  	s14 =	simm.s32 $0x0  }
.LBB2_88:
0x4f0: {  	v3 =	vmpcnt.ones.xlane vm1;
	_ =	sdelay $0x1  }
0x4f1: {  	(v2sf) =	vpush v3, $0x0;
	_ =	sdelay $0x9  }
0x4f2: {  	s3 =	sadd.s32 @p3 s14, s20;
	s4 =	spop @p2 (v2sf);
	s5 =	simm.s32 $0x0  }
0x4f3: {  	s4 =	smov.u32 @p2 s4;
	s5 =	smov.u32 @p3 s3  }
0x4f4: {  	s3 =	sadd.s32 @p2 s5, s4;
	s5 =	simm.s32 $0x0;
	s4 =	spop @p1 (v2sf)  }
0x4f5: {  	s5 =	smov.u32 @p2 s3;
	s4 =	smov.u32 @p1 s4  }
0x4f6: {  	s3 =	sadd.s32 @p1 s5, s4  }
0x4f7: {  	s1 =	smov.u32 @p1 s3;
	s20 =	spop (v2sf)  }
0x4f8: {  	s1 =	sadd.s32 s1, s20  }
.LBB2_89:
0x4f9: {  	p1 =	slt.s32 s1, s29;
	s31 =	sadd.s32 $0x1, s31  }
0x4fa: {  	s28 =	smov.u32 @p1 s0;
	p1 =	seq.s32 s31, $0x15  }
.Ltmp54:
0x4fb: {  	_ = 	snop;
	(pc) =	sbr.rel @p1 .LBB2_90-.Ltmp54, $2  }
0x4fc: {  	_ =	sdelay $0x2  }
0x4fd: {  	s0 =	smov.u32 s28  }
.LBB2_77:
.Ltmp55:
0x4fe: {  	(pc) =	sbr.rel @p0 .LBB2_89-.Ltmp55, $3  }
0x4ff: {  	_ =	sdelay $0x1  }
0x500: {  	s1 =	sshrl.u32 s19, s31  }
0x501: {  	s28 =	sor.u32 s1, s0;
	s1 =	simm.s32 $0x0  }
0x502: {  	s1 =	simm.s32 $0x18880  }
0x503: {  	p4 =	sne.s32 s30, $0x1;
	v4 =	vld [tilespmem:s1+$0x0]  }
.Ltmp56:
0x504: {  	_ = 	snop;
	(pc) =	sbr.rel @!p4 .LBB2_79-.Ltmp56, $3  }
0x505: {  	_ =	sdelay $0x1  }
0x506: {  	v3 =	vmov s28;
	s3 =	sadd.s32 $0xFFFFFFFF, s30;
	s4 =	simm.s32 $0x18890;
	p1 =	por $0x0, $0x0  }
0x507: {  	p2 =	por $0x0, $0x0;
	p3 =	por $0x0, $0x0;
	s1 =	simm.s32 $0x0;
	vm1 =	vge.s32 v4, v3  }
0x508: {  	v4 =	vld [tilespmem:s4+$0x0];
	p4 =	sne.s32 s3, $0x1  }
.Ltmp57:
0x509: {  	v5 =	vmpcnt.ones.xlane vm1;
	(pc) =	sbr.rel @!p4 .LBB2_81-.Ltmp57, $3  }
0x50a: {  	_ = 	snop  }
0x50b: {  	(v2sf) =	vpush v5, $0x0;
	_ =	sdelay $0x1  }
0x50c: {  	s3 =	sadd.s32 $0xFFFFFFFF, s3;
	s4 =	simm.s32 $0x188A0;
	p1 =	por $0x1, $0x1;
	vm1 =	vge.s32 v4, v3  }
0x50d: {  	v5 =	vmpcnt.ones.xlane vm1;
	_ =	sdelay $0x1  }
0x50e: {  	(v2sf) =	vpush v5, $0x0;
	_ =	sdelay $0x3  }
0x50f: {  	v4 =	vld [tilespmem:s4+$0x0];
	p4 =	sne.s32 s3, $0x1  }
.Ltmp58:
0x510: {  	_ = 	snop;
	(pc) =	sbr.rel @!p4 .LBB2_83-.Ltmp58, $2  }
0x511: {  	_ =	sdelay $0x2  }
0x512: {  	s3 =	sadd.s32 $0xFFFFFFFF, s3;
	s4 =	simm.s32 $0x188B0;
	p2 =	por $0x1, $0x1;
	vm1 =	vge.s32 v4, v3  }
0x513: {  	v5 =	vmpcnt.ones.xlane vm1;
	_ =	sdelay $0x1  }
0x514: {  	(v2sf) =	vpush v5, $0x0;
	_ =	sdelay $0x2  }
0x515: {  	v4 =	vld [tilespmem:s4+$0x0];
	p4 =	sne.s32 s3, $0x1  }
.Ltmp59:
0x516: {  	_ = 	snop;
	(pc) =	sbr.rel @!p4 .LBB2_85-.Ltmp59, $3  }
0x517: {  	_ =	sdelay $0x1  }
0x518: {  	s3 =	sadd.s32 $0xFFFFFFFF, s3;
	s4 =	simm.s32 $0x188C0  }
0x519: {  	s20 =	spop (v2sf);
	p3 =	por $0x1, $0x1;
	s14 =	simm.s32 $0x0;
	vm1 =	vge.s32 v4, v3  }
.LBB2_86:
0x51a: {  	v4 =	vld [tilespmem:s4+$0x0];
	p4 =	sne.s32 s3, $0x1;
	s3 =	sadd.s32 $0xFFFFFFFF, s3;
	v5 =	vmpcnt.ones.xlane vm1;
	s14 =	sadd.s32 s14, s20  }
.Ltmp60:
0x51b: {  	(pc) =	sbr.rel @p4 .LBB2_86-.Ltmp60, $2  }
0x51c: {  	(v2sf) =	vpush v5, $0x0;
	_ =	sdelay $0x3  }
0x51d: {  	s4 =	sadd.s32 $0x10, s4;
	vm1 =	vge.s32 v4, v3;
	s20 =	spop (v2sf)  }
.Ltmp61:
0x51e: {  	(pc) =	sbr.rel .LBB2_88-.Ltmp61, $1  }
0x51f: {  	_ =	sdelay $0x3  }
.LBB2_81:
.Ltmp62:
0x520: {  	(pc) =	sbr.rel .LBB2_88-.Ltmp62, $2  }
0x521: {  	_ =	sdelay $0x2  }
0x522: {  	s14 =	simm.s32 $0x0  }
.LBB2_83:
.Ltmp63:
0x523: {  	(pc) =	sbr.rel .LBB2_88-.Ltmp63, $2  }
0x524: {  	_ =	sdelay $0x2  }
0x525: {  	s14 =	simm.s32 $0x0  }
.LBB2_85:
.Ltmp64:
0x526: {  	(pc) =	sbr.rel .LBB2_88-.Ltmp64, $2  }
0x527: {  	_ =	sdelay $0x2  }
0x528: {  	s14 =	simm.s32 $0x0  }
.LBB2_90:
0x529: {  	s0 =	sshll.u32 s26, $0x15  }
.LBB2_95:
0x52a: {  	s1 =	simm.s32 $0x10040  }
0x52b: {  	v7 =	vld [tilespmem:s1+$0x30]  }
0x52c: {  	s0 =	sor.u32 s0, s28;
	v10 =	vld [tilespmem:s1+$0xFFFFFFD0]  }
0x52d: {  	v3 =	vmov s0;
	v8 =	vld [tilespmem:s1+$0xFFFFFFE0]  }
0x52e: {  	v9 =	vld [tilespmem:s1+$0xFFFFFFF0];
	v4 =	vand.u32 $0x7FFFFFFF, v3;
	v5 =	vxor.u32 $0xFFFFFFFF, v3;
	vm1 =	vlt.s32 v3, $0x0  }
0x52f: {  	v6 =	vld [tilespmem:s1+$0x0];
	v3 =	vsel vm1, v4, v5  }
0x530: {  	v5 =	vld [tilespmem:s1+$0x10];
	vm1 =	vge.f32 v7, v3  }
0x531: {  	v4 =	vld [tilespmem:s1+$0x20];
	vm2 =	vge.f32 v10, v3;
	v11 =	vnsel vm1, $0x0, v7  }
0x532: {  	s26 =	simm.s32 $0x100C0;
	s0 =	simm.s32 $0x0;
	v7 =	vld [tilespmem:s1+$0xFFFFFFC0];
	v10 =	vnsel vm2, $0x0, v10;
	vm1 =	vge.f32 v8, v3;
	[tilespmem:s1+$0x30] =	vst v11  }
.LBB2_96:
0x533: {  	v11 =	vld [tilespmem:s26+$0x30];
	s0 =	sadd.s32 $0x80, s0;
	[tilespmem:s1+$0xFFFFFFD0] =	vst v10;
	v8 =	vnsel vm1, $0x0, v8;
	vm1 =	vge.f32 v9, v3  }
0x534: {  	v10 =	vld [tilespmem:s26+$0xFFFFFFD0];
	p0 =	slt.u32 s0, $0x7F80;
	[tilespmem:s1+$0xFFFFFFE0] =	vst v8;
	v9 =	vnsel vm1, $0x0, v9;
	vm1 =	vge.f32 v6, v3  }
0x535: {  	v8 =	vld [tilespmem:s26+$0xFFFFFFE0];
	[tilespmem:s1+$0xFFFFFFF0] =	vst v9;
	v6 =	vnsel vm1, $0x0, v6;
	vm1 =	vge.f32 v5, v3  }
.Ltmp65:
0x536: {  	v9 =	vld [tilespmem:s26+$0xFFFFFFF0];
	[tilespmem:s1+$0x0] =	vst v6;
	v5 =	vnsel vm1, $0x0, v5;
	vm1 =	vge.f32 v4, v3;
	(pc) =	sbr.rel @p0 .LBB2_96-.Ltmp65, $4  }
0x537: {  	v6 =	vld [tilespmem:s26+$0x0];
	vm2 =	vge.f32 v7, v3;
	[tilespmem:s1+$0x10] =	vst v5;
	v4 =	vnsel vm1, $0x0, v4  }
0x538: {  	v5 =	vld [tilespmem:s26+$0x10];
	vm1 =	vge.f32 v11, v3;
	v7 =	vnsel vm2, $0x0, v7;
	[tilespmem:s1+$0x20] =	vst v4  }
0x539: {  	vm2 =	vge.f32 v10, v3;
	v4 =	vld [tilespmem:s26+$0x20];
	v11 =	vnsel vm1, $0x0, v11;
	[tilespmem:s1+$0xFFFFFFC0] =	vst v7;
	s1 =	smov.u32 s26  }
0x53a: {  	s26 =	sadd.s32 $0x80, s26;
	v7 =	vld [tilespmem:s1+$0xFFFFFFC0];
	v10 =	vnsel vm2, $0x0, v10;
	vm1 =	vge.f32 v8, v3;
	[tilespmem:s1+$0x30] =	vst v11  }
0x53b: {  	[tilespmem:s1+$0xFFFFFFD0] =	vst v10;
	v8 =	vnsel vm1, $0x0, v8;
	vm1 =	vge.f32 v9, v3  }
0x53c: {  	[tilespmem:s1+$0xFFFFFFE0] =	vst v8;
	v62 =	vnsel vm1, $0x0, v9;
	vm1 =	vge.f32 v6, v3  }
0x53d: {  	[tilespmem:s1+$0xFFFFFFF0] =	vst v62;
	v6 =	vnsel vm1, $0x0, v6;
	vm1 =	vge.f32 v5, v3  }
0x53e: {  	[tilespmem:s1+$0x0] =	vst v6;
	v5 =	vnsel vm1, $0x0, v5;
	vm1 =	vge.f32 v4, v3  }
0x53f: {  	vm2 =	vge.f32 v7, v3;
	[tilespmem:s1+$0x10] =	vst v5;
	v3 =	vnsel vm1, $0x0, v4  }
0x540: {  	v63 =	vnsel vm2, $0x0, v7;
	[tilespmem:s1+$0x20] =	vst v3  }
0x541: {  	s0 =	simm.s32 $0x10000;
	[tilespmem:s1+$0xFFFFFFC0] =	vst v63  }
0x542: {  	[hbm4b:s9+s12] =	stream.strided.scatter [tilespmem:s0], [sflag:$0x6], $0x8000, s13, s12, $0x38;
	[tilespmem:$0x19900] =	vst v63  }
0x543: {  	_ =	swait.ge [sflag:s15], $0x8000  }
0x544: {  	[sflag:s15] =	ssyncset.done $0x0  }
0x545: {  	s0 =	simm.s32 $0x18040;
	[sflag:s15] =	ssyncadd.s32 $0xFFFF8000  }
0x546: {  	[tilespmem:s0+$0xFFFFFFC0] =	vst v0  }
0x547: {  	[tilespmem:s0+$0x30] =	vst v0  }
0x548: {  	[tilespmem:s0+$0x20] =	vst v0  }
0x549: {  	[tilespmem:s0+$0x10] =	vst v0  }
0x54a: {  	[tilespmem:s0+$0x0] =	vst v0  }
0x54b: {  	[tilespmem:s0+$0xFFFFFFF0] =	vst v0  }
0x54c: {  	s1 =	simm.s32 $0x0;
	[tilespmem:s0+$0xFFFFFFE0] =	vst v0  }
.LBB2_98:
0x54d: {  	s1 =	sadd.s32 $0x80, s1;
	[tilespmem:s0+$0xFFFFFFD0] =	vst v0;
	s0 =	sadd.s32 $0x80, s0  }
0x54e: {  	[tilespmem:s0+$0xFFFFFFC0] =	vst v0;
	p0 =	slt.u32 s1, $0x780  }
0x54f: {  	[tilespmem:s0+$0x30] =	vst v0  }
.Ltmp66:
0x550: {  	[tilespmem:s0+$0x20] =	vst v0;
	(pc) =	sbr.rel @p0 .LBB2_98-.Ltmp66, $4  }
0x551: {  	[tilespmem:s0+$0x10] =	vst v0  }
0x552: {  	[tilespmem:s0+$0x0] =	vst v0  }
0x553: {  	[tilespmem:s0+$0xFFFFFFF0] =	vst v0  }
0x554: {  	[tilespmem:s0+$0xFFFFFFE0] =	vst v0  }
0x555: {  	[tilespmem:s0+$0xFFFFFFD0] =	vst v0;
	s1 =	simm.s32 $0x40  }
0x556: {  	v3 =	vld [tilespmem:s1+$0xFFFFFFC0]  }
0x557: {  	v5 =	vld [tilespmem:s1+$0x20];
	_ =	sdelay $0x2  }
0x558: {  	v7 =	vld [tilespmem:s1+$0x30]  }
0x559: {  	v6 =	vxor.u32 $0xFFFFFFFF, v3  }
0x55a: {  	v9 =	vld [tilespmem:s1+$0x0];
	v8 =	vor.u32 $0x80000000, v3;
	vm1 =	vlt.s32 v3, $0x0;
	v10 =	vor.u32 $0x80000000, v5  }
0x55b: {  	v4 =	vld [tilespmem:s1+$0xFFFFFFE0];
	v3 =	vsel vm1, v6, v8;
	v6 =	vxor.u32 $0xFFFFFFFF, v5;
	vm1 =	vlt.s32 v5, $0x0  }
0x55c: {  	v8 =	vld [tilespmem:s1+$0xFFFFFFF0];
	v5 =	vsel vm1, v6, v10;
	v6 =	vshrl.u32 v3, $0x15  }
0x55d: {  	v3 =	vor.u32 $0x80000000, v7;
	vm1 =	vlt.s32 v7, $0x0;
	v7 =	vxor.u32 $0xFFFFFFFF, v7  }
0x55e: {  	v3 =	vsel vm1, v7, v3;
	v7 =	vld [tilespmem:s1+$0xFFFFFFD0];
	v10 =	vshrl.u32 v5, $0x15  }
0x55f: {  	v11 =	vor.u32 $0x80000000, v9;
	v12 =	vxor.u32 $0xFFFFFFFF, v9;
	vm2 =	vlt.s32 v9, $0x0  }
0x560: {  	v9 =	vld [tilespmem:s1+$0x10];
	v13 =	vsel vm2, v12, v11;
	v12 =	vxor.u32 $0xFFFFFFFF, v4  }
0x561: {  	s0 =	simm.s32 $0x0;
	s1 =	simm.s32 $0xC0;
	v5 =	vshrl.u32 v3, $0x15;
	v3 =	vshrl.u32 v13, $0x15;
	v11 =	vxor.u32 $0xFFFFFFFF, v8  }
.LBB2_100:
0x562: {  	v13 =	vld [tilespmem:s1+$0xFFFFFFC0];
	s0 =	sadd.s32 $0x80, s0;
	v14 =	vor.u32 $0x80000000, v4;
	vm1 =	vlt.s32 v4, $0x0;
	v4 =	vor.u32 $0x80000000, v8  }
0x563: {  	v15 =	vxor.u32 $0xFFFFFFFF, v7;
	p0 =	slt.u32 s0, $0x7F80;
	v12 =	vsel vm1, v12, v14;
	vm1 =	vlt.s32 v8, $0x0;
	[tilespmem:v10+s16+$0x0] =	vst.idx.add.s32.msk $0xffff, v1  }
0x564: {  	vm2 =	vlt.s32 v7, $0x0;
	v14 =	vld [tilespmem:s1+$0x30];
	v12 =	vshrl.u32 v12, $0x15;
	v10 =	vsel vm1, v11, v4  }
0x565: {  	v4 =	vor.u32 $0x80000000, v7;
	[tilespmem:v6+s16+$0x0] =	vst.idx.add.s32.msk $0xffff, v1;
	v6 =	vor.u32 $0x80000000, v9  }
0x566: {  	vm1 =	vlt.s32 v9, $0x0;
	v11 =	vsel vm2, v15, v4;
	v4 =	vxor.u32 $0xFFFFFFFF, v9;
	v8 =	vld [tilespmem:s1+$0x20]  }
0x567: {  	v6 =	vsel vm1, v4, v6;
	v7 =	vxor.u32 $0xFFFFFFFF, v13;
	v9 =	vor.u32 $0x80000000, v13;
	v15 =	vld [tilespmem:s1+$0x0]  }
0x568: {  	vm1 =	vlt.s32 v13, $0x0;
	v13 =	vshrl.u32 v6, $0x15;
	v4 =	vld [tilespmem:s1+$0xFFFFFFE0]  }
0x569: {  	v11 =	vshrl.u32 v11, $0x15;
	v6 =	vsel vm1, v7, v9;
	v7 =	vld [tilespmem:s1+$0xFFFFFFD0]  }
0x56a: {  	v9 =	vld [tilespmem:s1+$0x10]  }
0x56b: {  	v16 =	vxor.u32 $0xFFFFFFFF, v8;
	v17 =	vor.u32 $0x80000000, v8;
	vm1 =	vlt.s32 v8, $0x0;
	[tilespmem:v5+s16+$0x0] =	vst.idx.add.s32.msk $0xffff, v1  }
0x56c: {  	v8 =	vld [tilespmem:s1+$0xFFFFFFF0];
	v5 =	vsel vm1, v16, v17;
	v16 =	vshrl.u32 v10, $0x15  }
.Ltmp67:
0x56d: {  	v6 =	vshrl.u32 v6, $0x15;
	v17 =	vor.u32 $0x80000000, v14;
	vm1 =	vlt.s32 v14, $0x0;
	[tilespmem:v13+s16+$0x0] =	vst.idx.add.s32.msk $0xffff, v1;
	(pc) =	sbr.rel @p0 .LBB2_100-.Ltmp67, $4  }
0x56e: {  	v13 =	vor.u32 $0x80000000, v15;
	v10 =	vshrl.u32 v5, $0x15;
	v5 =	vxor.u32 $0xFFFFFFFF, v14;
	[tilespmem:v11+s16+$0x0] =	vst.idx.add.s32.msk $0xffff, v1  }
0x56f: {  	vm2 =	vlt.s32 v15, $0x0;
	v11 =	vxor.u32 $0xFFFFFFFF, v15;
	v5 =	vsel vm1, v5, v17;
	[tilespmem:v3+s16+$0x0] =	vst.idx.add.s32.msk $0xffff, v1  }
0x570: {  	v3 =	vsel vm2, v11, v13;
	v5 =	vshrl.u32 v5, $0x15;
	[tilespmem:v12+s16+$0x0] =	vst.idx.add.s32.msk $0xffff, v1  }
0x571: {  	s1 =	sadd.s32 $0x80, s1;
	v12 =	vxor.u32 $0xFFFFFFFF, v4;
	v3 =	vshrl.u32 v3, $0x15;
	v11 =	vxor.u32 $0xFFFFFFFF, v8;
	[tilespmem:v16+s16+$0x0] =	vst.idx.add.s32.msk $0xffff, v1  }
0x572: {  	v13 =	vxor.u32 $0xFFFFFFFF, v7;
	v14 =	vor.u32 $0x80000000, v9;
	vm1 =	vlt.s32 v9, $0x0  }
0x573: {  	v57 =	vxor.u32 $0xFFFFFFFF, v9;
	v58 =	vor.u32 $0x80000000, v7;
	v59 =	vor.u32 $0x80000000, v4  }
0x574: {  	v61 =	vor.u32 $0x80000000, v8;
	v9 =	vsel vm1, v57, v14;
	vm1 =	vlt.s32 v7, $0x0  }
0x575: {  	v7 =	vsel vm1, v13, v58;
	v9 =	vshrl.u32 v9, $0x15;
	vm1 =	vlt.s32 v4, $0x0  }
0x576: {  	[tilespmem:v10+s16+$0x0] =	vst.idx.add.s32.msk $0xffff, v1;
	v60 =	vshrl.u32 v7, $0x15;
	v12 =	vsel vm1, v12, v59;
	vm1 =	vlt.s32 v8, $0x0  }
0x577: {  	[tilespmem:v6+s16+$0x0] =	vst.idx.add.s32.msk $0xffff, v1;
	v62 =	vshrl.u32 v12, $0x15;
	v7 =	vsel vm1, v11, v61  }
0x578: {  	[tilespmem:v5+s16+$0x0] =	vst.idx.add.s32.msk $0xffff, v1;
	v63 =	vshrl.u32 v7, $0x15  }
0x579: {  	[tilespmem:v3+s16+$0x0] =	vst.idx.add.s32.msk $0xffff, v1  }
0x57a: {  	[tilespmem:v9+s16+$0x0] =	vst.idx.add.s32.msk $0xffff, v1  }
0x57b: {  	[tilespmem:v60+s16+$0x0] =	vst.idx.add.s32.msk $0xffff, v1  }
0x57c: {  	[tilespmem:v62+s16+$0x0] =	vst.idx.add.s32.msk $0xffff, v1  }
0x57d: {  	s0 =	simm.s32 $0x0;
	s1 =	simm.s32 $0x0;
	[tilespmem:v63+s16+$0x0] =	vst.idx.add.s32.msk $0xffff, v1  }
.LBB2_102:
0x57e: {  	p0 =	sne.s32 s1, $0x1C0  }
.Ltmp68:
0x57f: {  	_ = 	snop;
	(pc) =	sbr.rel @p0 .LBB2_102-.Ltmp68, $3  }
0x580: {  	_ =	sdelay $0x1  }
0x581: {  	s3 =	sshra.s32 s1, $0x2  }
0x582: {  	s1 =	sadd.s32 $0x40, s1;
	[tilespmem:s3+$0x18800] =	vst v0  }
0x583: {  	s1 =	simm.s32 $0x18020  }
0x584: {  	v3 =	vld [tilespmem:s1+$0x10];
	_ =	sdelay $0x2  }
0x585: {  	v4 =	vld [tilespmem:s1+$0xFFFFFFF0]  }
0x586: {  	v5 =	vld [tilespmem:s1+$0x0]  }
0x587: {  	v6 =	vld [tilespmem:s1+$0xFFFFFFE0];
	(xrf0) =	vadd.scan.msk.s32 $0xffff, v3;
	_ =	sdelay $0x1  }
0x588: {  	s26 =	simm.s32 $0x1  }
0x589: {  	s29 =	simm.s32 $0x18060;
	v3 =	vmov s26;
	(xrf0) =	vadd.scan.msk.s32 $0xffff, v4  }
0x58a: {  	s3 =	simm.s32 $0x3;
	v4 =	vld [tilespmem:s29+$0x10];
	v3 =	vand.u32 $0xFFFFFFFD, v3;
	(xrf0) =	vadd.scan.msk.s32 $0xffff, v5  }
0x58b: {  	v5 =	vld [tilespmem:s29+$0xFFFFFFF0];
	(xrf0) =	vadd.scan.msk.s32 $0xffff, v6;
	v6 =	vbroadcast v3, $0x0;
	v3 =	vmov s3  }
0x58c: {  	v10 =	vmov s0;
	v7 =	vld [tilespmem:s29+$0x0];
	v8, _, _ =	vpop (xrf0)  }
0x58d: {  	v9 =	vld [tilespmem:s29+$0xFFFFFFE0];
	v10 =	vand.u32 $0xFFFFFFFC, v10;
	v8 =	vbroadcast v8, $0xF  }
0x58e: {  	s31 =	simm.s32 $0x2  }
0x58f: {  	v13 =	vmov s31;
	v11, _, _ =	vpop (xrf0);
	(xrf0) =	vadd.scan.msk.s32 $0xffff, v4;
	v4 =	vbroadcast v10, $0x0  }
0x590: {  	s30 =	simm.s32 $0x5;
	s26 =	simm.s32 $0x180A0;
	v11 =	vbroadcast v11, $0xF;
	v10, _, _ =	vpop (xrf0);
	(xrf0) =	vadd.scan.msk.s32 $0xffff, v5;
	v5 =	vand.u32 $0xFFFFFFFE, v13;
	[tilespmem:v3+s17+$0x0] =	vst.idx.add.s32.msk $0x1, v8  }
0x591: {  	s0 =	simm.s32 $0x8;
	v12 =	vmov s30;
	v3 =	vbroadcast v10, $0xF;
	(xrf0) =	vadd.scan.msk.s32 $0xffff, v7;
	v5 =	vbroadcast v5, $0x0;
	v7 =	vld [tilespmem:s26+$0x10];
	v8, _, _ =	vpop (xrf0)  }
0x592: {  	s28 =	simm.s32 $0xC;
	s1 =	simm.s32 $0x4;
	s3 =	simm.s32 $0x7;
	[tilespmem:v6+s17+$0x0] =	vst.idx.add.s32.msk $0x1, v11;
	(xrf0) =	vadd.scan.msk.s32 $0xffff, v9;
	v6 =	vbroadcast v8, $0xF;
	v8 =	vand.u32 $0xFFFFFFFD, v12  }
.LBB2_104:
0x593: {  	p0 =	slt.u32 s28, $0x7C;
	v9 =	vld [tilespmem:s26+$0xFFFFFFF0];
	v8 =	vbroadcast v8, $0x0;
	v10 =	vmov s3  }
0x594: {  	v12 =	vmov s1;
	v11 =	vld [tilespmem:s26+$0x0]  }
0x595: {  	s3 =	sadd.s32 $0x1, s0;
	s4 =	sadd.s32 $0x2, s1;
	s1 =	smov.u32 s0;
	v12 =	vand.u32 $0xFFFFFFFC, v12;
	v13 =	vld [tilespmem:s26+$0xFFFFFFE0];
	v14, _, _ =	vpop (xrf0)  }
.Ltmp69:
0x596: {  	s0 =	smov.u32 s28;
	v15 =	vmov s3;
	v16 =	vmov s4;
	v14 =	vbroadcast v14, $0xF;
	v17, _, _ =	vpop (xrf0);
	[tilespmem:v4+s17+$0x0] =	vst.idx.add.s32.msk $0x1, v6;
	(pc) =	sbr.rel @p0 .LBB2_104-.Ltmp69, $4  }
0x597: {  	v4 =	vbroadcast v12, $0x0;
	(xrf0) =	vadd.scan.msk.s32 $0xffff, v7;
	v7 =	vbroadcast v17, $0xF;
	v6, _, _ =	vpop (xrf0);
	[tilespmem:v5+s17+$0x0] =	vst.idx.add.s32.msk $0x1, v3  }
0x598: {  	v5 =	vand.u32 $0xFFFFFFFE, v16;
	(xrf0) =	vadd.scan.msk.s32 $0xffff, v9;
	v3 =	vbroadcast v6, $0xF;
	[tilespmem:v10+s17+$0x0] =	vst.idx.add.s32.msk $0x1, v14;
	v6, _, _ =	vpop (xrf0)  }
0x599: {  	s26 =	sadd.s32 $0x40, s26;
	v5 =	vbroadcast v5, $0x0;
	(xrf0) =	vadd.scan.msk.s32 $0xffff, v11;
	v6 =	vbroadcast v6, $0xF;
	[tilespmem:v8+s17+$0x0] =	vst.idx.add.s32.msk $0x1, v7  }
0x59a: {  	s28 =	sadd.s32 $0x4, s28;
	s3 =	sadd.s32 $0x3, s1;
	v8 =	vand.u32 $0xFFFFFFFD, v15;
	v7 =	vld [tilespmem:s26+$0x10];
	(xrf0) =	vadd.scan.msk.s32 $0xffff, v13  }
0x59b: {  	v9 =	vld [tilespmem:s26+$0xFFFFFFF0]  }
0x59c: {  	v10 =	vld [tilespmem:s26+$0x0]  }
0x59d: {  	v11 =	vld [tilespmem:s26+$0xFFFFFFE0]  }
0x59e: {  	v8 =	vbroadcast v8, $0x0;
	v12 =	vmov s1;
	s26 =	sadd.s32 $0x2, s1;
	s30 =	sadd.s32 $0x1, s0  }
0x59f: {  	v13 =	vmov s26;
	v14 =	vmov s30;
	(xrf0) =	vadd.scan.msk.s32 $0xffff, v7;
	v7 =	vmov s3  }
0x5a0: {  	v12 =	vand.u32 $0xFFFFFFFC, v12;
	v13 =	vand.u32 $0xFFFFFFFE, v13;
	v14 =	vand.u32 $0xFFFFFFFD, v14;
	(xrf0) =	vadd.scan.msk.s32 $0xffff, v9;
	v9, _, _ =	vpop (xrf0)  }
0x5a1: {  	[tilespmem:v4+s17+$0x0] =	vst.idx.add.s32.msk $0x1, v6;
	v12 =	vbroadcast v12, $0x0;
	v13 =	vbroadcast v13, $0x0;
	(xrf0) =	vadd.scan.msk.s32 $0xffff, v10;
	v10, _, _ =	vpop (xrf0)  }
0x5a2: {  	s3 =	sadd.s32 $0x2, s0;
	v9 =	vbroadcast v9, $0xF;
	(xrf0) =	vadd.scan.msk.s32 $0xffff, v11;
	v11, _, _ =	vpop (xrf0);
	v4 =	vbroadcast v10, $0xF;
	v10 =	vmov s0  }
0x5a3: {  	s31 =	sadd.s32 $0x3, s0;
	[tilespmem:v5+s17+$0x0] =	vst.idx.add.s32.msk $0x1, v3;
	v6 =	vbroadcast v14, $0x0;
	v14, _, _ =	vpop (xrf0);
	v5 =	vand.u32 $0xFFFFFFFC, v10;
	v10 =	vmov s3  }
0x5a4: {  	v3 =	vmov s31;
	[tilespmem:v7+s17+$0x0] =	vst.idx.add.s32.msk $0x1, v9;
	v7 =	vbroadcast v14, $0xF;
	v10 =	vand.u32 $0xFFFFFFFE, v10  }
0x5a5: {  	v11 =	vbroadcast v11, $0xF;
	[tilespmem:v8+s17+$0x0] =	vst.idx.add.s32.msk $0x1, v4;
	v8 =	vbroadcast v10, $0x0  }
0x5a6: {  	v5 =	vbroadcast v5, $0x0;
	v9, _, _ =	vpop (xrf0)  }
0x5a7: {  	[tilespmem:v13+s17+$0x0] =	vst.idx.add.s32.msk $0x1, v11;
	v4, _, _ =	vpop (xrf0);
	v9 =	vbroadcast v9, $0xF  }
0x5a8: {  	[tilespmem:v12+s17+$0x0] =	vst.idx.add.s32.msk $0x1, v7;
	v4 =	vbroadcast v4, $0xF;
	v7, _, _ =	vpop (xrf0)  }
0x5a9: {  	[tilespmem:v3+s17+$0x0] =	vst.idx.add.s32.msk $0x1, v9;
	v10, _, _ =	vpop (xrf0);
	v7 =	vbroadcast v7, $0xF  }
0x5aa: {  	[tilespmem:v6+s17+$0x0] =	vst.idx.add.s32.msk $0x1, v4;
	v3 =	vbroadcast v10, $0xF  }
0x5ab: {  	[tilespmem:v8+s17+$0x0] =	vst.idx.add.s32.msk $0x1, v7  }
0x5ac: {  	[tilespmem:v5+s17+$0x0] =	vst.idx.add.s32.msk $0x1, v3  }
0x5ad: {  	v3 =	vld [tilespmem:$0x18800];
	_ =	sdelay $0x3  }
0x5ae: {  	v4 =	vld [tilespmem:$0x18810]  }
0x5af: {  	(xrf0) =	vadd.scan.msk.s32 $0xffff, v3;
	_ =	sdelay $0x3  }
0x5b0: {  	(xrf0) =	vadd.scan.msk.s32 $0xffff, v4;
	_ =	sdelay $0x1  }
0x5b1: {  	v5, _, _ =	vpop (xrf0)  }
0x5b2: {  	v3 =	vsub.s32 v5, v3  }
0x5b3: {  	v6 =	vbroadcast v5, $0xF;
	_ =	sdelay $0x1  }
0x5b4: {  	vm1 =	vlt.s32 v3, $0x7FC1;
	v4 =	vsub.s32 v6, v4;
	v3, _, _ =	vpop (xrf0)  }
0x5b5: {  	v6 =	vmpcnt.ones.xlane vm1;
	v4 =	vadd.s32 v3, v4  }
0x5b6: {  	vm1 =	vlt.s32 v4, $0x7FC1  }
0x5b7: {  	(v2sf) =	vpush v6, $0x0;
	v4 =	vmpcnt.ones.xlane vm1  }
0x5b8: {  	(v2sf) =	vpush v5, $0xF  }
0x5b9: {  	(v2sf) =	vpush v4, $0x0  }
0x5ba: {  	(v2sf) =	vpush v3, $0xF;
	_ =	sdelay $0x3  }
0x5bb: {  	v3 =	vld [tilespmem:$0x18820];
	_ =	sdelay $0x4  }
0x5bc: {  	(xrf0) =	vadd.scan.msk.s32 $0xffff, v3;
	_ =	sdelay $0x2  }
0x5bd: {  	s29 =	spop (v2sf)  }
0x5be: {  	s0 =	spop (v2sf)  }
0x5bf: {  	s30 =	spop (v2sf)  }
0x5c0: {  	v4, _, _ =	vpop (xrf0);
	s4 =	spop (v2sf)  }
0x5c1: {  	v3 =	vsub.s32 v4, v3;
	s1 =	sadd.s32 s0, s4  }
0x5c2: {  	v3 =	vadd.s32 s1, v3  }
0x5c3: {  	vm1 =	vlt.s32 v3, $0x7FC1  }
0x5c4: {  	v3 =	vmpcnt.ones.xlane vm1;
	_ =	sdelay $0x1  }
0x5c5: {  	(v2sf) =	vpush v3, $0x0  }
0x5c6: {  	(v2sf) =	vpush v4, $0xF;
	_ =	sdelay $0x3  }
0x5c7: {  	v3 =	vld [tilespmem:$0x18830];
	_ =	sdelay $0x4  }
0x5c8: {  	(xrf0) =	vadd.scan.msk.s32 $0xffff, v3;
	_ =	sdelay $0x4  }
0x5c9: {  	s3 =	spop (v2sf)  }
0x5ca: {  	v4, _, _ =	vpop (xrf0);
	s4 =	spop (v2sf)  }
0x5cb: {  	v3 =	vsub.s32 v4, v3;
	s26 =	sadd.s32 s1, s4  }
0x5cc: {  	v3 =	vadd.s32 s26, v3  }
0x5cd: {  	vm1 =	vlt.s32 v3, $0x7FC1  }
0x5ce: {  	v3 =	vmpcnt.ones.xlane vm1;
	_ =	sdelay $0x1  }
0x5cf: {  	(v2sf) =	vpush v3, $0x0  }
0x5d0: {  	(v2sf) =	vpush v4, $0xF;
	_ =	sdelay $0x3  }
0x5d1: {  	v3 =	vld [tilespmem:$0x18840];
	_ =	sdelay $0x4  }
0x5d2: {  	(xrf0) =	vadd.scan.msk.s32 $0xffff, v3;
	_ =	sdelay $0x4  }
0x5d3: {  	s4 =	spop (v2sf)  }
0x5d4: {  	v4, _, _ =	vpop (xrf0);
	s5 =	spop (v2sf)  }
0x5d5: {  	v3 =	vsub.s32 v4, v3;
	s28 =	sadd.s32 s26, s5  }
0x5d6: {  	v3 =	vadd.s32 s28, v3  }
0x5d7: {  	vm1 =	vlt.s32 v3, $0x7FC1  }
0x5d8: {  	v3 =	vmpcnt.ones.xlane vm1;
	_ =	sdelay $0x1  }
0x5d9: {  	(v2sf) =	vpush v3, $0x0  }
0x5da: {  	(v2sf) =	vpush v4, $0xF;
	_ =	sdelay $0x3  }
0x5db: {  	v3 =	vld [tilespmem:$0x18850];
	_ =	sdelay $0x4  }
0x5dc: {  	(xrf0) =	vadd.scan.msk.s32 $0xffff, v3;
	_ =	sdelay $0x4  }
0x5dd: {  	s5 =	spop (v2sf)  }
0x5de: {  	v4, _, _ =	vpop (xrf0);
	s6 =	spop (v2sf)  }
0x5df: {  	v3 =	vsub.s32 v4, v3;
	s31 =	sadd.s32 s28, s6  }
0x5e0: {  	v3 =	vadd.s32 s31, v3  }
0x5e1: {  	vm1 =	vlt.s32 v3, $0x7FC1  }
0x5e2: {  	v3 =	vmpcnt.ones.xlane vm1;
	_ =	sdelay $0x1  }
0x5e3: {  	(v2sf) =	vpush v3, $0x0  }
0x5e4: {  	(v2sf) =	vpush v4, $0xF;
	_ =	sdelay $0x3  }
0x5e5: {  	v3 =	vld [tilespmem:$0x18860];
	_ =	sdelay $0x4  }
0x5e6: {  	(xrf0) =	vadd.scan.msk.s32 $0xffff, v3;
	_ =	sdelay $0x4  }
0x5e7: {  	s6 =	spop (v2sf)  }
0x5e8: {  	v4, _, _ =	vpop (xrf0);
	s7 =	spop (v2sf)  }
0x5e9: {  	v3 =	vsub.s32 v4, v3;
	s7 =	sadd.s32 s31, s7  }
0x5ea: {  	v3 =	vadd.s32 s7, v3  }
0x5eb: {  	vm1 =	vlt.s32 v3, $0x7FC1  }
0x5ec: {  	v3 =	vmpcnt.ones.xlane vm1;
	_ =	sdelay $0x1  }
0x5ed: {  	(v2sf) =	vpush v3, $0x0  }
0x5ee: {  	(v2sf) =	vpush v4, $0xF;
	_ =	sdelay $0x3  }
0x5ef: {  	v3 =	vld [tilespmem:$0x18870];
	_ =	sdelay $0x4  }
0x5f0: {  	(xrf0) =	vadd.scan.msk.s32 $0xffff, v3;
	_ =	sdelay $0x4  }
0x5f1: {  	s14 =	spop (v2sf)  }
0x5f2: {  	v4, _, _ =	vpop (xrf0);
	s20 =	spop (v2sf)  }
0x5f3: {  	v3 =	vsub.s32 v4, v3;
	s20 =	sadd.s32 s7, s20  }
0x5f4: {  	v3 =	vadd.s32 s20, v3  }
0x5f5: {  	vm1 =	vlt.s32 v3, $0x7FC1  }
0x5f6: {  	v3 =	vmpcnt.ones.xlane vm1;
	_ =	sdelay $0x1  }
0x5f7: {  	(v2sf) =	vpush v3, $0x0;
	_ =	sdelay $0x9  }
0x5f8: {  	s29 =	sadd.s32 s30, s29  }
0x5f9: {  	s3 =	sadd.s32 s3, s29  }
0x5fa: {  	s3 =	sadd.s32 s4, s3  }
0x5fb: {  	s3 =	sadd.s32 s5, s3  }
0x5fc: {  	s3 =	sadd.s32 s6, s3  }
0x5fd: {  	s3 =	sadd.s32 s14, s3;
	s5 =	spop (v2sf)  }
0x5fe: {  	s3 =	sadd.s32 s5, s3  }
0x5ff: {  	s3 =	sadd.s32 $0xFFFFFFFF, s3  }
0x600: {  	s6 =	sshra.s32 s3, $0x1F  }
0x601: {  	s4 =	sshrl.u32 s6, $0x1C  }
0x602: {  	s4 =	sadd.s32 s4, s3  }
0x603: {  	s14 =	sand.u32 $0xFFFFFFF0, s4  }
0x604: {  	p0 =	slt.s32 s3, $0x1;
	p1 =	sne.s32 s3, s14  }
0x605: {  	p0 =	por !p0, !p1  }
0x606: {  	s5 =	simm.s32 $0x1;
	p0 =	por !p0, !p0  }
0x607: {  	s4 =	sshra.s32 s4, $0x4;
	s5 =	simm.s32 @!p0 $0x0  }
0x608: {  	s4 =	ssub.s32 s4, s5  }
0x609: {  	s5 =	sshll.u32 s4, $0x6  }
0x60a: {  	s5 =	sshra.s32 s5, $0x2  }
0x60b: {  	v4 =	vld [tilespmem:s5+$0x18800];
	_ =	sdelay $0x4  }
0x60c: {  	p0 =	seq.s32 s4, $0x1;
	(xrf0) =	vadd.scan.msk.s32 $0xffff, v4  }
0x60d: {  	s0 =	simm.s32 @!p0 $0x0;
	p0 =	seq.s32 s4, $0x2  }
0x60e: {  	s0 =	smov.u32 @p0 s1;
	p0 =	seq.s32 s4, $0x3  }
0x60f: {  	s0 =	smov.u32 @p0 s26;
	p0 =	seq.s32 s4, $0x4  }
0x610: {  	s0 =	smov.u32 @p0 s28;
	p0 =	seq.s32 s4, $0x5  }
0x611: {  	s26 =	sshll.u32 s3, $0x4;
	s0 =	smov.u32 @p0 s31;
	p0 =	seq.s32 s4, $0x6  }
0x612: {  	s3 =	sand.u32 $0xF, s3;
	v3 =	vld [tilespmem:s26+$0x18000];
	s0 =	smov.u32 @p0 s7;
	p0 =	seq.s32 s4, $0x7;
	v5, _, _ =	vpop (xrf0)  }
0x613: {  	s0 =	smov.u32 @p0 s20;
	v4 =	vsub.s32 v5, v4;
	v5 =	vmov s3  }
0x614: {  	v4 =	vadd.s32 s0, v4;
	vm1 =	veq.s32 v5, v2  }
0x615: {  	v4 =	vnsel vm1, $0x0, v4  }
0x616: {  	(xrf0) =	vadd.scan.msk.s32 $0xffff, v4  }
0x617: {  	(xrf0) =	vadd.scan.msk.s32 $0xffff, v3;
	_ =	sdelay $0x4  }
0x618: {  	v4, _, _ =	vpop (xrf0)  }
0x619: {  	v5, _, _ =	vpop (xrf0);
	v4 =	vbroadcast v4, $0xF  }
0x61a: {  	v5 =	vsub.s32 v5, v3  }
0x61b: {  	v4 =	vadd.s32 v4, v5  }
0x61c: {  	vm1 =	vlt.s32 v4, $0x7FC1  }
0x61d: {  	v5 =	vmpcnt.ones.xlane vm1;
	_ =	sdelay $0x1  }
0x61e: {  	(v2sf) =	vpush v5, $0x0;
	_ =	sdelay $0x4  }
0x61f: {  	s30 =	simm.s32 $0x20  }
0x620: {  	v6 =	vld [tilespmem:s30+$0xFFFFFFE0]  }
0x621: {  	v7 =	vld [tilespmem:s30+$0xFFFFFFF0]  }
0x622: {  	v8 =	vld [tilespmem:s30+$0x0];
	s29 =	simm.s32 $0x60  }
0x623: {  	v19 =	vld [tilespmem:s29+$0x0];
	_ =	sdelay $0x1  }
0x624: {  	v9 =	vld [tilespmem:s30+$0x10]  }
0x625: {  	v10 =	vimm.s32 $0x0;
	v11 =	vxor.u32 $0xFFFFFFFF, v6;
	v12 =	vor.u32 $0x80000000, v6  }
0x626: {  	v13 =	vor.u32 $0x80000000, v7;
	vm2 =	vlt.s32 v7, $0x0;
	v14 =	vor.u32 $0x80000000, v8  }
0x627: {  	vm3 =	vlt.s32 v8, $0x0;
	v22 =	vxor.u32 $0xFFFFFFFF, v19;
	v23 =	vor.u32 $0x80000000, v19  }
0x628: {  	vm8 =	vlt.s32 v19, $0x0;
	vm1 =	vlt.s32 v6, $0x0;
	v6 =	vxor.u32 $0xFFFFFFFF, v7;
	s31 =	spop (v2sf)  }
0x629: {  	v7 =	vxor.u32 $0xFFFFFFFF, v8;
	v8 =	vxor.u32 $0xFFFFFFFF, v9;
	v11 =	vsel vm1, v11, v12;
	s28 =	sadd.s32 $0xFFFFFFFF, s31  }
0x62a: {  	v12 =	vor.u32 $0x80000000, v9;
	vm1 =	vlt.s32 v9, $0x0;
	v9 =	vsel vm2, v6, v13;
	s26 =	sadd.s32 s26, s28  }
0x62b: {  	v7 =	vsel vm3, v7, v14;
	v6 =	vshrl.u32 v11, $0x15;
	v5 =	vmov s26  }
0x62c: {  	v13 =	vshrl.u32 v9, $0x15;
	v8 =	vsel vm1, v8, v12;
	vm3 =	veq.s32 v6, v5  }
0x62d: {  	v12 =	vshrl.u32 v7, $0x15;
	v61 =	vand.u32 $0x1FFFFF, v7;
	v6 =	vmpcnt.ones.xlane vm3  }
0x62e: {  	vm4 =	veq.s32 v13, v5;
	vm6 =	veq.s32 v12, v5;
	v14 =	vsel vm3, $0x1, v0  }
0x62f: {  	v12 =	vshrl.u32 v8, $0x15;
	(xrf0) =	vadd.scan.msk.s32 $0xffff, v14;
	v15 =	vadd.s32 v10, v6;
	v6 =	vsel vm4, $0x1, v0  }
0x630: {  	v13 =	vmpcnt.ones.xlane vm4;
	vm2 =	veq.s32 v12, v5;
	v12 =	vmpcnt.ones.xlane vm6;
	(xrf0) =	vadd.scan.msk.s32 $0xffff, v6  }
0x631: {  	v17 =	vsel vm6, $0xFFFFFFFF, v0;
	vm1 =	vmmov vm2;
	v14 =	vsel vm6, $0x1, v0  }
0x632: {  	v16 =	vsel vm1, $0x1, v0;
	v13 =	vadd.s32 v15, v13;
	(xrf0) =	vadd.scan.msk.s32 $0xffff, v14;
	v14 =	vsel vm3, $0xFFFFFFFF, v0  }
0x633: {  	v12 =	vadd.s32 v13, v12;
	v13 =	vadd.s32 v17, v13;
	v17 =	vand.u32 $0x1FFFFF, v9;
	v9 =	vld [tilespmem:s29+$0xFFFFFFF0];
	(xrf0) =	vadd.scan.msk.s32 $0xffff, v16  }
0x634: {  	v7 =	vand.u32 $0x1FFFFF, v8;
	v6 =	vmpcnt.ones.xlane vm2;
	v16 =	vsel vm4, $0xFFFFFFFF, v0  }
0x635: {  	v10 =	vadd.s32 v14, v10;
	v15 =	vadd.s32 v16, v15;
	v16 =	vand.u32 $0x1FFFFF, v11;
	v11 =	vld [tilespmem:s29+$0xFFFFFFE0];
	v14, _, _ =	vpop (xrf0)  }
0x636: {  	v18 =	vsel vm1, $0xFFFFFFFF, v0;
	v6 =	vadd.s32 v12, v6;
	v10 =	vadd.s32 v14, v10;
	v14, _, _ =	vpop (xrf0)  }
0x637: {  	v12 =	vadd.s32 v18, v12;
	vm2 =	vlt.s32 v10, $0x1000;
	v8 =	vadd.s32 v14, v15  }
0x638: {  	v21 =	vor.u32 $0x80000000, v9;
	v14, _, _ =	vpop (xrf0);
	v15 =	vld [tilespmem:s29+$0x10];
	v20 =	vnsel vm2, $0x1000, v10;
	vm2 =	vlt.s32 v8, $0x1000  }
0x639: {  	vm7 =	vlt.s32 v9, $0x0;
	v10 =	vadd.s32 v14, v13;
	v13, _, _ =	vpop (xrf0);
	v14 =	vnsel vm2, $0x1000, v8  }
0x63a: {  	vm2 =	vlt.s32 v10, $0x1000;
	v8 =	vadd.s32 v13, v12;
	v12 =	vxor.u32 $0xFFFFFFFF, v11  }
0x63b: {  	v13 =	vnsel vm2, $0x1000, v10;
	v10 =	vor.u32 $0x80000000, v11;
	vm2 =	vlt.s32 v11, $0x0  }
0x63c: {  	vm5 =	vlt.s32 v8, $0x1000;
	v11 =	vxor.u32 $0xFFFFFFFF, v9;
	v9 =	vsel vm2, v12, v10  }
0x63d: {  	v11 =	vsel vm7, v11, v21;
	v10 =	vsel vm8, v22, v23;
	v62 =	vxor.u32 $0xFFFFFFFF, v15  }
0x63e: {  	v12 =	vor.u32 $0x80000000, v15;
	vm9 =	vlt.s32 v15, $0x0;
	v15 =	vshrl.u32 v9, $0x15  }
0x63f: {  	v63 =	vshrl.u32 v10, $0x15;
	vm2 =	veq.s32 v15, v5;
	v15 =	vshrl.u32 v11, $0x15  }
0x640: {  	[tilespmem:v20+s18+$0x0] =	vst.idx.msk vm3, v16;
	v12 =	vsel vm9, v62, v12;
	v16 =	vmpcnt.ones.xlane vm2;
	vm3 =	veq.s32 v15, v5  }
0x641: {  	[tilespmem:v14+s18+$0x0] =	vst.idx.msk vm4, v17;
	vm4 =	veq.s32 v63, v5;
	v17 =	vshrl.u32 v12, $0x15;
	v15 =	vmpcnt.ones.xlane vm3  }
0x642: {  	s0 =	simm.s32 $0x40;
	[tilespmem:v13+s18+$0x0] =	vst.idx.msk vm6, v61;
	v14 =	vmpcnt.ones.xlane vm4;
	vm7 =	veq.s32 v17, v5;
	v13 =	vadd.s32 v6, v16  }
.LBB2_106:
0x643: {  	v16 =	vsel vm2, $0x1, v0;
	v15 =	vadd.s32 v13, v15  }
0x644: {  	s0 =	sadd.s32 $0x40, s0;
	v17 =	vmpcnt.ones.xlane vm7;
	vm6 =	vmmov vm1;
	vm1 =	vmmov vm7  }
0x645: {  	v18 =	vsel vm3, $0x1, v0;
	v19 =	vsel vm4, $0x1, v0;
	p0 =	slt.u32 s0, $0x7FC0;
	v14 =	vadd.s32 v15, v14;
	(xrf0) =	vadd.scan.msk.s32 $0xffff, v16  }
0x646: {  	v16 =	vsel vm2, $0xFFFFFFFF, v0;
	v20 =	vsel vm1, $0x1, v0;
	v17 =	vadd.s32 v14, v17;
	(xrf0) =	vadd.scan.msk.s32 $0xffff, v18  }
0x647: {  	v21 =	vsel vm4, $0xFFFFFFFF, v0;
	v22 =	vsel vm1, $0xFFFFFFFF, v0;
	v18 =	vsel vm3, $0xFFFFFFFF, v0;
	(xrf0) =	vadd.scan.msk.s32 $0xffff, v19  }
0x648: {  	v15 =	vadd.s32 v21, v15;
	v14 =	vadd.s32 v22, v14;
	v13 =	vadd.s32 v18, v13;
	(xrf0) =	vadd.scan.msk.s32 $0xffff, v20  }
0x649: {  	v9 =	vand.u32 $0x1FFFFF, v9;
	v8 =	vnsel vm5, $0x1000, v8;
	v16 =	vadd.s32 v16, v6;
	v6 =	vmovc v17  }
0x64a: {  	v11 =	vand.u32 $0x1FFFFF, v11;
	s29 =	sadd.s32 $0x40, s29;
	v18 =	vand.u32 $0x1FFFFF, v10;
	v10 =	vand.u32 $0x1FFFFF, v12  }
0x64b: {  	v12 =	vld [tilespmem:s29+$0xFFFFFFE0];
	v19, _, _ =	vpop (xrf0)  }
0x64c: {  	v20 =	vld [tilespmem:s29+$0xFFFFFFF0];
	v16 =	vadd.s32 v19, v16;
	v19, _, _ =	vpop (xrf0)  }
0x64d: {  	v21 =	vld [tilespmem:s29+$0x0];
	vm5 =	vlt.s32 v16, $0x1000;
	v13 =	vadd.s32 v19, v13;
	v19, _, _ =	vpop (xrf0)  }
0x64e: {  	v22 =	vld [tilespmem:s29+$0x10];
	v16 =	vnsel vm5, $0x1000, v16;
	vm5 =	vlt.s32 v13, $0x1000;
	v15 =	vadd.s32 v19, v15;
	v19, _, _ =	vpop (xrf0);
	[tilespmem:v8+s18+$0x0] =	vst.idx.msk vm6, v7  }
0x64f: {  	v7 =	vmovc v10;
	v13 =	vnsel vm5, $0x1000, v13;
	vm5 =	vlt.s32 v15, $0x1000;
	v8 =	vadd.s32 v19, v14  }
0x650: {  	v10 =	vxor.u32 $0xFFFFFFFF, v12;
	v14 =	vnsel vm5, $0x1000, v15;
	vm5 =	vlt.s32 v8, $0x1000  }
0x651: {  	v15 =	vor.u32 $0x80000000, v12;
	vm6 =	vlt.s32 v12, $0x0;
	v12 =	vxor.u32 $0xFFFFFFFF, v20  }
0x652: {  	v19 =	vor.u32 $0x80000000, v20;
	vm7 =	vlt.s32 v20, $0x0;
	v20 =	vxor.u32 $0xFFFFFFFF, v21  }
0x653: {  	v23 =	vor.u32 $0x80000000, v21;
	vm8 =	vlt.s32 v21, $0x0;
	v21 =	vxor.u32 $0xFFFFFFFF, v22;
	[tilespmem:v16+s18+$0x0] =	vst.idx.msk vm2, v9  }
0x654: {  	v9 =	vsel vm6, v10, v15;
	v15 =	vor.u32 $0x80000000, v22;
	vm6 =	vlt.s32 v22, $0x0;
	[tilespmem:v13+s18+$0x0] =	vst.idx.msk vm3, v11  }
.Ltmp70:
0x655: {  	v10 =	vsel vm8, v20, v23;
	v13 =	vshrl.u32 v9, $0x15;
	v11 =	vsel vm7, v12, v19;
	[tilespmem:v14+s18+$0x0] =	vst.idx.msk vm4, v18;
	(pc) =	sbr.rel @p0 .LBB2_106-.Ltmp70, $4  }
0x656: {  	v12 =	vsel vm6, v21, v15;
	vm2 =	veq.s32 v13, v5;
	v13 =	vshrl.u32 v11, $0x15  }
0x657: {  	v14 =	vmpcnt.ones.xlane vm2;
	vm3 =	veq.s32 v13, v5;
	v13 =	vshrl.u32 v10, $0x15  }
0x658: {  	v16 =	vshrl.u32 v12, $0x15;
	v15 =	vmpcnt.ones.xlane vm3;
	vm4 =	veq.s32 v13, v5  }
0x659: {  	vm7 =	veq.s32 v16, v5;
	v13 =	vadd.s32 v17, v14;
	v14 =	vmpcnt.ones.xlane vm4  }
0x65a: {  	v5 =	vsel vm2, $0x1, v0  }
0x65b: {  	v15 =	vadd.s32 v13, v15;
	v16 =	vsel vm3, $0x1, v0;
	vm6 =	vmmov vm7;
	(xrf0) =	vadd.scan.msk.s32 $0xffff, v5  }
0x65c: {  	v48 =	vsel vm4, $0x1, v0;
	v49 =	vmov s28;
	v17 =	vmpcnt.ones.xlane vm7;
	(xrf0) =	vadd.scan.msk.s32 $0xffff, v16  }
0x65d: {  	v18 =	vsel vm6, $0x1, v0;
	vm11 =	veq.s32 v49, v2;
	v50 =	vadd.s32 v15, v14;
	(xrf0) =	vadd.scan.msk.s32 $0xffff, v48  }
0x65e: {  	v3 =	vnsel vm11, $0x0, v3;
	v14 =	vadd.s32 v50, v17;
	(xrf0) =	vadd.scan.msk.s32 $0xffff, v18  }
0x65f: {  	v4 =	vnsel vm11, $0x0, v4;
	(xrf0) =	vadd.scan.msk.s32 $0xffff, v3;
	v3 =	vnsel vm0, $0x0, v14  }
0x660: {  	(xrf0) =	vadd.scan.msk.s32 $0xffff, v4  }
0x661: {  	v51, _, _ =	vpop (xrf0);
	(xrf0) =	vadd.scan.msk.s32 $0xffff, v3  }
0x662: {  	v3, _, _ =	vpop (xrf0)  }
0x663: {  	v52, _, _ =	vpop (xrf0)  }
0x664: {  	v53, _, _ =	vpop (xrf0)  }
0x665: {  	v54, _, _ =	vpop (xrf0)  }
0x666: {  	(v2sf) =	vpush v54, $0xF;
	v55, _, _ =	vpop (xrf0)  }
0x667: {  	(v2sf) =	vpush v55, $0xF;
	v56, _, _ =	vpop (xrf0)  }
0x668: {  	(v2sf) =	vpush v56, $0xF;
	_ =	sdelay $0x7  }
0x669: {  	vm1 =	vmmov vm1  }
0x66a: {  	v57 =	vsel vm2, $0xFFFFFFFF, v0;
	v58 =	vsel vm3, $0xFFFFFFFF, v0;
	v19 =	vsel vm4, $0xFFFFFFFF, v0  }
0x66b: {  	v60 =	vnsel vm5, $0x1000, v8;
	v20 =	vsel vm6, $0xFFFFFFFF, v0;
	v6 =	vadd.s32 v57, v6  }
0x66c: {  	v59 =	vadd.s32 v58, v13;
	v15 =	vadd.s32 v19, v15;
	v4 =	vadd.s32 v51, v6  }
0x66d: {  	v5 =	vadd.s32 v20, v50;
	vm12 =	vlt.s32 v4, $0x1000;
	v3 =	vadd.s32 v3, v59  }
0x66e: {  	v4 =	vnsel vm12, $0x1000, v4;
	vm13 =	vlt.s32 v3, $0x1000;
	v61 =	vadd.s32 v52, v15;
	s0 =	spop (v2sf)  }
0x66f: {  	v3 =	vnsel vm13, $0x1000, v3;
	vm14 =	vlt.s32 v61, $0x1000;
	v5 =	vadd.s32 v53, v5;
	s1 =	spop (v2sf)  }
0x670: {  	vm6 =	vmmov vm6;
	v8 =	vnsel vm14, $0x1000, v61;
	vm15 =	vlt.s32 v5, $0x1000;
	s3 =	spop (v2sf)  }
0x671: {  	v5 =	vnsel vm15, $0x1000, v5;
	p0 =	slt.s32 s3, $0x1000;
	s4 =	smov.u32 s3  }
0x672: {  	v9 =	vand.u32 $0x1FFFFF, v9;
	[tilespmem:v60+s18+$0x0] =	vst.idx.msk vm1, v7;
	s4 =	simm.s32 @!p0 $0x1000;
	p0 =	sgt.s32 s3, $0x1000  }
.Ltmp71:
0x673: {  	v62 =	vand.u32 $0x1FFFFF, v11;
	[tilespmem:v4+s18+$0x0] =	vst.idx.msk vm2, v9;
	(pc) =	sbr.rel @p0 .LBB2_123-.Ltmp71, $4  }
0x674: {  	v63 =	vand.u32 $0x1FFFFF, v10;
	[tilespmem:v3+s18+$0x0] =	vst.idx.msk vm3, v62  }
0x675: {  	v3 =	vand.u32 $0x1FFFFF, v12;
	[tilespmem:v8+s18+$0x0] =	vst.idx.msk vm4, v63  }
0x676: {  	[tilespmem:v5+s18+$0x0] =	vst.idx.msk vm6, v3  }
0x677: {  	[tilespmem:s4+$0x18880] =	vst v0  }
0x678: {  	s4 =	sadd.s32 $0xF, s3  }
0x679: {  	s5 =	sand.u32 $0xF, s4  }
0x67a: {  	p0 =	slt.s32 s3, $0xFFFFFFF2;
	s20 =	sshra.s32 s4, $0x1F;
	p1 =	sne.s32 s5, $0x0  }
.Ltmp72:
0x67b: {  	s3 =	sshrl.u32 s20, $0x1C;
	p0 =	por !p0, !p1;
	(pc) =	sbr.rel .LBB2_109-.Ltmp72, $4  }
0x67c: {  	s3 =	sadd.s32 s3, s4;
	s4 =	simm.s32 $0x1;
	p0 =	por !p0, !p0  }
0x67d: {  	s28 =	sshra.s32 s3, $0x4;
	s4 =	simm.s32 @!p0 $0x0  }
0x67e: {  	s0 =	sadd.s32 s1, s0;
	s31 =	simm.s32 $0x0;
	s30 =	ssub.s32 s28, s4  }
0x67f: {  	s29 =	sadd.s32 $0xFFFF8040, s0;
	s0 =	simm.s32 $0x0;
	p0 =	slt.s32 s30, $0x1  }
.LBB2_123:
0x680: {  	s0 =	sshll.u32 s26, $0x15;
	s28 =	simm.s32 $0x0;
	s1 =	simm.s32 $0x0  }
.LBB2_124:
0x681: {  	s3 =	simm.s32 $0x0  }
0x682: {  	v3 =	vld [tilespmem:s3+$0x0]  }
0x683: {  	s29 =	simm.s32 $0x10  }
0x684: {  	v4 =	vld [tilespmem:s29+$0x0]  }
0x685: {  	s30 =	sshrl.u32 s19, s1;
	s4 =	simm.s32 $0x20  }
0x686: {  	s26 =	sor.u32 s30, s28;
	v5 =	vld [tilespmem:s4+$0x0]  }
0x687: {  	s3 =	sor.u32 s0, s26;
	v6 =	vxor.u32 $0xFFFFFFFF, v3;
	v7 =	vor.u32 $0x80000000, v3;
	vm1 =	vlt.s32 v3, $0x0  }
0x688: {  	v3 =	vmov s3;
	v6 =	vsel vm1, v6, v7  }
0x689: {  	v7 =	vxor.u32 $0xFFFFFFFF, v4;
	vm1 =	vlt.s32 v4, $0x0;
	v4 =	vor.u32 $0x80000000, v4  }
0x68a: {  	vm2 =	vge.u32 v6, v3;
	v4 =	vsel vm1, v7, v4  }
0x68b: {  	v6 =	vxor.u32 $0xFFFFFFFF, v5;
	vm1 =	vlt.s32 v5, $0x0;
	v5 =	vor.u32 $0x80000000, v5  }
0x68c: {  	v5 =	vsel vm1, v6, v5;
	v6 =	vmpcnt.ones.xlane vm2  }
0x68d: {  	vm1 =	vge.u32 v4, v3  }
0x68e: {  	v4 =	vmpcnt.ones.xlane vm1;
	vm1 =	vge.u32 v5, v3;
	(v2sf) =	vpush v6, $0x0  }
0x68f: {  	v5 =	vmpcnt.ones.xlane vm1  }
0x690: {  	(v2sf) =	vpush v4, $0x0  }
0x691: {  	(v2sf) =	vpush v5, $0x0;
	_ =	sdelay $0x3  }
0x692: {  	s31 =	simm.s32 $0x30  }
0x693: {  	v4 =	vld [tilespmem:s31+$0x0];
	_ =	sdelay $0x3  }
0x694: {  	s20 =	simm.s32 $0x100;
	s14 =	simm.s32 $0x0  }
.LBB2_125:
0x695: {  	s3 =	sshra.s32 s20, $0x2;
	p0 =	sne.s32 s20, $0x1FFC0;
	s20 =	sadd.s32 $0x40, s20;
	v5 =	vxor.u32 $0xFFFFFFFF, v4;
	v6 =	vor.u32 $0x80000000, v4;
	vm1 =	vlt.s32 v4, $0x0  }
.Ltmp73:
0x696: {  	v4 =	vld [tilespmem:s3+$0x0];
	v5 =	vsel vm1, v5, v6;
	(pc) =	sbr.rel @p0 .LBB2_125-.Ltmp73, $3  }
0x697: {  	vm1 =	vge.u32 v5, v3;
	s3 =	spop (v2sf)  }
0x698: {  	v5 =	vmpcnt.ones.xlane vm1;
	s14 =	sadd.s32 s14, s3;
	_ =	sdelay $0x1  }
0x699: {  	(v2sf) =	vpush v5, $0x0  }
0x69a: {  	v5 =	vxor.u32 $0xFFFFFFFF, v4;
	v6 =	vor.u32 $0x80000000, v4;
	vm1 =	vlt.s32 v4, $0x0  }
0x69b: {  	v4 =	vsel vm1, v5, v6  }
0x69c: {  	vm1 =	vge.u32 v4, v3  }
0x69d: {  	v3 =	vmpcnt.ones.xlane vm1;
	_ =	sdelay $0x1  }
0x69e: {  	(v2sf) =	vpush v3, $0x0;
	_ =	sdelay $0xb  }
0x69f: {  	s3 =	spop (v2sf);
	s1 =	sadd.s32 $0x1, s1  }
0x6a0: {  	s3 =	sadd.s32 s14, s3;
	s4 =	spop (v2sf);
	p1 =	seq.s32 s1, $0x15  }
.Ltmp74:
0x6a1: {  	s3 =	sadd.s32 s3, s4;
	s30 =	spop (v2sf);
	(pc) =	sbr.rel @!p1 .LBB2_124-.Ltmp74, $4  }
.Ltmp75:
0x6a2: {  	s3 =	sadd.s32 s3, s30;
	s31 =	spop (v2sf);
	(pc) =	sbr.rel @p1 .LBB2_127-.Ltmp75, $4  }
0x6a3: {  	s3 =	sadd.s32 s3, s31  }
0x6a4: {  	p0 =	sgt.s32 s3, $0x3F  }
0x6a5: {  	s28 =	smov.u32 @p0 s26  }
0x6a6: {  	_ = 	snop  }
.LBB2_111:
0x6a7: {  	s14 =	simm.s32 $0x0  }
.LBB2_120:
0x6a8: {  	v3 =	vmpcnt.ones.xlane vm1;
	_ =	sdelay $0x1  }
0x6a9: {  	(v2sf) =	vpush v3, $0x0;
	_ =	sdelay $0x9  }
0x6aa: {  	s3 =	sadd.s32 @p3 s14, s20;
	s4 =	spop @p2 (v2sf);
	s5 =	simm.s32 $0x0  }
0x6ab: {  	s4 =	smov.u32 @p2 s4;
	s5 =	smov.u32 @p3 s3  }
0x6ac: {  	s3 =	sadd.s32 @p2 s5, s4;
	s5 =	simm.s32 $0x0;
	s4 =	spop @p1 (v2sf)  }
0x6ad: {  	s5 =	smov.u32 @p2 s3;
	s4 =	smov.u32 @p1 s4  }
0x6ae: {  	s3 =	sadd.s32 @p1 s5, s4  }
0x6af: {  	s1 =	smov.u32 @p1 s3;
	s20 =	spop (v2sf)  }
0x6b0: {  	s1 =	sadd.s32 s1, s20  }
.LBB2_121:
0x6b1: {  	p1 =	slt.s32 s1, s29;
	s31 =	sadd.s32 $0x1, s31  }
0x6b2: {  	s28 =	smov.u32 @p1 s0;
	p1 =	seq.s32 s31, $0x15  }
.Ltmp76:
0x6b3: {  	_ = 	snop;
	(pc) =	sbr.rel @p1 .LBB2_122-.Ltmp76, $2  }
0x6b4: {  	_ =	sdelay $0x2  }
0x6b5: {  	s0 =	smov.u32 s28  }
.LBB2_109:
.Ltmp77:
0x6b6: {  	(pc) =	sbr.rel @p0 .LBB2_121-.Ltmp77, $3  }
0x6b7: {  	_ =	sdelay $0x1  }
0x6b8: {  	s1 =	sshrl.u32 s19, s31  }
0x6b9: {  	s28 =	sor.u32 s1, s0;
	s1 =	simm.s32 $0x0  }
0x6ba: {  	s1 =	simm.s32 $0x18880  }
0x6bb: {  	p4 =	sne.s32 s30, $0x1;
	v4 =	vld [tilespmem:s1+$0x0]  }
.Ltmp78:
0x6bc: {  	_ = 	snop;
	(pc) =	sbr.rel @!p4 .LBB2_111-.Ltmp78, $3  }
0x6bd: {  	_ =	sdelay $0x1  }
0x6be: {  	v3 =	vmov s28;
	s3 =	sadd.s32 $0xFFFFFFFF, s30;
	s4 =	simm.s32 $0x18890;
	p1 =	por $0x0, $0x0  }
0x6bf: {  	p2 =	por $0x0, $0x0;
	p3 =	por $0x0, $0x0;
	s1 =	simm.s32 $0x0;
	vm1 =	vge.s32 v4, v3  }
0x6c0: {  	v4 =	vld [tilespmem:s4+$0x0];
	p4 =	sne.s32 s3, $0x1  }
.Ltmp79:
0x6c1: {  	v5 =	vmpcnt.ones.xlane vm1;
	(pc) =	sbr.rel @!p4 .LBB2_113-.Ltmp79, $3  }
0x6c2: {  	_ = 	snop  }
0x6c3: {  	(v2sf) =	vpush v5, $0x0;
	_ =	sdelay $0x1  }
0x6c4: {  	s3 =	sadd.s32 $0xFFFFFFFF, s3;
	s4 =	simm.s32 $0x188A0;
	p1 =	por $0x1, $0x1;
	vm1 =	vge.s32 v4, v3  }
0x6c5: {  	v5 =	vmpcnt.ones.xlane vm1;
	_ =	sdelay $0x1  }
0x6c6: {  	(v2sf) =	vpush v5, $0x0;
	_ =	sdelay $0x3  }
0x6c7: {  	v4 =	vld [tilespmem:s4+$0x0];
	p4 =	sne.s32 s3, $0x1  }
.Ltmp80:
0x6c8: {  	_ = 	snop;
	(pc) =	sbr.rel @!p4 .LBB2_115-.Ltmp80, $2  }
0x6c9: {  	_ =	sdelay $0x2  }
0x6ca: {  	s3 =	sadd.s32 $0xFFFFFFFF, s3;
	s4 =	simm.s32 $0x188B0;
	p2 =	por $0x1, $0x1;
	vm1 =	vge.s32 v4, v3  }
0x6cb: {  	v5 =	vmpcnt.ones.xlane vm1;
	_ =	sdelay $0x1  }
0x6cc: {  	(v2sf) =	vpush v5, $0x0;
	_ =	sdelay $0x2  }
0x6cd: {  	v4 =	vld [tilespmem:s4+$0x0];
	p4 =	sne.s32 s3, $0x1  }
.Ltmp81:
0x6ce: {  	_ = 	snop;
	(pc) =	sbr.rel @!p4 .LBB2_117-.Ltmp81, $3  }
0x6cf: {  	_ =	sdelay $0x1  }
0x6d0: {  	s3 =	sadd.s32 $0xFFFFFFFF, s3;
	s4 =	simm.s32 $0x188C0  }
0x6d1: {  	s20 =	spop (v2sf);
	p3 =	por $0x1, $0x1;
	s14 =	simm.s32 $0x0;
	vm1 =	vge.s32 v4, v3  }
.LBB2_118:
0x6d2: {  	v4 =	vld [tilespmem:s4+$0x0];
	p4 =	sne.s32 s3, $0x1;
	s3 =	sadd.s32 $0xFFFFFFFF, s3;
	v5 =	vmpcnt.ones.xlane vm1;
	s14 =	sadd.s32 s14, s20  }
.Ltmp82:
0x6d3: {  	(pc) =	sbr.rel @p4 .LBB2_118-.Ltmp82, $2  }
0x6d4: {  	(v2sf) =	vpush v5, $0x0;
	_ =	sdelay $0x3  }
0x6d5: {  	s4 =	sadd.s32 $0x10, s4;
	vm1 =	vge.s32 v4, v3;
	s20 =	spop (v2sf)  }
.Ltmp83:
0x6d6: {  	(pc) =	sbr.rel .LBB2_120-.Ltmp83, $1  }
0x6d7: {  	_ =	sdelay $0x3  }
.LBB2_113:
.Ltmp84:
0x6d8: {  	(pc) =	sbr.rel .LBB2_120-.Ltmp84, $2  }
0x6d9: {  	_ =	sdelay $0x2  }
0x6da: {  	s14 =	simm.s32 $0x0  }
.LBB2_115:
.Ltmp85:
0x6db: {  	(pc) =	sbr.rel .LBB2_120-.Ltmp85, $2  }
0x6dc: {  	_ =	sdelay $0x2  }
0x6dd: {  	s14 =	simm.s32 $0x0  }
.LBB2_117:
.Ltmp86:
0x6de: {  	(pc) =	sbr.rel .LBB2_120-.Ltmp86, $2  }
0x6df: {  	_ =	sdelay $0x2  }
0x6e0: {  	s14 =	simm.s32 $0x0  }
.LBB2_122:
0x6e1: {  	s0 =	sshll.u32 s26, $0x15  }
.LBB2_127:
0x6e2: {  	s1 =	simm.s32 $0x40  }
0x6e3: {  	v7 =	vld [tilespmem:s1+$0x30]  }
0x6e4: {  	s0 =	sor.u32 s0, s28;
	v10 =	vld [tilespmem:s1+$0xFFFFFFD0]  }
0x6e5: {  	v3 =	vmov s0;
	v8 =	vld [tilespmem:s1+$0xFFFFFFE0]  }
0x6e6: {  	v9 =	vld [tilespmem:s1+$0xFFFFFFF0];
	v4 =	vand.u32 $0x7FFFFFFF, v3;
	v5 =	vxor.u32 $0xFFFFFFFF, v3;
	vm1 =	vlt.s32 v3, $0x0  }
0x6e7: {  	v6 =	vld [tilespmem:s1+$0x0];
	v3 =	vsel vm1, v4, v5  }
0x6e8: {  	v5 =	vld [tilespmem:s1+$0x10];
	vm1 =	vge.f32 v7, v3  }
0x6e9: {  	v4 =	vld [tilespmem:s1+$0x20];
	vm2 =	vge.f32 v10, v3;
	v11 =	vnsel vm1, $0x0, v7  }
0x6ea: {  	s26 =	simm.s32 $0xC0;
	s0 =	simm.s32 $0x0;
	v7 =	vld [tilespmem:s1+$0xFFFFFFC0];
	v10 =	vnsel vm2, $0x0, v10;
	vm1 =	vge.f32 v8, v3;
	[tilespmem:s1+$0x30] =	vst v11  }
.LBB2_128:
0x6eb: {  	v11 =	vld [tilespmem:s26+$0x30];
	s0 =	sadd.s32 $0x80, s0;
	[tilespmem:s1+$0xFFFFFFD0] =	vst v10;
	v8 =	vnsel vm1, $0x0, v8;
	vm1 =	vge.f32 v9, v3  }
0x6ec: {  	v10 =	vld [tilespmem:s26+$0xFFFFFFD0];
	p0 =	slt.u32 s0, $0x7F80;
	[tilespmem:s1+$0xFFFFFFE0] =	vst v8;
	v9 =	vnsel vm1, $0x0, v9;
	vm1 =	vge.f32 v6, v3  }
0x6ed: {  	v8 =	vld [tilespmem:s26+$0xFFFFFFE0];
	[tilespmem:s1+$0xFFFFFFF0] =	vst v9;
	v6 =	vnsel vm1, $0x0, v6;
	vm1 =	vge.f32 v5, v3  }
.Ltmp87:
0x6ee: {  	v9 =	vld [tilespmem:s26+$0xFFFFFFF0];
	[tilespmem:s1+$0x0] =	vst v6;
	v5 =	vnsel vm1, $0x0, v5;
	vm1 =	vge.f32 v4, v3;
	(pc) =	sbr.rel @p0 .LBB2_128-.Ltmp87, $4  }
0x6ef: {  	v6 =	vld [tilespmem:s26+$0x0];
	vm2 =	vge.f32 v7, v3;
	[tilespmem:s1+$0x10] =	vst v5;
	v4 =	vnsel vm1, $0x0, v4  }
0x6f0: {  	v5 =	vld [tilespmem:s26+$0x10];
	vm1 =	vge.f32 v11, v3;
	v7 =	vnsel vm2, $0x0, v7;
	[tilespmem:s1+$0x20] =	vst v4  }
0x6f1: {  	vm2 =	vge.f32 v10, v3;
	v4 =	vld [tilespmem:s26+$0x20];
	v11 =	vnsel vm1, $0x0, v11;
	[tilespmem:s1+$0xFFFFFFC0] =	vst v7;
	s1 =	smov.u32 s26  }
0x6f2: {  	s26 =	sadd.s32 $0x80, s26;
	v7 =	vld [tilespmem:s1+$0xFFFFFFC0];
	v10 =	vnsel vm2, $0x0, v10;
	vm1 =	vge.f32 v8, v3;
	[tilespmem:s1+$0x30] =	vst v11  }
0x6f3: {  	[tilespmem:s1+$0xFFFFFFD0] =	vst v10;
	v8 =	vnsel vm1, $0x0, v8;
	vm1 =	vge.f32 v9, v3  }
0x6f4: {  	[tilespmem:s1+$0xFFFFFFE0] =	vst v8;
	v62 =	vnsel vm1, $0x0, v9;
	vm1 =	vge.f32 v6, v3  }
0x6f5: {  	[tilespmem:s1+$0xFFFFFFF0] =	vst v62;
	v6 =	vnsel vm1, $0x0, v6;
	vm1 =	vge.f32 v5, v3  }
0x6f6: {  	[tilespmem:s1+$0x0] =	vst v6;
	v5 =	vnsel vm1, $0x0, v5;
	vm1 =	vge.f32 v4, v3  }
0x6f7: {  	vm2 =	vge.f32 v7, v3;
	[tilespmem:s1+$0x10] =	vst v5;
	v3 =	vnsel vm1, $0x0, v4  }
0x6f8: {  	v63 =	vnsel vm2, $0x0, v7;
	[tilespmem:s1+$0x20] =	vst v3  }
0x6f9: {  	s25 =	sadd.s32 $0x1, s25;
	[tilespmem:s1+$0xFFFFFFC0] =	vst v63  }
0x6fa: {  	[hbm4b:s10+s12] =	stream.strided.scatter [tilespmem:s2], [sflag:$0x4], $0x8000, s13, s12, $0x38;
	[tilespmem:$0x19900] =	vst v63  }
0x6fb: {  	p0 =	sne.s32 s25, s11;
	_ =	swait.ge [sflag:s24], $0x8000  }
.Ltmp88:
0x6fc: {  	[sflag:s24] =	ssyncset.done $0x0;
	(pc) =	sbr.rel @p0 .LBB2_1-.Ltmp88, $4  }
0x6fd: {  	[sflag:s24] =	ssyncadd.s32 $0xFFFF8000  }
0x6fe: {  	_ =	swait.ge [sflag:s22], $0x8000  }
0x6ff: {  	[sflag:s22] =	ssyncset.done $0x0  }
0x700: {  	[sflag:s22] =	ssyncadd.s32 $0xFFFF8000  }
0x701: {  	_ =	sfence.sel $0x180000  }
0x702: {  	[bflag:$0x0] =	sbarrier.arrive $0xFFFF  }
0x703: {  	_ =	strace $0x90000047  }
0x704: {  	s0 =	stileid.u32;
	[bflag:$0x2] =	sbarrier.arrive $0xFFFF  }
0x705: {  	p0 =	sne.s32 s0, $0x0;
	s0 =	rddreg [dreg:$0x2]  }
0x706: {  	s0 =	sadd.s32 @!p0 $0x100000, s0  }
0x707: {  	[sflag:s0] =	ssyncadd.tile.s32 @!p0 $0x1;
	_ =	shalt  }
.Lfunc_end2:
_tile_overlayer_lowered:
.L_overlay_start_2:
0x708: {  	(tag) =	ssettag $0x2  }
0x709: {  	s0 =	rddreg [dreg:$0x0];
	s2 =	stileid.u32  }
0x70a: {  	s1 =	rddreg [dreg:$0x1];
	p0 =	sne.s32 s2, $0x0  }
0x70b: {  	s3 =	rddreg [dreg:$0x2];
	[bflag:$0x3] =	sbarrier.arrive $0xFFFF;
	s2 =	simm.s32 @!p0 $0x1C07  }
0x70c: {  	[timem:s3], [sflag:s2] =	dma.local @!p0 [hbm:s0], s1  }
0x70d: {  	s0 =	simm.s32 @!p0 $0x7  }
0x70e: {  	_ =	swait.ge @!p0 [sflag:s0], s1  }
0x70f: {  	s1 =	ssub.s32 @!p0 $0x0, s1;
	[sflag:s0] =	ssyncset.done @!p0 $0x0  }
0x710: {  	[sflag:s0] =	ssyncadd.s32 @!p0 s1  }
0x711: {  	[bflag:$0x3] =	sbarrier.arrive $0xFFFF  }
0x712: {  	_ =	shalt  }

</sc_bundles>
